<compile_context>
chip_gen: v7x
topology: tpu7x:2x2x1
jax: 0.10.2.dev20260603
libtpu: 0.0.44.dev20260713+nightly
codegen_flags: <defaults>
</compile_context>

<pallas_src>
import functools

import jax
import jax.numpy as jnp
from jax import lax
from jax.experimental import pallas as pl
from jax.experimental.pallas import tpu as pltpu
from jax.experimental.pallas import tpu_sc as plsc

N = 10000
E = 320000
NC = 2
NS = 16
NW = NC * NS
K = 128
NCHUNK = E // K
RA = 624
RL = N - 15 * RA

_MESH = plsc.VectorSubcoreMesh(core_axis_name="c", subcore_axis_name="s")


def _make_prop(D):
    nb = 3

    @functools.partial(
        pl.kernel,
        mesh=_MESH,
        out_type=jax.ShapeDtypeStruct((NC, N, D), jnp.float32),
        scratch_types=(
            [pltpu.VMEM((K,), jnp.int32)] * nb
            + [pltpu.VMEM((K,), jnp.int32)] * nb
            + [pltpu.VMEM((K, D), jnp.float32)] * nb
            + [pltpu.VMEM_SHARED((N, D), jnp.float32)]
            + [pltpu.SemaphoreType.DMA] * (3 * nb)
        ),
    )
    def prop(g_hbm, src_hbm, dst_hbm, out_hbm, *refs):
        srcvs = refs[:nb]
        dstvs = refs[nb:2 * nb]
        rowss = refs[2 * nb:3 * nb]
        acc_sh = refs[3 * nb]
        gsems = refs[3 * nb + 1:3 * nb + 1 + nb]
        isems = refs[3 * nb + 1 + nb:3 * nb + 1 + 2 * nb]
        ssems = refs[3 * nb + 1 + 2 * nb:]
        c = lax.axis_index("c")
        s = lax.axis_index("s")
        wid = c * NS + s
        r0 = s * RA

        @pl.when(s < NS - 1)
        def _():
            pltpu.sync_copy(g_hbm.at[pl.ds(r0, RA)], acc_sh.at[pl.ds(r0, RA)])

        @pl.when(s == NS - 1)
        def _():
            pltpu.sync_copy(g_hbm.at[pl.ds(r0, RL)], acc_sh.at[pl.ds(r0, RL)])

        plsc.subcore_barrier()

        def body(j, carry):
            chs = [wid + (nb * j + b) * NW for b in range(nb)]
            for b in range(nb):
                @pl.when(chs[b] < NCHUNK)
                def _(b=b):
                    pltpu.async_copy(src_hbm.at[pl.ds(chs[b] * K, K)],
                                    srcvs[b], isems[b])
                    pltpu.async_copy(dst_hbm.at[pl.ds(chs[b] * K, K)],
                                    dstvs[b], isems[b])

            for b in range(nb):
                @pl.when(chs[b] < NCHUNK)
                def _(b=b):
                    pltpu.make_async_copy(src_hbm.at[pl.ds(0, K)], srcvs[b],
                                          isems[b]).wait()
                    pltpu.make_async_copy(src_hbm.at[pl.ds(0, K)], dstvs[b],
                                          isems[b]).wait()
                    pltpu.async_copy(g_hbm.at[srcvs[b]], rowss[b], gsems[b])

            for b in range(nb):
                @pl.when(chs[b] < NCHUNK)
                def _(b=b):
                    pltpu.make_async_copy(g_hbm.at[pl.ds(0, K)], rowss[b],
                                          gsems[b]).wait()
                    pltpu.async_copy(rowss[b], acc_sh.at[dstvs[b]],
                                     ssems[b], add=True)

            for b in range(nb):
                @pl.when(chs[b] < NCHUNK)
                def _(b=b):
                    pltpu.make_async_copy(g_hbm.at[pl.ds(0, K)], rowss[b],
                                          ssems[b]).wait()

            return carry

        lax.fori_loop(0, (NCHUNK + nb * NW - 1) // (nb * NW), body, 0)
        plsc.subcore_barrier()

        @pl.when(s < NS - 1)
        def _():
            pltpu.sync_copy(acc_sh.at[pl.ds(r0, RA)],
                            out_hbm.at[c].at[pl.ds(r0, RA)])

        @pl.when(s == NS - 1)
        def _():
            pltpu.sync_copy(acc_sh.at[pl.ds(r0, RL)],
                            out_hbm.at[c].at[pl.ds(r0, RL)])

    return prop


@functools.partial(
    pl.kernel,
    mesh=_MESH,
    out_type=jax.ShapeDtypeStruct((NC, N), jnp.float32),
    scratch_types=(
        [pltpu.VMEM((K,), jnp.int32)] * 6
        + [
            pltpu.VMEM((K,), jnp.float32),
            pltpu.VMEM((N,), jnp.float32),
            pltpu.VMEM_SHARED((N,), jnp.float32),
        ]
        + [pltpu.SemaphoreType.DMA] * 12
    ),
)
def _deg_kernel(dst_hbm, out_hbm, *refs):
    nbd = 6
    dstvs = refs[:nbd]
    ones_v, z_v, acc_sh = refs[nbd:nbd + 3]
    isems = refs[nbd + 3:nbd + 3 + nbd]
    ssems = refs[nbd + 3 + nbd:]
    c = lax.axis_index("c")
    s = lax.axis_index("s")
    wid = c * NS + s

    def set_ones(i, carry):
        ones_v[pl.ds(i * 16, 16)] = jnp.ones((16,), jnp.float32)
        return carry

    lax.fori_loop(0, K // 16, set_ones, 0)

    @pl.when(s == 0)
    def _():
        def zero(i, carry):
            z_v[pl.ds(i * 16, 16)] = jnp.zeros((16,), jnp.float32)
            return carry

        lax.fori_loop(0, N // 16, zero, 0)
        pltpu.sync_copy(z_v, acc_sh)

    plsc.subcore_barrier()

    def body(j, carry):
        chs = [wid + (nbd * j + b) * NW for b in range(nbd)]
        for b in range(nbd):
            @pl.when(chs[b] < NCHUNK)
            def _(b=b):
                pltpu.async_copy(dst_hbm.at[pl.ds(chs[b] * K, K)],
                                 dstvs[b], isems[b])

        for b in range(nbd):
            @pl.when(chs[b] < NCHUNK)
            def _(b=b):
                pltpu.make_async_copy(dst_hbm.at[pl.ds(0, K)], dstvs[b],
                                      isems[b]).wait()
                pltpu.async_copy(ones_v, acc_sh.at[dstvs[b]], ssems[b],
                                 add=True)

        for b in range(nbd):
            @pl.when(chs[b] < NCHUNK)
            def _(b=b):
                pltpu.make_async_copy(dst_hbm.at[pl.ds(0, K)], dstvs[b],
                                      ssems[b]).wait()

        return carry

    lax.fori_loop(0, (NCHUNK + nbd * NW - 1) // (nbd * NW), body, 0)
    plsc.subcore_barrier()

    @pl.when(s == 0)
    def _():
        pltpu.sync_copy(acc_sh, out_hbm.at[c])


_prop128 = _make_prop(128)


_R = 2000
_G = N // _R


def _t0_body(hist_ref, x_ref, w_ref, dis_ref, out_ref):
    deg = hist_ref[0] + hist_ref[1] + 1.0
    dis = lax.rsqrt(deg)
    dis_ref[...] = dis
    out_ref[...] = dis * jnp.dot(x_ref[...], w_ref[...],
                                 preferred_element_type=jnp.float32)


def _t0(hist, x, w):
    return pl.pallas_call(
        _t0_body,
        grid=(_G,),
        in_specs=[
            pl.BlockSpec((NC, _R, 1), lambda i: (0, i, 0)),
            pl.BlockSpec((_R, x.shape[1]), lambda i: (i, 0)),
            pl.BlockSpec(w.shape, lambda i: (0, 0)),
        ],
        out_specs=[
            pl.BlockSpec((_R, 1), lambda i: (i, 0)),
            pl.BlockSpec((_R, w.shape[1]), lambda i: (i, 0)),
        ],
        out_shape=[
            jax.ShapeDtypeStruct((N, 1), jnp.float32),
            jax.ShapeDtypeStruct((N, w.shape[1]), jnp.float32),
        ],
    )(hist, x, w)


def _ta_body(p_ref, g_ref, dis_ref, w_ref, out_ref):
    dis = dis_ref[...]
    q = p_ref[0] + p_ref[1] - g_ref[...]
    pre = jnp.maximum(dis * q, 0.0)
    out_ref[...] = dis * jnp.dot(pre, w_ref[...],
                                 preferred_element_type=jnp.float32)


def _ta(p, g, dis, w):
    d_in, d_out = w.shape
    return pl.pallas_call(
        _ta_body,
        grid=(_G,),
        in_specs=[
            pl.BlockSpec((NC, _R, d_in), lambda i: (0, i, 0)),
            pl.BlockSpec((_R, d_in), lambda i: (i, 0)),
            pl.BlockSpec((_R, 1), lambda i: (i, 0)),
            pl.BlockSpec(w.shape, lambda i: (0, 0)),
        ],
        out_specs=pl.BlockSpec((_R, d_out), lambda i: (i, 0)),
        out_shape=jax.ShapeDtypeStruct((N, d_out), jnp.float32),
    )(p, g, dis, w)


def _tb_body(p_ref, g_ref, dis_ref, out_ref):
    dis = dis_ref[...]
    q = p_ref[0] + p_ref[1] - g_ref[...]
    out_ref[...] = dis * dis * q


def _tb(p, g, dis):
    d = g.shape[1]
    return pl.pallas_call(
        _tb_body,
        grid=(_G,),
        in_specs=[
            pl.BlockSpec((NC, _R, d), lambda i: (0, i, 0)),
            pl.BlockSpec((_R, d), lambda i: (i, 0)),
            pl.BlockSpec((_R, 1), lambda i: (i, 0)),
        ],
        out_specs=pl.BlockSpec((_R, d), lambda i: (i, 0)),
        out_shape=jax.ShapeDtypeStruct((N, d), jnp.float32),
    )(p, g, dis)


def _tc_body(p_ref, g_ref, dis_ref, w_ref, b_ref, out_ref):
    dis = dis_ref[...]
    q = dis * (p_ref[0] + p_ref[1] - g_ref[...])
    h = jnp.dot(q, w_ref[...], preferred_element_type=jnp.float32) + b_ref[...]
    out_ref[...] = dis * jnp.maximum(h, 0.0)


def _tc(p, g, dis, w, b):
    d_in, d_out = w.shape
    return pl.pallas_call(
        _tc_body,
        grid=(_G,),
        in_specs=[
            pl.BlockSpec((NC, _R, d_in), lambda i: (0, i, 0)),
            pl.BlockSpec((_R, d_in), lambda i: (i, 0)),
            pl.BlockSpec((_R, 1), lambda i: (i, 0)),
            pl.BlockSpec(w.shape, lambda i: (0, 0)),
            pl.BlockSpec((1, d_out), lambda i: (0, 0)),
        ],
        out_specs=pl.BlockSpec((_R, d_out), lambda i: (i, 0)),
        out_shape=jax.ShapeDtypeStruct((N, d_out), jnp.float32),
    )(p, g, dis, w, b.reshape(1, -1))


def _td_body(p_ref, g_ref, dis_ref, w_ref, b_ref, out_ref):
    dis = dis_ref[...]
    q = dis * (p_ref[0] + p_ref[1] - g_ref[...])
    h = jnp.dot(q, w_ref[...], preferred_element_type=jnp.float32) + b_ref[...]
    m = jnp.max(h, axis=1, keepdims=True)
    e = jnp.exp(h - m)
    out_ref[...] = (h - m) - jnp.log(jnp.sum(e, axis=1, keepdims=True))


def _td(p, g, dis, w, b):
    d_in, d_out = w.shape
    return pl.pallas_call(
        _td_body,
        grid=(_G,),
        in_specs=[
            pl.BlockSpec((NC, _R, d_in), lambda i: (0, i, 0)),
            pl.BlockSpec((_R, d_in), lambda i: (i, 0)),
            pl.BlockSpec((_R, 1), lambda i: (i, 0)),
            pl.BlockSpec(w.shape, lambda i: (0, 0)),
            pl.BlockSpec((1, d_out), lambda i: (0, 0)),
        ],
        out_specs=pl.BlockSpec((_R, d_out), lambda i: (i, 0)),
        out_shape=jax.ShapeDtypeStruct((N, d_out), jnp.float32),
    )(p, g, dis, w, b.reshape(1, -1))


def kernel(x, edge_index, Wf1, Wf2, Wf3, W1, b1, W2, b2):
    ei = edge_index.astype(jnp.int32)
    src = ei[0]
    dst = ei[1]

    Wf3p = jnp.pad(Wf3, ((0, 0), (0, 128 - Wf3.shape[1])))
    W1p = jnp.pad(W1, ((0, 128 - W1.shape[0]), (0, 0)))

    hist = _deg_kernel(dst)
    dis, g1 = _t0(hist.reshape(NC, N, 1), x, Wf1)

    p = _prop128(g1, src, dst)
    g2 = _ta(p, g1, dis, Wf2)
    p = _prop128(g2, src, dst)
    g3 = _ta(p, g2, dis, Wf3p)
    p = _prop128(g3, src, dst)
    g4 = _tb(p, g3, dis)
    p = _prop128(g4, src, dst)
    g5 = _tc(p, g4, dis, W1p, b1)
    p = _prop128(g5, src, dst)
    return _td(p, g5, dis, W2, b2)

# --- scband reference (transcript-rebuilt; emitter-appended) ---
"""Pipeline reference for scband-gcnfse-6210522710073 (READ-ONLY COPY).

The authoritative reference and input builder live on the scoring server;
editing this copy changes nothing except your own understanding.
"""

import jax, jax.numpy as jnp
import numpy as np

N = 10000
E = 320000
NFEAT = 128
NEMB1 = 64
NEMB2 = 128
NEMB3 = 128
NHID = 128
NCLASS = 64


def setup_inputs(seed: int = 0) -> dict:
    key = jax.random.key(seed)
    ks = jax.random.split(key, 10)
    x = jax.random.normal(ks[0], (N, NFEAT), dtype=jnp.float32)
    edge_index = jax.random.randint(ks[1], (2, E), 0, N, dtype=jnp.int64)
    def glorot(k, fan_in, fan_out):
        lim = np.sqrt(6.0 / (fan_in + fan_out))
        return jax.random.uniform(k, (fan_in, fan_out), dtype=jnp.float32, minval=-lim, maxval=lim)
    Wf1 = glorot(ks[2], NFEAT, NEMB3)
    Wf2 = glorot(ks[3], NEMB3, NEMB2)
    Wf3 = glorot(ks[4], NEMB2, NEMB1)
    W1 = glorot(ks[5], NEMB1, NHID)
    b1 = jnp.zeros((NHID,), dtype=jnp.float32)
    W2 = glorot(ks[6], NHID, NCLASS)
    b2 = jnp.zeros((NCLASS,), dtype=jnp.float32)
    return {"x": x, "edge_index": edge_index, "Wf1": Wf1, "Wf2": Wf2, "Wf3": Wf3,
            "W1": W1, "b1": b1, "W2": W2, "b2": b2}


def _prop(h, src, dst, norm, n):
    # gather messages from src, scale by GCN norm, scatter-add into dst
    m = h[src] * norm[:, None]
    return jax.ops.segment_sum(m, dst, num_segments=n)


def reference(x, edge_index, Wf1, Wf2, Wf3, W1, b1, W2, b2):
    n = x.shape[0]
    loops = jnp.arange(n, dtype=edge_index.dtype)
    src = jnp.concatenate([edge_index[0], loops])
    dst = jnp.concatenate([edge_index[1], loops])
    deg = jax.ops.segment_sum(jnp.ones_like(src, dtype=x.dtype), dst, num_segments=n)
    dis = jnp.where(deg > 0, 1.0 / jnp.sqrt(jnp.maximum(deg, 1e-12)), 0.0)
    norm = dis[src] * dis[dst]
    # FSE: three smoothing-embedding layers nfeat -> n_emb3 -> n_emb2 -> n_emb1
    h = jax.nn.relu(_prop(x @ Wf1, src, dst, norm, n))
    h = jax.nn.relu(_prop(h @ Wf2, src, dst, norm, n))
    h = _prop(h @ Wf3, src, dst, norm, n)
    # gc1: GCNConv(n_emb1 -> nhid) + relu
    h = jax.nn.relu(_prop(h, src, dst, norm, n) @ W1 + b1)
    # gc2: GCNConv(nhid -> nclass)
    h = _prop(h, src, dst, norm, n) @ W2 + b2
    return jax.nn.log_softmax(h, axis=1)

if __name__ == "__main__":
    import jax
    _d = setup_inputs()
    print(jax.jit(kernel)(*tuple(_d.values())))

</pallas_src>

<mosaic_0001>
#map = affine_map<(d0, d1) -> (0)>
#map1 = affine_map<(d0, d1) -> (0, 0)>
module attributes {stable_mosaic.version = 14 : i64} {
  func.func @_deg_kernel(%arg0: i32, %arg1: i32, %arg2: memref<320000xi32, #tpu.memory_space<hbm>>, %arg3: memref<2x10000xf32, #tpu.memory_space<hbm>>, %arg4: memref<128xi32, #tpu.memory_space<vmem>>, %arg5: memref<128xi32, #tpu.memory_space<vmem>>, %arg6: memref<128xi32, #tpu.memory_space<vmem>>, %arg7: memref<128xi32, #tpu.memory_space<vmem>>, %arg8: memref<128xi32, #tpu.memory_space<vmem>>, %arg9: memref<128xi32, #tpu.memory_space<vmem>>, %arg10: memref<128xf32, #tpu.memory_space<vmem>>, %arg11: memref<10000xf32, #tpu.memory_space<vmem>>, %arg12: memref<10000xf32, #tpu.memory_space<vmem_shared>>, %arg13: memref<!tpu.dma_semaphore, #tpu.memory_space<semaphore_mem>>, %arg14: memref<!tpu.dma_semaphore, #tpu.memory_space<semaphore_mem>>, %arg15: memref<!tpu.dma_semaphore, #tpu.memory_space<semaphore_mem>>, %arg16: memref<!tpu.dma_semaphore, #tpu.memory_space<semaphore_mem>>, %arg17: memref<!tpu.dma_semaphore, #tpu.memory_space<semaphore_mem>>, %arg18: memref<!tpu.dma_semaphore, #tpu.memory_space<semaphore_mem>>, %arg19: memref<!tpu.dma_semaphore, #tpu.memory_space<semaphore_mem>>, %arg20: memref<!tpu.dma_semaphore, #tpu.memory_space<semaphore_mem>>, %arg21: memref<!tpu.dma_semaphore, #tpu.memory_space<semaphore_mem>>, %arg22: memref<!tpu.dma_semaphore, #tpu.memory_space<semaphore_mem>>, %arg23: memref<!tpu.dma_semaphore, #tpu.memory_space<semaphore_mem>>, %arg24: memref<!tpu.dma_semaphore, #tpu.memory_space<semaphore_mem>>) attributes {dimension_semantics = [#tpu.dimension_semantics<core_parallel>, #tpu.dimension_semantics<subcore_parallel>], iteration_bounds = array<i64: 2, 16>, scalar_prefetch = 0 : i64, scratch_operands = 21 : i64, tpu.core_type = #tpu.core_type<sc_vector_subcore>, window_params = [{transform_indices = #map}, {transform_indices = #map1}]} {
    %mul3A = arith.constant 16 : i32
    %mul3A_0 = arith.muli %arg0, %mul3A : i32
    %add3A = arith.addi %mul3A_0, %arg1 : i32
    %scan3A = arith.constant 0 : i32
    %scan3A_1 = arith.constant 0 : i32
    %scan3A_2 = arith.constant 8 : i32
    %scan3A_3 = arith.addi %scan3A_1, %scan3A_2 : i32
    %scan3A_4 = arith.constant 1 : i32
    scf.for %scan3A_20 = %scan3A_1 to %scan3A_3 step %scan3A_4  : i32 {
      %broadcast_in_dim3A = arith.constant 1.000000e+00 : f32
      %broadcast_in_dim3A_21 = vector.broadcast %broadcast_in_dim3A : f32 to vector<16xf32>
      %mul3A_22 = arith.constant 16 : i32
      %mul3A_23 = arith.muli %scan3A_20, %mul3A_22 : i32
      %swap3A = arith.index_cast %mul3A_23 : i32 to index
      %swap3A_24 = tpu.vector_load %arg10[%swap3A] {strides = array<i32>} : memref<128xf32, #tpu.memory_space<vmem>>, vector<16xf32>,
      %swap3A_25 = vector.shape_cast %swap3A_24 : vector<16xf32> to vector<16xf32>
      %swap3A_26 = vector.shape_cast %broadcast_in_dim3A_21 : vector<16xf32> to vector<16xf32>
      tpu.vector_store %arg10[%swap3A], %swap3A_26 {strides = array<i32>} : memref<128xf32, #tpu.memory_space<vmem>>, vector<16xf32>,
    }
    %scan3A_5 = arith.constant 8 : i32
    %eq3A = arith.constant 0 : i32
    %eq3A_6 = arith.cmpi eq, %arg1, %eq3A : i32
    %convert_element_type3A = arith.extui %eq3A_6 : i1 to i32
    %cond3A = arith.constant 0 : i32
    %cond3A_7 = arith.cmpi ne, %convert_element_type3A, %cond3A : i32
    scf.if %cond3A_7 {
      %scan3A_20 = arith.constant 0 : i32
      %scan3A_21 = arith.constant 0 : i32
      %scan3A_22 = arith.constant 625 : i32
      %scan3A_23 = arith.addi %scan3A_21, %scan3A_22 : i32
      %scan3A_24 = arith.constant 1 : i32
      scf.for %scan3A_26 = %scan3A_21 to %scan3A_23 step %scan3A_24  : i32 {
        %broadcast_in_dim3A = arith.constant 0.000000e+00 : f32
        %broadcast_in_dim3A_27 = vector.broadcast %broadcast_in_dim3A : f32 to vector<16xf32>
        %mul3A_28 = arith.constant 16 : i32
        %mul3A_29 = arith.muli %scan3A_26, %mul3A_28 : i32
        %swap3A = arith.index_cast %mul3A_29 : i32 to index
        %swap3A_30 = tpu.vector_load %arg11[%swap3A] {strides = array<i32>} : memref<10000xf32, #tpu.memory_space<vmem>>, vector<16xf32>,
        %swap3A_31 = vector.shape_cast %swap3A_30 : vector<16xf32> to vector<16xf32>
        %swap3A_32 = vector.shape_cast %broadcast_in_dim3A_27 : vector<16xf32> to vector<16xf32>
        tpu.vector_store %arg11[%swap3A], %swap3A_32 {strides = array<i32>} : memref<10000xf32, #tpu.memory_space<vmem>>, vector<16xf32>,
      }
      %scan3A_25 = arith.constant 625 : i32
      "tpu.region"() ({
        %run_scoped3A = tpu.sem_alloc : memref<!tpu.dma_semaphore, #tpu.memory_space<semaphore_mem>>
        tpu.enqueue_dma source(%arg11 : memref<10000xf32, #tpu.memory_space<vmem>>) target(%arg12 : memref<10000xf32, #tpu.memory_space<vmem_shared>>) target_semaphore(%run_scoped3A : memref<!tpu.dma_semaphore, #tpu.memory_space<semaphore_mem>>)
        tpu.wait_dma2 semaphore(%run_scoped3A : memref<!tpu.dma_semaphore, #tpu.memory_space<semaphore_mem>>) src(%arg11 : memref<10000xf32, #tpu.memory_space<vmem>>) dst(%arg12 : memref<10000xf32, #tpu.memory_space<vmem_shared>>)
        tpu.yield
      }) : () -> ()
    } else {
    }
    %barrier3A = arith.constant 0 : index
    tpu.barrier barrier_id(%barrier3A)
    %scan3A_8 = arith.constant 0 : i32
    %scan3A_9 = arith.constant 0 : i32
    %scan3A_10 = arith.constant 14 : i32
    %scan3A_11 = arith.addi %scan3A_9, %scan3A_10 : i32
    %scan3A_12 = arith.constant 1 : i32
    scf.for %scan3A_20 = %scan3A_9 to %scan3A_11 step %scan3A_12  : i32 {
      %mul3A_21 = arith.constant 6 : i32
      %mul3A_22 = arith.muli %mul3A_21, %scan3A_20 : i32
      %add3A_23 = arith.constant 0 : i32
      %add3A_24 = arith.addi %mul3A_22, %add3A_23 : i32
      %mul3A_25 = arith.constant 32 : i32
      %mul3A_26 = arith.muli %add3A_24, %mul3A_25 : i32
      %add3A_27 = arith.addi %add3A, %mul3A_26 : i32
      %mul3A_28 = arith.constant 6 : i32
      %mul3A_29 = arith.muli %mul3A_28, %scan3A_20 : i32
      %add3A_30 = arith.constant 1 : i32
      %add3A_31 = arith.addi %mul3A_29, %add3A_30 : i32
      %mul3A_32 = arith.constant 32 : i32
      %mul3A_33 = arith.muli %add3A_31, %mul3A_32 : i32
      %add3A_34 = arith.addi %add3A, %mul3A_33 : i32
      %mul3A_35 = arith.constant 6 : i32
      %mul3A_36 = arith.muli %mul3A_35, %scan3A_20 : i32
      %add3A_37 = arith.constant 2 : i32
      %add3A_38 = arith.addi %mul3A_36, %add3A_37 : i32
      %mul3A_39 = arith.constant 32 : i32
      %mul3A_40 = arith.muli %add3A_38, %mul3A_39 : i32
      %add3A_41 = arith.addi %add3A, %mul3A_40 : i32
      %mul3A_42 = arith.constant 6 : i32
      %mul3A_43 = arith.muli %mul3A_42, %scan3A_20 : i32
      %add3A_44 = arith.constant 3 : i32
      %add3A_45 = arith.addi %mul3A_43, %add3A_44 : i32
      %mul3A_46 = arith.constant 32 : i32
      %mul3A_47 = arith.muli %add3A_45, %mul3A_46 : i32
      %add3A_48 = arith.addi %add3A, %mul3A_47 : i32
      %mul3A_49 = arith.constant 6 : i32
      %mul3A_50 = arith.muli %mul3A_49, %scan3A_20 : i32
      %add3A_51 = arith.constant 4 : i32
      %add3A_52 = arith.addi %mul3A_50, %add3A_51 : i32
      %mul3A_53 = arith.constant 32 : i32
      %mul3A_54 = arith.muli %add3A_52, %mul3A_53 : i32
      %add3A_55 = arith.addi %add3A, %mul3A_54 : i32
      %mul3A_56 = arith.constant 6 : i32
      %mul3A_57 = arith.muli %mul3A_56, %scan3A_20 : i32
      %add3A_58 = arith.constant 5 : i32
      %add3A_59 = arith.addi %mul3A_57, %add3A_58 : i32
      %mul3A_60 = arith.constant 32 : i32
      %mul3A_61 = arith.muli %add3A_59, %mul3A_60 : i32
      %add3A_62 = arith.addi %add3A, %mul3A_61 : i32
      %lt3A = arith.constant 2500 : i32
      %lt3A_63 = arith.cmpi slt, %add3A_27, %lt3A : i32
      %convert_element_type3A_64 = arith.extui %lt3A_63 : i1 to i32
      %cond3A_65 = arith.constant 0 : i32
      %cond3A_66 = arith.cmpi ne, %convert_element_type3A_64, %cond3A_65 : i32
      scf.if %cond3A_66 {
        %mul3A_152 = arith.constant 128 : i32
        %mul3A_153 = arith.muli %add3A_27, %mul3A_152 : i32
        %dma_start3A = tpu.memref_slice %arg2[%mul3A_153] : memref<320000xi32, #tpu.memory_space<hbm>> -> memref<128xi32, #tpu.memory_space<hbm>>
        %dma_start3A_154 = tpu.memref_slice %arg2[%mul3A_153] : memref<320000xi32, #tpu.memory_space<hbm>> -> memref<128xi32, #tpu.memory_space<hbm>>
        tpu.enqueue_dma source(%dma_start3A_154 : memref<128xi32, #tpu.memory_space<hbm>>) target(%arg4 : memref<128xi32, #tpu.memory_space<vmem>>) target_semaphore(%arg13 : memref<!tpu.dma_semaphore, #tpu.memory_space<semaphore_mem>>)
      } else {
      }
      %lt3A_67 = arith.constant 2500 : i32
      %lt3A_68 = arith.cmpi slt, %add3A_34, %lt3A_67 : i32
      %convert_element_type3A_69 = arith.extui %lt3A_68 : i1 to i32
      %cond3A_70 = arith.constant 0 : i32
      %cond3A_71 = arith.cmpi ne, %convert_element_type3A_69, %cond3A_70 : i32
      scf.if %cond3A_71 {
        %mul3A_152 = arith.constant 128 : i32
        %mul3A_153 = arith.muli %add3A_34, %mul3A_152 : i32
        %dma_start3A = tpu.memref_slice %arg2[%mul3A_153] : memref<320000xi32, #tpu.memory_space<hbm>> -> memref<128xi32, #tpu.memory_space<hbm>>
        %dma_start3A_154 = tpu.memref_slice %arg2[%mul3A_153] : memref<320000xi32, #tpu.memory_space<hbm>> -> memref<128xi32, #tpu.memory_space<hbm>>
        tpu.enqueue_dma source(%dma_start3A_154 : memref<128xi32, #tpu.memory_space<hbm>>) target(%arg5 : memref<128xi32, #tpu.memory_space<vmem>>) target_semaphore(%arg14 : memref<!tpu.dma_semaphore, #tpu.memory_space<semaphore_mem>>)
      } else {
      }
      %lt3A_72 = arith.constant 2500 : i32
      %lt3A_73 = arith.cmpi slt, %add3A_41, %lt3A_72 : i32
      %convert_element_type3A_74 = arith.extui %lt3A_73 : i1 to i32
      %cond3A_75 = arith.constant 0 : i32
      %cond3A_76 = arith.cmpi ne, %convert_element_type3A_74, %cond3A_75 : i32
      scf.if %cond3A_76 {
        %mul3A_152 = arith.constant 128 : i32
        %mul3A_153 = arith.muli %add3A_41, %mul3A_152 : i32
        %dma_start3A = tpu.memref_slice %arg2[%mul3A_153] : memref<320000xi32, #tpu.memory_space<hbm>> -> memref<128xi32, #tpu.memory_space<hbm>>
        %dma_start3A_154 = tpu.memref_slice %arg2[%mul3A_153] : memref<320000xi32, #tpu.memory_space<hbm>> -> memref<128xi32, #tpu.memory_space<hbm>>
        tpu.enqueue_dma source(%dma_start3A_154 : memref<128xi32, #tpu.memory_space<hbm>>) target(%arg6 : memref<128xi32, #tpu.memory_space<vmem>>) target_semaphore(%arg15 : memref<!tpu.dma_semaphore, #tpu.memory_space<semaphore_mem>>)
      } else {
      }
      %lt3A_77 = arith.constant 2500 : i32
      %lt3A_78 = arith.cmpi slt, %add3A_48, %lt3A_77 : i32
      %convert_element_type3A_79 = arith.extui %lt3A_78 : i1 to i32
      %cond3A_80 = arith.constant 0 : i32
      %cond3A_81 = arith.cmpi ne, %convert_element_type3A_79, %cond3A_80 : i32
      scf.if %cond3A_81 {
        %mul3A_152 = arith.constant 128 : i32
        %mul3A_153 = arith.muli %add3A_48, %mul3A_152 : i32
        %dma_start3A = tpu.memref_slice %arg2[%mul3A_153] : memref<320000xi32, #tpu.memory_space<hbm>> -> memref<128xi32, #tpu.memory_space<hbm>>
        %dma_start3A_154 = tpu.memref_slice %arg2[%mul3A_153] : memref<320000xi32, #tpu.memory_space<hbm>> -> memref<128xi32, #tpu.memory_space<hbm>>
        tpu.enqueue_dma source(%dma_start3A_154 : memref<128xi32, #tpu.memory_space<hbm>>) target(%arg7 : memref<128xi32, #tpu.memory_space<vmem>>) target_semaphore(%arg16 : memref<!tpu.dma_semaphore, #tpu.memory_space<semaphore_mem>>)
      } else {
      }
      %lt3A_82 = arith.constant 2500 : i32
      %lt3A_83 = arith.cmpi slt, %add3A_55, %lt3A_82 : i32
      %convert_element_type3A_84 = arith.extui %lt3A_83 : i1 to i32
      %cond3A_85 = arith.constant 0 : i32
      %cond3A_86 = arith.cmpi ne, %convert_element_type3A_84, %cond3A_85 : i32
      scf.if %cond3A_86 {
        %mul3A_152 = arith.constant 128 : i32
        %mul3A_153 = arith.muli %add3A_55, %mul3A_152 : i32
        %dma_start3A = tpu.memref_slice %arg2[%mul3A_153] : memref<320000xi32, #tpu.memory_space<hbm>> -> memref<128xi32, #tpu.memory_space<hbm>>
        %dma_start3A_154 = tpu.memref_slice %arg2[%mul3A_153] : memref<320000xi32, #tpu.memory_space<hbm>> -> memref<128xi32, #tpu.memory_space<hbm>>
        tpu.enqueue_dma source(%dma_start3A_154 : memref<128xi32, #tpu.memory_space<hbm>>) target(%arg8 : memref<128xi32, #tpu.memory_space<vmem>>) target_semaphore(%arg17 : memref<!tpu.dma_semaphore, #tpu.memory_space<semaphore_mem>>)
      } else {
      }
      %lt3A_87 = arith.constant 2500 : i32
      %lt3A_88 = arith.cmpi slt, %add3A_62, %lt3A_87 : i32
      %convert_element_type3A_89 = arith.extui %lt3A_88 : i1 to i32
      %cond3A_90 = arith.constant 0 : i32
      %cond3A_91 = arith.cmpi ne, %convert_element_type3A_89, %cond3A_90 : i32
      scf.if %cond3A_91 {
        %mul3A_152 = arith.constant 128 : i32
        %mul3A_153 = arith.muli %add3A_62, %mul3A_152 : i32
        %dma_start3A = tpu.memref_slice %arg2[%mul3A_153] : memref<320000xi32, #tpu.memory_space<hbm>> -> memref<128xi32, #tpu.memory_space<hbm>>
        %dma_start3A_154 = tpu.memref_slice %arg2[%mul3A_153] : memref<320000xi32, #tpu.memory_space<hbm>> -> memref<128xi32, #tpu.memory_space<hbm>>
        tpu.enqueue_dma source(%dma_start3A_154 : memref<128xi32, #tpu.memory_space<hbm>>) target(%arg9 : memref<128xi32, #tpu.memory_space<vmem>>) target_semaphore(%arg18 : memref<!tpu.dma_semaphore, #tpu.memory_space<semaphore_mem>>)
      } else {
      }
      %lt3A_92 = arith.constant 2500 : i32
      %lt3A_93 = arith.cmpi slt, %add3A_27, %lt3A_92 : i32
      %convert_element_type3A_94 = arith.extui %lt3A_93 : i1 to i32
      %cond3A_95 = arith.constant 0 : i32
      %cond3A_96 = arith.cmpi ne, %convert_element_type3A_94, %cond3A_95 : i32
      scf.if %cond3A_96 {
        %dma_wait3A = arith.constant 0 : i32
        %dma_wait3A_152 = tpu.memref_slice %arg2[%dma_wait3A] : memref<320000xi32, #tpu.memory_space<hbm>> -> memref<128xi32, #tpu.memory_space<hbm>>
        %dma_wait3A_153 = arith.constant 0 : i32
        %dma_wait3A_154 = tpu.memref_slice %arg2[%dma_wait3A_153] : memref<320000xi32, #tpu.memory_space<hbm>> -> memref<128xi32, #tpu.memory_space<hbm>>
        tpu.wait_dma2 semaphore(%arg13 : memref<!tpu.dma_semaphore, #tpu.memory_space<semaphore_mem>>) src(%dma_wait3A_154 : memref<128xi32, #tpu.memory_space<hbm>>) dst(%arg4 : memref<128xi32, #tpu.memory_space<vmem>>)
        %dma_start3A = arith.constant 0 : i32
        %dma_start3A_155 = tpu.memref_slice %arg12[%dma_start3A] : memref<10000xf32, #tpu.memory_space<vmem_shared>> -> memref<10000xf32, #tpu.memory_space<vmem_shared>>
        tpu.enqueue_indirect_dma source(%arg10 : memref<128xf32, #tpu.memory_space<vmem>>) target(%dma_start3A_155 : memref<10000xf32, #tpu.memory_space<vmem_shared>>) offsets(%arg4 : memref<128xi32, #tpu.memory_space<vmem>>) semaphore(%arg19 : memref<!tpu.dma_semaphore, #tpu.memory_space<semaphore_mem>>) {add = true}
      } else {
      }
      %lt3A_97 = arith.constant 2500 : i32
      %lt3A_98 = arith.cmpi slt, %add3A_34, %lt3A_97 : i32
      %convert_element_type3A_99 = arith.extui %lt3A_98 : i1 to i32
      %cond3A_100 = arith.constant 0 : i32
      %cond3A_101 = arith.cmpi ne, %convert_element_type3A_99, %cond3A_100 : i32
      scf.if %cond3A_101 {
        %dma_wait3A = arith.constant 0 : i32
        %dma_wait3A_152 = tpu.memref_slice %arg2[%dma_wait3A] : memref<320000xi32, #tpu.memory_space<hbm>> -> memref<128xi32, #tpu.memory_space<hbm>>
        %dma_wait3A_153 = arith.constant 0 : i32
        %dma_wait3A_154 = tpu.memref_slice %arg2[%dma_wait3A_153] : memref<320000xi32, #tpu.memory_space<hbm>> -> memref<128xi32, #tpu.memory_space<hbm>>
        tpu.wait_dma2 semaphore(%arg14 : memref<!tpu.dma_semaphore, #tpu.memory_space<semaphore_mem>>) src(%dma_wait3A_154 : memref<128xi32, #tpu.memory_space<hbm>>) dst(%arg5 : memref<128xi32, #tpu.memory_space<vmem>>)
        %dma_start3A = arith.constant 0 : i32
        %dma_start3A_155 = tpu.memref_slice %arg12[%dma_start3A] : memref<10000xf32, #tpu.memory_space<vmem_shared>> -> memref<10000xf32, #tpu.memory_space<vmem_shared>>
        tpu.enqueue_indirect_dma source(%arg10 : memref<128xf32, #tpu.memory_space<vmem>>) target(%dma_start3A_155 : memref<10000xf32, #tpu.memory_space<vmem_shared>>) offsets(%arg5 : memref<128xi32, #tpu.memory_space<vmem>>) semaphore(%arg20 : memref<!tpu.dma_semaphore, #tpu.memory_space<semaphore_mem>>) {add = true}
      } else {
      }
      %lt3A_102 = arith.constant 2500 : i32
      %lt3A_103 = arith.cmpi slt, %add3A_41, %lt3A_102 : i32
      %convert_element_type3A_104 = arith.extui %lt3A_103 : i1 to i32
      %cond3A_105 = arith.constant 0 : i32
      %cond3A_106 = arith.cmpi ne, %convert_element_type3A_104, %cond3A_105 : i32
      scf.if %cond3A_106 {
        %dma_wait3A = arith.constant 0 : i32
        %dma_wait3A_152 = tpu.memref_slice %arg2[%dma_wait3A] : memref<320000xi32, #tpu.memory_space<hbm>> -> memref<128xi32, #tpu.memory_space<hbm>>
        %dma_wait3A_153 = arith.constant 0 : i32
        %dma_wait3A_154 = tpu.memref_slice %arg2[%dma_wait3A_153] : memref<320000xi32, #tpu.memory_space<hbm>> -> memref<128xi32, #tpu.memory_space<hbm>>
        tpu.wait_dma2 semaphore(%arg15 : memref<!tpu.dma_semaphore, #tpu.memory_space<semaphore_mem>>) src(%dma_wait3A_154 : memref<128xi32, #tpu.memory_space<hbm>>) dst(%arg6 : memref<128xi32, #tpu.memory_space<vmem>>)
        %dma_start3A = arith.constant 0 : i32
        %dma_start3A_155 = tpu.memref_slice %arg12[%dma_start3A] : memref<10000xf32, #tpu.memory_space<vmem_shared>> -> memref<10000xf32, #tpu.memory_space<vmem_shared>>
        tpu.enqueue_indirect_dma source(%arg10 : memref<128xf32, #tpu.memory_space<vmem>>) target(%dma_start3A_155 : memref<10000xf32, #tpu.memory_space<vmem_shared>>) offsets(%arg6 : memref<128xi32, #tpu.memory_space<vmem>>) semaphore(%arg21 : memref<!tpu.dma_semaphore, #tpu.memory_space<semaphore_mem>>) {add = true}
      } else {
      }
      %lt3A_107 = arith.constant 2500 : i32
      %lt3A_108 = arith.cmpi slt, %add3A_48, %lt3A_107 : i32
      %convert_element_type3A_109 = arith.extui %lt3A_108 : i1 to i32
      %cond3A_110 = arith.constant 0 : i32
      %cond3A_111 = arith.cmpi ne, %convert_element_type3A_109, %cond3A_110 : i32
      scf.if %cond3A_111 {
        %dma_wait3A = arith.constant 0 : i32
        %dma_wait3A_152 = tpu.memref_slice %arg2[%dma_wait3A] : memref<320000xi32, #tpu.memory_space<hbm>> -> memref<128xi32, #tpu.memory_space<hbm>>
        %dma_wait3A_153 = arith.constant 0 : i32
        %dma_wait3A_154 = tpu.memref_slice %arg2[%dma_wait3A_153] : memref<320000xi32, #tpu.memory_space<hbm>> -> memref<128xi32, #tpu.memory_space<hbm>>
        tpu.wait_dma2 semaphore(%arg16 : memref<!tpu.dma_semaphore, #tpu.memory_space<semaphore_mem>>) src(%dma_wait3A_154 : memref<128xi32, #tpu.memory_space<hbm>>) dst(%arg7 : memref<128xi32, #tpu.memory_space<vmem>>)
        %dma_start3A = arith.constant 0 : i32
        %dma_start3A_155 = tpu.memref_slice %arg12[%dma_start3A] : memref<10000xf32, #tpu.memory_space<vmem_shared>> -> memref<10000xf32, #tpu.memory_space<vmem_shared>>
        tpu.enqueue_indirect_dma source(%arg10 : memref<128xf32, #tpu.memory_space<vmem>>) target(%dma_start3A_155 : memref<10000xf32, #tpu.memory_space<vmem_shared>>) offsets(%arg7 : memref<128xi32, #tpu.memory_space<vmem>>) semaphore(%arg22 : memref<!tpu.dma_semaphore, #tpu.memory_space<semaphore_mem>>) {add = true}
      } else {
      }
      %lt3A_112 = arith.constant 2500 : i32
      %lt3A_113 = arith.cmpi slt, %add3A_55, %lt3A_112 : i32
      %convert_element_type3A_114 = arith.extui %lt3A_113 : i1 to i32
      %cond3A_115 = arith.constant 0 : i32
      %cond3A_116 = arith.cmpi ne, %convert_element_type3A_114, %cond3A_115 : i32
      scf.if %cond3A_116 {
        %dma_wait3A = arith.constant 0 : i32
        %dma_wait3A_152 = tpu.memref_slice %arg2[%dma_wait3A] : memref<320000xi32, #tpu.memory_space<hbm>> -> memref<128xi32, #tpu.memory_space<hbm>>
        %dma_wait3A_153 = arith.constant 0 : i32
        %dma_wait3A_154 = tpu.memref_slice %arg2[%dma_wait3A_153] : memref<320000xi32, #tpu.memory_space<hbm>> -> memref<128xi32, #tpu.memory_space<hbm>>
        tpu.wait_dma2 semaphore(%arg17 : memref<!tpu.dma_semaphore, #tpu.memory_space<semaphore_mem>>) src(%dma_wait3A_154 : memref<128xi32, #tpu.memory_space<hbm>>) dst(%arg8 : memref<128xi32, #tpu.memory_space<vmem>>)
        %dma_start3A = arith.constant 0 : i32
        %dma_start3A_155 = tpu.memref_slice %arg12[%dma_start3A] : memref<10000xf32, #tpu.memory_space<vmem_shared>> -> memref<10000xf32, #tpu.memory_space<vmem_shared>>
        tpu.enqueue_indirect_dma source(%arg10 : memref<128xf32, #tpu.memory_space<vmem>>) target(%dma_start3A_155 : memref<10000xf32, #tpu.memory_space<vmem_shared>>) offsets(%arg8 : memref<128xi32, #tpu.memory_space<vmem>>) semaphore(%arg23 : memref<!tpu.dma_semaphore, #tpu.memory_space<semaphore_mem>>) {add = true}
      } else {
      }
      %lt3A_117 = arith.constant 2500 : i32
      %lt3A_118 = arith.cmpi slt, %add3A_62, %lt3A_117 : i32
      %convert_element_type3A_119 = arith.extui %lt3A_118 : i1 to i32
      %cond3A_120 = arith.constant 0 : i32
      %cond3A_121 = arith.cmpi ne, %convert_element_type3A_119, %cond3A_120 : i32
      scf.if %cond3A_121 {
        %dma_wait3A = arith.constant 0 : i32
        %dma_wait3A_152 = tpu.memref_slice %arg2[%dma_wait3A] : memref<320000xi32, #tpu.memory_space<hbm>> -> memref<128xi32, #tpu.memory_space<hbm>>
        %dma_wait3A_153 = arith.constant 0 : i32
        %dma_wait3A_154 = tpu.memref_slice %arg2[%dma_wait3A_153] : memref<320000xi32, #tpu.memory_space<hbm>> -> memref<128xi32, #tpu.memory_space<hbm>>
        tpu.wait_dma2 semaphore(%arg18 : memref<!tpu.dma_semaphore, #tpu.memory_space<semaphore_mem>>) src(%dma_wait3A_154 : memref<128xi32, #tpu.memory_space<hbm>>) dst(%arg9 : memref<128xi32, #tpu.memory_space<vmem>>)
        %dma_start3A = arith.constant 0 : i32
        %dma_start3A_155 = tpu.memref_slice %arg12[%dma_start3A] : memref<10000xf32, #tpu.memory_space<vmem_shared>> -> memref<10000xf32, #tpu.memory_space<vmem_shared>>
        tpu.enqueue_indirect_dma source(%arg10 : memref<128xf32, #tpu.memory_space<vmem>>) target(%dma_start3A_155 : memref<10000xf32, #tpu.memory_space<vmem_shared>>) offsets(%arg9 : memref<128xi32, #tpu.memory_space<vmem>>) semaphore(%arg24 : memref<!tpu.dma_semaphore, #tpu.memory_space<semaphore_mem>>) {add = true}
      } else {
      }
      %lt3A_122 = arith.constant 2500 : i32
      %lt3A_123 = arith.cmpi slt, %add3A_27, %lt3A_122 : i32
      %convert_element_type3A_124 = arith.extui %lt3A_123 : i1 to i32
      %cond3A_125 = arith.constant 0 : i32
      %cond3A_126 = arith.cmpi ne, %convert_element_type3A_124, %cond3A_125 : i32
      scf.if %cond3A_126 {
        %dma_wait3A = arith.constant 0 : i32
        %dma_wait3A_152 = tpu.memref_slice %arg2[%dma_wait3A] : memref<320000xi32, #tpu.memory_space<hbm>> -> memref<128xi32, #tpu.memory_space<hbm>>
        %dma_wait3A_153 = arith.constant 0 : i32
        %dma_wait3A_154 = tpu.memref_slice %arg2[%dma_wait3A_153] : memref<320000xi32, #tpu.memory_space<hbm>> -> memref<128xi32, #tpu.memory_space<hbm>>
        tpu.wait_dma2 semaphore(%arg19 : memref<!tpu.dma_semaphore, #tpu.memory_space<semaphore_mem>>) src(%dma_wait3A_154 : memref<128xi32, #tpu.memory_space<hbm>>) dst(%arg4 : memref<128xi32, #tpu.memory_space<vmem>>)
      } else {
      }
      %lt3A_127 = arith.constant 2500 : i32
      %lt3A_128 = arith.cmpi slt, %add3A_34, %lt3A_127 : i32
      %convert_element_type3A_129 = arith.extui %lt3A_128 : i1 to i32
      %cond3A_130 = arith.constant 0 : i32
      %cond3A_131 = arith.cmpi ne, %convert_element_type3A_129, %cond3A_130 : i32
      scf.if %cond3A_131 {
        %dma_wait3A = arith.constant 0 : i32
        %dma_wait3A_152 = tpu.memref_slice %arg2[%dma_wait3A] : memref<320000xi32, #tpu.memory_space<hbm>> -> memref<128xi32, #tpu.memory_space<hbm>>
        %dma_wait3A_153 = arith.constant 0 : i32
        %dma_wait3A_154 = tpu.memref_slice %arg2[%dma_wait3A_153] : memref<320000xi32, #tpu.memory_space<hbm>> -> memref<128xi32, #tpu.memory_space<hbm>>
        tpu.wait_dma2 semaphore(%arg20 : memref<!tpu.dma_semaphore, #tpu.memory_space<semaphore_mem>>) src(%dma_wait3A_154 : memref<128xi32, #tpu.memory_space<hbm>>) dst(%arg5 : memref<128xi32, #tpu.memory_space<vmem>>)
      } else {
      }
      %lt3A_132 = arith.constant 2500 : i32
      %lt3A_133 = arith.cmpi slt, %add3A_41, %lt3A_132 : i32
      %convert_element_type3A_134 = arith.extui %lt3A_133 : i1 to i32
      %cond3A_135 = arith.constant 0 : i32
      %cond3A_136 = arith.cmpi ne, %convert_element_type3A_134, %cond3A_135 : i32
      scf.if %cond3A_136 {
        %dma_wait3A = arith.constant 0 : i32
        %dma_wait3A_152 = tpu.memref_slice %arg2[%dma_wait3A] : memref<320000xi32, #tpu.memory_space<hbm>> -> memref<128xi32, #tpu.memory_space<hbm>>
        %dma_wait3A_153 = arith.constant 0 : i32
        %dma_wait3A_154 = tpu.memref_slice %arg2[%dma_wait3A_153] : memref<320000xi32, #tpu.memory_space<hbm>> -> memref<128xi32, #tpu.memory_space<hbm>>
        tpu.wait_dma2 semaphore(%arg21 : memref<!tpu.dma_semaphore, #tpu.memory_space<semaphore_mem>>) src(%dma_wait3A_154 : memref<128xi32, #tpu.memory_space<hbm>>) dst(%arg6 : memref<128xi32, #tpu.memory_space<vmem>>)
      } else {
      }
      %lt3A_137 = arith.constant 2500 : i32
      %lt3A_138 = arith.cmpi slt, %add3A_48, %lt3A_137 : i32
      %convert_element_type3A_139 = arith.extui %lt3A_138 : i1 to i32
      %cond3A_140 = arith.constant 0 : i32
      %cond3A_141 = arith.cmpi ne, %convert_element_type3A_139, %cond3A_140 : i32
      scf.if %cond3A_141 {
        %dma_wait3A = arith.constant 0 : i32
        %dma_wait3A_152 = tpu.memref_slice %arg2[%dma_wait3A] : memref<320000xi32, #tpu.memory_space<hbm>> -> memref<128xi32, #tpu.memory_space<hbm>>
        %dma_wait3A_153 = arith.constant 0 : i32
        %dma_wait3A_154 = tpu.memref_slice %arg2[%dma_wait3A_153] : memref<320000xi32, #tpu.memory_space<hbm>> -> memref<128xi32, #tpu.memory_space<hbm>>
        tpu.wait_dma2 semaphore(%arg22 : memref<!tpu.dma_semaphore, #tpu.memory_space<semaphore_mem>>) src(%dma_wait3A_154 : memref<128xi32, #tpu.memory_space<hbm>>) dst(%arg7 : memref<128xi32, #tpu.memory_space<vmem>>)
      } else {
      }
      %lt3A_142 = arith.constant 2500 : i32
      %lt3A_143 = arith.cmpi slt, %add3A_55, %lt3A_142 : i32
      %convert_element_type3A_144 = arith.extui %lt3A_143 : i1 to i32
      %cond3A_145 = arith.constant 0 : i32
      %cond3A_146 = arith.cmpi ne, %convert_element_type3A_144, %cond3A_145 : i32
      scf.if %cond3A_146 {
        %dma_wait3A = arith.constant 0 : i32
        %dma_wait3A_152 = tpu.memref_slice %arg2[%dma_wait3A] : memref<320000xi32, #tpu.memory_space<hbm>> -> memref<128xi32, #tpu.memory_space<hbm>>
        %dma_wait3A_153 = arith.constant 0 : i32
        %dma_wait3A_154 = tpu.memref_slice %arg2[%dma_wait3A_153] : memref<320000xi32, #tpu.memory_space<hbm>> -> memref<128xi32, #tpu.memory_space<hbm>>
        tpu.wait_dma2 semaphore(%arg23 : memref<!tpu.dma_semaphore, #tpu.memory_space<semaphore_mem>>) src(%dma_wait3A_154 : memref<128xi32, #tpu.memory_space<hbm>>) dst(%arg8 : memref<128xi32, #tpu.memory_space<vmem>>)
      } else {
      }
      %lt3A_147 = arith.constant 2500 : i32
      %lt3A_148 = arith.cmpi slt, %add3A_62, %lt3A_147 : i32
      %convert_element_type3A_149 = arith.extui %lt3A_148 : i1 to i32
      %cond3A_150 = arith.constant 0 : i32
      %cond3A_151 = arith.cmpi ne, %convert_element_type3A_149, %cond3A_150 : i32
      scf.if %cond3A_151 {
        %dma_wait3A = arith.constant 0 : i32
        %dma_wait3A_152 = tpu.memref_slice %arg2[%dma_wait3A] : memref<320000xi32, #tpu.memory_space<hbm>> -> memref<128xi32, #tpu.memory_space<hbm>>
        %dma_wait3A_153 = arith.constant 0 : i32
        %dma_wait3A_154 = tpu.memref_slice %arg2[%dma_wait3A_153] : memref<320000xi32, #tpu.memory_space<hbm>> -> memref<128xi32, #tpu.memory_space<hbm>>
        tpu.wait_dma2 semaphore(%arg24 : memref<!tpu.dma_semaphore, #tpu.memory_space<semaphore_mem>>) src(%dma_wait3A_154 : memref<128xi32, #tpu.memory_space<hbm>>) dst(%arg9 : memref<128xi32, #tpu.memory_space<vmem>>)
      } else {
      }
    }
    %scan3A_13 = arith.constant 14 : i32
    %barrier3A_14 = arith.constant 0 : index
    tpu.barrier barrier_id(%barrier3A_14)
    %eq3A_15 = arith.constant 0 : i32
    %eq3A_16 = arith.cmpi eq, %arg1, %eq3A_15 : i32
    %convert_element_type3A_17 = arith.extui %eq3A_16 : i1 to i32
    %cond3A_18 = arith.constant 0 : i32
    %cond3A_19 = arith.cmpi ne, %convert_element_type3A_17, %cond3A_18 : i32
    scf.if %cond3A_19 {
      "tpu.region"() ({
        %run_scoped3A = tpu.sem_alloc : memref<!tpu.dma_semaphore, #tpu.memory_space<semaphore_mem>>
        %dma_start3A = arith.constant 0 : i32
        %dma_start3A_20 = tpu.memref_slice %arg3[%arg0, %dma_start3A] : memref<2x10000xf32, #tpu.memory_space<hbm>> -> memref<1x10000xf32, #tpu.memory_space<hbm>>
        %dma_start3A_21 = tpu.memref_squeeze %dma_start3A_20 : memref<1x10000xf32, #tpu.memory_space<hbm>> -> memref<10000xf32, #tpu.memory_space<hbm>>
        tpu.enqueue_dma source(%arg12 : memref<10000xf32, #tpu.memory_space<vmem_shared>>) target(%dma_start3A_21 : memref<10000xf32, #tpu.memory_space<hbm>>) target_semaphore(%run_scoped3A : memref<!tpu.dma_semaphore, #tpu.memory_space<semaphore_mem>>)
        %dma_wait3A = arith.constant 0 : i32
        %dma_wait3A_22 = tpu.memref_slice %arg3[%arg0, %dma_wait3A] : memref<2x10000xf32, #tpu.memory_space<hbm>> -> memref<1x10000xf32, #tpu.memory_space<hbm>>
        %dma_wait3A_23 = tpu.memref_squeeze %dma_wait3A_22 : memref<1x10000xf32, #tpu.memory_space<hbm>> -> memref<10000xf32, #tpu.memory_space<hbm>>
        tpu.wait_dma2 semaphore(%run_scoped3A : memref<!tpu.dma_semaphore, #tpu.memory_space<semaphore_mem>>) src(%arg12 : memref<10000xf32, #tpu.memory_space<vmem_shared>>) dst(%dma_wait3A_23 : memref<10000xf32, #tpu.memory_space<hbm>>)
        tpu.yield
      }) : () -> ()
    } else {
    }
    return
  }
}

#map = affine_map<(d0, d1) -> (0, 0)>
#map1 = affine_map<(d0, d1) -> (0)>
#map2 = affine_map<(d0, d1) -> (0, 0, 0)>
module attributes {stable_mosaic.version = 14 : i64} {
  func.func @prop(%arg0: i32, %arg1: i32, %arg2: memref<10000x128xf32, #tpu.memory_space<hbm>>, %arg3: memref<320000xi32, #tpu.memory_space<hbm>>, %arg4: memref<320000xi32, #tpu.memory_space<hbm>>, %arg5: memref<2x10000x128xf32, #tpu.memory_space<hbm>>, %arg6: memref<128xi32, #tpu.memory_space<vmem>>, %arg7: memref<128xi32, #tpu.memory_space<vmem>>, %arg8: memref<128xi32, #tpu.memory_space<vmem>>, %arg9: memref<128xi32, #tpu.memory_space<vmem>>, %arg10: memref<128xi32, #tpu.memory_space<vmem>>, %arg11: memref<128xi32, #tpu.memory_space<vmem>>, %arg12: memref<128x128xf32, #tpu.memory_space<vmem>>, %arg13: memref<128x128xf32, #tpu.memory_space<vmem>>, %arg14: memref<128x128xf32, #tpu.memory_space<vmem>>, %arg15: memref<10000x128xf32, #tpu.memory_space<vmem_shared>>, %arg16: memref<!tpu.dma_semaphore, #tpu.memory_space<semaphore_mem>>, %arg17: memref<!tpu.dma_semaphore, #tpu.memory_space<semaphore_mem>>, %arg18: memref<!tpu.dma_semaphore, #tpu.memory_space<semaphore_mem>>, %arg19: memref<!tpu.dma_semaphore, #tpu.memory_space<semaphore_mem>>, %arg20: memref<!tpu.dma_semaphore, #tpu.memory_space<semaphore_mem>>, %arg21: memref<!tpu.dma_semaphore, #tpu.memory_space<semaphore_mem>>, %arg22: memref<!tpu.dma_semaphore, #tpu.memory_space<semaphore_mem>>, %arg23: memref<!tpu.dma_semaphore, #tpu.memory_space<semaphore_mem>>, %arg24: memref<!tpu.dma_semaphore, #tpu.memory_space<semaphore_mem>>) attributes {dimension_semantics = [#tpu.dimension_semantics<core_parallel>, #tpu.dimension_semantics<subcore_parallel>], iteration_bounds = array<i64: 2, 16>, scalar_prefetch = 0 : i64, scratch_operands = 19 : i64, tpu.core_type = #tpu.core_type<sc_vector_subcore>, window_params = [{transform_indices = #map}, {transform_indices = #map1}, {transform_indices = #map1}, {transform_indices = #map2}]} {
    %mul3A = arith.constant 16 : i32
    %mul3A_0 = arith.muli %arg0, %mul3A : i32
    %add3A = arith.addi %mul3A_0, %arg1 : i32
    %mul3A_1 = arith.constant 624 : i32
    %mul3A_2 = arith.muli %arg1, %mul3A_1 : i32
    %lt3A = arith.constant 15 : i32
    %lt3A_3 = arith.cmpi slt, %arg1, %lt3A : i32
    %convert_element_type3A = arith.extui %lt3A_3 : i1 to i32
    %cond3A = arith.constant 0 : i32
    %cond3A_4 = arith.cmpi ne, %convert_element_type3A, %cond3A : i32
    scf.if %cond3A_4 {
      "tpu.region"() ({
        %run_scoped3A = tpu.sem_alloc : memref<!tpu.dma_semaphore, #tpu.memory_space<semaphore_mem>>
        %dma_start3A = arith.constant 0 : i32
        %dma_start3A_25 = tpu.memref_slice %arg15[%mul3A_2, %dma_start3A] : memref<10000x128xf32, #tpu.memory_space<vmem_shared>> -> memref<624x128xf32, #tpu.memory_space<vmem_shared>>
        %dma_start3A_26 = arith.constant 0 : i32
        %dma_start3A_27 = tpu.memref_slice %arg2[%mul3A_2, %dma_start3A_26] : memref<10000x128xf32, #tpu.memory_space<hbm>> -> memref<624x128xf32, #tpu.memory_space<hbm>>
        tpu.enqueue_dma source(%dma_start3A_27 : memref<624x128xf32, #tpu.memory_space<hbm>>) target(%dma_start3A_25 : memref<624x128xf32, #tpu.memory_space<vmem_shared>>) target_semaphore(%run_scoped3A : memref<!tpu.dma_semaphore, #tpu.memory_space<semaphore_mem>>)
        %dma_wait3A = arith.constant 0 : i32
        %dma_wait3A_28 = tpu.memref_slice %arg15[%mul3A_2, %dma_wait3A] : memref<10000x128xf32, #tpu.memory_space<vmem_shared>> -> memref<624x128xf32, #tpu.memory_space<vmem_shared>>
        %dma_wait3A_29 = arith.constant 0 : i32
        %dma_wait3A_30 = tpu.memref_slice %arg2[%mul3A_2, %dma_wait3A_29] : memref<10000x128xf32, #tpu.memory_space<hbm>> -> memref<624x128xf32, #tpu.memory_space<hbm>>
        tpu.wait_dma2 semaphore(%run_scoped3A : memref<!tpu.dma_semaphore, #tpu.memory_space<semaphore_mem>>) src(%dma_wait3A_30 : memref<624x128xf32, #tpu.memory_space<hbm>>) dst(%dma_wait3A_28 : memref<624x128xf32, #tpu.memory_space<vmem_shared>>)
        tpu.yield
      }) : () -> ()
    } else {
    }
    %eq3A = arith.constant 15 : i32
    %eq3A_5 = arith.cmpi eq, %arg1, %eq3A : i32
    %convert_element_type3A_6 = arith.extui %eq3A_5 : i1 to i32
    %cond3A_7 = arith.constant 0 : i32
    %cond3A_8 = arith.cmpi ne, %convert_element_type3A_6, %cond3A_7 : i32
    scf.if %cond3A_8 {
      "tpu.region"() ({
        %run_scoped3A = tpu.sem_alloc : memref<!tpu.dma_semaphore, #tpu.memory_space<semaphore_mem>>
        %dma_start3A = arith.constant 0 : i32
        %dma_start3A_25 = tpu.memref_slice %arg15[%mul3A_2, %dma_start3A] : memref<10000x128xf32, #tpu.memory_space<vmem_shared>> -> memref<640x128xf32, #tpu.memory_space<vmem_shared>>
        %dma_start3A_26 = arith.constant 0 : i32
        %dma_start3A_27 = tpu.memref_slice %arg2[%mul3A_2, %dma_start3A_26] : memref<10000x128xf32, #tpu.memory_space<hbm>> -> memref<640x128xf32, #tpu.memory_space<hbm>>
        tpu.enqueue_dma source(%dma_start3A_27 : memref<640x128xf32, #tpu.memory_space<hbm>>) target(%dma_start3A_25 : memref<640x128xf32, #tpu.memory_space<vmem_shared>>) target_semaphore(%run_scoped3A : memref<!tpu.dma_semaphore, #tpu.memory_space<semaphore_mem>>)
        %dma_wait3A = arith.constant 0 : i32
        %dma_wait3A_28 = tpu.memref_slice %arg15[%mul3A_2, %dma_wait3A] : memref<10000x128xf32, #tpu.memory_space<vmem_shared>> -> memref<640x128xf32, #tpu.memory_space<vmem_shared>>
        %dma_wait3A_29 = arith.constant 0 : i32
        %dma_wait3A_30 = tpu.memref_slice %arg2[%mul3A_2, %dma_wait3A_29] : memref<10000x128xf32, #tpu.memory_space<hbm>> -> memref<640x128xf32, #tpu.memory_space<hbm>>
        tpu.wait_dma2 semaphore(%run_scoped3A : memref<!tpu.dma_semaphore, #tpu.memory_space<semaphore_mem>>) src(%dma_wait3A_30 : memref<640x128xf32, #tpu.memory_space<hbm>>) dst(%dma_wait3A_28 : memref<640x128xf32, #tpu.memory_space<vmem_shared>>)
        tpu.yield
      }) : () -> ()
    } else {
    }
    %barrier3A = arith.constant 0 : index
    tpu.barrier barrier_id(%barrier3A)
    %scan3A = arith.constant 0 : i32
    %scan3A_9 = arith.constant 0 : i32
    %scan3A_10 = arith.constant 27 : i32
    %scan3A_11 = arith.addi %scan3A_9, %scan3A_10 : i32
    %scan3A_12 = arith.constant 1 : i32
    scf.for %scan3A_25 = %scan3A_9 to %scan3A_11 step %scan3A_12  : i32 {
      %mul3A_26 = arith.constant 3 : i32
      %mul3A_27 = arith.muli %mul3A_26, %scan3A_25 : i32
      %add3A_28 = arith.constant 0 : i32
      %add3A_29 = arith.addi %mul3A_27, %add3A_28 : i32
      %mul3A_30 = arith.constant 32 : i32
      %mul3A_31 = arith.muli %add3A_29, %mul3A_30 : i32
      %add3A_32 = arith.addi %add3A, %mul3A_31 : i32
      %mul3A_33 = arith.constant 3 : i32
      %mul3A_34 = arith.muli %mul3A_33, %scan3A_25 : i32
      %add3A_35 = arith.constant 1 : i32
      %add3A_36 = arith.addi %mul3A_34, %add3A_35 : i32
      %mul3A_37 = arith.constant 32 : i32
      %mul3A_38 = arith.muli %add3A_36, %mul3A_37 : i32
      %add3A_39 = arith.addi %add3A, %mul3A_38 : i32
      %mul3A_40 = arith.constant 3 : i32
      %mul3A_41 = arith.muli %mul3A_40, %scan3A_25 : i32
      %add3A_42 = arith.constant 2 : i32
      %add3A_43 = arith.addi %mul3A_41, %add3A_42 : i32
      %mul3A_44 = arith.constant 32 : i32
      %mul3A_45 = arith.muli %add3A_43, %mul3A_44 : i32
      %add3A_46 = arith.addi %add3A, %mul3A_45 : i32
      %lt3A_47 = arith.constant 2500 : i32
      %lt3A_48 = arith.cmpi slt, %add3A_32, %lt3A_47 : i32
      %convert_element_type3A_49 = arith.extui %lt3A_48 : i1 to i32
      %cond3A_50 = arith.constant 0 : i32
      %cond3A_51 = arith.cmpi ne, %convert_element_type3A_49, %cond3A_50 : i32
      scf.if %cond3A_51 {
        %mul3A_107 = arith.constant 128 : i32
        %mul3A_108 = arith.muli %add3A_32, %mul3A_107 : i32
        %dma_start3A = tpu.memref_slice %arg3[%mul3A_108] : memref<320000xi32, #tpu.memory_space<hbm>> -> memref<128xi32, #tpu.memory_space<hbm>>
        %dma_start3A_109 = tpu.memref_slice %arg3[%mul3A_108] : memref<320000xi32, #tpu.memory_space<hbm>> -> memref<128xi32, #tpu.memory_space<hbm>>
        tpu.enqueue_dma source(%dma_start3A_109 : memref<128xi32, #tpu.memory_space<hbm>>) target(%arg6 : memref<128xi32, #tpu.memory_space<vmem>>) target_semaphore(%arg19 : memref<!tpu.dma_semaphore, #tpu.memory_space<semaphore_mem>>)
        %mul3A_110 = arith.constant 128 : i32
        %mul3A_111 = arith.muli %add3A_32, %mul3A_110 : i32
        %dma_start3A_112 = tpu.memref_slice %arg4[%mul3A_111] : memref<320000xi32, #tpu.memory_space<hbm>> -> memref<128xi32, #tpu.memory_space<hbm>>
        %dma_start3A_113 = tpu.memref_slice %arg4[%mul3A_111] : memref<320000xi32, #tpu.memory_space<hbm>> -> memref<128xi32, #tpu.memory_space<hbm>>
        tpu.enqueue_dma source(%dma_start3A_113 : memref<128xi32, #tpu.memory_space<hbm>>) target(%arg9 : memref<128xi32, #tpu.memory_space<vmem>>) target_semaphore(%arg19 : memref<!tpu.dma_semaphore, #tpu.memory_space<semaphore_mem>>)
      } else {
      }
      %lt3A_52 = arith.constant 2500 : i32
      %lt3A_53 = arith.cmpi slt, %add3A_39, %lt3A_52 : i32
      %convert_element_type3A_54 = arith.extui %lt3A_53 : i1 to i32
      %cond3A_55 = arith.constant 0 : i32
      %cond3A_56 = arith.cmpi ne, %convert_element_type3A_54, %cond3A_55 : i32
      scf.if %cond3A_56 {
        %mul3A_107 = arith.constant 128 : i32
        %mul3A_108 = arith.muli %add3A_39, %mul3A_107 : i32
        %dma_start3A = tpu.memref_slice %arg3[%mul3A_108] : memref<320000xi32, #tpu.memory_space<hbm>> -> memref<128xi32, #tpu.memory_space<hbm>>
        %dma_start3A_109 = tpu.memref_slice %arg3[%mul3A_108] : memref<320000xi32, #tpu.memory_space<hbm>> -> memref<128xi32, #tpu.memory_space<hbm>>
        tpu.enqueue_dma source(%dma_start3A_109 : memref<128xi32, #tpu.memory_space<hbm>>) target(%arg7 : memref<128xi32, #tpu.memory_space<vmem>>) target_semaphore(%arg20 : memref<!tpu.dma_semaphore, #tpu.memory_space<semaphore_mem>>)
        %mul3A_110 = arith.constant 128 : i32
        %mul3A_111 = arith.muli %add3A_39, %mul3A_110 : i32
        %dma_start3A_112 = tpu.memref_slice %arg4[%mul3A_111] : memref<320000xi32, #tpu.memory_space<hbm>> -> memref<128xi32, #tpu.memory_space<hbm>>
        %dma_start3A_113 = tpu.memref_slice %arg4[%mul3A_111] : memref<320000xi32, #tpu.memory_space<hbm>> -> memref<128xi32, #tpu.memory_space<hbm>>
        tpu.enqueue_dma source(%dma_start3A_113 : memref<128xi32, #tpu.memory_space<hbm>>) target(%arg10 : memref<128xi32, #tpu.memory_space<vmem>>) target_semaphore(%arg20 : memref<!tpu.dma_semaphore, #tpu.memory_space<semaphore_mem>>)
      } else {
      }
      %lt3A_57 = arith.constant 2500 : i32
      %lt3A_58 = arith.cmpi slt, %add3A_46, %lt3A_57 : i32
      %convert_element_type3A_59 = arith.extui %lt3A_58 : i1 to i32
      %cond3A_60 = arith.constant 0 : i32
      %cond3A_61 = arith.cmpi ne, %convert_element_type3A_59, %cond3A_60 : i32
      scf.if %cond3A_61 {
        %mul3A_107 = arith.constant 128 : i32
        %mul3A_108 = arith.muli %add3A_46, %mul3A_107 : i32
        %dma_start3A = tpu.memref_slice %arg3[%mul3A_108] : memref<320000xi32, #tpu.memory_space<hbm>> -> memref<128xi32, #tpu.memory_space<hbm>>
        %dma_start3A_109 = tpu.memref_slice %arg3[%mul3A_108] : memref<320000xi32, #tpu.memory_space<hbm>> -> memref<128xi32, #tpu.memory_space<hbm>>
        tpu.enqueue_dma source(%dma_start3A_109 : memref<128xi32, #tpu.memory_space<hbm>>) target(%arg8 : memref<128xi32, #tpu.memory_space<vmem>>) target_semaphore(%arg21 : memref<!tpu.dma_semaphore, #tpu.memory_space<semaphore_mem>>)
        %mul3A_110 = arith.constant 128 : i32
        %mul3A_111 = arith.muli %add3A_46, %mul3A_110 : i32
        %dma_start3A_112 = tpu.memref_slice %arg4[%mul3A_111] : memref<320000xi32, #tpu.memory_space<hbm>> -> memref<128xi32, #tpu.memory_space<hbm>>
        %dma_start3A_113 = tpu.memref_slice %arg4[%mul3A_111] : memref<320000xi32, #tpu.memory_space<hbm>> -> memref<128xi32, #tpu.memory_space<hbm>>
        tpu.enqueue_dma source(%dma_start3A_113 : memref<128xi32, #tpu.memory_space<hbm>>) target(%arg11 : memref<128xi32, #tpu.memory_space<vmem>>) target_semaphore(%arg21 : memref<!tpu.dma_semaphore, #tpu.memory_space<semaphore_mem>>)
      } else {
      }
      %lt3A_62 = arith.constant 2500 : i32
      %lt3A_63 = arith.cmpi slt, %add3A_32, %lt3A_62 : i32
      %convert_element_type3A_64 = arith.extui %lt3A_63 : i1 to i32
      %cond3A_65 = arith.constant 0 : i32
      %cond3A_66 = arith.cmpi ne, %convert_element_type3A_64, %cond3A_65 : i32
      scf.if %cond3A_66 {
        %dma_wait3A = arith.constant 0 : i32
        %dma_wait3A_107 = tpu.memref_slice %arg3[%dma_wait3A] : memref<320000xi32, #tpu.memory_space<hbm>> -> memref<128xi32, #tpu.memory_space<hbm>>
        %dma_wait3A_108 = arith.constant 0 : i32
        %dma_wait3A_109 = tpu.memref_slice %arg3[%dma_wait3A_108] : memref<320000xi32, #tpu.memory_space<hbm>> -> memref<128xi32, #tpu.memory_space<hbm>>
        tpu.wait_dma2 semaphore(%arg19 : memref<!tpu.dma_semaphore, #tpu.memory_space<semaphore_mem>>) src(%dma_wait3A_109 : memref<128xi32, #tpu.memory_space<hbm>>) dst(%arg6 : memref<128xi32, #tpu.memory_space<vmem>>)
        %dma_wait3A_110 = arith.constant 0 : i32
        %dma_wait3A_111 = tpu.memref_slice %arg3[%dma_wait3A_110] : memref<320000xi32, #tpu.memory_space<hbm>> -> memref<128xi32, #tpu.memory_space<hbm>>
        %dma_wait3A_112 = arith.constant 0 : i32
        %dma_wait3A_113 = tpu.memref_slice %arg3[%dma_wait3A_112] : memref<320000xi32, #tpu.memory_space<hbm>> -> memref<128xi32, #tpu.memory_space<hbm>>
        tpu.wait_dma2 semaphore(%arg19 : memref<!tpu.dma_semaphore, #tpu.memory_space<semaphore_mem>>) src(%dma_wait3A_113 : memref<128xi32, #tpu.memory_space<hbm>>) dst(%arg9 : memref<128xi32, #tpu.memory_space<vmem>>)
        %dma_start3A = arith.constant 0 : i32
        %dma_start3A_114 = arith.constant 0 : i32
        %dma_start3A_115 = tpu.memref_slice %arg2[%dma_start3A, %dma_start3A_114] : memref<10000x128xf32, #tpu.memory_space<hbm>> -> memref<10000x128xf32, #tpu.memory_space<hbm>>
        tpu.enqueue_indirect_dma source(%dma_start3A_115 : memref<10000x128xf32, #tpu.memory_space<hbm>>) target(%arg12 : memref<128x128xf32, #tpu.memory_space<vmem>>) offsets(%arg6 : memref<128xi32, #tpu.memory_space<vmem>>) semaphore(%arg16 : memref<!tpu.dma_semaphore, #tpu.memory_space<semaphore_mem>>)
      } else {
      }
      %lt3A_67 = arith.constant 2500 : i32
      %lt3A_68 = arith.cmpi slt, %add3A_39, %lt3A_67 : i32
      %convert_element_type3A_69 = arith.extui %lt3A_68 : i1 to i32
      %cond3A_70 = arith.constant 0 : i32
      %cond3A_71 = arith.cmpi ne, %convert_element_type3A_69, %cond3A_70 : i32
      scf.if %cond3A_71 {
        %dma_wait3A = arith.constant 0 : i32
        %dma_wait3A_107 = tpu.memref_slice %arg3[%dma_wait3A] : memref<320000xi32, #tpu.memory_space<hbm>> -> memref<128xi32, #tpu.memory_space<hbm>>
        %dma_wait3A_108 = arith.constant 0 : i32
        %dma_wait3A_109 = tpu.memref_slice %arg3[%dma_wait3A_108] : memref<320000xi32, #tpu.memory_space<hbm>> -> memref<128xi32, #tpu.memory_space<hbm>>
        tpu.wait_dma2 semaphore(%arg20 : memref<!tpu.dma_semaphore, #tpu.memory_space<semaphore_mem>>) src(%dma_wait3A_109 : memref<128xi32, #tpu.memory_space<hbm>>) dst(%arg7 : memref<128xi32, #tpu.memory_space<vmem>>)
        %dma_wait3A_110 = arith.constant 0 : i32
        %dma_wait3A_111 = tpu.memref_slice %arg3[%dma_wait3A_110] : memref<320000xi32, #tpu.memory_space<hbm>> -> memref<128xi32, #tpu.memory_space<hbm>>
        %dma_wait3A_112 = arith.constant 0 : i32
        %dma_wait3A_113 = tpu.memref_slice %arg3[%dma_wait3A_112] : memref<320000xi32, #tpu.memory_space<hbm>> -> memref<128xi32, #tpu.memory_space<hbm>>
        tpu.wait_dma2 semaphore(%arg20 : memref<!tpu.dma_semaphore, #tpu.memory_space<semaphore_mem>>) src(%dma_wait3A_113 : memref<128xi32, #tpu.memory_space<hbm>>) dst(%arg10 : memref<128xi32, #tpu.memory_space<vmem>>)
        %dma_start3A = arith.constant 0 : i32
        %dma_start3A_114 = arith.constant 0 : i32
        %dma_start3A_115 = tpu.memref_slice %arg2[%dma_start3A, %dma_start3A_114] : memref<10000x128xf32, #tpu.memory_space<hbm>> -> memref<10000x128xf32, #tpu.memory_space<hbm>>
        tpu.enqueue_indirect_dma source(%dma_start3A_115 : memref<10000x128xf32, #tpu.memory_space<hbm>>) target(%arg13 : memref<128x128xf32, #tpu.memory_space<vmem>>) offsets(%arg7 : memref<128xi32, #tpu.memory_space<vmem>>) semaphore(%arg17 : memref<!tpu.dma_semaphore, #tpu.memory_space<semaphore_mem>>)
      } else {
      }
      %lt3A_72 = arith.constant 2500 : i32
      %lt3A_73 = arith.cmpi slt, %add3A_46, %lt3A_72 : i32
      %convert_element_type3A_74 = arith.extui %lt3A_73 : i1 to i32
      %cond3A_75 = arith.constant 0 : i32
      %cond3A_76 = arith.cmpi ne, %convert_element_type3A_74, %cond3A_75 : i32
      scf.if %cond3A_76 {
        %dma_wait3A = arith.constant 0 : i32
        %dma_wait3A_107 = tpu.memref_slice %arg3[%dma_wait3A] : memref<320000xi32, #tpu.memory_space<hbm>> -> memref<128xi32, #tpu.memory_space<hbm>>
        %dma_wait3A_108 = arith.constant 0 : i32
        %dma_wait3A_109 = tpu.memref_slice %arg3[%dma_wait3A_108] : memref<320000xi32, #tpu.memory_space<hbm>> -> memref<128xi32, #tpu.memory_space<hbm>>
        tpu.wait_dma2 semaphore(%arg21 : memref<!tpu.dma_semaphore, #tpu.memory_space<semaphore_mem>>) src(%dma_wait3A_109 : memref<128xi32, #tpu.memory_space<hbm>>) dst(%arg8 : memref<128xi32, #tpu.memory_space<vmem>>)
        %dma_wait3A_110 = arith.constant 0 : i32
        %dma_wait3A_111 = tpu.memref_slice %arg3[%dma_wait3A_110] : memref<320000xi32, #tpu.memory_space<hbm>> -> memref<128xi32, #tpu.memory_space<hbm>>
        %dma_wait3A_112 = arith.constant 0 : i32
        %dma_wait3A_113 = tpu.memref_slice %arg3[%dma_wait3A_112] : memref<320000xi32, #tpu.memory_space<hbm>> -> memref<128xi32, #tpu.memory_space<hbm>>
        tpu.wait_dma2 semaphore(%arg21 : memref<!tpu.dma_semaphore, #tpu.memory_space<semaphore_mem>>) src(%dma_wait3A_113 : memref<128xi32, #tpu.memory_space<hbm>>) dst(%arg11 : memref<128xi32, #tpu.memory_space<vmem>>)
        %dma_start3A = arith.constant 0 : i32
        %dma_start3A_114 = arith.constant 0 : i32
        %dma_start3A_115 = tpu.memref_slice %arg2[%dma_start3A, %dma_start3A_114] : memref<10000x128xf32, #tpu.memory_space<hbm>> -> memref<10000x128xf32, #tpu.memory_space<hbm>>
        tpu.enqueue_indirect_dma source(%dma_start3A_115 : memref<10000x128xf32, #tpu.memory_space<hbm>>) target(%arg14 : memref<128x128xf32, #tpu.memory_space<vmem>>) offsets(%arg8 : memref<128xi32, #tpu.memory_space<vmem>>) semaphore(%arg18 : memref<!tpu.dma_semaphore, #tpu.memory_space<semaphore_mem>>)
      } else {
      }
      %lt3A_77 = arith.constant 2500 : i32
      %lt3A_78 = arith.cmpi slt, %add3A_32, %lt3A_77 : i32
      %convert_element_type3A_79 = arith.extui %lt3A_78 : i1 to i32
      %cond3A_80 = arith.constant 0 : i32
      %cond3A_81 = arith.cmpi ne, %convert_element_type3A_79, %cond3A_80 : i32
      scf.if %cond3A_81 {
        %dma_wait3A = arith.constant 0 : i32
        %dma_wait3A_107 = arith.constant 0 : i32
        %dma_wait3A_108 = tpu.memref_slice %arg2[%dma_wait3A, %dma_wait3A_107] : memref<10000x128xf32, #tpu.memory_space<hbm>> -> memref<128x128xf32, #tpu.memory_space<hbm>>
        %dma_wait3A_109 = arith.constant 0 : i32
        %dma_wait3A_110 = arith.constant 0 : i32
        %dma_wait3A_111 = tpu.memref_slice %arg2[%dma_wait3A_109, %dma_wait3A_110] : memref<10000x128xf32, #tpu.memory_space<hbm>> -> memref<128x128xf32, #tpu.memory_space<hbm>>
        tpu.wait_dma2 semaphore(%arg16 : memref<!tpu.dma_semaphore, #tpu.memory_space<semaphore_mem>>) src(%dma_wait3A_111 : memref<128x128xf32, #tpu.memory_space<hbm>>) dst(%arg12 : memref<128x128xf32, #tpu.memory_space<vmem>>)
        %dma_start3A = arith.constant 0 : i32
        %dma_start3A_112 = arith.constant 0 : i32
        %dma_start3A_113 = tpu.memref_slice %arg15[%dma_start3A, %dma_start3A_112] : memref<10000x128xf32, #tpu.memory_space<vmem_shared>> -> memref<10000x128xf32, #tpu.memory_space<vmem_shared>>
        tpu.enqueue_indirect_dma source(%arg12 : memref<128x128xf32, #tpu.memory_space<vmem>>) target(%dma_start3A_113 : memref<10000x128xf32, #tpu.memory_space<vmem_shared>>) offsets(%arg9 : memref<128xi32, #tpu.memory_space<vmem>>) semaphore(%arg22 : memref<!tpu.dma_semaphore, #tpu.memory_space<semaphore_mem>>) {add = true}
      } else {
      }
      %lt3A_82 = arith.constant 2500 : i32
      %lt3A_83 = arith.cmpi slt, %add3A_39, %lt3A_82 : i32
      %convert_element_type3A_84 = arith.extui %lt3A_83 : i1 to i32
      %cond3A_85 = arith.constant 0 : i32
      %cond3A_86 = arith.cmpi ne, %convert_element_type3A_84, %cond3A_85 : i32
      scf.if %cond3A_86 {
        %dma_wait3A = arith.constant 0 : i32
        %dma_wait3A_107 = arith.constant 0 : i32
        %dma_wait3A_108 = tpu.memref_slice %arg2[%dma_wait3A, %dma_wait3A_107] : memref<10000x128xf32, #tpu.memory_space<hbm>> -> memref<128x128xf32, #tpu.memory_space<hbm>>
        %dma_wait3A_109 = arith.constant 0 : i32
        %dma_wait3A_110 = arith.constant 0 : i32
        %dma_wait3A_111 = tpu.memref_slice %arg2[%dma_wait3A_109, %dma_wait3A_110] : memref<10000x128xf32, #tpu.memory_space<hbm>> -> memref<128x128xf32, #tpu.memory_space<hbm>>
        tpu.wait_dma2 semaphore(%arg17 : memref<!tpu.dma_semaphore, #tpu.memory_space<semaphore_mem>>) src(%dma_wait3A_111 : memref<128x128xf32, #tpu.memory_space<hbm>>) dst(%arg13 : memref<128x128xf32, #tpu.memory_space<vmem>>)
        %dma_start3A = arith.constant 0 : i32
        %dma_start3A_112 = arith.constant 0 : i32
        %dma_start3A_113 = tpu.memref_slice %arg15[%dma_start3A, %dma_start3A_112] : memref<10000x128xf32, #tpu.memory_space<vmem_shared>> -> memref<10000x128xf32, #tpu.memory_space<vmem_shared>>
        tpu.enqueue_indirect_dma source(%arg13 : memref<128x128xf32, #tpu.memory_space<vmem>>) target(%dma_start3A_113 : memref<10000x128xf32, #tpu.memory_space<vmem_shared>>) offsets(%arg10 : memref<128xi32, #tpu.memory_space<vmem>>) semaphore(%arg23 : memref<!tpu.dma_semaphore, #tpu.memory_space<semaphore_mem>>) {add = true}
      } else {
      }
      %lt3A_87 = arith.constant 2500 : i32
      %lt3A_88 = arith.cmpi slt, %add3A_46, %lt3A_87 : i32
      %convert_element_type3A_89 = arith.extui %lt3A_88 : i1 to i32
      %cond3A_90 = arith.constant 0 : i32
      %cond3A_91 = arith.cmpi ne, %convert_element_type3A_89, %cond3A_90 : i32
      scf.if %cond3A_91 {
        %dma_wait3A = arith.constant 0 : i32
        %dma_wait3A_107 = arith.constant 0 : i32
        %dma_wait3A_108 = tpu.memref_slice %arg2[%dma_wait3A, %dma_wait3A_107] : memref<10000x128xf32, #tpu.memory_space<hbm>> -> memref<128x128xf32, #tpu.memory_space<hbm>>
        %dma_wait3A_109 = arith.constant 0 : i32
        %dma_wait3A_110 = arith.constant 0 : i32
        %dma_wait3A_111 = tpu.memref_slice %arg2[%dma_wait3A_109, %dma_wait3A_110] : memref<10000x128xf32, #tpu.memory_space<hbm>> -> memref<128x128xf32, #tpu.memory_space<hbm>>
        tpu.wait_dma2 semaphore(%arg18 : memref<!tpu.dma_semaphore, #tpu.memory_space<semaphore_mem>>) src(%dma_wait3A_111 : memref<128x128xf32, #tpu.memory_space<hbm>>) dst(%arg14 : memref<128x128xf32, #tpu.memory_space<vmem>>)
        %dma_start3A = arith.constant 0 : i32
        %dma_start3A_112 = arith.constant 0 : i32
        %dma_start3A_113 = tpu.memref_slice %arg15[%dma_start3A, %dma_start3A_112] : memref<10000x128xf32, #tpu.memory_space<vmem_shared>> -> memref<10000x128xf32, #tpu.memory_space<vmem_shared>>
        tpu.enqueue_indirect_dma source(%arg14 : memref<128x128xf32, #tpu.memory_space<vmem>>) target(%dma_start3A_113 : memref<10000x128xf32, #tpu.memory_space<vmem_shared>>) offsets(%arg11 : memref<128xi32, #tpu.memory_space<vmem>>) semaphore(%arg24 : memref<!tpu.dma_semaphore, #tpu.memory_space<semaphore_mem>>) {add = true}
      } else {
      }
      %lt3A_92 = arith.constant 2500 : i32
      %lt3A_93 = arith.cmpi slt, %add3A_32, %lt3A_92 : i32
      %convert_element_type3A_94 = arith.extui %lt3A_93 : i1 to i32
      %cond3A_95 = arith.constant 0 : i32
      %cond3A_96 = arith.cmpi ne, %convert_element_type3A_94, %cond3A_95 : i32
      scf.if %cond3A_96 {
        %dma_wait3A = arith.constant 0 : i32
        %dma_wait3A_107 = arith.constant 0 : i32
        %dma_wait3A_108 = tpu.memref_slice %arg2[%dma_wait3A, %dma_wait3A_107] : memref<10000x128xf32, #tpu.memory_space<hbm>> -> memref<128x128xf32, #tpu.memory_space<hbm>>
        %dma_wait3A_109 = arith.constant 0 : i32
        %dma_wait3A_110 = arith.constant 0 : i32
        %dma_wait3A_111 = tpu.memref_slice %arg2[%dma_wait3A_109, %dma_wait3A_110] : memref<10000x128xf32, #tpu.memory_space<hbm>> -> memref<128x128xf32, #tpu.memory_space<hbm>>
        tpu.wait_dma2 semaphore(%arg22 : memref<!tpu.dma_semaphore, #tpu.memory_space<semaphore_mem>>) src(%dma_wait3A_111 : memref<128x128xf32, #tpu.memory_space<hbm>>) dst(%arg12 : memref<128x128xf32, #tpu.memory_space<vmem>>)
      } else {
      }
      %lt3A_97 = arith.constant 2500 : i32
      %lt3A_98 = arith.cmpi slt, %add3A_39, %lt3A_97 : i32
      %convert_element_type3A_99 = arith.extui %lt3A_98 : i1 to i32
      %cond3A_100 = arith.constant 0 : i32
      %cond3A_101 = arith.cmpi ne, %convert_element_type3A_99, %cond3A_100 : i32
      scf.if %cond3A_101 {
        %dma_wait3A = arith.constant 0 : i32
        %dma_wait3A_107 = arith.constant 0 : i32
        %dma_wait3A_108 = tpu.memref_slice %arg2[%dma_wait3A, %dma_wait3A_107] : memref<10000x128xf32, #tpu.memory_space<hbm>> -> memref<128x128xf32, #tpu.memory_space<hbm>>
        %dma_wait3A_109 = arith.constant 0 : i32
        %dma_wait3A_110 = arith.constant 0 : i32
        %dma_wait3A_111 = tpu.memref_slice %arg2[%dma_wait3A_109, %dma_wait3A_110] : memref<10000x128xf32, #tpu.memory_space<hbm>> -> memref<128x128xf32, #tpu.memory_space<hbm>>
        tpu.wait_dma2 semaphore(%arg23 : memref<!tpu.dma_semaphore, #tpu.memory_space<semaphore_mem>>) src(%dma_wait3A_111 : memref<128x128xf32, #tpu.memory_space<hbm>>) dst(%arg13 : memref<128x128xf32, #tpu.memory_space<vmem>>)
      } else {
      }
      %lt3A_102 = arith.constant 2500 : i32
      %lt3A_103 = arith.cmpi slt, %add3A_46, %lt3A_102 : i32
      %convert_element_type3A_104 = arith.extui %lt3A_103 : i1 to i32
      %cond3A_105 = arith.constant 0 : i32
      %cond3A_106 = arith.cmpi ne, %convert_element_type3A_104, %cond3A_105 : i32
      scf.if %cond3A_106 {
        %dma_wait3A = arith.constant 0 : i32
        %dma_wait3A_107 = arith.constant 0 : i32
        %dma_wait3A_108 = tpu.memref_slice %arg2[%dma_wait3A, %dma_wait3A_107] : memref<10000x128xf32, #tpu.memory_space<hbm>> -> memref<128x128xf32, #tpu.memory_space<hbm>>
        %dma_wait3A_109 = arith.constant 0 : i32
        %dma_wait3A_110 = arith.constant 0 : i32
        %dma_wait3A_111 = tpu.memref_slice %arg2[%dma_wait3A_109, %dma_wait3A_110] : memref<10000x128xf32, #tpu.memory_space<hbm>> -> memref<128x128xf32, #tpu.memory_space<hbm>>
        tpu.wait_dma2 semaphore(%arg24 : memref<!tpu.dma_semaphore, #tpu.memory_space<semaphore_mem>>) src(%dma_wait3A_111 : memref<128x128xf32, #tpu.memory_space<hbm>>) dst(%arg14 : memref<128x128xf32, #tpu.memory_space<vmem>>)
      } else {
      }
    }
    %scan3A_13 = arith.constant 27 : i32
    %barrier3A_14 = arith.constant 0 : index
    tpu.barrier barrier_id(%barrier3A_14)
    %lt3A_15 = arith.constant 15 : i32
    %lt3A_16 = arith.cmpi slt, %arg1, %lt3A_15 : i32
    %convert_element_type3A_17 = arith.extui %lt3A_16 : i1 to i32
    %cond3A_18 = arith.constant 0 : i32
    %cond3A_19 = arith.cmpi ne, %convert_element_type3A_17, %cond3A_18 : i32
    scf.if %cond3A_19 {
      "tpu.region"() ({
        %run_scoped3A = tpu.sem_alloc : memref<!tpu.dma_semaphore, #tpu.memory_space<semaphore_mem>>
        %dma_start3A = arith.constant 0 : i32
        %dma_start3A_25 = arith.constant 0 : i32
        %dma_start3A_26 = tpu.memref_slice %arg5[%arg0, %dma_start3A, %dma_start3A_25] : memref<2x10000x128xf32, #tpu.memory_space<hbm>> -> memref<1x10000x128xf32, #tpu.memory_space<hbm>>
        %dma_start3A_27 = tpu.memref_squeeze %dma_start3A_26 : memref<1x10000x128xf32, #tpu.memory_space<hbm>> -> memref<10000x128xf32, #tpu.memory_space<hbm>>
        %dma_start3A_28 = arith.constant 0 : i32
        %dma_start3A_29 = tpu.memref_slice %dma_start3A_27[%mul3A_2, %dma_start3A_28] : memref<10000x128xf32, #tpu.memory_space<hbm>> -> memref<624x128xf32, #tpu.memory_space<hbm>>
        %dma_start3A_30 = arith.constant 0 : i32
        %dma_start3A_31 = tpu.memref_slice %arg15[%mul3A_2, %dma_start3A_30] : memref<10000x128xf32, #tpu.memory_space<vmem_shared>> -> memref<624x128xf32, #tpu.memory_space<vmem_shared>>
        tpu.enqueue_dma source(%dma_start3A_31 : memref<624x128xf32, #tpu.memory_space<vmem_shared>>) target(%dma_start3A_29 : memref<624x128xf32, #tpu.memory_space<hbm>>) target_semaphore(%run_scoped3A : memref<!tpu.dma_semaphore, #tpu.memory_space<semaphore_mem>>)
        %dma_wait3A = arith.constant 0 : i32
        %dma_wait3A_32 = arith.constant 0 : i32
        %dma_wait3A_33 = tpu.memref_slice %arg5[%arg0, %dma_wait3A, %dma_wait3A_32] : memref<2x10000x128xf32, #tpu.memory_space<hbm>> -> memref<1x10000x128xf32, #tpu.memory_space<hbm>>
        %dma_wait3A_34 = tpu.memref_squeeze %dma_wait3A_33 : memref<1x10000x128xf32, #tpu.memory_space<hbm>> -> memref<10000x128xf32, #tpu.memory_space<hbm>>
        %dma_wait3A_35 = arith.constant 0 : i32
        %dma_wait3A_36 = tpu.memref_slice %dma_wait3A_34[%mul3A_2, %dma_wait3A_35] : memref<10000x128xf32, #tpu.memory_space<hbm>> -> memref<624x128xf32, #tpu.memory_space<hbm>>
        %dma_wait3A_37 = arith.constant 0 : i32
        %dma_wait3A_38 = tpu.memref_slice %arg15[%mul3A_2, %dma_wait3A_37] : memref<10000x128xf32, #tpu.memory_space<vmem_shared>> -> memref<624x128xf32, #tpu.memory_space<vmem_shared>>
        tpu.wait_dma2 semaphore(%run_scoped3A : memref<!tpu.dma_semaphore, #tpu.memory_space<semaphore_mem>>) src(%dma_wait3A_38 : memref<624x128xf32, #tpu.memory_space<vmem_shared>>) dst(%dma_wait3A_36 : memref<624x128xf32, #tpu.memory_space<hbm>>)
        tpu.yield
      }) : () -> ()
    } else {
    }
    %eq3A_20 = arith.constant 15 : i32
    %eq3A_21 = arith.cmpi eq, %arg1, %eq3A_20 : i32
    %convert_element_type3A_22 = arith.extui %eq3A_21 : i1 to i32
    %cond3A_23 = arith.constant 0 : i32
    %cond3A_24 = arith.cmpi ne, %convert_element_type3A_22, %cond3A_23 : i32
    scf.if %cond3A_24 {
      "tpu.region"() ({
        %run_scoped3A = tpu.sem_alloc : memref<!tpu.dma_semaphore, #tpu.memory_space<semaphore_mem>>
        %dma_start3A = arith.constant 0 : i32
        %dma_start3A_25 = arith.constant 0 : i32
        %dma_start3A_26 = tpu.memref_slice %arg5[%arg0, %dma_start3A, %dma_start3A_25] : memref<2x10000x128xf32, #tpu.memory_space<hbm>> -> memref<1x10000x128xf32, #tpu.memory_space<hbm>>
        %dma_start3A_27 = tpu.memref_squeeze %dma_start3A_26 : memref<1x10000x128xf32, #tpu.memory_space<hbm>> -> memref<10000x128xf32, #tpu.memory_space<hbm>>
        %dma_start3A_28 = arith.constant 0 : i32
        %dma_start3A_29 = tpu.memref_slice %dma_start3A_27[%mul3A_2, %dma_start3A_28] : memref<10000x128xf32, #tpu.memory_space<hbm>> -> memref<640x128xf32, #tpu.memory_space<hbm>>
        %dma_start3A_30 = arith.constant 0 : i32
        %dma_start3A_31 = tpu.memref_slice %arg15[%mul3A_2, %dma_start3A_30] : memref<10000x128xf32, #tpu.memory_space<vmem_shared>> -> memref<640x128xf32, #tpu.memory_space<vmem_shared>>
        tpu.enqueue_dma source(%dma_start3A_31 : memref<640x128xf32, #tpu.memory_space<vmem_shared>>) target(%dma_start3A_29 : memref<640x128xf32, #tpu.memory_space<hbm>>) target_semaphore(%run_scoped3A : memref<!tpu.dma_semaphore, #tpu.memory_space<semaphore_mem>>)
        %dma_wait3A = arith.constant 0 : i32
        %dma_wait3A_32 = arith.constant 0 : i32
        %dma_wait3A_33 = tpu.memref_slice %arg5[%arg0, %dma_wait3A, %dma_wait3A_32] : memref<2x10000x128xf32, #tpu.memory_space<hbm>> -> memref<1x10000x128xf32, #tpu.memory_space<hbm>>
        %dma_wait3A_34 = tpu.memref_squeeze %dma_wait3A_33 : memref<1x10000x128xf32, #tpu.memory_space<hbm>> -> memref<10000x128xf32, #tpu.memory_space<hbm>>
        %dma_wait3A_35 = arith.constant 0 : i32
        %dma_wait3A_36 = tpu.memref_slice %dma_wait3A_34[%mul3A_2, %dma_wait3A_35] : memref<10000x128xf32, #tpu.memory_space<hbm>> -> memref<640x128xf32, #tpu.memory_space<hbm>>
        %dma_wait3A_37 = arith.constant 0 : i32
        %dma_wait3A_38 = tpu.memref_slice %arg15[%mul3A_2, %dma_wait3A_37] : memref<10000x128xf32, #tpu.memory_space<vmem_shared>> -> memref<640x128xf32, #tpu.memory_space<vmem_shared>>
        tpu.wait_dma2 semaphore(%run_scoped3A : memref<!tpu.dma_semaphore, #tpu.memory_space<semaphore_mem>>) src(%dma_wait3A_38 : memref<640x128xf32, #tpu.memory_space<vmem_shared>>) dst(%dma_wait3A_36 : memref<640x128xf32, #tpu.memory_space<hbm>>)
        tpu.yield
      }) : () -> ()
    } else {
    }
    return
  }
}

#map = affine_map<(d0, d1) -> (0, 0)>
#map1 = affine_map<(d0, d1) -> (0)>
#map2 = affine_map<(d0, d1) -> (0, 0, 0)>
module attributes {stable_mosaic.version = 14 : i64} {
  func.func @prop(%arg0: i32, %arg1: i32, %arg2: memref<10000x128xf32, #tpu.memory_space<hbm>>, %arg3: memref<320000xi32, #tpu.memory_space<hbm>>, %arg4: memref<320000xi32, #tpu.memory_space<hbm>>, %arg5: memref<2x10000x128xf32, #tpu.memory_space<hbm>>, %arg6: memref<128xi32, #tpu.memory_space<vmem>>, %arg7: memref<128xi32, #tpu.memory_space<vmem>>, %arg8: memref<128xi32, #tpu.memory_space<vmem>>, %arg9: memref<128xi32, #tpu.memory_space<vmem>>, %arg10: memref<128xi32, #tpu.memory_space<vmem>>, %arg11: memref<128xi32, #tpu.memory_space<vmem>>, %arg12: memref<128x128xf32, #tpu.memory_space<vmem>>, %arg13: memref<128x128xf32, #tpu.memory_space<vmem>>, %arg14: memref<128x128xf32, #tpu.memory_space<vmem>>, %arg15: memref<10000x128xf32, #tpu.memory_space<vmem_shared>>, %arg16: memref<!tpu.dma_semaphore, #tpu.memory_space<semaphore_mem>>, %arg17: memref<!tpu.dma_semaphore, #tpu.memory_space<semaphore_mem>>, %arg18: memref<!tpu.dma_semaphore, #tpu.memory_space<semaphore_mem>>, %arg19: memref<!tpu.dma_semaphore, #tpu.memory_space<semaphore_mem>>, %arg20: memref<!tpu.dma_semaphore, #tpu.memory_space<semaphore_mem>>, %arg21: memref<!tpu.dma_semaphore, #tpu.memory_space<semaphore_mem>>, %arg22: memref<!tpu.dma_semaphore, #tpu.memory_space<semaphore_mem>>, %arg23: memref<!tpu.dma_semaphore, #tpu.memory_space<semaphore_mem>>, %arg24: memref<!tpu.dma_semaphore, #tpu.memory_space<semaphore_mem>>) attributes {dimension_semantics = [#tpu.dimension_semantics<core_parallel>, #tpu.dimension_semantics<subcore_parallel>], iteration_bounds = array<i64: 2, 16>, scalar_prefetch = 0 : i64, scratch_operands = 19 : i64, tpu.core_type = #tpu.core_type<sc_vector_subcore>, window_params = [{transform_indices = #map}, {transform_indices = #map1}, {transform_indices = #map1}, {transform_indices = #map2}]} {
    %mul3A = arith.constant 16 : i32
    %mul3A_0 = arith.muli %arg0, %mul3A : i32
    %add3A = arith.addi %mul3A_0, %arg1 : i32
    %mul3A_1 = arith.constant 624 : i32
    %mul3A_2 = arith.muli %arg1, %mul3A_1 : i32
    %lt3A = arith.constant 15 : i32
    %lt3A_3 = arith.cmpi slt, %arg1, %lt3A : i32
    %convert_element_type3A = arith.extui %lt3A_3 : i1 to i32
    %cond3A = arith.constant 0 : i32
    %cond3A_4 = arith.cmpi ne, %convert_element_type3A, %cond3A : i32
    scf.if %cond3A_4 {
      "tpu.region"() ({
        %run_scoped3A = tpu.sem_alloc : memref<!tpu.dma_semaphore, #tpu.memory_space<semaphore_mem>>
        %dma_start3A = arith.constant 0 : i32
        %dma_start3A_25 = tpu.memref_slice %arg15[%mul3A_2, %dma_start3A] : memref<10000x128xf32, #tpu.memory_space<vmem_shared>> -> memref<624x128xf32, #tpu.memory_space<vmem_shared>>
        %dma_start3A_26 = arith.constant 0 : i32
        %dma_start3A_27 = tpu.memref_slice %arg2[%mul3A_2, %dma_start3A_26] : memref<10000x128xf32, #tpu.memory_space<hbm>> -> memref<624x128xf32, #tpu.memory_space<hbm>>
        tpu.enqueue_dma source(%dma_start3A_27 : memref<624x128xf32, #tpu.memory_space<hbm>>) target(%dma_start3A_25 : memref<624x128xf32, #tpu.memory_space<vmem_shared>>) target_semaphore(%run_scoped3A : memref<!tpu.dma_semaphore, #tpu.memory_space<semaphore_mem>>)
        %dma_wait3A = arith.constant 0 : i32
        %dma_wait3A_28 = tpu.memref_slice %arg15[%mul3A_2, %dma_wait3A] : memref<10000x128xf32, #tpu.memory_space<vmem_shared>> -> memref<624x128xf32, #tpu.memory_space<vmem_shared>>
        %dma_wait3A_29 = arith.constant 0 : i32
        %dma_wait3A_30 = tpu.memref_slice %arg2[%mul3A_2, %dma_wait3A_29] : memref<10000x128xf32, #tpu.memory_space<hbm>> -> memref<624x128xf32, #tpu.memory_space<hbm>>
        tpu.wait_dma2 semaphore(%run_scoped3A : memref<!tpu.dma_semaphore, #tpu.memory_space<semaphore_mem>>) src(%dma_wait3A_30 : memref<624x128xf32, #tpu.memory_space<hbm>>) dst(%dma_wait3A_28 : memref<624x128xf32, #tpu.memory_space<vmem_shared>>)
        tpu.yield
      }) : () -> ()
    } else {
    }
    %eq3A = arith.constant 15 : i32
    %eq3A_5 = arith.cmpi eq, %arg1, %eq3A : i32
    %convert_element_type3A_6 = arith.extui %eq3A_5 : i1 to i32
    %cond3A_7 = arith.constant 0 : i32
    %cond3A_8 = arith.cmpi ne, %convert_element_type3A_6, %cond3A_7 : i32
    scf.if %cond3A_8 {
      "tpu.region"() ({
        %run_scoped3A = tpu.sem_alloc : memref<!tpu.dma_semaphore, #tpu.memory_space<semaphore_mem>>
        %dma_start3A = arith.constant 0 : i32
        %dma_start3A_25 = tpu.memref_slice %arg15[%mul3A_2, %dma_start3A] : memref<10000x128xf32, #tpu.memory_space<vmem_shared>> -> memref<640x128xf32, #tpu.memory_space<vmem_shared>>
        %dma_start3A_26 = arith.constant 0 : i32
        %dma_start3A_27 = tpu.memref_slice %arg2[%mul3A_2, %dma_start3A_26] : memref<10000x128xf32, #tpu.memory_space<hbm>> -> memref<640x128xf32, #tpu.memory_space<hbm>>
        tpu.enqueue_dma source(%dma_start3A_27 : memref<640x128xf32, #tpu.memory_space<hbm>>) target(%dma_start3A_25 : memref<640x128xf32, #tpu.memory_space<vmem_shared>>) target_semaphore(%run_scoped3A : memref<!tpu.dma_semaphore, #tpu.memory_space<semaphore_mem>>)
        %dma_wait3A = arith.constant 0 : i32
        %dma_wait3A_28 = tpu.memref_slice %arg15[%mul3A_2, %dma_wait3A] : memref<10000x128xf32, #tpu.memory_space<vmem_shared>> -> memref<640x128xf32, #tpu.memory_space<vmem_shared>>
        %dma_wait3A_29 = arith.constant 0 : i32
        %dma_wait3A_30 = tpu.memref_slice %arg2[%mul3A_2, %dma_wait3A_29] : memref<10000x128xf32, #tpu.memory_space<hbm>> -> memref<640x128xf32, #tpu.memory_space<hbm>>
        tpu.wait_dma2 semaphore(%run_scoped3A : memref<!tpu.dma_semaphore, #tpu.memory_space<semaphore_mem>>) src(%dma_wait3A_30 : memref<640x128xf32, #tpu.memory_space<hbm>>) dst(%dma_wait3A_28 : memref<640x128xf32, #tpu.memory_space<vmem_shared>>)
        tpu.yield
      }) : () -> ()
    } else {
    }
    %barrier3A = arith.constant 0 : index
    tpu.barrier barrier_id(%barrier3A)
    %scan3A = arith.constant 0 : i32
    %scan3A_9 = arith.constant 0 : i32
    %scan3A_10 = arith.constant 27 : i32
    %scan3A_11 = arith.addi %scan3A_9, %scan3A_10 : i32
    %scan3A_12 = arith.constant 1 : i32
    scf.for %scan3A_25 = %scan3A_9 to %scan3A_11 step %scan3A_12  : i32 {
      %mul3A_26 = arith.constant 3 : i32
      %mul3A_27 = arith.muli %mul3A_26, %scan3A_25 : i32
      %add3A_28 = arith.constant 0 : i32
      %add3A_29 = arith.addi %mul3A_27, %add3A_28 : i32
      %mul3A_30 = arith.constant 32 : i32
      %mul3A_31 = arith.muli %add3A_29, %mul3A_30 : i32
      %add3A_32 = arith.addi %add3A, %mul3A_31 : i32
      %mul3A_33 = arith.constant 3 : i32
      %mul3A_34 = arith.muli %mul3A_33, %scan3A_25 : i32
      %add3A_35 = arith.constant 1 : i32
      %add3A_36 = arith.addi %mul3A_34, %add3A_35 : i32
      %mul3A_37 = arith.constant 32 : i32
      %mul3A_38 = arith.muli %add3A_36, %mul3A_37 : i32
      %add3A_39 = arith.addi %add3A, %mul3A_38 : i32
      %mul3A_40 = arith.constant 3 : i32
      %mul3A_41 = arith.muli %mul3A_40, %scan3A_25 : i32
      %add3A_42 = arith.constant 2 : i32
      %add3A_43 = arith.addi %mul3A_41, %add3A_42 : i32
      %mul3A_44 = arith.constant 32 : i32
      %mul3A_45 = arith.muli %add3A_43, %mul3A_44 : i32
      %add3A_46 = arith.addi %add3A, %mul3A_45 : i32
      %lt3A_47 = arith.constant 2500 : i32
      %lt3A_48 = arith.cmpi slt, %add3A_32, %lt3A_47 : i32
      %convert_element_type3A_49 = arith.extui %lt3A_48 : i1 to i32
      %cond3A_50 = arith.constant 0 : i32
      %cond3A_51 = arith.cmpi ne, %convert_element_type3A_49, %cond3A_50 : i32
      scf.if %cond3A_51 {
        %mul3A_107 = arith.constant 128 : i32
        %mul3A_108 = arith.muli %add3A_32, %mul3A_107 : i32
        %dma_start3A = tpu.memref_slice %arg3[%mul3A_108] : memref<320000xi32, #tpu.memory_space<hbm>> -> memref<128xi32, #tpu.memory_space<hbm>>
        %dma_start3A_109 = tpu.memref_slice %arg3[%mul3A_108] : memref<320000xi32, #tpu.memory_space<hbm>> -> memref<128xi32, #tpu.memory_space<hbm>>
        tpu.enqueue_dma source(%dma_start3A_109 : memref<128xi32, #tpu.memory_space<hbm>>) target(%arg6 : memref<128xi32, #tpu.memory_space<vmem>>) target_semaphore(%arg19 : memref<!tpu.dma_semaphore, #tpu.memory_space<semaphore_mem>>)
        %mul3A_110 = arith.constant 128 : i32
        %mul3A_111 = arith.muli %add3A_32, %mul3A_110 : i32
        %dma_start3A_112 = tpu.memref_slice %arg4[%mul3A_111] : memref<320000xi32, #tpu.memory_space<hbm>> -> memref<128xi32, #tpu.memory_space<hbm>>
        %dma_start3A_113 = tpu.memref_slice %arg4[%mul3A_111] : memref<320000xi32, #tpu.memory_space<hbm>> -> memref<128xi32, #tpu.memory_space<hbm>>
        tpu.enqueue_dma source(%dma_start3A_113 : memref<128xi32, #tpu.memory_space<hbm>>) target(%arg9 : memref<128xi32, #tpu.memory_space<vmem>>) target_semaphore(%arg19 : memref<!tpu.dma_semaphore, #tpu.memory_space<semaphore_mem>>)
      } else {
      }
      %lt3A_52 = arith.constant 2500 : i32
      %lt3A_53 = arith.cmpi slt, %add3A_39, %lt3A_52 : i32
      %convert_element_type3A_54 = arith.extui %lt3A_53 : i1 to i32
      %cond3A_55 = arith.constant 0 : i32
      %cond3A_56 = arith.cmpi ne, %convert_element_type3A_54, %cond3A_55 : i32
      scf.if %cond3A_56 {
        %mul3A_107 = arith.constant 128 : i32
        %mul3A_108 = arith.muli %add3A_39, %mul3A_107 : i32
        %dma_start3A = tpu.memref_slice %arg3[%mul3A_108] : memref<320000xi32, #tpu.memory_space<hbm>> -> memref<128xi32, #tpu.memory_space<hbm>>
        %dma_start3A_109 = tpu.memref_slice %arg3[%mul3A_108] : memref<320000xi32, #tpu.memory_space<hbm>> -> memref<128xi32, #tpu.memory_space<hbm>>
        tpu.enqueue_dma source(%dma_start3A_109 : memref<128xi32, #tpu.memory_space<hbm>>) target(%arg7 : memref<128xi32, #tpu.memory_space<vmem>>) target_semaphore(%arg20 : memref<!tpu.dma_semaphore, #tpu.memory_space<semaphore_mem>>)
        %mul3A_110 = arith.constant 128 : i32
        %mul3A_111 = arith.muli %add3A_39, %mul3A_110 : i32
        %dma_start3A_112 = tpu.memref_slice %arg4[%mul3A_111] : memref<320000xi32, #tpu.memory_space<hbm>> -> memref<128xi32, #tpu.memory_space<hbm>>
        %dma_start3A_113 = tpu.memref_slice %arg4[%mul3A_111] : memref<320000xi32, #tpu.memory_space<hbm>> -> memref<128xi32, #tpu.memory_space<hbm>>
        tpu.enqueue_dma source(%dma_start3A_113 : memref<128xi32, #tpu.memory_space<hbm>>) target(%arg10 : memref<128xi32, #tpu.memory_space<vmem>>) target_semaphore(%arg20 : memref<!tpu.dma_semaphore, #tpu.memory_space<semaphore_mem>>)
      } else {
      }
      %lt3A_57 = arith.constant 2500 : i32
      %lt3A_58 = arith.cmpi slt, %add3A_46, %lt3A_57 : i32
      %convert_element_type3A_59 = arith.extui %lt3A_58 : i1 to i32
      %cond3A_60 = arith.constant 0 : i32
      %cond3A_61 = arith.cmpi ne, %convert_element_type3A_59, %cond3A_60 : i32
      scf.if %cond3A_61 {
        %mul3A_107 = arith.constant 128 : i32
        %mul3A_108 = arith.muli %add3A_46, %mul3A_107 : i32
        %dma_start3A = tpu.memref_slice %arg3[%mul3A_108] : memref<320000xi32, #tpu.memory_space<hbm>> -> memref<128xi32, #tpu.memory_space<hbm>>
        %dma_start3A_109 = tpu.memref_slice %arg3[%mul3A_108] : memref<320000xi32, #tpu.memory_space<hbm>> -> memref<128xi32, #tpu.memory_space<hbm>>
        tpu.enqueue_dma source(%dma_start3A_109 : memref<128xi32, #tpu.memory_space<hbm>>) target(%arg8 : memref<128xi32, #tpu.memory_space<vmem>>) target_semaphore(%arg21 : memref<!tpu.dma_semaphore, #tpu.memory_space<semaphore_mem>>)
        %mul3A_110 = arith.constant 128 : i32
        %mul3A_111 = arith.muli %add3A_46, %mul3A_110 : i32
        %dma_start3A_112 = tpu.memref_slice %arg4[%mul3A_111] : memref<320000xi32, #tpu.memory_space<hbm>> -> memref<128xi32, #tpu.memory_space<hbm>>
        %dma_start3A_113 = tpu.memref_slice %arg4[%mul3A_111] : memref<320000xi32, #tpu.memory_space<hbm>> -> memref<128xi32, #tpu.memory_space<hbm>>
        tpu.enqueue_dma source(%dma_start3A_113 : memref<128xi32, #tpu.memory_space<hbm>>) target(%arg11 : memref<128xi32, #tpu.memory_space<vmem>>) target_semaphore(%arg21 : memref<!tpu.dma_semaphore, #tpu.memory_space<semaphore_mem>>)
      } else {
      }
      %lt3A_62 = arith.constant 2500 : i32
      %lt3A_63 = arith.cmpi slt, %add3A_32, %lt3A_62 : i32
      %convert_element_type3A_64 = arith.extui %lt3A_63 : i1 to i32
      %cond3A_65 = arith.constant 0 : i32
      %cond3A_66 = arith.cmpi ne, %convert_element_type3A_64, %cond3A_65 : i32
      scf.if %cond3A_66 {
        %dma_wait3A = arith.constant 0 : i32
        %dma_wait3A_107 = tpu.memref_slice %arg3[%dma_wait3A] : memref<320000xi32, #tpu.memory_space<hbm>> -> memref<128xi32, #tpu.memory_space<hbm>>
        %dma_wait3A_108 = arith.constant 0 : i32
        %dma_wait3A_109 = tpu.memref_slice %arg3[%dma_wait3A_108] : memref<320000xi32, #tpu.memory_space<hbm>> -> memref<128xi32, #tpu.memory_space<hbm>>
        tpu.wait_dma2 semaphore(%arg19 : memref<!tpu.dma_semaphore, #tpu.memory_space<semaphore_mem>>) src(%dma_wait3A_109 : memref<128xi32, #tpu.memory_space<hbm>>) dst(%arg6 : memref<128xi32, #tpu.memory_space<vmem>>)
        %dma_wait3A_110 = arith.constant 0 : i32
        %dma_wait3A_111 = tpu.memref_slice %arg3[%dma_wait3A_110] : memref<320000xi32, #tpu.memory_space<hbm>> -> memref<128xi32, #tpu.memory_space<hbm>>
        %dma_wait3A_112 = arith.constant 0 : i32
        %dma_wait3A_113 = tpu.memref_slice %arg3[%dma_wait3A_112] : memref<320000xi32, #tpu.memory_space<hbm>> -> memref<128xi32, #tpu.memory_space<hbm>>
        tpu.wait_dma2 semaphore(%arg19 : memref<!tpu.dma_semaphore, #tpu.memory_space<semaphore_mem>>) src(%dma_wait3A_113 : memref<128xi32, #tpu.memory_space<hbm>>) dst(%arg9 : memref<128xi32, #tpu.memory_space<vmem>>)
        %dma_start3A = arith.constant 0 : i32
        %dma_start3A_114 = arith.constant 0 : i32
        %dma_start3A_115 = tpu.memref_slice %arg2[%dma_start3A, %dma_start3A_114] : memref<10000x128xf32, #tpu.memory_space<hbm>> -> memref<10000x128xf32, #tpu.memory_space<hbm>>
        tpu.enqueue_indirect_dma source(%dma_start3A_115 : memref<10000x128xf32, #tpu.memory_space<hbm>>) target(%arg12 : memref<128x128xf32, #tpu.memory_space<vmem>>) offsets(%arg6 : memref<128xi32, #tpu.memory_space<vmem>>) semaphore(%arg16 : memref<!tpu.dma_semaphore, #tpu.memory_space<semaphore_mem>>)
      } else {
      }
      %lt3A_67 = arith.constant 2500 : i32
      %lt3A_68 = arith.cmpi slt, %add3A_39, %lt3A_67 : i32
      %convert_element_type3A_69 = arith.extui %lt3A_68 : i1 to i32
      %cond3A_70 = arith.constant 0 : i32
      %cond3A_71 = arith.cmpi ne, %convert_element_type3A_69, %cond3A_70 : i32
      scf.if %cond3A_71 {
        %dma_wait3A = arith.constant 0 : i32
        %dma_wait3A_107 = tpu.memref_slice %arg3[%dma_wait3A] : memref<320000xi32, #tpu.memory_space<hbm>> -> memref<128xi32, #tpu.memory_space<hbm>>
        %dma_wait3A_108 = arith.constant 0 : i32
        %dma_wait3A_109 = tpu.memref_slice %arg3[%dma_wait3A_108] : memref<320000xi32, #tpu.memory_space<hbm>> -> memref<128xi32, #tpu.memory_space<hbm>>
        tpu.wait_dma2 semaphore(%arg20 : memref<!tpu.dma_semaphore, #tpu.memory_space<semaphore_mem>>) src(%dma_wait3A_109 : memref<128xi32, #tpu.memory_space<hbm>>) dst(%arg7 : memref<128xi32, #tpu.memory_space<vmem>>)
        %dma_wait3A_110 = arith.constant 0 : i32
        %dma_wait3A_111 = tpu.memref_slice %arg3[%dma_wait3A_110] : memref<320000xi32, #tpu.memory_space<hbm>> -> memref<128xi32, #tpu.memory_space<hbm>>
        %dma_wait3A_112 = arith.constant 0 : i32
        %dma_wait3A_113 = tpu.memref_slice %arg3[%dma_wait3A_112] : memref<320000xi32, #tpu.memory_space<hbm>> -> memref<128xi32, #tpu.memory_space<hbm>>
        tpu.wait_dma2 semaphore(%arg20 : memref<!tpu.dma_semaphore, #tpu.memory_space<semaphore_mem>>) src(%dma_wait3A_113 : memref<128xi32, #tpu.memory_space<hbm>>) dst(%arg10 : memref<128xi32, #tpu.memory_space<vmem>>)
        %dma_start3A = arith.constant 0 : i32
        %dma_start3A_114 = arith.constant 0 : i32
        %dma_start3A_115 = tpu.memref_slice %arg2[%dma_start3A, %dma_start3A_114] : memref<10000x128xf32, #tpu.memory_space<hbm>> -> memref<10000x128xf32, #tpu.memory_space<hbm>>
        tpu.enqueue_indirect_dma source(%dma_start3A_115 : memref<10000x128xf32, #tpu.memory_space<hbm>>) target(%arg13 : memref<128x128xf32, #tpu.memory_space<vmem>>) offsets(%arg7 : memref<128xi32, #tpu.memory_space<vmem>>) semaphore(%arg17 : memref<!tpu.dma_semaphore, #tpu.memory_space<semaphore_mem>>)
      } else {
      }
      %lt3A_72 = arith.constant 2500 : i32
      %lt3A_73 = arith.cmpi slt, %add3A_46, %lt3A_72 : i32
      %convert_element_type3A_74 = arith.extui %lt3A_73 : i1 to i32
      %cond3A_75 = arith.constant 0 : i32
      %cond3A_76 = arith.cmpi ne, %convert_element_type3A_74, %cond3A_75 : i32
      scf.if %cond3A_76 {
        %dma_wait3A = arith.constant 0 : i32
        %dma_wait3A_107 = tpu.memref_slice %arg3[%dma_wait3A] : memref<320000xi32, #tpu.memory_space<hbm>> -> memref<128xi32, #tpu.memory_space<hbm>>
        %dma_wait3A_108 = arith.constant 0 : i32
        %dma_wait3A_109 = tpu.memref_slice %arg3[%dma_wait3A_108] : memref<320000xi32, #tpu.memory_space<hbm>> -> memref<128xi32, #tpu.memory_space<hbm>>
        tpu.wait_dma2 semaphore(%arg21 : memref<!tpu.dma_semaphore, #tpu.memory_space<semaphore_mem>>) src(%dma_wait3A_109 : memref<128xi32, #tpu.memory_space<hbm>>) dst(%arg8 : memref<128xi32, #tpu.memory_space<vmem>>)
        %dma_wait3A_110 = arith.constant 0 : i32
        %dma_wait3A_111 = tpu.memref_slice %arg3[%dma_wait3A_110] : memref<320000xi32, #tpu.memory_space<hbm>> -> memref<128xi32, #tpu.memory_space<hbm>>
        %dma_wait3A_112 = arith.constant 0 : i32
        %dma_wait3A_113 = tpu.memref_slice %arg3[%dma_wait3A_112] : memref<320000xi32, #tpu.memory_space<hbm>> -> memref<128xi32, #tpu.memory_space<hbm>>
        tpu.wait_dma2 semaphore(%arg21 : memref<!tpu.dma_semaphore, #tpu.memory_space<semaphore_mem>>) src(%dma_wait3A_113 : memref<128xi32, #tpu.memory_space<hbm>>) dst(%arg11 : memref<128xi32, #tpu.memory_space<vmem>>)
        %dma_start3A = arith.constant 0 : i32
        %dma_start3A_114 = arith.constant 0 : i32
        %dma_start3A_115 = tpu.memref_slice %arg2[%dma_start3A, %dma_start3A_114] : memref<10000x128xf32, #tpu.memory_space<hbm>> -> memref<10000x128xf32, #tpu.memory_space<hbm>>
        tpu.enqueue_indirect_dma source(%dma_start3A_115 : memref<10000x128xf32, #tpu.memory_space<hbm>>) target(%arg14 : memref<128x128xf32, #tpu.memory_space<vmem>>) offsets(%arg8 : memref<128xi32, #tpu.memory_space<vmem>>) semaphore(%arg18 : memref<!tpu.dma_semaphore, #tpu.memory_space<semaphore_mem>>)
      } else {
      }
      %lt3A_77 = arith.constant 2500 : i32
      %lt3A_78 = arith.cmpi slt, %add3A_32, %lt3A_77 : i32
      %convert_element_type3A_79 = arith.extui %lt3A_78 : i1 to i32
      %cond3A_80 = arith.constant 0 : i32
      %cond3A_81 = arith.cmpi ne, %convert_element_type3A_79, %cond3A_80 : i32
      scf.if %cond3A_81 {
        %dma_wait3A = arith.constant 0 : i32
        %dma_wait3A_107 = arith.constant 0 : i32
        %dma_wait3A_108 = tpu.memref_slice %arg2[%dma_wait3A, %dma_wait3A_107] : memref<10000x128xf32, #tpu.memory_space<hbm>> -> memref<128x128xf32, #tpu.memory_space<hbm>>
        %dma_wait3A_109 = arith.constant 0 : i32
        %dma_wait3A_110 = arith.constant 0 : i32
        %dma_wait3A_111 = tpu.memref_slice %arg2[%dma_wait3A_109, %dma_wait3A_110] : memref<10000x128xf32, #tpu.memory_space<hbm>> -> memref<128x128xf32, #tpu.memory_space<hbm>>
        tpu.wait_dma2 semaphore(%arg16 : memref<!tpu.dma_semaphore, #tpu.memory_space<semaphore_mem>>) src(%dma_wait3A_111 : memref<128x128xf32, #tpu.memory_space<hbm>>) dst(%arg12 : memref<128x128xf32, #tpu.memory_space<vmem>>)
        %dma_start3A = arith.constant 0 : i32
        %dma_start3A_112 = arith.constant 0 : i32
        %dma_start3A_113 = tpu.memref_slice %arg15[%dma_start3A, %dma_start3A_112] : memref<10000x128xf32, #tpu.memory_space<vmem_shared>> -> memref<10000x128xf32, #tpu.memory_space<vmem_shared>>
        tpu.enqueue_indirect_dma source(%arg12 : memref<128x128xf32, #tpu.memory_space<vmem>>) target(%dma_start3A_113 : memref<10000x128xf32, #tpu.memory_space<vmem_shared>>) offsets(%arg9 : memref<128xi32, #tpu.memory_space<vmem>>) semaphore(%arg22 : memref<!tpu.dma_semaphore, #tpu.memory_space<semaphore_mem>>) {add = true}
      } else {
      }
      %lt3A_82 = arith.constant 2500 : i32
      %lt3A_83 = arith.cmpi slt, %add3A_39, %lt3A_82 : i32
      %convert_element_type3A_84 = arith.extui %lt3A_83 : i1 to i32
      %cond3A_85 = arith.constant 0 : i32
      %cond3A_86 = arith.cmpi ne, %convert_element_type3A_84, %cond3A_85 : i32
      scf.if %cond3A_86 {
        %dma_wait3A = arith.constant 0 : i32
        %dma_wait3A_107 = arith.constant 0 : i32
        %dma_wait3A_108 = tpu.memref_slice %arg2[%dma_wait3A, %dma_wait3A_107] : memref<10000x128xf32, #tpu.memory_space<hbm>> -> memref<128x128xf32, #tpu.memory_space<hbm>>
        %dma_wait3A_109 = arith.constant 0 : i32
        %dma_wait3A_110 = arith.constant 0 : i32
        %dma_wait3A_111 = tpu.memref_slice %arg2[%dma_wait3A_109, %dma_wait3A_110] : memref<10000x128xf32, #tpu.memory_space<hbm>> -> memref<128x128xf32, #tpu.memory_space<hbm>>
        tpu.wait_dma2 semaphore(%arg17 : memref<!tpu.dma_semaphore, #tpu.memory_space<semaphore_mem>>) src(%dma_wait3A_111 : memref<128x128xf32, #tpu.memory_space<hbm>>) dst(%arg13 : memref<128x128xf32, #tpu.memory_space<vmem>>)
        %dma_start3A = arith.constant 0 : i32
        %dma_start3A_112 = arith.constant 0 : i32
        %dma_start3A_113 = tpu.memref_slice %arg15[%dma_start3A, %dma_start3A_112] : memref<10000x128xf32, #tpu.memory_space<vmem_shared>> -> memref<10000x128xf32, #tpu.memory_space<vmem_shared>>
        tpu.enqueue_indirect_dma source(%arg13 : memref<128x128xf32, #tpu.memory_space<vmem>>) target(%dma_start3A_113 : memref<10000x128xf32, #tpu.memory_space<vmem_shared>>) offsets(%arg10 : memref<128xi32, #tpu.memory_space<vmem>>) semaphore(%arg23 : memref<!tpu.dma_semaphore, #tpu.memory_space<semaphore_mem>>) {add = true}
      } else {
      }
      %lt3A_87 = arith.constant 2500 : i32
      %lt3A_88 = arith.cmpi slt, %add3A_46, %lt3A_87 : i32
      %convert_element_type3A_89 = arith.extui %lt3A_88 : i1 to i32
      %cond3A_90 = arith.constant 0 : i32
      %cond3A_91 = arith.cmpi ne, %convert_element_type3A_89, %cond3A_90 : i32
      scf.if %cond3A_91 {
        %dma_wait3A = arith.constant 0 : i32
        %dma_wait3A_107 = arith.constant 0 : i32
        %dma_wait3A_108 = tpu.memref_slice %arg2[%dma_wait3A, %dma_wait3A_107] : memref<10000x128xf32, #tpu.memory_space<hbm>> -> memref<128x128xf32, #tpu.memory_space<hbm>>
        %dma_wait3A_109 = arith.constant 0 : i32
        %dma_wait3A_110 = arith.constant 0 : i32
        %dma_wait3A_111 = tpu.memref_slice %arg2[%dma_wait3A_109, %dma_wait3A_110] : memref<10000x128xf32, #tpu.memory_space<hbm>> -> memref<128x128xf32, #tpu.memory_space<hbm>>
        tpu.wait_dma2 semaphore(%arg18 : memref<!tpu.dma_semaphore, #tpu.memory_space<semaphore_mem>>) src(%dma_wait3A_111 : memref<128x128xf32, #tpu.memory_space<hbm>>) dst(%arg14 : memref<128x128xf32, #tpu.memory_space<vmem>>)
        %dma_start3A = arith.constant 0 : i32
        %dma_start3A_112 = arith.constant 0 : i32
        %dma_start3A_113 = tpu.memref_slice %arg15[%dma_start3A, %dma_start3A_112] : memref<10000x128xf32, #tpu.memory_space<vmem_shared>> -> memref<10000x128xf32, #tpu.memory_space<vmem_shared>>
        tpu.enqueue_indirect_dma source(%arg14 : memref<128x128xf32, #tpu.memory_space<vmem>>) target(%dma_start3A_113 : memref<10000x128xf32, #tpu.memory_space<vmem_shared>>) offsets(%arg11 : memref<128xi32, #tpu.memory_space<vmem>>) semaphore(%arg24 : memref<!tpu.dma_semaphore, #tpu.memory_space<semaphore_mem>>) {add = true}
      } else {
      }
      %lt3A_92 = arith.constant 2500 : i32
      %lt3A_93 = arith.cmpi slt, %add3A_32, %lt3A_92 : i32
      %convert_element_type3A_94 = arith.extui %lt3A_93 : i1 to i32
      %cond3A_95 = arith.constant 0 : i32
      %cond3A_96 = arith.cmpi ne, %convert_element_type3A_94, %cond3A_95 : i32
      scf.if %cond3A_96 {
        %dma_wait3A = arith.constant 0 : i32
        %dma_wait3A_107 = arith.constant 0 : i32
        %dma_wait3A_108 = tpu.memref_slice %arg2[%dma_wait3A, %dma_wait3A_107] : memref<10000x128xf32, #tpu.memory_space<hbm>> -> memref<128x128xf32, #tpu.memory_space<hbm>>
        %dma_wait3A_109 = arith.constant 0 : i32
        %dma_wait3A_110 = arith.constant 0 : i32
        %dma_wait3A_111 = tpu.memref_slice %arg2[%dma_wait3A_109, %dma_wait3A_110] : memref<10000x128xf32, #tpu.memory_space<hbm>> -> memref<128x128xf32, #tpu.memory_space<hbm>>
        tpu.wait_dma2 semaphore(%arg22 : memref<!tpu.dma_semaphore, #tpu.memory_space<semaphore_mem>>) src(%dma_wait3A_111 : memref<128x128xf32, #tpu.memory_space<hbm>>) dst(%arg12 : memref<128x128xf32, #tpu.memory_space<vmem>>)
      } else {
      }
      %lt3A_97 = arith.constant 2500 : i32
      %lt3A_98 = arith.cmpi slt, %add3A_39, %lt3A_97 : i32
      %convert_element_type3A_99 = arith.extui %lt3A_98 : i1 to i32
      %cond3A_100 = arith.constant 0 : i32
      %cond3A_101 = arith.cmpi ne, %convert_element_type3A_99, %cond3A_100 : i32
      scf.if %cond3A_101 {
        %dma_wait3A = arith.constant 0 : i32
        %dma_wait3A_107 = arith.constant 0 : i32
        %dma_wait3A_108 = tpu.memref_slice %arg2[%dma_wait3A, %dma_wait3A_107] : memref<10000x128xf32, #tpu.memory_space<hbm>> -> memref<128x128xf32, #tpu.memory_space<hbm>>
        %dma_wait3A_109 = arith.constant 0 : i32
        %dma_wait3A_110 = arith.constant 0 : i32
        %dma_wait3A_111 = tpu.memref_slice %arg2[%dma_wait3A_109, %dma_wait3A_110] : memref<10000x128xf32, #tpu.memory_space<hbm>> -> memref<128x128xf32, #tpu.memory_space<hbm>>
        tpu.wait_dma2 semaphore(%arg23 : memref<!tpu.dma_semaphore, #tpu.memory_space<semaphore_mem>>) src(%dma_wait3A_111 : memref<128x128xf32, #tpu.memory_space<hbm>>) dst(%arg13 : memref<128x128xf32, #tpu.memory_space<vmem>>)
      } else {
      }
      %lt3A_102 = arith.constant 2500 : i32
      %lt3A_103 = arith.cmpi slt, %add3A_46, %lt3A_102 : i32
      %convert_element_type3A_104 = arith.extui %lt3A_103 : i1 to i32
      %cond3A_105 = arith.constant 0 : i32
      %cond3A_106 = arith.cmpi ne, %convert_element_type3A_104, %cond3A_105 : i32
      scf.if %cond3A_106 {
        %dma_wait3A = arith.constant 0 : i32
        %dma_wait3A_107 = arith.constant 0 : i32
        %dma_wait3A_108 = tpu.memref_slice %arg2[%dma_wait3A, %dma_wait3A_107] : memref<10000x128xf32, #tpu.memory_space<hbm>> -> memref<128x128xf32, #tpu.memory_space<hbm>>
        %dma_wait3A_109 = arith.constant 0 : i32
        %dma_wait3A_110 = arith.constant 0 : i32
        %dma_wait3A_111 = tpu.memref_slice %arg2[%dma_wait3A_109, %dma_wait3A_110] : memref<10000x128xf32, #tpu.memory_space<hbm>> -> memref<128x128xf32, #tpu.memory_space<hbm>>
        tpu.wait_dma2 semaphore(%arg24 : memref<!tpu.dma_semaphore, #tpu.memory_space<semaphore_mem>>) src(%dma_wait3A_111 : memref<128x128xf32, #tpu.memory_space<hbm>>) dst(%arg14 : memref<128x128xf32, #tpu.memory_space<vmem>>)
      } else {
      }
    }
    %scan3A_13 = arith.constant 27 : i32
    %barrier3A_14 = arith.constant 0 : index
    tpu.barrier barrier_id(%barrier3A_14)
    %lt3A_15 = arith.constant 15 : i32
    %lt3A_16 = arith.cmpi slt, %arg1, %lt3A_15 : i32
    %convert_element_type3A_17 = arith.extui %lt3A_16 : i1 to i32
    %cond3A_18 = arith.constant 0 : i32
    %cond3A_19 = arith.cmpi ne, %convert_element_type3A_17, %cond3A_18 : i32
    scf.if %cond3A_19 {
      "tpu.region"() ({
        %run_scoped3A = tpu.sem_alloc : memref<!tpu.dma_semaphore, #tpu.memory_space<semaphore_mem>>
        %dma_start3A = arith.constant 0 : i32
        %dma_start3A_25 = arith.constant 0 : i32
        %dma_start3A_26 = tpu.memref_slice %arg5[%arg0, %dma_start3A, %dma_start3A_25] : memref<2x10000x128xf32, #tpu.memory_space<hbm>> -> memref<1x10000x128xf32, #tpu.memory_space<hbm>>
        %dma_start3A_27 = tpu.memref_squeeze %dma_start3A_26 : memref<1x10000x128xf32, #tpu.memory_space<hbm>> -> memref<10000x128xf32, #tpu.memory_space<hbm>>
        %dma_start3A_28 = arith.constant 0 : i32
        %dma_start3A_29 = tpu.memref_slice %dma_start3A_27[%mul3A_2, %dma_start3A_28] : memref<10000x128xf32, #tpu.memory_space<hbm>> -> memref<624x128xf32, #tpu.memory_space<hbm>>
        %dma_start3A_30 = arith.constant 0 : i32
        %dma_start3A_31 = tpu.memref_slice %arg15[%mul3A_2, %dma_start3A_30] : memref<10000x128xf32, #tpu.memory_space<vmem_shared>> -> memref<624x128xf32, #tpu.memory_space<vmem_shared>>
        tpu.enqueue_dma source(%dma_start3A_31 : memref<624x128xf32, #tpu.memory_space<vmem_shared>>) target(%dma_start3A_29 : memref<624x128xf32, #tpu.memory_space<hbm>>) target_semaphore(%run_scoped3A : memref<!tpu.dma_semaphore, #tpu.memory_space<semaphore_mem>>)
        %dma_wait3A = arith.constant 0 : i32
        %dma_wait3A_32 = arith.constant 0 : i32
        %dma_wait3A_33 = tpu.memref_slice %arg5[%arg0, %dma_wait3A, %dma_wait3A_32] : memref<2x10000x128xf32, #tpu.memory_space<hbm>> -> memref<1x10000x128xf32, #tpu.memory_space<hbm>>
        %dma_wait3A_34 = tpu.memref_squeeze %dma_wait3A_33 : memref<1x10000x128xf32, #tpu.memory_space<hbm>> -> memref<10000x128xf32, #tpu.memory_space<hbm>>
        %dma_wait3A_35 = arith.constant 0 : i32
        %dma_wait3A_36 = tpu.memref_slice %dma_wait3A_34[%mul3A_2, %dma_wait3A_35] : memref<10000x128xf32, #tpu.memory_space<hbm>> -> memref<624x128xf32, #tpu.memory_space<hbm>>
        %dma_wait3A_37 = arith.constant 0 : i32
        %dma_wait3A_38 = tpu.memref_slice %arg15[%mul3A_2, %dma_wait3A_37] : memref<10000x128xf32, #tpu.memory_space<vmem_shared>> -> memref<624x128xf32, #tpu.memory_space<vmem_shared>>
        tpu.wait_dma2 semaphore(%run_scoped3A : memref<!tpu.dma_semaphore, #tpu.memory_space<semaphore_mem>>) src(%dma_wait3A_38 : memref<624x128xf32, #tpu.memory_space<vmem_shared>>) dst(%dma_wait3A_36 : memref<624x128xf32, #tpu.memory_space<hbm>>)
        tpu.yield
      }) : () -> ()
    } else {
    }
    %eq3A_20 = arith.constant 15 : i32
    %eq3A_21 = arith.cmpi eq, %arg1, %eq3A_20 : i32
    %convert_element_type3A_22 = arith.extui %eq3A_21 : i1 to i32
    %cond3A_23 = arith.constant 0 : i32
    %cond3A_24 = arith.cmpi ne, %convert_element_type3A_22, %cond3A_23 : i32
    scf.if %cond3A_24 {
      "tpu.region"() ({
        %run_scoped3A = tpu.sem_alloc : memref<!tpu.dma_semaphore, #tpu.memory_space<semaphore_mem>>
        %dma_start3A = arith.constant 0 : i32
        %dma_start3A_25 = arith.constant 0 : i32
        %dma_start3A_26 = tpu.memref_slice %arg5[%arg0, %dma_start3A, %dma_start3A_25] : memref<2x10000x128xf32, #tpu.memory_space<hbm>> -> memref<1x10000x128xf32, #tpu.memory_space<hbm>>
        %dma_start3A_27 = tpu.memref_squeeze %dma_start3A_26 : memref<1x10000x128xf32, #tpu.memory_space<hbm>> -> memref<10000x128xf32, #tpu.memory_space<hbm>>
        %dma_start3A_28 = arith.constant 0 : i32
        %dma_start3A_29 = tpu.memref_slice %dma_start3A_27[%mul3A_2, %dma_start3A_28] : memref<10000x128xf32, #tpu.memory_space<hbm>> -> memref<640x128xf32, #tpu.memory_space<hbm>>
        %dma_start3A_30 = arith.constant 0 : i32
        %dma_start3A_31 = tpu.memref_slice %arg15[%mul3A_2, %dma_start3A_30] : memref<10000x128xf32, #tpu.memory_space<vmem_shared>> -> memref<640x128xf32, #tpu.memory_space<vmem_shared>>
        tpu.enqueue_dma source(%dma_start3A_31 : memref<640x128xf32, #tpu.memory_space<vmem_shared>>) target(%dma_start3A_29 : memref<640x128xf32, #tpu.memory_space<hbm>>) target_semaphore(%run_scoped3A : memref<!tpu.dma_semaphore, #tpu.memory_space<semaphore_mem>>)
        %dma_wait3A = arith.constant 0 : i32
        %dma_wait3A_32 = arith.constant 0 : i32
        %dma_wait3A_33 = tpu.memref_slice %arg5[%arg0, %dma_wait3A, %dma_wait3A_32] : memref<2x10000x128xf32, #tpu.memory_space<hbm>> -> memref<1x10000x128xf32, #tpu.memory_space<hbm>>
        %dma_wait3A_34 = tpu.memref_squeeze %dma_wait3A_33 : memref<1x10000x128xf32, #tpu.memory_space<hbm>> -> memref<10000x128xf32, #tpu.memory_space<hbm>>
        %dma_wait3A_35 = arith.constant 0 : i32
        %dma_wait3A_36 = tpu.memref_slice %dma_wait3A_34[%mul3A_2, %dma_wait3A_35] : memref<10000x128xf32, #tpu.memory_space<hbm>> -> memref<640x128xf32, #tpu.memory_space<hbm>>
        %dma_wait3A_37 = arith.constant 0 : i32
        %dma_wait3A_38 = tpu.memref_slice %arg15[%mul3A_2, %dma_wait3A_37] : memref<10000x128xf32, #tpu.memory_space<vmem_shared>> -> memref<640x128xf32, #tpu.memory_space<vmem_shared>>
        tpu.wait_dma2 semaphore(%run_scoped3A : memref<!tpu.dma_semaphore, #tpu.memory_space<semaphore_mem>>) src(%dma_wait3A_38 : memref<640x128xf32, #tpu.memory_space<vmem_shared>>) dst(%dma_wait3A_36 : memref<640x128xf32, #tpu.memory_space<hbm>>)
        tpu.yield
      }) : () -> ()
    } else {
    }
    return
  }
}

#map = affine_map<(d0, d1) -> (0, 0)>
#map1 = affine_map<(d0, d1) -> (0)>
#map2 = affine_map<(d0, d1) -> (0, 0, 0)>
module attributes {stable_mosaic.version = 14 : i64} {
  func.func @prop(%arg0: i32, %arg1: i32, %arg2: memref<10000x128xf32, #tpu.memory_space<hbm>>, %arg3: memref<320000xi32, #tpu.memory_space<hbm>>, %arg4: memref<320000xi32, #tpu.memory_space<hbm>>, %arg5: memref<2x10000x128xf32, #tpu.memory_space<hbm>>, %arg6: memref<128xi32, #tpu.memory_space<vmem>>, %arg7: memref<128xi32, #tpu.memory_space<vmem>>, %arg8: memref<128xi32, #tpu.memory_space<vmem>>, %arg9: memref<128xi32, #tpu.memory_space<vmem>>, %arg10: memref<128xi32, #tpu.memory_space<vmem>>, %arg11: memref<128xi32, #tpu.memory_space<vmem>>, %arg12: memref<128x128xf32, #tpu.memory_space<vmem>>, %arg13: memref<128x128xf32, #tpu.memory_space<vmem>>, %arg14: memref<128x128xf32, #tpu.memory_space<vmem>>, %arg15: memref<10000x128xf32, #tpu.memory_space<vmem_shared>>, %arg16: memref<!tpu.dma_semaphore, #tpu.memory_space<semaphore_mem>>, %arg17: memref<!tpu.dma_semaphore, #tpu.memory_space<semaphore_mem>>, %arg18: memref<!tpu.dma_semaphore, #tpu.memory_space<semaphore_mem>>, %arg19: memref<!tpu.dma_semaphore, #tpu.memory_space<semaphore_mem>>, %arg20: memref<!tpu.dma_semaphore, #tpu.memory_space<semaphore_mem>>, %arg21: memref<!tpu.dma_semaphore, #tpu.memory_space<semaphore_mem>>, %arg22: memref<!tpu.dma_semaphore, #tpu.memory_space<semaphore_mem>>, %arg23: memref<!tpu.dma_semaphore, #tpu.memory_space<semaphore_mem>>, %arg24: memref<!tpu.dma_semaphore, #tpu.memory_space<semaphore_mem>>) attributes {dimension_semantics = [#tpu.dimension_semantics<core_parallel>, #tpu.dimension_semantics<subcore_parallel>], iteration_bounds = array<i64: 2, 16>, scalar_prefetch = 0 : i64, scratch_operands = 19 : i64, tpu.core_type = #tpu.core_type<sc_vector_subcore>, window_params = [{transform_indices = #map}, {transform_indices = #map1}, {transform_indices = #map1}, {transform_indices = #map2}]} {
    %mul3A = arith.constant 16 : i32
    %mul3A_0 = arith.muli %arg0, %mul3A : i32
    %add3A = arith.addi %mul3A_0, %arg1 : i32
    %mul3A_1 = arith.constant 624 : i32
    %mul3A_2 = arith.muli %arg1, %mul3A_1 : i32
    %lt3A = arith.constant 15 : i32
    %lt3A_3 = arith.cmpi slt, %arg1, %lt3A : i32
    %convert_element_type3A = arith.extui %lt3A_3 : i1 to i32
    %cond3A = arith.constant 0 : i32
    %cond3A_4 = arith.cmpi ne, %convert_element_type3A, %cond3A : i32
    scf.if %cond3A_4 {
      "tpu.region"() ({
        %run_scoped3A = tpu.sem_alloc : memref<!tpu.dma_semaphore, #tpu.memory_space<semaphore_mem>>
        %dma_start3A = arith.constant 0 : i32
        %dma_start3A_25 = tpu.memref_slice %arg15[%mul3A_2, %dma_start3A] : memref<10000x128xf32, #tpu.memory_space<vmem_shared>> -> memref<624x128xf32, #tpu.memory_space<vmem_shared>>
        %dma_start3A_26 = arith.constant 0 : i32
        %dma_start3A_27 = tpu.memref_slice %arg2[%mul3A_2, %dma_start3A_26] : memref<10000x128xf32, #tpu.memory_space<hbm>> -> memref<624x128xf32, #tpu.memory_space<hbm>>
        tpu.enqueue_dma source(%dma_start3A_27 : memref<624x128xf32, #tpu.memory_space<hbm>>) target(%dma_start3A_25 : memref<624x128xf32, #tpu.memory_space<vmem_shared>>) target_semaphore(%run_scoped3A : memref<!tpu.dma_semaphore, #tpu.memory_space<semaphore_mem>>)
        %dma_wait3A = arith.constant 0 : i32
        %dma_wait3A_28 = tpu.memref_slice %arg15[%mul3A_2, %dma_wait3A] : memref<10000x128xf32, #tpu.memory_space<vmem_shared>> -> memref<624x128xf32, #tpu.memory_space<vmem_shared>>
        %dma_wait3A_29 = arith.constant 0 : i32
        %dma_wait3A_30 = tpu.memref_slice %arg2[%mul3A_2, %dma_wait3A_29] : memref<10000x128xf32, #tpu.memory_space<hbm>> -> memref<624x128xf32, #tpu.memory_space<hbm>>
        tpu.wait_dma2 semaphore(%run_scoped3A : memref<!tpu.dma_semaphore, #tpu.memory_space<semaphore_mem>>) src(%dma_wait3A_30 : memref<624x128xf32, #tpu.memory_space<hbm>>) dst(%dma_wait3A_28 : memref<624x128xf32, #tpu.memory_space<vmem_shared>>)
        tpu.yield
      }) : () -> ()
    } else {
    }
    %eq3A = arith.constant 15 : i32
    %eq3A_5 = arith.cmpi eq, %arg1, %eq3A : i32
    %convert_element_type3A_6 = arith.extui %eq3A_5 : i1 to i32
    %cond3A_7 = arith.constant 0 : i32
    %cond3A_8 = arith.cmpi ne, %convert_element_type3A_6, %cond3A_7 : i32
    scf.if %cond3A_8 {
      "tpu.region"() ({
        %run_scoped3A = tpu.sem_alloc : memref<!tpu.dma_semaphore, #tpu.memory_space<semaphore_mem>>
        %dma_start3A = arith.constant 0 : i32
        %dma_start3A_25 = tpu.memref_slice %arg15[%mul3A_2, %dma_start3A] : memref<10000x128xf32, #tpu.memory_space<vmem_shared>> -> memref<640x128xf32, #tpu.memory_space<vmem_shared>>
        %dma_start3A_26 = arith.constant 0 : i32
        %dma_start3A_27 = tpu.memref_slice %arg2[%mul3A_2, %dma_start3A_26] : memref<10000x128xf32, #tpu.memory_space<hbm>> -> memref<640x128xf32, #tpu.memory_space<hbm>>
        tpu.enqueue_dma source(%dma_start3A_27 : memref<640x128xf32, #tpu.memory_space<hbm>>) target(%dma_start3A_25 : memref<640x128xf32, #tpu.memory_space<vmem_shared>>) target_semaphore(%run_scoped3A : memref<!tpu.dma_semaphore, #tpu.memory_space<semaphore_mem>>)
        %dma_wait3A = arith.constant 0 : i32
        %dma_wait3A_28 = tpu.memref_slice %arg15[%mul3A_2, %dma_wait3A] : memref<10000x128xf32, #tpu.memory_space<vmem_shared>> -> memref<640x128xf32, #tpu.memory_space<vmem_shared>>
        %dma_wait3A_29 = arith.constant 0 : i32
        %dma_wait3A_30 = tpu.memref_slice %arg2[%mul3A_2, %dma_wait3A_29] : memref<10000x128xf32, #tpu.memory_space<hbm>> -> memref<640x128xf32, #tpu.memory_space<hbm>>
        tpu.wait_dma2 semaphore(%run_scoped3A : memref<!tpu.dma_semaphore, #tpu.memory_space<semaphore_mem>>) src(%dma_wait3A_30 : memref<640x128xf32, #tpu.memory_space<hbm>>) dst(%dma_wait3A_28 : memref<640x128xf32, #tpu.memory_space<vmem_shared>>)
        tpu.yield
      }) : () -> ()
    } else {
    }
    %barrier3A = arith.constant 0 : index
    tpu.barrier barrier_id(%barrier3A)
    %scan3A = arith.constant 0 : i32
    %scan3A_9 = arith.constant 0 : i32
    %scan3A_10 = arith.constant 27 : i32
    %scan3A_11 = arith.addi %scan3A_9, %scan3A_10 : i32
    %scan3A_12 = arith.constant 1 : i32
    scf.for %scan3A_25 = %scan3A_9 to %scan3A_11 step %scan3A_12  : i32 {
      %mul3A_26 = arith.constant 3 : i32
      %mul3A_27 = arith.muli %mul3A_26, %scan3A_25 : i32
      %add3A_28 = arith.constant 0 : i32
      %add3A_29 = arith.addi %mul3A_27, %add3A_28 : i32
      %mul3A_30 = arith.constant 32 : i32
      %mul3A_31 = arith.muli %add3A_29, %mul3A_30 : i32
      %add3A_32 = arith.addi %add3A, %mul3A_31 : i32
      %mul3A_33 = arith.constant 3 : i32
      %mul3A_34 = arith.muli %mul3A_33, %scan3A_25 : i32
      %add3A_35 = arith.constant 1 : i32
      %add3A_36 = arith.addi %mul3A_34, %add3A_35 : i32
      %mul3A_37 = arith.constant 32 : i32
      %mul3A_38 = arith.muli %add3A_36, %mul3A_37 : i32
      %add3A_39 = arith.addi %add3A, %mul3A_38 : i32
      %mul3A_40 = arith.constant 3 : i32
      %mul3A_41 = arith.muli %mul3A_40, %scan3A_25 : i32
      %add3A_42 = arith.constant 2 : i32
      %add3A_43 = arith.addi %mul3A_41, %add3A_42 : i32
      %mul3A_44 = arith.constant 32 : i32
      %mul3A_45 = arith.muli %add3A_43, %mul3A_44 : i32
      %add3A_46 = arith.addi %add3A, %mul3A_45 : i32
      %lt3A_47 = arith.constant 2500 : i32
      %lt3A_48 = arith.cmpi slt, %add3A_32, %lt3A_47 : i32
      %convert_element_type3A_49 = arith.extui %lt3A_48 : i1 to i32
      %cond3A_50 = arith.constant 0 : i32
      %cond3A_51 = arith.cmpi ne, %convert_element_type3A_49, %cond3A_50 : i32
      scf.if %cond3A_51 {
        %mul3A_107 = arith.constant 128 : i32
        %mul3A_108 = arith.muli %add3A_32, %mul3A_107 : i32
        %dma_start3A = tpu.memref_slice %arg3[%mul3A_108] : memref<320000xi32, #tpu.memory_space<hbm>> -> memref<128xi32, #tpu.memory_space<hbm>>
        %dma_start3A_109 = tpu.memref_slice %arg3[%mul3A_108] : memref<320000xi32, #tpu.memory_space<hbm>> -> memref<128xi32, #tpu.memory_space<hbm>>
        tpu.enqueue_dma source(%dma_start3A_109 : memref<128xi32, #tpu.memory_space<hbm>>) target(%arg6 : memref<128xi32, #tpu.memory_space<vmem>>) target_semaphore(%arg19 : memref<!tpu.dma_semaphore, #tpu.memory_space<semaphore_mem>>)
        %mul3A_110 = arith.constant 128 : i32
        %mul3A_111 = arith.muli %add3A_32, %mul3A_110 : i32
        %dma_start3A_112 = tpu.memref_slice %arg4[%mul3A_111] : memref<320000xi32, #tpu.memory_space<hbm>> -> memref<128xi32, #tpu.memory_space<hbm>>
        %dma_start3A_113 = tpu.memref_slice %arg4[%mul3A_111] : memref<320000xi32, #tpu.memory_space<hbm>> -> memref<128xi32, #tpu.memory_space<hbm>>
        tpu.enqueue_dma source(%dma_start3A_113 : memref<128xi32, #tpu.memory_space<hbm>>) target(%arg9 : memref<128xi32, #tpu.memory_space<vmem>>) target_semaphore(%arg19 : memref<!tpu.dma_semaphore, #tpu.memory_space<semaphore_mem>>)
      } else {
      }
      %lt3A_52 = arith.constant 2500 : i32
      %lt3A_53 = arith.cmpi slt, %add3A_39, %lt3A_52 : i32
      %convert_element_type3A_54 = arith.extui %lt3A_53 : i1 to i32
      %cond3A_55 = arith.constant 0 : i32
      %cond3A_56 = arith.cmpi ne, %convert_element_type3A_54, %cond3A_55 : i32
      scf.if %cond3A_56 {
        %mul3A_107 = arith.constant 128 : i32
        %mul3A_108 = arith.muli %add3A_39, %mul3A_107 : i32
        %dma_start3A = tpu.memref_slice %arg3[%mul3A_108] : memref<320000xi32, #tpu.memory_space<hbm>> -> memref<128xi32, #tpu.memory_space<hbm>>
        %dma_start3A_109 = tpu.memref_slice %arg3[%mul3A_108] : memref<320000xi32, #tpu.memory_space<hbm>> -> memref<128xi32, #tpu.memory_space<hbm>>
        tpu.enqueue_dma source(%dma_start3A_109 : memref<128xi32, #tpu.memory_space<hbm>>) target(%arg7 : memref<128xi32, #tpu.memory_space<vmem>>) target_semaphore(%arg20 : memref<!tpu.dma_semaphore, #tpu.memory_space<semaphore_mem>>)
        %mul3A_110 = arith.constant 128 : i32
        %mul3A_111 = arith.muli %add3A_39, %mul3A_110 : i32
        %dma_start3A_112 = tpu.memref_slice %arg4[%mul3A_111] : memref<320000xi32, #tpu.memory_space<hbm>> -> memref<128xi32, #tpu.memory_space<hbm>>
        %dma_start3A_113 = tpu.memref_slice %arg4[%mul3A_111] : memref<320000xi32, #tpu.memory_space<hbm>> -> memref<128xi32, #tpu.memory_space<hbm>>
        tpu.enqueue_dma source(%dma_start3A_113 : memref<128xi32, #tpu.memory_space<hbm>>) target(%arg10 : memref<128xi32, #tpu.memory_space<vmem>>) target_semaphore(%arg20 : memref<!tpu.dma_semaphore, #tpu.memory_space<semaphore_mem>>)
      } else {
      }
      %lt3A_57 = arith.constant 2500 : i32
      %lt3A_58 = arith.cmpi slt, %add3A_46, %lt3A_57 : i32
      %convert_element_type3A_59 = arith.extui %lt3A_58 : i1 to i32
      %cond3A_60 = arith.constant 0 : i32
      %cond3A_61 = arith.cmpi ne, %convert_element_type3A_59, %cond3A_60 : i32
      scf.if %cond3A_61 {
        %mul3A_107 = arith.constant 128 : i32
        %mul3A_108 = arith.muli %add3A_46, %mul3A_107 : i32
        %dma_start3A = tpu.memref_slice %arg3[%mul3A_108] : memref<320000xi32, #tpu.memory_space<hbm>> -> memref<128xi32, #tpu.memory_space<hbm>>
        %dma_start3A_109 = tpu.memref_slice %arg3[%mul3A_108] : memref<320000xi32, #tpu.memory_space<hbm>> -> memref<128xi32, #tpu.memory_space<hbm>>
        tpu.enqueue_dma source(%dma_start3A_109 : memref<128xi32, #tpu.memory_space<hbm>>) target(%arg8 : memref<128xi32, #tpu.memory_space<vmem>>) target_semaphore(%arg21 : memref<!tpu.dma_semaphore, #tpu.memory_space<semaphore_mem>>)
        %mul3A_110 = arith.constant 128 : i32
        %mul3A_111 = arith.muli %add3A_46, %mul3A_110 : i32
        %dma_start3A_112 = tpu.memref_slice %arg4[%mul3A_111] : memref<320000xi32, #tpu.memory_space<hbm>> -> memref<128xi32, #tpu.memory_space<hbm>>
        %dma_start3A_113 = tpu.memref_slice %arg4[%mul3A_111] : memref<320000xi32, #tpu.memory_space<hbm>> -> memref<128xi32, #tpu.memory_space<hbm>>
        tpu.enqueue_dma source(%dma_start3A_113 : memref<128xi32, #tpu.memory_space<hbm>>) target(%arg11 : memref<128xi32, #tpu.memory_space<vmem>>) target_semaphore(%arg21 : memref<!tpu.dma_semaphore, #tpu.memory_space<semaphore_mem>>)
      } else {
      }
      %lt3A_62 = arith.constant 2500 : i32
      %lt3A_63 = arith.cmpi slt, %add3A_32, %lt3A_62 : i32
      %convert_element_type3A_64 = arith.extui %lt3A_63 : i1 to i32
      %cond3A_65 = arith.constant 0 : i32
      %cond3A_66 = arith.cmpi ne, %convert_element_type3A_64, %cond3A_65 : i32
      scf.if %cond3A_66 {
        %dma_wait3A = arith.constant 0 : i32
        %dma_wait3A_107 = tpu.memref_slice %arg3[%dma_wait3A] : memref<320000xi32, #tpu.memory_space<hbm>> -> memref<128xi32, #tpu.memory_space<hbm>>
        %dma_wait3A_108 = arith.constant 0 : i32
        %dma_wait3A_109 = tpu.memref_slice %arg3[%dma_wait3A_108] : memref<320000xi32, #tpu.memory_space<hbm>> -> memref<128xi32, #tpu.memory_space<hbm>>
        tpu.wait_dma2 semaphore(%arg19 : memref<!tpu.dma_semaphore, #tpu.memory_space<semaphore_mem>>) src(%dma_wait3A_109 : memref<128xi32, #tpu.memory_space<hbm>>) dst(%arg6 : memref<128xi32, #tpu.memory_space<vmem>>)
        %dma_wait3A_110 = arith.constant 0 : i32
        %dma_wait3A_111 = tpu.memref_slice %arg3[%dma_wait3A_110] : memref<320000xi32, #tpu.memory_space<hbm>> -> memref<128xi32, #tpu.memory_space<hbm>>
        %dma_wait3A_112 = arith.constant 0 : i32
        %dma_wait3A_113 = tpu.memref_slice %arg3[%dma_wait3A_112] : memref<320000xi32, #tpu.memory_space<hbm>> -> memref<128xi32, #tpu.memory_space<hbm>>
        tpu.wait_dma2 semaphore(%arg19 : memref<!tpu.dma_semaphore, #tpu.memory_space<semaphore_mem>>) src(%dma_wait3A_113 : memref<128xi32, #tpu.memory_space<hbm>>) dst(%arg9 : memref<128xi32, #tpu.memory_space<vmem>>)
        %dma_start3A = arith.constant 0 : i32
        %dma_start3A_114 = arith.constant 0 : i32
        %dma_start3A_115 = tpu.memref_slice %arg2[%dma_start3A, %dma_start3A_114] : memref<10000x128xf32, #tpu.memory_space<hbm>> -> memref<10000x128xf32, #tpu.memory_space<hbm>>
        tpu.enqueue_indirect_dma source(%dma_start3A_115 : memref<10000x128xf32, #tpu.memory_space<hbm>>) target(%arg12 : memref<128x128xf32, #tpu.memory_space<vmem>>) offsets(%arg6 : memref<128xi32, #tpu.memory_space<vmem>>) semaphore(%arg16 : memref<!tpu.dma_semaphore, #tpu.memory_space<semaphore_mem>>)
      } else {
      }
      %lt3A_67 = arith.constant 2500 : i32
      %lt3A_68 = arith.cmpi slt, %add3A_39, %lt3A_67 : i32
      %convert_element_type3A_69 = arith.extui %lt3A_68 : i1 to i32
      %cond3A_70 = arith.constant 0 : i32
      %cond3A_71 = arith.cmpi ne, %convert_element_type3A_69, %cond3A_70 : i32
      scf.if %cond3A_71 {
        %dma_wait3A = arith.constant 0 : i32
        %dma_wait3A_107 = tpu.memref_slice %arg3[%dma_wait3A] : memref<320000xi32, #tpu.memory_space<hbm>> -> memref<128xi32, #tpu.memory_space<hbm>>
        %dma_wait3A_108 = arith.constant 0 : i32
        %dma_wait3A_109 = tpu.memref_slice %arg3[%dma_wait3A_108] : memref<320000xi32, #tpu.memory_space<hbm>> -> memref<128xi32, #tpu.memory_space<hbm>>
        tpu.wait_dma2 semaphore(%arg20 : memref<!tpu.dma_semaphore, #tpu.memory_space<semaphore_mem>>) src(%dma_wait3A_109 : memref<128xi32, #tpu.memory_space<hbm>>) dst(%arg7 : memref<128xi32, #tpu.memory_space<vmem>>)
        %dma_wait3A_110 = arith.constant 0 : i32
        %dma_wait3A_111 = tpu.memref_slice %arg3[%dma_wait3A_110] : memref<320000xi32, #tpu.memory_space<hbm>> -> memref<128xi32, #tpu.memory_space<hbm>>
        %dma_wait3A_112 = arith.constant 0 : i32
        %dma_wait3A_113 = tpu.memref_slice %arg3[%dma_wait3A_112] : memref<320000xi32, #tpu.memory_space<hbm>> -> memref<128xi32, #tpu.memory_space<hbm>>
        tpu.wait_dma2 semaphore(%arg20 : memref<!tpu.dma_semaphore, #tpu.memory_space<semaphore_mem>>) src(%dma_wait3A_113 : memref<128xi32, #tpu.memory_space<hbm>>) dst(%arg10 : memref<128xi32, #tpu.memory_space<vmem>>)
        %dma_start3A = arith.constant 0 : i32
        %dma_start3A_114 = arith.constant 0 : i32
        %dma_start3A_115 = tpu.memref_slice %arg2[%dma_start3A, %dma_start3A_114] : memref<10000x128xf32, #tpu.memory_space<hbm>> -> memref<10000x128xf32, #tpu.memory_space<hbm>>
        tpu.enqueue_indirect_dma source(%dma_start3A_115 : memref<10000x128xf32, #tpu.memory_space<hbm>>) target(%arg13 : memref<128x128xf32, #tpu.memory_space<vmem>>) offsets(%arg7 : memref<128xi32, #tpu.memory_space<vmem>>) semaphore(%arg17 : memref<!tpu.dma_semaphore, #tpu.memory_space<semaphore_mem>>)
      } else {
      }
      %lt3A_72 = arith.constant 2500 : i32
      %lt3A_73 = arith.cmpi slt, %add3A_46, %lt3A_72 : i32
      %convert_element_type3A_74 = arith.extui %lt3A_73 : i1 to i32
      %cond3A_75 = arith.constant 0 : i32
      %cond3A_76 = arith.cmpi ne, %convert_element_type3A_74, %cond3A_75 : i32
      scf.if %cond3A_76 {
        %dma_wait3A = arith.constant 0 : i32
        %dma_wait3A_107 = tpu.memref_slice %arg3[%dma_wait3A] : memref<320000xi32, #tpu.memory_space<hbm>> -> memref<128xi32, #tpu.memory_space<hbm>>
        %dma_wait3A_108 = arith.constant 0 : i32
        %dma_wait3A_109 = tpu.memref_slice %arg3[%dma_wait3A_108] : memref<320000xi32, #tpu.memory_space<hbm>> -> memref<128xi32, #tpu.memory_space<hbm>>
        tpu.wait_dma2 semaphore(%arg21 : memref<!tpu.dma_semaphore, #tpu.memory_space<semaphore_mem>>) src(%dma_wait3A_109 : memref<128xi32, #tpu.memory_space<hbm>>) dst(%arg8 : memref<128xi32, #tpu.memory_space<vmem>>)
        %dma_wait3A_110 = arith.constant 0 : i32
        %dma_wait3A_111 = tpu.memref_slice %arg3[%dma_wait3A_110] : memref<320000xi32, #tpu.memory_space<hbm>> -> memref<128xi32, #tpu.memory_space<hbm>>
        %dma_wait3A_112 = arith.constant 0 : i32
        %dma_wait3A_113 = tpu.memref_slice %arg3[%dma_wait3A_112] : memref<320000xi32, #tpu.memory_space<hbm>> -> memref<128xi32, #tpu.memory_space<hbm>>
        tpu.wait_dma2 semaphore(%arg21 : memref<!tpu.dma_semaphore, #tpu.memory_space<semaphore_mem>>) src(%dma_wait3A_113 : memref<128xi32, #tpu.memory_space<hbm>>) dst(%arg11 : memref<128xi32, #tpu.memory_space<vmem>>)
        %dma_start3A = arith.constant 0 : i32
        %dma_start3A_114 = arith.constant 0 : i32
        %dma_start3A_115 = tpu.memref_slice %arg2[%dma_start3A, %dma_start3A_114] : memref<10000x128xf32, #tpu.memory_space<hbm>> -> memref<10000x128xf32, #tpu.memory_space<hbm>>
        tpu.enqueue_indirect_dma source(%dma_start3A_115 : memref<10000x128xf32, #tpu.memory_space<hbm>>) target(%arg14 : memref<128x128xf32, #tpu.memory_space<vmem>>) offsets(%arg8 : memref<128xi32, #tpu.memory_space<vmem>>) semaphore(%arg18 : memref<!tpu.dma_semaphore, #tpu.memory_space<semaphore_mem>>)
      } else {
      }
      %lt3A_77 = arith.constant 2500 : i32
      %lt3A_78 = arith.cmpi slt, %add3A_32, %lt3A_77 : i32
      %convert_element_type3A_79 = arith.extui %lt3A_78 : i1 to i32
      %cond3A_80 = arith.constant 0 : i32
      %cond3A_81 = arith.cmpi ne, %convert_element_type3A_79, %cond3A_80 : i32
      scf.if %cond3A_81 {
        %dma_wait3A = arith.constant 0 : i32
        %dma_wait3A_107 = arith.constant 0 : i32
        %dma_wait3A_108 = tpu.memref_slice %arg2[%dma_wait3A, %dma_wait3A_107] : memref<10000x128xf32, #tpu.memory_space<hbm>> -> memref<128x128xf32, #tpu.memory_space<hbm>>
        %dma_wait3A_109 = arith.constant 0 : i32
        %dma_wait3A_110 = arith.constant 0 : i32
        %dma_wait3A_111 = tpu.memref_slice %arg2[%dma_wait3A_109, %dma_wait3A_110] : memref<10000x128xf32, #tpu.memory_space<hbm>> -> memref<128x128xf32, #tpu.memory_space<hbm>>
        tpu.wait_dma2 semaphore(%arg16 : memref<!tpu.dma_semaphore, #tpu.memory_space<semaphore_mem>>) src(%dma_wait3A_111 : memref<128x128xf32, #tpu.memory_space<hbm>>) dst(%arg12 : memref<128x128xf32, #tpu.memory_space<vmem>>)
        %dma_start3A = arith.constant 0 : i32
        %dma_start3A_112 = arith.constant 0 : i32
        %dma_start3A_113 = tpu.memref_slice %arg15[%dma_start3A, %dma_start3A_112] : memref<10000x128xf32, #tpu.memory_space<vmem_shared>> -> memref<10000x128xf32, #tpu.memory_space<vmem_shared>>
        tpu.enqueue_indirect_dma source(%arg12 : memref<128x128xf32, #tpu.memory_space<vmem>>) target(%dma_start3A_113 : memref<10000x128xf32, #tpu.memory_space<vmem_shared>>) offsets(%arg9 : memref<128xi32, #tpu.memory_space<vmem>>) semaphore(%arg22 : memref<!tpu.dma_semaphore, #tpu.memory_space<semaphore_mem>>) {add = true}
      } else {
      }
      %lt3A_82 = arith.constant 2500 : i32
      %lt3A_83 = arith.cmpi slt, %add3A_39, %lt3A_82 : i32
      %convert_element_type3A_84 = arith.extui %lt3A_83 : i1 to i32
      %cond3A_85 = arith.constant 0 : i32
      %cond3A_86 = arith.cmpi ne, %convert_element_type3A_84, %cond3A_85 : i32
      scf.if %cond3A_86 {
        %dma_wait3A = arith.constant 0 : i32
        %dma_wait3A_107 = arith.constant 0 : i32
        %dma_wait3A_108 = tpu.memref_slice %arg2[%dma_wait3A, %dma_wait3A_107] : memref<10000x128xf32, #tpu.memory_space<hbm>> -> memref<128x128xf32, #tpu.memory_space<hbm>>
        %dma_wait3A_109 = arith.constant 0 : i32
        %dma_wait3A_110 = arith.constant 0 : i32
        %dma_wait3A_111 = tpu.memref_slice %arg2[%dma_wait3A_109, %dma_wait3A_110] : memref<10000x128xf32, #tpu.memory_space<hbm>> -> memref<128x128xf32, #tpu.memory_space<hbm>>
        tpu.wait_dma2 semaphore(%arg17 : memref<!tpu.dma_semaphore, #tpu.memory_space<semaphore_mem>>) src(%dma_wait3A_111 : memref<128x128xf32, #tpu.memory_space<hbm>>) dst(%arg13 : memref<128x128xf32, #tpu.memory_space<vmem>>)
        %dma_start3A = arith.constant 0 : i32
        %dma_start3A_112 = arith.constant 0 : i32
        %dma_start3A_113 = tpu.memref_slice %arg15[%dma_start3A, %dma_start3A_112] : memref<10000x128xf32, #tpu.memory_space<vmem_shared>> -> memref<10000x128xf32, #tpu.memory_space<vmem_shared>>
        tpu.enqueue_indirect_dma source(%arg13 : memref<128x128xf32, #tpu.memory_space<vmem>>) target(%dma_start3A_113 : memref<10000x128xf32, #tpu.memory_space<vmem_shared>>) offsets(%arg10 : memref<128xi32, #tpu.memory_space<vmem>>) semaphore(%arg23 : memref<!tpu.dma_semaphore, #tpu.memory_space<semaphore_mem>>) {add = true}
      } else {
      }
      %lt3A_87 = arith.constant 2500 : i32
      %lt3A_88 = arith.cmpi slt, %add3A_46, %lt3A_87 : i32
      %convert_element_type3A_89 = arith.extui %lt3A_88 : i1 to i32
      %cond3A_90 = arith.constant 0 : i32
      %cond3A_91 = arith.cmpi ne, %convert_element_type3A_89, %cond3A_90 : i32
      scf.if %cond3A_91 {
        %dma_wait3A = arith.constant 0 : i32
        %dma_wait3A_107 = arith.constant 0 : i32
        %dma_wait3A_108 = tpu.memref_slice %arg2[%dma_wait3A, %dma_wait3A_107] : memref<10000x128xf32, #tpu.memory_space<hbm>> -> memref<128x128xf32, #tpu.memory_space<hbm>>
        %dma_wait3A_109 = arith.constant 0 : i32
        %dma_wait3A_110 = arith.constant 0 : i32
        %dma_wait3A_111 = tpu.memref_slice %arg2[%dma_wait3A_109, %dma_wait3A_110] : memref<10000x128xf32, #tpu.memory_space<hbm>> -> memref<128x128xf32, #tpu.memory_space<hbm>>
        tpu.wait_dma2 semaphore(%arg18 : memref<!tpu.dma_semaphore, #tpu.memory_space<semaphore_mem>>) src(%dma_wait3A_111 : memref<128x128xf32, #tpu.memory_space<hbm>>) dst(%arg14 : memref<128x128xf32, #tpu.memory_space<vmem>>)
        %dma_start3A = arith.constant 0 : i32
        %dma_start3A_112 = arith.constant 0 : i32
        %dma_start3A_113 = tpu.memref_slice %arg15[%dma_start3A, %dma_start3A_112] : memref<10000x128xf32, #tpu.memory_space<vmem_shared>> -> memref<10000x128xf32, #tpu.memory_space<vmem_shared>>
        tpu.enqueue_indirect_dma source(%arg14 : memref<128x128xf32, #tpu.memory_space<vmem>>) target(%dma_start3A_113 : memref<10000x128xf32, #tpu.memory_space<vmem_shared>>) offsets(%arg11 : memref<128xi32, #tpu.memory_space<vmem>>) semaphore(%arg24 : memref<!tpu.dma_semaphore, #tpu.memory_space<semaphore_mem>>) {add = true}
      } else {
      }
      %lt3A_92 = arith.constant 2500 : i32
      %lt3A_93 = arith.cmpi slt, %add3A_32, %lt3A_92 : i32
      %convert_element_type3A_94 = arith.extui %lt3A_93 : i1 to i32
      %cond3A_95 = arith.constant 0 : i32
      %cond3A_96 = arith.cmpi ne, %convert_element_type3A_94, %cond3A_95 : i32
      scf.if %cond3A_96 {
        %dma_wait3A = arith.constant 0 : i32
        %dma_wait3A_107 = arith.constant 0 : i32
        %dma_wait3A_108 = tpu.memref_slice %arg2[%dma_wait3A, %dma_wait3A_107] : memref<10000x128xf32, #tpu.memory_space<hbm>> -> memref<128x128xf32, #tpu.memory_space<hbm>>
        %dma_wait3A_109 = arith.constant 0 : i32
        %dma_wait3A_110 = arith.constant 0 : i32
        %dma_wait3A_111 = tpu.memref_slice %arg2[%dma_wait3A_109, %dma_wait3A_110] : memref<10000x128xf32, #tpu.memory_space<hbm>> -> memref<128x128xf32, #tpu.memory_space<hbm>>
        tpu.wait_dma2 semaphore(%arg22 : memref<!tpu.dma_semaphore, #tpu.memory_space<semaphore_mem>>) src(%dma_wait3A_111 : memref<128x128xf32, #tpu.memory_space<hbm>>) dst(%arg12 : memref<128x128xf32, #tpu.memory_space<vmem>>)
      } else {
      }
      %lt3A_97 = arith.constant 2500 : i32
      %lt3A_98 = arith.cmpi slt, %add3A_39, %lt3A_97 : i32
      %convert_element_type3A_99 = arith.extui %lt3A_98 : i1 to i32
      %cond3A_100 = arith.constant 0 : i32
      %cond3A_101 = arith.cmpi ne, %convert_element_type3A_99, %cond3A_100 : i32
      scf.if %cond3A_101 {
        %dma_wait3A = arith.constant 0 : i32
        %dma_wait3A_107 = arith.constant 0 : i32
        %dma_wait3A_108 = tpu.memref_slice %arg2[%dma_wait3A, %dma_wait3A_107] : memref<10000x128xf32, #tpu.memory_space<hbm>> -> memref<128x128xf32, #tpu.memory_space<hbm>>
        %dma_wait3A_109 = arith.constant 0 : i32
        %dma_wait3A_110 = arith.constant 0 : i32
        %dma_wait3A_111 = tpu.memref_slice %arg2[%dma_wait3A_109, %dma_wait3A_110] : memref<10000x128xf32, #tpu.memory_space<hbm>> -> memref<128x128xf32, #tpu.memory_space<hbm>>
        tpu.wait_dma2 semaphore(%arg23 : memref<!tpu.dma_semaphore, #tpu.memory_space<semaphore_mem>>) src(%dma_wait3A_111 : memref<128x128xf32, #tpu.memory_space<hbm>>) dst(%arg13 : memref<128x128xf32, #tpu.memory_space<vmem>>)
      } else {
      }
      %lt3A_102 = arith.constant 2500 : i32
      %lt3A_103 = arith.cmpi slt, %add3A_46, %lt3A_102 : i32
      %convert_element_type3A_104 = arith.extui %lt3A_103 : i1 to i32
      %cond3A_105 = arith.constant 0 : i32
      %cond3A_106 = arith.cmpi ne, %convert_element_type3A_104, %cond3A_105 : i32
      scf.if %cond3A_106 {
        %dma_wait3A = arith.constant 0 : i32
        %dma_wait3A_107 = arith.constant 0 : i32
        %dma_wait3A_108 = tpu.memref_slice %arg2[%dma_wait3A, %dma_wait3A_107] : memref<10000x128xf32, #tpu.memory_space<hbm>> -> memref<128x128xf32, #tpu.memory_space<hbm>>
        %dma_wait3A_109 = arith.constant 0 : i32
        %dma_wait3A_110 = arith.constant 0 : i32
        %dma_wait3A_111 = tpu.memref_slice %arg2[%dma_wait3A_109, %dma_wait3A_110] : memref<10000x128xf32, #tpu.memory_space<hbm>> -> memref<128x128xf32, #tpu.memory_space<hbm>>
        tpu.wait_dma2 semaphore(%arg24 : memref<!tpu.dma_semaphore, #tpu.memory_space<semaphore_mem>>) src(%dma_wait3A_111 : memref<128x128xf32, #tpu.memory_space<hbm>>) dst(%arg14 : memref<128x128xf32, #tpu.memory_space<vmem>>)
      } else {
      }
    }
    %scan3A_13 = arith.constant 27 : i32
    %barrier3A_14 = arith.constant 0 : index
    tpu.barrier barrier_id(%barrier3A_14)
    %lt3A_15 = arith.constant 15 : i32
    %lt3A_16 = arith.cmpi slt, %arg1, %lt3A_15 : i32
    %convert_element_type3A_17 = arith.extui %lt3A_16 : i1 to i32
    %cond3A_18 = arith.constant 0 : i32
    %cond3A_19 = arith.cmpi ne, %convert_element_type3A_17, %cond3A_18 : i32
    scf.if %cond3A_19 {
      "tpu.region"() ({
        %run_scoped3A = tpu.sem_alloc : memref<!tpu.dma_semaphore, #tpu.memory_space<semaphore_mem>>
        %dma_start3A = arith.constant 0 : i32
        %dma_start3A_25 = arith.constant 0 : i32
        %dma_start3A_26 = tpu.memref_slice %arg5[%arg0, %dma_start3A, %dma_start3A_25] : memref<2x10000x128xf32, #tpu.memory_space<hbm>> -> memref<1x10000x128xf32, #tpu.memory_space<hbm>>
        %dma_start3A_27 = tpu.memref_squeeze %dma_start3A_26 : memref<1x10000x128xf32, #tpu.memory_space<hbm>> -> memref<10000x128xf32, #tpu.memory_space<hbm>>
        %dma_start3A_28 = arith.constant 0 : i32
        %dma_start3A_29 = tpu.memref_slice %dma_start3A_27[%mul3A_2, %dma_start3A_28] : memref<10000x128xf32, #tpu.memory_space<hbm>> -> memref<624x128xf32, #tpu.memory_space<hbm>>
        %dma_start3A_30 = arith.constant 0 : i32
        %dma_start3A_31 = tpu.memref_slice %arg15[%mul3A_2, %dma_start3A_30] : memref<10000x128xf32, #tpu.memory_space<vmem_shared>> -> memref<624x128xf32, #tpu.memory_space<vmem_shared>>
        tpu.enqueue_dma source(%dma_start3A_31 : memref<624x128xf32, #tpu.memory_space<vmem_shared>>) target(%dma_start3A_29 : memref<624x128xf32, #tpu.memory_space<hbm>>) target_semaphore(%run_scoped3A : memref<!tpu.dma_semaphore, #tpu.memory_space<semaphore_mem>>)
        %dma_wait3A = arith.constant 0 : i32
        %dma_wait3A_32 = arith.constant 0 : i32
        %dma_wait3A_33 = tpu.memref_slice %arg5[%arg0, %dma_wait3A, %dma_wait3A_32] : memref<2x10000x128xf32, #tpu.memory_space<hbm>> -> memref<1x10000x128xf32, #tpu.memory_space<hbm>>
        %dma_wait3A_34 = tpu.memref_squeeze %dma_wait3A_33 : memref<1x10000x128xf32, #tpu.memory_space<hbm>> -> memref<10000x128xf32, #tpu.memory_space<hbm>>
        %dma_wait3A_35 = arith.constant 0 : i32
        %dma_wait3A_36 = tpu.memref_slice %dma_wait3A_34[%mul3A_2, %dma_wait3A_35] : memref<10000x128xf32, #tpu.memory_space<hbm>> -> memref<624x128xf32, #tpu.memory_space<hbm>>
        %dma_wait3A_37 = arith.constant 0 : i32
        %dma_wait3A_38 = tpu.memref_slice %arg15[%mul3A_2, %dma_wait3A_37] : memref<10000x128xf32, #tpu.memory_space<vmem_shared>> -> memref<624x128xf32, #tpu.memory_space<vmem_shared>>
        tpu.wait_dma2 semaphore(%run_scoped3A : memref<!tpu.dma_semaphore, #tpu.memory_space<semaphore_mem>>) src(%dma_wait3A_38 : memref<624x128xf32, #tpu.memory_space<vmem_shared>>) dst(%dma_wait3A_36 : memref<624x128xf32, #tpu.memory_space<hbm>>)
        tpu.yield
      }) : () -> ()
    } else {
    }
    %eq3A_20 = arith.constant 15 : i32
    %eq3A_21 = arith.cmpi eq, %arg1, %eq3A_20 : i32
    %convert_element_type3A_22 = arith.extui %eq3A_21 : i1 to i32
    %cond3A_23 = arith.constant 0 : i32
    %cond3A_24 = arith.cmpi ne, %convert_element_type3A_22, %cond3A_23 : i32
    scf.if %cond3A_24 {
      "tpu.region"() ({
        %run_scoped3A = tpu.sem_alloc : memref<!tpu.dma_semaphore, #tpu.memory_space<semaphore_mem>>
        %dma_start3A = arith.constant 0 : i32
        %dma_start3A_25 = arith.constant 0 : i32
        %dma_start3A_26 = tpu.memref_slice %arg5[%arg0, %dma_start3A, %dma_start3A_25] : memref<2x10000x128xf32, #tpu.memory_space<hbm>> -> memref<1x10000x128xf32, #tpu.memory_space<hbm>>
        %dma_start3A_27 = tpu.memref_squeeze %dma_start3A_26 : memref<1x10000x128xf32, #tpu.memory_space<hbm>> -> memref<10000x128xf32, #tpu.memory_space<hbm>>
        %dma_start3A_28 = arith.constant 0 : i32
        %dma_start3A_29 = tpu.memref_slice %dma_start3A_27[%mul3A_2, %dma_start3A_28] : memref<10000x128xf32, #tpu.memory_space<hbm>> -> memref<640x128xf32, #tpu.memory_space<hbm>>
        %dma_start3A_30 = arith.constant 0 : i32
        %dma_start3A_31 = tpu.memref_slice %arg15[%mul3A_2, %dma_start3A_30] : memref<10000x128xf32, #tpu.memory_space<vmem_shared>> -> memref<640x128xf32, #tpu.memory_space<vmem_shared>>
        tpu.enqueue_dma source(%dma_start3A_31 : memref<640x128xf32, #tpu.memory_space<vmem_shared>>) target(%dma_start3A_29 : memref<640x128xf32, #tpu.memory_space<hbm>>) target_semaphore(%run_scoped3A : memref<!tpu.dma_semaphore, #tpu.memory_space<semaphore_mem>>)
        %dma_wait3A = arith.constant 0 : i32
        %dma_wait3A_32 = arith.constant 0 : i32
        %dma_wait3A_33 = tpu.memref_slice %arg5[%arg0, %dma_wait3A, %dma_wait3A_32] : memref<2x10000x128xf32, #tpu.memory_space<hbm>> -> memref<1x10000x128xf32, #tpu.memory_space<hbm>>
        %dma_wait3A_34 = tpu.memref_squeeze %dma_wait3A_33 : memref<1x10000x128xf32, #tpu.memory_space<hbm>> -> memref<10000x128xf32, #tpu.memory_space<hbm>>
        %dma_wait3A_35 = arith.constant 0 : i32
        %dma_wait3A_36 = tpu.memref_slice %dma_wait3A_34[%mul3A_2, %dma_wait3A_35] : memref<10000x128xf32, #tpu.memory_space<hbm>> -> memref<640x128xf32, #tpu.memory_space<hbm>>
        %dma_wait3A_37 = arith.constant 0 : i32
        %dma_wait3A_38 = tpu.memref_slice %arg15[%mul3A_2, %dma_wait3A_37] : memref<10000x128xf32, #tpu.memory_space<vmem_shared>> -> memref<640x128xf32, #tpu.memory_space<vmem_shared>>
        tpu.wait_dma2 semaphore(%run_scoped3A : memref<!tpu.dma_semaphore, #tpu.memory_space<semaphore_mem>>) src(%dma_wait3A_38 : memref<640x128xf32, #tpu.memory_space<vmem_shared>>) dst(%dma_wait3A_36 : memref<640x128xf32, #tpu.memory_space<hbm>>)
        tpu.yield
      }) : () -> ()
    } else {
    }
    return
  }
}

#map = affine_map<(d0, d1) -> (0, 0)>
#map1 = affine_map<(d0, d1) -> (0)>
#map2 = affine_map<(d0, d1) -> (0, 0, 0)>
module attributes {stable_mosaic.version = 14 : i64} {
  func.func @prop(%arg0: i32, %arg1: i32, %arg2: memref<10000x128xf32, #tpu.memory_space<hbm>>, %arg3: memref<320000xi32, #tpu.memory_space<hbm>>, %arg4: memref<320000xi32, #tpu.memory_space<hbm>>, %arg5: memref<2x10000x128xf32, #tpu.memory_space<hbm>>, %arg6: memref<128xi32, #tpu.memory_space<vmem>>, %arg7: memref<128xi32, #tpu.memory_space<vmem>>, %arg8: memref<128xi32, #tpu.memory_space<vmem>>, %arg9: memref<128xi32, #tpu.memory_space<vmem>>, %arg10: memref<128xi32, #tpu.memory_space<vmem>>, %arg11: memref<128xi32, #tpu.memory_space<vmem>>, %arg12: memref<128x128xf32, #tpu.memory_space<vmem>>, %arg13: memref<128x128xf32, #tpu.memory_space<vmem>>, %arg14: memref<128x128xf32, #tpu.memory_space<vmem>>, %arg15: memref<10000x128xf32, #tpu.memory_space<vmem_shared>>, %arg16: memref<!tpu.dma_semaphore, #tpu.memory_space<semaphore_mem>>, %arg17: memref<!tpu.dma_semaphore, #tpu.memory_space<semaphore_mem>>, %arg18: memref<!tpu.dma_semaphore, #tpu.memory_space<semaphore_mem>>, %arg19: memref<!tpu.dma_semaphore, #tpu.memory_space<semaphore_mem>>, %arg20: memref<!tpu.dma_semaphore, #tpu.memory_space<semaphore_mem>>, %arg21: memref<!tpu.dma_semaphore, #tpu.memory_space<semaphore_mem>>, %arg22: memref<!tpu.dma_semaphore, #tpu.memory_space<semaphore_mem>>, %arg23: memref<!tpu.dma_semaphore, #tpu.memory_space<semaphore_mem>>, %arg24: memref<!tpu.dma_semaphore, #tpu.memory_space<semaphore_mem>>) attributes {dimension_semantics = [#tpu.dimension_semantics<core_parallel>, #tpu.dimension_semantics<subcore_parallel>], iteration_bounds = array<i64: 2, 16>, scalar_prefetch = 0 : i64, scratch_operands = 19 : i64, tpu.core_type = #tpu.core_type<sc_vector_subcore>, window_params = [{transform_indices = #map}, {transform_indices = #map1}, {transform_indices = #map1}, {transform_indices = #map2}]} {
    %mul3A = arith.constant 16 : i32
    %mul3A_0 = arith.muli %arg0, %mul3A : i32
    %add3A = arith.addi %mul3A_0, %arg1 : i32
    %mul3A_1 = arith.constant 624 : i32
    %mul3A_2 = arith.muli %arg1, %mul3A_1 : i32
    %lt3A = arith.constant 15 : i32
    %lt3A_3 = arith.cmpi slt, %arg1, %lt3A : i32
    %convert_element_type3A = arith.extui %lt3A_3 : i1 to i32
    %cond3A = arith.constant 0 : i32
    %cond3A_4 = arith.cmpi ne, %convert_element_type3A, %cond3A : i32
    scf.if %cond3A_4 {
      "tpu.region"() ({
        %run_scoped3A = tpu.sem_alloc : memref<!tpu.dma_semaphore, #tpu.memory_space<semaphore_mem>>
        %dma_start3A = arith.constant 0 : i32
        %dma_start3A_25 = tpu.memref_slice %arg15[%mul3A_2, %dma_start3A] : memref<10000x128xf32, #tpu.memory_space<vmem_shared>> -> memref<624x128xf32, #tpu.memory_space<vmem_shared>>
        %dma_start3A_26 = arith.constant 0 : i32
        %dma_start3A_27 = tpu.memref_slice %arg2[%mul3A_2, %dma_start3A_26] : memref<10000x128xf32, #tpu.memory_space<hbm>> -> memref<624x128xf32, #tpu.memory_space<hbm>>
        tpu.enqueue_dma source(%dma_start3A_27 : memref<624x128xf32, #tpu.memory_space<hbm>>) target(%dma_start3A_25 : memref<624x128xf32, #tpu.memory_space<vmem_shared>>) target_semaphore(%run_scoped3A : memref<!tpu.dma_semaphore, #tpu.memory_space<semaphore_mem>>)
        %dma_wait3A = arith.constant 0 : i32
        %dma_wait3A_28 = tpu.memref_slice %arg15[%mul3A_2, %dma_wait3A] : memref<10000x128xf32, #tpu.memory_space<vmem_shared>> -> memref<624x128xf32, #tpu.memory_space<vmem_shared>>
        %dma_wait3A_29 = arith.constant 0 : i32
        %dma_wait3A_30 = tpu.memref_slice %arg2[%mul3A_2, %dma_wait3A_29] : memref<10000x128xf32, #tpu.memory_space<hbm>> -> memref<624x128xf32, #tpu.memory_space<hbm>>
        tpu.wait_dma2 semaphore(%run_scoped3A : memref<!tpu.dma_semaphore, #tpu.memory_space<semaphore_mem>>) src(%dma_wait3A_30 : memref<624x128xf32, #tpu.memory_space<hbm>>) dst(%dma_wait3A_28 : memref<624x128xf32, #tpu.memory_space<vmem_shared>>)
        tpu.yield
      }) : () -> ()
    } else {
    }
    %eq3A = arith.constant 15 : i32
    %eq3A_5 = arith.cmpi eq, %arg1, %eq3A : i32
    %convert_element_type3A_6 = arith.extui %eq3A_5 : i1 to i32
    %cond3A_7 = arith.constant 0 : i32
    %cond3A_8 = arith.cmpi ne, %convert_element_type3A_6, %cond3A_7 : i32
    scf.if %cond3A_8 {
      "tpu.region"() ({
        %run_scoped3A = tpu.sem_alloc : memref<!tpu.dma_semaphore, #tpu.memory_space<semaphore_mem>>
        %dma_start3A = arith.constant 0 : i32
        %dma_start3A_25 = tpu.memref_slice %arg15[%mul3A_2, %dma_start3A] : memref<10000x128xf32, #tpu.memory_space<vmem_shared>> -> memref<640x128xf32, #tpu.memory_space<vmem_shared>>
        %dma_start3A_26 = arith.constant 0 : i32
        %dma_start3A_27 = tpu.memref_slice %arg2[%mul3A_2, %dma_start3A_26] : memref<10000x128xf32, #tpu.memory_space<hbm>> -> memref<640x128xf32, #tpu.memory_space<hbm>>
        tpu.enqueue_dma source(%dma_start3A_27 : memref<640x128xf32, #tpu.memory_space<hbm>>) target(%dma_start3A_25 : memref<640x128xf32, #tpu.memory_space<vmem_shared>>) target_semaphore(%run_scoped3A : memref<!tpu.dma_semaphore, #tpu.memory_space<semaphore_mem>>)
        %dma_wait3A = arith.constant 0 : i32
        %dma_wait3A_28 = tpu.memref_slice %arg15[%mul3A_2, %dma_wait3A] : memref<10000x128xf32, #tpu.memory_space<vmem_shared>> -> memref<640x128xf32, #tpu.memory_space<vmem_shared>>
        %dma_wait3A_29 = arith.constant 0 : i32
        %dma_wait3A_30 = tpu.memref_slice %arg2[%mul3A_2, %dma_wait3A_29] : memref<10000x128xf32, #tpu.memory_space<hbm>> -> memref<640x128xf32, #tpu.memory_space<hbm>>
        tpu.wait_dma2 semaphore(%run_scoped3A : memref<!tpu.dma_semaphore, #tpu.memory_space<semaphore_mem>>) src(%dma_wait3A_30 : memref<640x128xf32, #tpu.memory_space<hbm>>) dst(%dma_wait3A_28 : memref<640x128xf32, #tpu.memory_space<vmem_shared>>)
        tpu.yield
      }) : () -> ()
    } else {
    }
    %barrier3A = arith.constant 0 : index
    tpu.barrier barrier_id(%barrier3A)
    %scan3A = arith.constant 0 : i32
    %scan3A_9 = arith.constant 0 : i32
    %scan3A_10 = arith.constant 27 : i32
    %scan3A_11 = arith.addi %scan3A_9, %scan3A_10 : i32
    %scan3A_12 = arith.constant 1 : i32
    scf.for %scan3A_25 = %scan3A_9 to %scan3A_11 step %scan3A_12  : i32 {
      %mul3A_26 = arith.constant 3 : i32
      %mul3A_27 = arith.muli %mul3A_26, %scan3A_25 : i32
      %add3A_28 = arith.constant 0 : i32
      %add3A_29 = arith.addi %mul3A_27, %add3A_28 : i32
      %mul3A_30 = arith.constant 32 : i32
      %mul3A_31 = arith.muli %add3A_29, %mul3A_30 : i32
      %add3A_32 = arith.addi %add3A, %mul3A_31 : i32
      %mul3A_33 = arith.constant 3 : i32
      %mul3A_34 = arith.muli %mul3A_33, %scan3A_25 : i32
      %add3A_35 = arith.constant 1 : i32
      %add3A_36 = arith.addi %mul3A_34, %add3A_35 : i32
      %mul3A_37 = arith.constant 32 : i32
      %mul3A_38 = arith.muli %add3A_36, %mul3A_37 : i32
      %add3A_39 = arith.addi %add3A, %mul3A_38 : i32
      %mul3A_40 = arith.constant 3 : i32
      %mul3A_41 = arith.muli %mul3A_40, %scan3A_25 : i32
      %add3A_42 = arith.constant 2 : i32
      %add3A_43 = arith.addi %mul3A_41, %add3A_42 : i32
      %mul3A_44 = arith.constant 32 : i32
      %mul3A_45 = arith.muli %add3A_43, %mul3A_44 : i32
      %add3A_46 = arith.addi %add3A, %mul3A_45 : i32
      %lt3A_47 = arith.constant 2500 : i32
      %lt3A_48 = arith.cmpi slt, %add3A_32, %lt3A_47 : i32
      %convert_element_type3A_49 = arith.extui %lt3A_48 : i1 to i32
      %cond3A_50 = arith.constant 0 : i32
      %cond3A_51 = arith.cmpi ne, %convert_element_type3A_49, %cond3A_50 : i32
      scf.if %cond3A_51 {
        %mul3A_107 = arith.constant 128 : i32
        %mul3A_108 = arith.muli %add3A_32, %mul3A_107 : i32
        %dma_start3A = tpu.memref_slice %arg3[%mul3A_108] : memref<320000xi32, #tpu.memory_space<hbm>> -> memref<128xi32, #tpu.memory_space<hbm>>
        %dma_start3A_109 = tpu.memref_slice %arg3[%mul3A_108] : memref<320000xi32, #tpu.memory_space<hbm>> -> memref<128xi32, #tpu.memory_space<hbm>>
        tpu.enqueue_dma source(%dma_start3A_109 : memref<128xi32, #tpu.memory_space<hbm>>) target(%arg6 : memref<128xi32, #tpu.memory_space<vmem>>) target_semaphore(%arg19 : memref<!tpu.dma_semaphore, #tpu.memory_space<semaphore_mem>>)
        %mul3A_110 = arith.constant 128 : i32
        %mul3A_111 = arith.muli %add3A_32, %mul3A_110 : i32
        %dma_start3A_112 = tpu.memref_slice %arg4[%mul3A_111] : memref<320000xi32, #tpu.memory_space<hbm>> -> memref<128xi32, #tpu.memory_space<hbm>>
        %dma_start3A_113 = tpu.memref_slice %arg4[%mul3A_111] : memref<320000xi32, #tpu.memory_space<hbm>> -> memref<128xi32, #tpu.memory_space<hbm>>
        tpu.enqueue_dma source(%dma_start3A_113 : memref<128xi32, #tpu.memory_space<hbm>>) target(%arg9 : memref<128xi32, #tpu.memory_space<vmem>>) target_semaphore(%arg19 : memref<!tpu.dma_semaphore, #tpu.memory_space<semaphore_mem>>)
      } else {
      }
      %lt3A_52 = arith.constant 2500 : i32
      %lt3A_53 = arith.cmpi slt, %add3A_39, %lt3A_52 : i32
      %convert_element_type3A_54 = arith.extui %lt3A_53 : i1 to i32
      %cond3A_55 = arith.constant 0 : i32
      %cond3A_56 = arith.cmpi ne, %convert_element_type3A_54, %cond3A_55 : i32
      scf.if %cond3A_56 {
        %mul3A_107 = arith.constant 128 : i32
        %mul3A_108 = arith.muli %add3A_39, %mul3A_107 : i32
        %dma_start3A = tpu.memref_slice %arg3[%mul3A_108] : memref<320000xi32, #tpu.memory_space<hbm>> -> memref<128xi32, #tpu.memory_space<hbm>>
        %dma_start3A_109 = tpu.memref_slice %arg3[%mul3A_108] : memref<320000xi32, #tpu.memory_space<hbm>> -> memref<128xi32, #tpu.memory_space<hbm>>
        tpu.enqueue_dma source(%dma_start3A_109 : memref<128xi32, #tpu.memory_space<hbm>>) target(%arg7 : memref<128xi32, #tpu.memory_space<vmem>>) target_semaphore(%arg20 : memref<!tpu.dma_semaphore, #tpu.memory_space<semaphore_mem>>)
        %mul3A_110 = arith.constant 128 : i32
        %mul3A_111 = arith.muli %add3A_39, %mul3A_110 : i32
        %dma_start3A_112 = tpu.memref_slice %arg4[%mul3A_111] : memref<320000xi32, #tpu.memory_space<hbm>> -> memref<128xi32, #tpu.memory_space<hbm>>
        %dma_start3A_113 = tpu.memref_slice %arg4[%mul3A_111] : memref<320000xi32, #tpu.memory_space<hbm>> -> memref<128xi32, #tpu.memory_space<hbm>>
        tpu.enqueue_dma source(%dma_start3A_113 : memref<128xi32, #tpu.memory_space<hbm>>) target(%arg10 : memref<128xi32, #tpu.memory_space<vmem>>) target_semaphore(%arg20 : memref<!tpu.dma_semaphore, #tpu.memory_space<semaphore_mem>>)
      } else {
      }
      %lt3A_57 = arith.constant 2500 : i32
      %lt3A_58 = arith.cmpi slt, %add3A_46, %lt3A_57 : i32
      %convert_element_type3A_59 = arith.extui %lt3A_58 : i1 to i32
      %cond3A_60 = arith.constant 0 : i32
      %cond3A_61 = arith.cmpi ne, %convert_element_type3A_59, %cond3A_60 : i32
      scf.if %cond3A_61 {
        %mul3A_107 = arith.constant 128 : i32
        %mul3A_108 = arith.muli %add3A_46, %mul3A_107 : i32
        %dma_start3A = tpu.memref_slice %arg3[%mul3A_108] : memref<320000xi32, #tpu.memory_space<hbm>> -> memref<128xi32, #tpu.memory_space<hbm>>
        %dma_start3A_109 = tpu.memref_slice %arg3[%mul3A_108] : memref<320000xi32, #tpu.memory_space<hbm>> -> memref<128xi32, #tpu.memory_space<hbm>>
        tpu.enqueue_dma source(%dma_start3A_109 : memref<128xi32, #tpu.memory_space<hbm>>) target(%arg8 : memref<128xi32, #tpu.memory_space<vmem>>) target_semaphore(%arg21 : memref<!tpu.dma_semaphore, #tpu.memory_space<semaphore_mem>>)
        %mul3A_110 = arith.constant 128 : i32
        %mul3A_111 = arith.muli %add3A_46, %mul3A_110 : i32
        %dma_start3A_112 = tpu.memref_slice %arg4[%mul3A_111] : memref<320000xi32, #tpu.memory_space<hbm>> -> memref<128xi32, #tpu.memory_space<hbm>>
        %dma_start3A_113 = tpu.memref_slice %arg4[%mul3A_111] : memref<320000xi32, #tpu.memory_space<hbm>> -> memref<128xi32, #tpu.memory_space<hbm>>
        tpu.enqueue_dma source(%dma_start3A_113 : memref<128xi32, #tpu.memory_space<hbm>>) target(%arg11 : memref<128xi32, #tpu.memory_space<vmem>>) target_semaphore(%arg21 : memref<!tpu.dma_semaphore, #tpu.memory_space<semaphore_mem>>)
      } else {
      }
      %lt3A_62 = arith.constant 2500 : i32
      %lt3A_63 = arith.cmpi slt, %add3A_32, %lt3A_62 : i32
      %convert_element_type3A_64 = arith.extui %lt3A_63 : i1 to i32
      %cond3A_65 = arith.constant 0 : i32
      %cond3A_66 = arith.cmpi ne, %convert_element_type3A_64, %cond3A_65 : i32
      scf.if %cond3A_66 {
        %dma_wait3A = arith.constant 0 : i32
        %dma_wait3A_107 = tpu.memref_slice %arg3[%dma_wait3A] : memref<320000xi32, #tpu.memory_space<hbm>> -> memref<128xi32, #tpu.memory_space<hbm>>
        %dma_wait3A_108 = arith.constant 0 : i32
        %dma_wait3A_109 = tpu.memref_slice %arg3[%dma_wait3A_108] : memref<320000xi32, #tpu.memory_space<hbm>> -> memref<128xi32, #tpu.memory_space<hbm>>
        tpu.wait_dma2 semaphore(%arg19 : memref<!tpu.dma_semaphore, #tpu.memory_space<semaphore_mem>>) src(%dma_wait3A_109 : memref<128xi32, #tpu.memory_space<hbm>>) dst(%arg6 : memref<128xi32, #tpu.memory_space<vmem>>)
        %dma_wait3A_110 = arith.constant 0 : i32
        %dma_wait3A_111 = tpu.memref_slice %arg3[%dma_wait3A_110] : memref<320000xi32, #tpu.memory_space<hbm>> -> memref<128xi32, #tpu.memory_space<hbm>>
        %dma_wait3A_112 = arith.constant 0 : i32
        %dma_wait3A_113 = tpu.memref_slice %arg3[%dma_wait3A_112] : memref<320000xi32, #tpu.memory_space<hbm>> -> memref<128xi32, #tpu.memory_space<hbm>>
        tpu.wait_dma2 semaphore(%arg19 : memref<!tpu.dma_semaphore, #tpu.memory_space<semaphore_mem>>) src(%dma_wait3A_113 : memref<128xi32, #tpu.memory_space<hbm>>) dst(%arg9 : memref<128xi32, #tpu.memory_space<vmem>>)
        %dma_start3A = arith.constant 0 : i32
        %dma_start3A_114 = arith.constant 0 : i32
        %dma_start3A_115 = tpu.memref_slice %arg2[%dma_start3A, %dma_start3A_114] : memref<10000x128xf32, #tpu.memory_space<hbm>> -> memref<10000x128xf32, #tpu.memory_space<hbm>>
        tpu.enqueue_indirect_dma source(%dma_start3A_115 : memref<10000x128xf32, #tpu.memory_space<hbm>>) target(%arg12 : memref<128x128xf32, #tpu.memory_space<vmem>>) offsets(%arg6 : memref<128xi32, #tpu.memory_space<vmem>>) semaphore(%arg16 : memref<!tpu.dma_semaphore, #tpu.memory_space<semaphore_mem>>)
      } else {
      }
      %lt3A_67 = arith.constant 2500 : i32
      %lt3A_68 = arith.cmpi slt, %add3A_39, %lt3A_67 : i32
      %convert_element_type3A_69 = arith.extui %lt3A_68 : i1 to i32
      %cond3A_70 = arith.constant 0 : i32
      %cond3A_71 = arith.cmpi ne, %convert_element_type3A_69, %cond3A_70 : i32
      scf.if %cond3A_71 {
        %dma_wait3A = arith.constant 0 : i32
        %dma_wait3A_107 = tpu.memref_slice %arg3[%dma_wait3A] : memref<320000xi32, #tpu.memory_space<hbm>> -> memref<128xi32, #tpu.memory_space<hbm>>
        %dma_wait3A_108 = arith.constant 0 : i32
        %dma_wait3A_109 = tpu.memref_slice %arg3[%dma_wait3A_108] : memref<320000xi32, #tpu.memory_space<hbm>> -> memref<128xi32, #tpu.memory_space<hbm>>
        tpu.wait_dma2 semaphore(%arg20 : memref<!tpu.dma_semaphore, #tpu.memory_space<semaphore_mem>>) src(%dma_wait3A_109 : memref<128xi32, #tpu.memory_space<hbm>>) dst(%arg7 : memref<128xi32, #tpu.memory_space<vmem>>)
        %dma_wait3A_110 = arith.constant 0 : i32
        %dma_wait3A_111 = tpu.memref_slice %arg3[%dma_wait3A_110] : memref<320000xi32, #tpu.memory_space<hbm>> -> memref<128xi32, #tpu.memory_space<hbm>>
        %dma_wait3A_112 = arith.constant 0 : i32
        %dma_wait3A_113 = tpu.memref_slice %arg3[%dma_wait3A_112] : memref<320000xi32, #tpu.memory_space<hbm>> -> memref<128xi32, #tpu.memory_space<hbm>>
        tpu.wait_dma2 semaphore(%arg20 : memref<!tpu.dma_semaphore, #tpu.memory_space<semaphore_mem>>) src(%dma_wait3A_113 : memref<128xi32, #tpu.memory_space<hbm>>) dst(%arg10 : memref<128xi32, #tpu.memory_space<vmem>>)
        %dma_start3A = arith.constant 0 : i32
        %dma_start3A_114 = arith.constant 0 : i32
        %dma_start3A_115 = tpu.memref_slice %arg2[%dma_start3A, %dma_start3A_114] : memref<10000x128xf32, #tpu.memory_space<hbm>> -> memref<10000x128xf32, #tpu.memory_space<hbm>>
        tpu.enqueue_indirect_dma source(%dma_start3A_115 : memref<10000x128xf32, #tpu.memory_space<hbm>>) target(%arg13 : memref<128x128xf32, #tpu.memory_space<vmem>>) offsets(%arg7 : memref<128xi32, #tpu.memory_space<vmem>>) semaphore(%arg17 : memref<!tpu.dma_semaphore, #tpu.memory_space<semaphore_mem>>)
      } else {
      }
      %lt3A_72 = arith.constant 2500 : i32
      %lt3A_73 = arith.cmpi slt, %add3A_46, %lt3A_72 : i32
      %convert_element_type3A_74 = arith.extui %lt3A_73 : i1 to i32
      %cond3A_75 = arith.constant 0 : i32
      %cond3A_76 = arith.cmpi ne, %convert_element_type3A_74, %cond3A_75 : i32
      scf.if %cond3A_76 {
        %dma_wait3A = arith.constant 0 : i32
        %dma_wait3A_107 = tpu.memref_slice %arg3[%dma_wait3A] : memref<320000xi32, #tpu.memory_space<hbm>> -> memref<128xi32, #tpu.memory_space<hbm>>
        %dma_wait3A_108 = arith.constant 0 : i32
        %dma_wait3A_109 = tpu.memref_slice %arg3[%dma_wait3A_108] : memref<320000xi32, #tpu.memory_space<hbm>> -> memref<128xi32, #tpu.memory_space<hbm>>
        tpu.wait_dma2 semaphore(%arg21 : memref<!tpu.dma_semaphore, #tpu.memory_space<semaphore_mem>>) src(%dma_wait3A_109 : memref<128xi32, #tpu.memory_space<hbm>>) dst(%arg8 : memref<128xi32, #tpu.memory_space<vmem>>)
        %dma_wait3A_110 = arith.constant 0 : i32
        %dma_wait3A_111 = tpu.memref_slice %arg3[%dma_wait3A_110] : memref<320000xi32, #tpu.memory_space<hbm>> -> memref<128xi32, #tpu.memory_space<hbm>>
        %dma_wait3A_112 = arith.constant 0 : i32
        %dma_wait3A_113 = tpu.memref_slice %arg3[%dma_wait3A_112] : memref<320000xi32, #tpu.memory_space<hbm>> -> memref<128xi32, #tpu.memory_space<hbm>>
        tpu.wait_dma2 semaphore(%arg21 : memref<!tpu.dma_semaphore, #tpu.memory_space<semaphore_mem>>) src(%dma_wait3A_113 : memref<128xi32, #tpu.memory_space<hbm>>) dst(%arg11 : memref<128xi32, #tpu.memory_space<vmem>>)
        %dma_start3A = arith.constant 0 : i32
        %dma_start3A_114 = arith.constant 0 : i32
        %dma_start3A_115 = tpu.memref_slice %arg2[%dma_start3A, %dma_start3A_114] : memref<10000x128xf32, #tpu.memory_space<hbm>> -> memref<10000x128xf32, #tpu.memory_space<hbm>>
        tpu.enqueue_indirect_dma source(%dma_start3A_115 : memref<10000x128xf32, #tpu.memory_space<hbm>>) target(%arg14 : memref<128x128xf32, #tpu.memory_space<vmem>>) offsets(%arg8 : memref<128xi32, #tpu.memory_space<vmem>>) semaphore(%arg18 : memref<!tpu.dma_semaphore, #tpu.memory_space<semaphore_mem>>)
      } else {
      }
      %lt3A_77 = arith.constant 2500 : i32
      %lt3A_78 = arith.cmpi slt, %add3A_32, %lt3A_77 : i32
      %convert_element_type3A_79 = arith.extui %lt3A_78 : i1 to i32
      %cond3A_80 = arith.constant 0 : i32
      %cond3A_81 = arith.cmpi ne, %convert_element_type3A_79, %cond3A_80 : i32
      scf.if %cond3A_81 {
        %dma_wait3A = arith.constant 0 : i32
        %dma_wait3A_107 = arith.constant 0 : i32
        %dma_wait3A_108 = tpu.memref_slice %arg2[%dma_wait3A, %dma_wait3A_107] : memref<10000x128xf32, #tpu.memory_space<hbm>> -> memref<128x128xf32, #tpu.memory_space<hbm>>
        %dma_wait3A_109 = arith.constant 0 : i32
        %dma_wait3A_110 = arith.constant 0 : i32
        %dma_wait3A_111 = tpu.memref_slice %arg2[%dma_wait3A_109, %dma_wait3A_110] : memref<10000x128xf32, #tpu.memory_space<hbm>> -> memref<128x128xf32, #tpu.memory_space<hbm>>
        tpu.wait_dma2 semaphore(%arg16 : memref<!tpu.dma_semaphore, #tpu.memory_space<semaphore_mem>>) src(%dma_wait3A_111 : memref<128x128xf32, #tpu.memory_space<hbm>>) dst(%arg12 : memref<128x128xf32, #tpu.memory_space<vmem>>)
        %dma_start3A = arith.constant 0 : i32
        %dma_start3A_112 = arith.constant 0 : i32
        %dma_start3A_113 = tpu.memref_slice %arg15[%dma_start3A, %dma_start3A_112] : memref<10000x128xf32, #tpu.memory_space<vmem_shared>> -> memref<10000x128xf32, #tpu.memory_space<vmem_shared>>
        tpu.enqueue_indirect_dma source(%arg12 : memref<128x128xf32, #tpu.memory_space<vmem>>) target(%dma_start3A_113 : memref<10000x128xf32, #tpu.memory_space<vmem_shared>>) offsets(%arg9 : memref<128xi32, #tpu.memory_space<vmem>>) semaphore(%arg22 : memref<!tpu.dma_semaphore, #tpu.memory_space<semaphore_mem>>) {add = true}
      } else {
      }
      %lt3A_82 = arith.constant 2500 : i32
      %lt3A_83 = arith.cmpi slt, %add3A_39, %lt3A_82 : i32
      %convert_element_type3A_84 = arith.extui %lt3A_83 : i1 to i32
      %cond3A_85 = arith.constant 0 : i32
      %cond3A_86 = arith.cmpi ne, %convert_element_type3A_84, %cond3A_85 : i32
      scf.if %cond3A_86 {
        %dma_wait3A = arith.constant 0 : i32
        %dma_wait3A_107 = arith.constant 0 : i32
        %dma_wait3A_108 = tpu.memref_slice %arg2[%dma_wait3A, %dma_wait3A_107] : memref<10000x128xf32, #tpu.memory_space<hbm>> -> memref<128x128xf32, #tpu.memory_space<hbm>>
        %dma_wait3A_109 = arith.constant 0 : i32
        %dma_wait3A_110 = arith.constant 0 : i32
        %dma_wait3A_111 = tpu.memref_slice %arg2[%dma_wait3A_109, %dma_wait3A_110] : memref<10000x128xf32, #tpu.memory_space<hbm>> -> memref<128x128xf32, #tpu.memory_space<hbm>>
        tpu.wait_dma2 semaphore(%arg17 : memref<!tpu.dma_semaphore, #tpu.memory_space<semaphore_mem>>) src(%dma_wait3A_111 : memref<128x128xf32, #tpu.memory_space<hbm>>) dst(%arg13 : memref<128x128xf32, #tpu.memory_space<vmem>>)
        %dma_start3A = arith.constant 0 : i32
        %dma_start3A_112 = arith.constant 0 : i32
        %dma_start3A_113 = tpu.memref_slice %arg15[%dma_start3A, %dma_start3A_112] : memref<10000x128xf32, #tpu.memory_space<vmem_shared>> -> memref<10000x128xf32, #tpu.memory_space<vmem_shared>>
        tpu.enqueue_indirect_dma source(%arg13 : memref<128x128xf32, #tpu.memory_space<vmem>>) target(%dma_start3A_113 : memref<10000x128xf32, #tpu.memory_space<vmem_shared>>) offsets(%arg10 : memref<128xi32, #tpu.memory_space<vmem>>) semaphore(%arg23 : memref<!tpu.dma_semaphore, #tpu.memory_space<semaphore_mem>>) {add = true}
      } else {
      }
      %lt3A_87 = arith.constant 2500 : i32
      %lt3A_88 = arith.cmpi slt, %add3A_46, %lt3A_87 : i32
      %convert_element_type3A_89 = arith.extui %lt3A_88 : i1 to i32
      %cond3A_90 = arith.constant 0 : i32
      %cond3A_91 = arith.cmpi ne, %convert_element_type3A_89, %cond3A_90 : i32
      scf.if %cond3A_91 {
        %dma_wait3A = arith.constant 0 : i32
        %dma_wait3A_107 = arith.constant 0 : i32
        %dma_wait3A_108 = tpu.memref_slice %arg2[%dma_wait3A, %dma_wait3A_107] : memref<10000x128xf32, #tpu.memory_space<hbm>> -> memref<128x128xf32, #tpu.memory_space<hbm>>
        %dma_wait3A_109 = arith.constant 0 : i32
        %dma_wait3A_110 = arith.constant 0 : i32
        %dma_wait3A_111 = tpu.memref_slice %arg2[%dma_wait3A_109, %dma_wait3A_110] : memref<10000x128xf32, #tpu.memory_space<hbm>> -> memref<128x128xf32, #tpu.memory_space<hbm>>
        tpu.wait_dma2 semaphore(%arg18 : memref<!tpu.dma_semaphore, #tpu.memory_space<semaphore_mem>>) src(%dma_wait3A_111 : memref<128x128xf32, #tpu.memory_space<hbm>>) dst(%arg14 : memref<128x128xf32, #tpu.memory_space<vmem>>)
        %dma_start3A = arith.constant 0 : i32
        %dma_start3A_112 = arith.constant 0 : i32
        %dma_start3A_113 = tpu.memref_slice %arg15[%dma_start3A, %dma_start3A_112] : memref<10000x128xf32, #tpu.memory_space<vmem_shared>> -> memref<10000x128xf32, #tpu.memory_space<vmem_shared>>
        tpu.enqueue_indirect_dma source(%arg14 : memref<128x128xf32, #tpu.memory_space<vmem>>) target(%dma_start3A_113 : memref<10000x128xf32, #tpu.memory_space<vmem_shared>>) offsets(%arg11 : memref<128xi32, #tpu.memory_space<vmem>>) semaphore(%arg24 : memref<!tpu.dma_semaphore, #tpu.memory_space<semaphore_mem>>) {add = true}
      } else {
      }
      %lt3A_92 = arith.constant 2500 : i32
      %lt3A_93 = arith.cmpi slt, %add3A_32, %lt3A_92 : i32
      %convert_element_type3A_94 = arith.extui %lt3A_93 : i1 to i32
      %cond3A_95 = arith.constant 0 : i32
      %cond3A_96 = arith.cmpi ne, %convert_element_type3A_94, %cond3A_95 : i32
      scf.if %cond3A_96 {
        %dma_wait3A = arith.constant 0 : i32
        %dma_wait3A_107 = arith.constant 0 : i32
        %dma_wait3A_108 = tpu.memref_slice %arg2[%dma_wait3A, %dma_wait3A_107] : memref<10000x128xf32, #tpu.memory_space<hbm>> -> memref<128x128xf32, #tpu.memory_space<hbm>>
        %dma_wait3A_109 = arith.constant 0 : i32
        %dma_wait3A_110 = arith.constant 0 : i32
        %dma_wait3A_111 = tpu.memref_slice %arg2[%dma_wait3A_109, %dma_wait3A_110] : memref<10000x128xf32, #tpu.memory_space<hbm>> -> memref<128x128xf32, #tpu.memory_space<hbm>>
        tpu.wait_dma2 semaphore(%arg22 : memref<!tpu.dma_semaphore, #tpu.memory_space<semaphore_mem>>) src(%dma_wait3A_111 : memref<128x128xf32, #tpu.memory_space<hbm>>) dst(%arg12 : memref<128x128xf32, #tpu.memory_space<vmem>>)
      } else {
      }
      %lt3A_97 = arith.constant 2500 : i32
      %lt3A_98 = arith.cmpi slt, %add3A_39, %lt3A_97 : i32
      %convert_element_type3A_99 = arith.extui %lt3A_98 : i1 to i32
      %cond3A_100 = arith.constant 0 : i32
      %cond3A_101 = arith.cmpi ne, %convert_element_type3A_99, %cond3A_100 : i32
      scf.if %cond3A_101 {
        %dma_wait3A = arith.constant 0 : i32
        %dma_wait3A_107 = arith.constant 0 : i32
        %dma_wait3A_108 = tpu.memref_slice %arg2[%dma_wait3A, %dma_wait3A_107] : memref<10000x128xf32, #tpu.memory_space<hbm>> -> memref<128x128xf32, #tpu.memory_space<hbm>>
        %dma_wait3A_109 = arith.constant 0 : i32
        %dma_wait3A_110 = arith.constant 0 : i32
        %dma_wait3A_111 = tpu.memref_slice %arg2[%dma_wait3A_109, %dma_wait3A_110] : memref<10000x128xf32, #tpu.memory_space<hbm>> -> memref<128x128xf32, #tpu.memory_space<hbm>>
        tpu.wait_dma2 semaphore(%arg23 : memref<!tpu.dma_semaphore, #tpu.memory_space<semaphore_mem>>) src(%dma_wait3A_111 : memref<128x128xf32, #tpu.memory_space<hbm>>) dst(%arg13 : memref<128x128xf32, #tpu.memory_space<vmem>>)
      } else {
      }
      %lt3A_102 = arith.constant 2500 : i32
      %lt3A_103 = arith.cmpi slt, %add3A_46, %lt3A_102 : i32
      %convert_element_type3A_104 = arith.extui %lt3A_103 : i1 to i32
      %cond3A_105 = arith.constant 0 : i32
      %cond3A_106 = arith.cmpi ne, %convert_element_type3A_104, %cond3A_105 : i32
      scf.if %cond3A_106 {
        %dma_wait3A = arith.constant 0 : i32
        %dma_wait3A_107 = arith.constant 0 : i32
        %dma_wait3A_108 = tpu.memref_slice %arg2[%dma_wait3A, %dma_wait3A_107] : memref<10000x128xf32, #tpu.memory_space<hbm>> -> memref<128x128xf32, #tpu.memory_space<hbm>>
        %dma_wait3A_109 = arith.constant 0 : i32
        %dma_wait3A_110 = arith.constant 0 : i32
        %dma_wait3A_111 = tpu.memref_slice %arg2[%dma_wait3A_109, %dma_wait3A_110] : memref<10000x128xf32, #tpu.memory_space<hbm>> -> memref<128x128xf32, #tpu.memory_space<hbm>>
        tpu.wait_dma2 semaphore(%arg24 : memref<!tpu.dma_semaphore, #tpu.memory_space<semaphore_mem>>) src(%dma_wait3A_111 : memref<128x128xf32, #tpu.memory_space<hbm>>) dst(%arg14 : memref<128x128xf32, #tpu.memory_space<vmem>>)
      } else {
      }
    }
    %scan3A_13 = arith.constant 27 : i32
    %barrier3A_14 = arith.constant 0 : index
    tpu.barrier barrier_id(%barrier3A_14)
    %lt3A_15 = arith.constant 15 : i32
    %lt3A_16 = arith.cmpi slt, %arg1, %lt3A_15 : i32
    %convert_element_type3A_17 = arith.extui %lt3A_16 : i1 to i32
    %cond3A_18 = arith.constant 0 : i32
    %cond3A_19 = arith.cmpi ne, %convert_element_type3A_17, %cond3A_18 : i32
    scf.if %cond3A_19 {
      "tpu.region"() ({
        %run_scoped3A = tpu.sem_alloc : memref<!tpu.dma_semaphore, #tpu.memory_space<semaphore_mem>>
        %dma_start3A = arith.constant 0 : i32
        %dma_start3A_25 = arith.constant 0 : i32
        %dma_start3A_26 = tpu.memref_slice %arg5[%arg0, %dma_start3A, %dma_start3A_25] : memref<2x10000x128xf32, #tpu.memory_space<hbm>> -> memref<1x10000x128xf32, #tpu.memory_space<hbm>>
        %dma_start3A_27 = tpu.memref_squeeze %dma_start3A_26 : memref<1x10000x128xf32, #tpu.memory_space<hbm>> -> memref<10000x128xf32, #tpu.memory_space<hbm>>
        %dma_start3A_28 = arith.constant 0 : i32
        %dma_start3A_29 = tpu.memref_slice %dma_start3A_27[%mul3A_2, %dma_start3A_28] : memref<10000x128xf32, #tpu.memory_space<hbm>> -> memref<624x128xf32, #tpu.memory_space<hbm>>
        %dma_start3A_30 = arith.constant 0 : i32
        %dma_start3A_31 = tpu.memref_slice %arg15[%mul3A_2, %dma_start3A_30] : memref<10000x128xf32, #tpu.memory_space<vmem_shared>> -> memref<624x128xf32, #tpu.memory_space<vmem_shared>>
        tpu.enqueue_dma source(%dma_start3A_31 : memref<624x128xf32, #tpu.memory_space<vmem_shared>>) target(%dma_start3A_29 : memref<624x128xf32, #tpu.memory_space<hbm>>) target_semaphore(%run_scoped3A : memref<!tpu.dma_semaphore, #tpu.memory_space<semaphore_mem>>)
        %dma_wait3A = arith.constant 0 : i32
        %dma_wait3A_32 = arith.constant 0 : i32
        %dma_wait3A_33 = tpu.memref_slice %arg5[%arg0, %dma_wait3A, %dma_wait3A_32] : memref<2x10000x128xf32, #tpu.memory_space<hbm>> -> memref<1x10000x128xf32, #tpu.memory_space<hbm>>
        %dma_wait3A_34 = tpu.memref_squeeze %dma_wait3A_33 : memref<1x10000x128xf32, #tpu.memory_space<hbm>> -> memref<10000x128xf32, #tpu.memory_space<hbm>>
        %dma_wait3A_35 = arith.constant 0 : i32
        %dma_wait3A_36 = tpu.memref_slice %dma_wait3A_34[%mul3A_2, %dma_wait3A_35] : memref<10000x128xf32, #tpu.memory_space<hbm>> -> memref<624x128xf32, #tpu.memory_space<hbm>>
        %dma_wait3A_37 = arith.constant 0 : i32
        %dma_wait3A_38 = tpu.memref_slice %arg15[%mul3A_2, %dma_wait3A_37] : memref<10000x128xf32, #tpu.memory_space<vmem_shared>> -> memref<624x128xf32, #tpu.memory_space<vmem_shared>>
        tpu.wait_dma2 semaphore(%run_scoped3A : memref<!tpu.dma_semaphore, #tpu.memory_space<semaphore_mem>>) src(%dma_wait3A_38 : memref<624x128xf32, #tpu.memory_space<vmem_shared>>) dst(%dma_wait3A_36 : memref<624x128xf32, #tpu.memory_space<hbm>>)
        tpu.yield
      }) : () -> ()
    } else {
    }
    %eq3A_20 = arith.constant 15 : i32
    %eq3A_21 = arith.cmpi eq, %arg1, %eq3A_20 : i32
    %convert_element_type3A_22 = arith.extui %eq3A_21 : i1 to i32
    %cond3A_23 = arith.constant 0 : i32
    %cond3A_24 = arith.cmpi ne, %convert_element_type3A_22, %cond3A_23 : i32
    scf.if %cond3A_24 {
      "tpu.region"() ({
        %run_scoped3A = tpu.sem_alloc : memref<!tpu.dma_semaphore, #tpu.memory_space<semaphore_mem>>
        %dma_start3A = arith.constant 0 : i32
        %dma_start3A_25 = arith.constant 0 : i32
        %dma_start3A_26 = tpu.memref_slice %arg5[%arg0, %dma_start3A, %dma_start3A_25] : memref<2x10000x128xf32, #tpu.memory_space<hbm>> -> memref<1x10000x128xf32, #tpu.memory_space<hbm>>
        %dma_start3A_27 = tpu.memref_squeeze %dma_start3A_26 : memref<1x10000x128xf32, #tpu.memory_space<hbm>> -> memref<10000x128xf32, #tpu.memory_space<hbm>>
        %dma_start3A_28 = arith.constant 0 : i32
        %dma_start3A_29 = tpu.memref_slice %dma_start3A_27[%mul3A_2, %dma_start3A_28] : memref<10000x128xf32, #tpu.memory_space<hbm>> -> memref<640x128xf32, #tpu.memory_space<hbm>>
        %dma_start3A_30 = arith.constant 0 : i32
        %dma_start3A_31 = tpu.memref_slice %arg15[%mul3A_2, %dma_start3A_30] : memref<10000x128xf32, #tpu.memory_space<vmem_shared>> -> memref<640x128xf32, #tpu.memory_space<vmem_shared>>
        tpu.enqueue_dma source(%dma_start3A_31 : memref<640x128xf32, #tpu.memory_space<vmem_shared>>) target(%dma_start3A_29 : memref<640x128xf32, #tpu.memory_space<hbm>>) target_semaphore(%run_scoped3A : memref<!tpu.dma_semaphore, #tpu.memory_space<semaphore_mem>>)
        %dma_wait3A = arith.constant 0 : i32
        %dma_wait3A_32 = arith.constant 0 : i32
        %dma_wait3A_33 = tpu.memref_slice %arg5[%arg0, %dma_wait3A, %dma_wait3A_32] : memref<2x10000x128xf32, #tpu.memory_space<hbm>> -> memref<1x10000x128xf32, #tpu.memory_space<hbm>>
        %dma_wait3A_34 = tpu.memref_squeeze %dma_wait3A_33 : memref<1x10000x128xf32, #tpu.memory_space<hbm>> -> memref<10000x128xf32, #tpu.memory_space<hbm>>
        %dma_wait3A_35 = arith.constant 0 : i32
        %dma_wait3A_36 = tpu.memref_slice %dma_wait3A_34[%mul3A_2, %dma_wait3A_35] : memref<10000x128xf32, #tpu.memory_space<hbm>> -> memref<640x128xf32, #tpu.memory_space<hbm>>
        %dma_wait3A_37 = arith.constant 0 : i32
        %dma_wait3A_38 = tpu.memref_slice %arg15[%mul3A_2, %dma_wait3A_37] : memref<10000x128xf32, #tpu.memory_space<vmem_shared>> -> memref<640x128xf32, #tpu.memory_space<vmem_shared>>
        tpu.wait_dma2 semaphore(%run_scoped3A : memref<!tpu.dma_semaphore, #tpu.memory_space<semaphore_mem>>) src(%dma_wait3A_38 : memref<640x128xf32, #tpu.memory_space<vmem_shared>>) dst(%dma_wait3A_36 : memref<640x128xf32, #tpu.memory_space<hbm>>)
        tpu.yield
      }) : () -> ()
    } else {
    }
    return
  }
}

#map = affine_map<(d0, d1) -> (0, 0)>
#map1 = affine_map<(d0, d1) -> (0)>
#map2 = affine_map<(d0, d1) -> (0, 0, 0)>
module attributes {stable_mosaic.version = 14 : i64} {
  func.func @prop(%arg0: i32, %arg1: i32, %arg2: memref<10000x128xf32, #tpu.memory_space<hbm>>, %arg3: memref<320000xi32, #tpu.memory_space<hbm>>, %arg4: memref<320000xi32, #tpu.memory_space<hbm>>, %arg5: memref<2x10000x128xf32, #tpu.memory_space<hbm>>, %arg6: memref<128xi32, #tpu.memory_space<vmem>>, %arg7: memref<128xi32, #tpu.memory_space<vmem>>, %arg8: memref<128xi32, #tpu.memory_space<vmem>>, %arg9: memref<128xi32, #tpu.memory_space<vmem>>, %arg10: memref<128xi32, #tpu.memory_space<vmem>>, %arg11: memref<128xi32, #tpu.memory_space<vmem>>, %arg12: memref<128x128xf32, #tpu.memory_space<vmem>>, %arg13: memref<128x128xf32, #tpu.memory_space<vmem>>, %arg14: memref<128x128xf32, #tpu.memory_space<vmem>>, %arg15: memref<10000x128xf32, #tpu.memory_space<vmem_shared>>, %arg16: memref<!tpu.dma_semaphore, #tpu.memory_space<semaphore_mem>>, %arg17: memref<!tpu.dma_semaphore, #tpu.memory_space<semaphore_mem>>, %arg18: memref<!tpu.dma_semaphore, #tpu.memory_space<semaphore_mem>>, %arg19: memref<!tpu.dma_semaphore, #tpu.memory_space<semaphore_mem>>, %arg20: memref<!tpu.dma_semaphore, #tpu.memory_space<semaphore_mem>>, %arg21: memref<!tpu.dma_semaphore, #tpu.memory_space<semaphore_mem>>, %arg22: memref<!tpu.dma_semaphore, #tpu.memory_space<semaphore_mem>>, %arg23: memref<!tpu.dma_semaphore, #tpu.memory_space<semaphore_mem>>, %arg24: memref<!tpu.dma_semaphore, #tpu.memory_space<semaphore_mem>>) attributes {dimension_semantics = [#tpu.dimension_semantics<core_parallel>, #tpu.dimension_semantics<subcore_parallel>], iteration_bounds = array<i64: 2, 16>, scalar_prefetch = 0 : i64, scratch_operands = 19 : i64, tpu.core_type = #tpu.core_type<sc_vector_subcore>, window_params = [{transform_indices = #map}, {transform_indices = #map1}, {transform_indices = #map1}, {transform_indices = #map2}]} {
    %mul3A = arith.constant 16 : i32
    %mul3A_0 = arith.muli %arg0, %mul3A : i32
    %add3A = arith.addi %mul3A_0, %arg1 : i32
    %mul3A_1 = arith.constant 624 : i32
    %mul3A_2 = arith.muli %arg1, %mul3A_1 : i32
    %lt3A = arith.constant 15 : i32
    %lt3A_3 = arith.cmpi slt, %arg1, %lt3A : i32
    %convert_element_type3A = arith.extui %lt3A_3 : i1 to i32
    %cond3A = arith.constant 0 : i32
    %cond3A_4 = arith.cmpi ne, %convert_element_type3A, %cond3A : i32
    scf.if %cond3A_4 {
      "tpu.region"() ({
        %run_scoped3A = tpu.sem_alloc : memref<!tpu.dma_semaphore, #tpu.memory_space<semaphore_mem>>
        %dma_start3A = arith.constant 0 : i32
        %dma_start3A_25 = tpu.memref_slice %arg15[%mul3A_2, %dma_start3A] : memref<10000x128xf32, #tpu.memory_space<vmem_shared>> -> memref<624x128xf32, #tpu.memory_space<vmem_shared>>
        %dma_start3A_26 = arith.constant 0 : i32
        %dma_start3A_27 = tpu.memref_slice %arg2[%mul3A_2, %dma_start3A_26] : memref<10000x128xf32, #tpu.memory_space<hbm>> -> memref<624x128xf32, #tpu.memory_space<hbm>>
        tpu.enqueue_dma source(%dma_start3A_27 : memref<624x128xf32, #tpu.memory_space<hbm>>) target(%dma_start3A_25 : memref<624x128xf32, #tpu.memory_space<vmem_shared>>) target_semaphore(%run_scoped3A : memref<!tpu.dma_semaphore, #tpu.memory_space<semaphore_mem>>)
        %dma_wait3A = arith.constant 0 : i32
        %dma_wait3A_28 = tpu.memref_slice %arg15[%mul3A_2, %dma_wait3A] : memref<10000x128xf32, #tpu.memory_space<vmem_shared>> -> memref<624x128xf32, #tpu.memory_space<vmem_shared>>
        %dma_wait3A_29 = arith.constant 0 : i32
        %dma_wait3A_30 = tpu.memref_slice %arg2[%mul3A_2, %dma_wait3A_29] : memref<10000x128xf32, #tpu.memory_space<hbm>> -> memref<624x128xf32, #tpu.memory_space<hbm>>
        tpu.wait_dma2 semaphore(%run_scoped3A : memref<!tpu.dma_semaphore, #tpu.memory_space<semaphore_mem>>) src(%dma_wait3A_30 : memref<624x128xf32, #tpu.memory_space<hbm>>) dst(%dma_wait3A_28 : memref<624x128xf32, #tpu.memory_space<vmem_shared>>)
        tpu.yield
      }) : () -> ()
    } else {
    }
    %eq3A = arith.constant 15 : i32
    %eq3A_5 = arith.cmpi eq, %arg1, %eq3A : i32
    %convert_element_type3A_6 = arith.extui %eq3A_5 : i1 to i32
    %cond3A_7 = arith.constant 0 : i32
    %cond3A_8 = arith.cmpi ne, %convert_element_type3A_6, %cond3A_7 : i32
    scf.if %cond3A_8 {
      "tpu.region"() ({
        %run_scoped3A = tpu.sem_alloc : memref<!tpu.dma_semaphore, #tpu.memory_space<semaphore_mem>>
        %dma_start3A = arith.constant 0 : i32
        %dma_start3A_25 = tpu.memref_slice %arg15[%mul3A_2, %dma_start3A] : memref<10000x128xf32, #tpu.memory_space<vmem_shared>> -> memref<640x128xf32, #tpu.memory_space<vmem_shared>>
        %dma_start3A_26 = arith.constant 0 : i32
        %dma_start3A_27 = tpu.memref_slice %arg2[%mul3A_2, %dma_start3A_26] : memref<10000x128xf32, #tpu.memory_space<hbm>> -> memref<640x128xf32, #tpu.memory_space<hbm>>
        tpu.enqueue_dma source(%dma_start3A_27 : memref<640x128xf32, #tpu.memory_space<hbm>>) target(%dma_start3A_25 : memref<640x128xf32, #tpu.memory_space<vmem_shared>>) target_semaphore(%run_scoped3A : memref<!tpu.dma_semaphore, #tpu.memory_space<semaphore_mem>>)
        %dma_wait3A = arith.constant 0 : i32
        %dma_wait3A_28 = tpu.memref_slice %arg15[%mul3A_2, %dma_wait3A] : memref<10000x128xf32, #tpu.memory_space<vmem_shared>> -> memref<640x128xf32, #tpu.memory_space<vmem_shared>>
        %dma_wait3A_29 = arith.constant 0 : i32
        %dma_wait3A_30 = tpu.memref_slice %arg2[%mul3A_2, %dma_wait3A_29] : memref<10000x128xf32, #tpu.memory_space<hbm>> -> memref<640x128xf32, #tpu.memory_space<hbm>>
        tpu.wait_dma2 semaphore(%run_scoped3A : memref<!tpu.dma_semaphore, #tpu.memory_space<semaphore_mem>>) src(%dma_wait3A_30 : memref<640x128xf32, #tpu.memory_space<hbm>>) dst(%dma_wait3A_28 : memref<640x128xf32, #tpu.memory_space<vmem_shared>>)
        tpu.yield
      }) : () -> ()
    } else {
    }
    %barrier3A = arith.constant 0 : index
    tpu.barrier barrier_id(%barrier3A)
    %scan3A = arith.constant 0 : i32
    %scan3A_9 = arith.constant 0 : i32
    %scan3A_10 = arith.constant 27 : i32
    %scan3A_11 = arith.addi %scan3A_9, %scan3A_10 : i32
    %scan3A_12 = arith.constant 1 : i32
    scf.for %scan3A_25 = %scan3A_9 to %scan3A_11 step %scan3A_12  : i32 {
      %mul3A_26 = arith.constant 3 : i32
      %mul3A_27 = arith.muli %mul3A_26, %scan3A_25 : i32
      %add3A_28 = arith.constant 0 : i32
      %add3A_29 = arith.addi %mul3A_27, %add3A_28 : i32
      %mul3A_30 = arith.constant 32 : i32
      %mul3A_31 = arith.muli %add3A_29, %mul3A_30 : i32
      %add3A_32 = arith.addi %add3A, %mul3A_31 : i32
      %mul3A_33 = arith.constant 3 : i32
      %mul3A_34 = arith.muli %mul3A_33, %scan3A_25 : i32
      %add3A_35 = arith.constant 1 : i32
      %add3A_36 = arith.addi %mul3A_34, %add3A_35 : i32
      %mul3A_37 = arith.constant 32 : i32
      %mul3A_38 = arith.muli %add3A_36, %mul3A_37 : i32
      %add3A_39 = arith.addi %add3A, %mul3A_38 : i32
      %mul3A_40 = arith.constant 3 : i32
      %mul3A_41 = arith.muli %mul3A_40, %scan3A_25 : i32
      %add3A_42 = arith.constant 2 : i32
      %add3A_43 = arith.addi %mul3A_41, %add3A_42 : i32
      %mul3A_44 = arith.constant 32 : i32
      %mul3A_45 = arith.muli %add3A_43, %mul3A_44 : i32
      %add3A_46 = arith.addi %add3A, %mul3A_45 : i32
      %lt3A_47 = arith.constant 2500 : i32
      %lt3A_48 = arith.cmpi slt, %add3A_32, %lt3A_47 : i32
      %convert_element_type3A_49 = arith.extui %lt3A_48 : i1 to i32
      %cond3A_50 = arith.constant 0 : i32
      %cond3A_51 = arith.cmpi ne, %convert_element_type3A_49, %cond3A_50 : i32
      scf.if %cond3A_51 {
        %mul3A_107 = arith.constant 128 : i32
        %mul3A_108 = arith.muli %add3A_32, %mul3A_107 : i32
        %dma_start3A = tpu.memref_slice %arg3[%mul3A_108] : memref<320000xi32, #tpu.memory_space<hbm>> -> memref<128xi32, #tpu.memory_space<hbm>>
        %dma_start3A_109 = tpu.memref_slice %arg3[%mul3A_108] : memref<320000xi32, #tpu.memory_space<hbm>> -> memref<128xi32, #tpu.memory_space<hbm>>
        tpu.enqueue_dma source(%dma_start3A_109 : memref<128xi32, #tpu.memory_space<hbm>>) target(%arg6 : memref<128xi32, #tpu.memory_space<vmem>>) target_semaphore(%arg19 : memref<!tpu.dma_semaphore, #tpu.memory_space<semaphore_mem>>)
        %mul3A_110 = arith.constant 128 : i32
        %mul3A_111 = arith.muli %add3A_32, %mul3A_110 : i32
        %dma_start3A_112 = tpu.memref_slice %arg4[%mul3A_111] : memref<320000xi32, #tpu.memory_space<hbm>> -> memref<128xi32, #tpu.memory_space<hbm>>
        %dma_start3A_113 = tpu.memref_slice %arg4[%mul3A_111] : memref<320000xi32, #tpu.memory_space<hbm>> -> memref<128xi32, #tpu.memory_space<hbm>>
        tpu.enqueue_dma source(%dma_start3A_113 : memref<128xi32, #tpu.memory_space<hbm>>) target(%arg9 : memref<128xi32, #tpu.memory_space<vmem>>) target_semaphore(%arg19 : memref<!tpu.dma_semaphore, #tpu.memory_space<semaphore_mem>>)
      } else {
      }
      %lt3A_52 = arith.constant 2500 : i32
      %lt3A_53 = arith.cmpi slt, %add3A_39, %lt3A_52 : i32
      %convert_element_type3A_54 = arith.extui %lt3A_53 : i1 to i32
      %cond3A_55 = arith.constant 0 : i32
      %cond3A_56 = arith.cmpi ne, %convert_element_type3A_54, %cond3A_55 : i32
      scf.if %cond3A_56 {
        %mul3A_107 = arith.constant 128 : i32
        %mul3A_108 = arith.muli %add3A_39, %mul3A_107 : i32
        %dma_start3A = tpu.memref_slice %arg3[%mul3A_108] : memref<320000xi32, #tpu.memory_space<hbm>> -> memref<128xi32, #tpu.memory_space<hbm>>
        %dma_start3A_109 = tpu.memref_slice %arg3[%mul3A_108] : memref<320000xi32, #tpu.memory_space<hbm>> -> memref<128xi32, #tpu.memory_space<hbm>>
        tpu.enqueue_dma source(%dma_start3A_109 : memref<128xi32, #tpu.memory_space<hbm>>) target(%arg7 : memref<128xi32, #tpu.memory_space<vmem>>) target_semaphore(%arg20 : memref<!tpu.dma_semaphore, #tpu.memory_space<semaphore_mem>>)
        %mul3A_110 = arith.constant 128 : i32
        %mul3A_111 = arith.muli %add3A_39, %mul3A_110 : i32
        %dma_start3A_112 = tpu.memref_slice %arg4[%mul3A_111] : memref<320000xi32, #tpu.memory_space<hbm>> -> memref<128xi32, #tpu.memory_space<hbm>>
        %dma_start3A_113 = tpu.memref_slice %arg4[%mul3A_111] : memref<320000xi32, #tpu.memory_space<hbm>> -> memref<128xi32, #tpu.memory_space<hbm>>
        tpu.enqueue_dma source(%dma_start3A_113 : memref<128xi32, #tpu.memory_space<hbm>>) target(%arg10 : memref<128xi32, #tpu.memory_space<vmem>>) target_semaphore(%arg20 : memref<!tpu.dma_semaphore, #tpu.memory_space<semaphore_mem>>)
      } else {
      }
      %lt3A_57 = arith.constant 2500 : i32
      %lt3A_58 = arith.cmpi slt, %add3A_46, %lt3A_57 : i32
      %convert_element_type3A_59 = arith.extui %lt3A_58 : i1 to i32
      %cond3A_60 = arith.constant 0 : i32
      %cond3A_61 = arith.cmpi ne, %convert_element_type3A_59, %cond3A_60 : i32
      scf.if %cond3A_61 {
        %mul3A_107 = arith.constant 128 : i32
        %mul3A_108 = arith.muli %add3A_46, %mul3A_107 : i32
        %dma_start3A = tpu.memref_slice %arg3[%mul3A_108] : memref<320000xi32, #tpu.memory_space<hbm>> -> memref<128xi32, #tpu.memory_space<hbm>>
        %dma_start3A_109 = tpu.memref_slice %arg3[%mul3A_108] : memref<320000xi32, #tpu.memory_space<hbm>> -> memref<128xi32, #tpu.memory_space<hbm>>
        tpu.enqueue_dma source(%dma_start3A_109 : memref<128xi32, #tpu.memory_space<hbm>>) target(%arg8 : memref<128xi32, #tpu.memory_space<vmem>>) target_semaphore(%arg21 : memref<!tpu.dma_semaphore, #tpu.memory_space<semaphore_mem>>)
        %mul3A_110 = arith.constant 128 : i32
        %mul3A_111 = arith.muli %add3A_46, %mul3A_110 : i32
        %dma_start3A_112 = tpu.memref_slice %arg4[%mul3A_111] : memref<320000xi32, #tpu.memory_space<hbm>> -> memref<128xi32, #tpu.memory_space<hbm>>
        %dma_start3A_113 = tpu.memref_slice %arg4[%mul3A_111] : memref<320000xi32, #tpu.memory_space<hbm>> -> memref<128xi32, #tpu.memory_space<hbm>>
        tpu.enqueue_dma source(%dma_start3A_113 : memref<128xi32, #tpu.memory_space<hbm>>) target(%arg11 : memref<128xi32, #tpu.memory_space<vmem>>) target_semaphore(%arg21 : memref<!tpu.dma_semaphore, #tpu.memory_space<semaphore_mem>>)
      } else {
      }
      %lt3A_62 = arith.constant 2500 : i32
      %lt3A_63 = arith.cmpi slt, %add3A_32, %lt3A_62 : i32
      %convert_element_type3A_64 = arith.extui %lt3A_63 : i1 to i32
      %cond3A_65 = arith.constant 0 : i32
      %cond3A_66 = arith.cmpi ne, %convert_element_type3A_64, %cond3A_65 : i32
      scf.if %cond3A_66 {
        %dma_wait3A = arith.constant 0 : i32
        %dma_wait3A_107 = tpu.memref_slice %arg3[%dma_wait3A] : memref<320000xi32, #tpu.memory_space<hbm>> -> memref<128xi32, #tpu.memory_space<hbm>>
        %dma_wait3A_108 = arith.constant 0 : i32
        %dma_wait3A_109 = tpu.memref_slice %arg3[%dma_wait3A_108] : memref<320000xi32, #tpu.memory_space<hbm>> -> memref<128xi32, #tpu.memory_space<hbm>>
        tpu.wait_dma2 semaphore(%arg19 : memref<!tpu.dma_semaphore, #tpu.memory_space<semaphore_mem>>) src(%dma_wait3A_109 : memref<128xi32, #tpu.memory_space<hbm>>) dst(%arg6 : memref<128xi32, #tpu.memory_space<vmem>>)
        %dma_wait3A_110 = arith.constant 0 : i32
        %dma_wait3A_111 = tpu.memref_slice %arg3[%dma_wait3A_110] : memref<320000xi32, #tpu.memory_space<hbm>> -> memref<128xi32, #tpu.memory_space<hbm>>
        %dma_wait3A_112 = arith.constant 0 : i32
        %dma_wait3A_113 = tpu.memref_slice %arg3[%dma_wait3A_112] : memref<320000xi32, #tpu.memory_space<hbm>> -> memref<128xi32, #tpu.memory_space<hbm>>
        tpu.wait_dma2 semaphore(%arg19 : memref<!tpu.dma_semaphore, #tpu.memory_space<semaphore_mem>>) src(%dma_wait3A_113 : memref<128xi32, #tpu.memory_space<hbm>>) dst(%arg9 : memref<128xi32, #tpu.memory_space<vmem>>)
        %dma_start3A = arith.constant 0 : i32
        %dma_start3A_114 = arith.constant 0 : i32
        %dma_start3A_115 = tpu.memref_slice %arg2[%dma_start3A, %dma_start3A_114] : memref<10000x128xf32, #tpu.memory_space<hbm>> -> memref<10000x128xf32, #tpu.memory_space<hbm>>
        tpu.enqueue_indirect_dma source(%dma_start3A_115 : memref<10000x128xf32, #tpu.memory_space<hbm>>) target(%arg12 : memref<128x128xf32, #tpu.memory_space<vmem>>) offsets(%arg6 : memref<128xi32, #tpu.memory_space<vmem>>) semaphore(%arg16 : memref<!tpu.dma_semaphore, #tpu.memory_space<semaphore_mem>>)
      } else {
      }
      %lt3A_67 = arith.constant 2500 : i32
      %lt3A_68 = arith.cmpi slt, %add3A_39, %lt3A_67 : i32
      %convert_element_type3A_69 = arith.extui %lt3A_68 : i1 to i32
      %cond3A_70 = arith.constant 0 : i32
      %cond3A_71 = arith.cmpi ne, %convert_element_type3A_69, %cond3A_70 : i32
      scf.if %cond3A_71 {
        %dma_wait3A = arith.constant 0 : i32
        %dma_wait3A_107 = tpu.memref_slice %arg3[%dma_wait3A] : memref<320000xi32, #tpu.memory_space<hbm>> -> memref<128xi32, #tpu.memory_space<hbm>>
        %dma_wait3A_108 = arith.constant 0 : i32
        %dma_wait3A_109 = tpu.memref_slice %arg3[%dma_wait3A_108] : memref<320000xi32, #tpu.memory_space<hbm>> -> memref<128xi32, #tpu.memory_space<hbm>>
        tpu.wait_dma2 semaphore(%arg20 : memref<!tpu.dma_semaphore, #tpu.memory_space<semaphore_mem>>) src(%dma_wait3A_109 : memref<128xi32, #tpu.memory_space<hbm>>) dst(%arg7 : memref<128xi32, #tpu.memory_space<vmem>>)
        %dma_wait3A_110 = arith.constant 0 : i32
        %dma_wait3A_111 = tpu.memref_slice %arg3[%dma_wait3A_110] : memref<320000xi32, #tpu.memory_space<hbm>> -> memref<128xi32, #tpu.memory_space<hbm>>
        %dma_wait3A_112 = arith.constant 0 : i32
        %dma_wait3A_113 = tpu.memref_slice %arg3[%dma_wait3A_112] : memref<320000xi32, #tpu.memory_space<hbm>> -> memref<128xi32, #tpu.memory_space<hbm>>
        tpu.wait_dma2 semaphore(%arg20 : memref<!tpu.dma_semaphore, #tpu.memory_space<semaphore_mem>>) src(%dma_wait3A_113 : memref<128xi32, #tpu.memory_space<hbm>>) dst(%arg10 : memref<128xi32, #tpu.memory_space<vmem>>)
        %dma_start3A = arith.constant 0 : i32
        %dma_start3A_114 = arith.constant 0 : i32
        %dma_start3A_115 = tpu.memref_slice %arg2[%dma_start3A, %dma_start3A_114] : memref<10000x128xf32, #tpu.memory_space<hbm>> -> memref<10000x128xf32, #tpu.memory_space<hbm>>
        tpu.enqueue_indirect_dma source(%dma_start3A_115 : memref<10000x128xf32, #tpu.memory_space<hbm>>) target(%arg13 : memref<128x128xf32, #tpu.memory_space<vmem>>) offsets(%arg7 : memref<128xi32, #tpu.memory_space<vmem>>) semaphore(%arg17 : memref<!tpu.dma_semaphore, #tpu.memory_space<semaphore_mem>>)
      } else {
      }
      %lt3A_72 = arith.constant 2500 : i32
      %lt3A_73 = arith.cmpi slt, %add3A_46, %lt3A_72 : i32
      %convert_element_type3A_74 = arith.extui %lt3A_73 : i1 to i32
      %cond3A_75 = arith.constant 0 : i32
      %cond3A_76 = arith.cmpi ne, %convert_element_type3A_74, %cond3A_75 : i32
      scf.if %cond3A_76 {
        %dma_wait3A = arith.constant 0 : i32
        %dma_wait3A_107 = tpu.memref_slice %arg3[%dma_wait3A] : memref<320000xi32, #tpu.memory_space<hbm>> -> memref<128xi32, #tpu.memory_space<hbm>>
        %dma_wait3A_108 = arith.constant 0 : i32
        %dma_wait3A_109 = tpu.memref_slice %arg3[%dma_wait3A_108] : memref<320000xi32, #tpu.memory_space<hbm>> -> memref<128xi32, #tpu.memory_space<hbm>>
        tpu.wait_dma2 semaphore(%arg21 : memref<!tpu.dma_semaphore, #tpu.memory_space<semaphore_mem>>) src(%dma_wait3A_109 : memref<128xi32, #tpu.memory_space<hbm>>) dst(%arg8 : memref<128xi32, #tpu.memory_space<vmem>>)
        %dma_wait3A_110 = arith.constant 0 : i32
        %dma_wait3A_111 = tpu.memref_slice %arg3[%dma_wait3A_110] : memref<320000xi32, #tpu.memory_space<hbm>> -> memref<128xi32, #tpu.memory_space<hbm>>
        %dma_wait3A_112 = arith.constant 0 : i32
        %dma_wait3A_113 = tpu.memref_slice %arg3[%dma_wait3A_112] : memref<320000xi32, #tpu.memory_space<hbm>> -> memref<128xi32, #tpu.memory_space<hbm>>
        tpu.wait_dma2 semaphore(%arg21 : memref<!tpu.dma_semaphore, #tpu.memory_space<semaphore_mem>>) src(%dma_wait3A_113 : memref<128xi32, #tpu.memory_space<hbm>>) dst(%arg11 : memref<128xi32, #tpu.memory_space<vmem>>)
        %dma_start3A = arith.constant 0 : i32
        %dma_start3A_114 = arith.constant 0 : i32
        %dma_start3A_115 = tpu.memref_slice %arg2[%dma_start3A, %dma_start3A_114] : memref<10000x128xf32, #tpu.memory_space<hbm>> -> memref<10000x128xf32, #tpu.memory_space<hbm>>
        tpu.enqueue_indirect_dma source(%dma_start3A_115 : memref<10000x128xf32, #tpu.memory_space<hbm>>) target(%arg14 : memref<128x128xf32, #tpu.memory_space<vmem>>) offsets(%arg8 : memref<128xi32, #tpu.memory_space<vmem>>) semaphore(%arg18 : memref<!tpu.dma_semaphore, #tpu.memory_space<semaphore_mem>>)
      } else {
      }
      %lt3A_77 = arith.constant 2500 : i32
      %lt3A_78 = arith.cmpi slt, %add3A_32, %lt3A_77 : i32
      %convert_element_type3A_79 = arith.extui %lt3A_78 : i1 to i32
      %cond3A_80 = arith.constant 0 : i32
      %cond3A_81 = arith.cmpi ne, %convert_element_type3A_79, %cond3A_80 : i32
      scf.if %cond3A_81 {
        %dma_wait3A = arith.constant 0 : i32
        %dma_wait3A_107 = arith.constant 0 : i32
        %dma_wait3A_108 = tpu.memref_slice %arg2[%dma_wait3A, %dma_wait3A_107] : memref<10000x128xf32, #tpu.memory_space<hbm>> -> memref<128x128xf32, #tpu.memory_space<hbm>>
        %dma_wait3A_109 = arith.constant 0 : i32
        %dma_wait3A_110 = arith.constant 0 : i32
        %dma_wait3A_111 = tpu.memref_slice %arg2[%dma_wait3A_109, %dma_wait3A_110] : memref<10000x128xf32, #tpu.memory_space<hbm>> -> memref<128x128xf32, #tpu.memory_space<hbm>>
        tpu.wait_dma2 semaphore(%arg16 : memref<!tpu.dma_semaphore, #tpu.memory_space<semaphore_mem>>) src(%dma_wait3A_111 : memref<128x128xf32, #tpu.memory_space<hbm>>) dst(%arg12 : memref<128x128xf32, #tpu.memory_space<vmem>>)
        %dma_start3A = arith.constant 0 : i32
        %dma_start3A_112 = arith.constant 0 : i32
        %dma_start3A_113 = tpu.memref_slice %arg15[%dma_start3A, %dma_start3A_112] : memref<10000x128xf32, #tpu.memory_space<vmem_shared>> -> memref<10000x128xf32, #tpu.memory_space<vmem_shared>>
        tpu.enqueue_indirect_dma source(%arg12 : memref<128x128xf32, #tpu.memory_space<vmem>>) target(%dma_start3A_113 : memref<10000x128xf32, #tpu.memory_space<vmem_shared>>) offsets(%arg9 : memref<128xi32, #tpu.memory_space<vmem>>) semaphore(%arg22 : memref<!tpu.dma_semaphore, #tpu.memory_space<semaphore_mem>>) {add = true}
      } else {
      }
      %lt3A_82 = arith.constant 2500 : i32
      %lt3A_83 = arith.cmpi slt, %add3A_39, %lt3A_82 : i32
      %convert_element_type3A_84 = arith.extui %lt3A_83 : i1 to i32
      %cond3A_85 = arith.constant 0 : i32
      %cond3A_86 = arith.cmpi ne, %convert_element_type3A_84, %cond3A_85 : i32
      scf.if %cond3A_86 {
        %dma_wait3A = arith.constant 0 : i32
        %dma_wait3A_107 = arith.constant 0 : i32
        %dma_wait3A_108 = tpu.memref_slice %arg2[%dma_wait3A, %dma_wait3A_107] : memref<10000x128xf32, #tpu.memory_space<hbm>> -> memref<128x128xf32, #tpu.memory_space<hbm>>
        %dma_wait3A_109 = arith.constant 0 : i32
        %dma_wait3A_110 = arith.constant 0 : i32
        %dma_wait3A_111 = tpu.memref_slice %arg2[%dma_wait3A_109, %dma_wait3A_110] : memref<10000x128xf32, #tpu.memory_space<hbm>> -> memref<128x128xf32, #tpu.memory_space<hbm>>
        tpu.wait_dma2 semaphore(%arg17 : memref<!tpu.dma_semaphore, #tpu.memory_space<semaphore_mem>>) src(%dma_wait3A_111 : memref<128x128xf32, #tpu.memory_space<hbm>>) dst(%arg13 : memref<128x128xf32, #tpu.memory_space<vmem>>)
        %dma_start3A = arith.constant 0 : i32
        %dma_start3A_112 = arith.constant 0 : i32
        %dma_start3A_113 = tpu.memref_slice %arg15[%dma_start3A, %dma_start3A_112] : memref<10000x128xf32, #tpu.memory_space<vmem_shared>> -> memref<10000x128xf32, #tpu.memory_space<vmem_shared>>
        tpu.enqueue_indirect_dma source(%arg13 : memref<128x128xf32, #tpu.memory_space<vmem>>) target(%dma_start3A_113 : memref<10000x128xf32, #tpu.memory_space<vmem_shared>>) offsets(%arg10 : memref<128xi32, #tpu.memory_space<vmem>>) semaphore(%arg23 : memref<!tpu.dma_semaphore, #tpu.memory_space<semaphore_mem>>) {add = true}
      } else {
      }
      %lt3A_87 = arith.constant 2500 : i32
      %lt3A_88 = arith.cmpi slt, %add3A_46, %lt3A_87 : i32
      %convert_element_type3A_89 = arith.extui %lt3A_88 : i1 to i32
      %cond3A_90 = arith.constant 0 : i32
      %cond3A_91 = arith.cmpi ne, %convert_element_type3A_89, %cond3A_90 : i32
      scf.if %cond3A_91 {
        %dma_wait3A = arith.constant 0 : i32
        %dma_wait3A_107 = arith.constant 0 : i32
        %dma_wait3A_108 = tpu.memref_slice %arg2[%dma_wait3A, %dma_wait3A_107] : memref<10000x128xf32, #tpu.memory_space<hbm>> -> memref<128x128xf32, #tpu.memory_space<hbm>>
        %dma_wait3A_109 = arith.constant 0 : i32
        %dma_wait3A_110 = arith.constant 0 : i32
        %dma_wait3A_111 = tpu.memref_slice %arg2[%dma_wait3A_109, %dma_wait3A_110] : memref<10000x128xf32, #tpu.memory_space<hbm>> -> memref<128x128xf32, #tpu.memory_space<hbm>>
        tpu.wait_dma2 semaphore(%arg18 : memref<!tpu.dma_semaphore, #tpu.memory_space<semaphore_mem>>) src(%dma_wait3A_111 : memref<128x128xf32, #tpu.memory_space<hbm>>) dst(%arg14 : memref<128x128xf32, #tpu.memory_space<vmem>>)
        %dma_start3A = arith.constant 0 : i32
        %dma_start3A_112 = arith.constant 0 : i32
        %dma_start3A_113 = tpu.memref_slice %arg15[%dma_start3A, %dma_start3A_112] : memref<10000x128xf32, #tpu.memory_space<vmem_shared>> -> memref<10000x128xf32, #tpu.memory_space<vmem_shared>>
        tpu.enqueue_indirect_dma source(%arg14 : memref<128x128xf32, #tpu.memory_space<vmem>>) target(%dma_start3A_113 : memref<10000x128xf32, #tpu.memory_space<vmem_shared>>) offsets(%arg11 : memref<128xi32, #tpu.memory_space<vmem>>) semaphore(%arg24 : memref<!tpu.dma_semaphore, #tpu.memory_space<semaphore_mem>>) {add = true}
      } else {
      }
      %lt3A_92 = arith.constant 2500 : i32
      %lt3A_93 = arith.cmpi slt, %add3A_32, %lt3A_92 : i32
      %convert_element_type3A_94 = arith.extui %lt3A_93 : i1 to i32
      %cond3A_95 = arith.constant 0 : i32
      %cond3A_96 = arith.cmpi ne, %convert_element_type3A_94, %cond3A_95 : i32
      scf.if %cond3A_96 {
        %dma_wait3A = arith.constant 0 : i32
        %dma_wait3A_107 = arith.constant 0 : i32
        %dma_wait3A_108 = tpu.memref_slice %arg2[%dma_wait3A, %dma_wait3A_107] : memref<10000x128xf32, #tpu.memory_space<hbm>> -> memref<128x128xf32, #tpu.memory_space<hbm>>
        %dma_wait3A_109 = arith.constant 0 : i32
        %dma_wait3A_110 = arith.constant 0 : i32
        %dma_wait3A_111 = tpu.memref_slice %arg2[%dma_wait3A_109, %dma_wait3A_110] : memref<10000x128xf32, #tpu.memory_space<hbm>> -> memref<128x128xf32, #tpu.memory_space<hbm>>
        tpu.wait_dma2 semaphore(%arg22 : memref<!tpu.dma_semaphore, #tpu.memory_space<semaphore_mem>>) src(%dma_wait3A_111 : memref<128x128xf32, #tpu.memory_space<hbm>>) dst(%arg12 : memref<128x128xf32, #tpu.memory_space<vmem>>)
      } else {
      }
      %lt3A_97 = arith.constant 2500 : i32
      %lt3A_98 = arith.cmpi slt, %add3A_39, %lt3A_97 : i32
      %convert_element_type3A_99 = arith.extui %lt3A_98 : i1 to i32
      %cond3A_100 = arith.constant 0 : i32
      %cond3A_101 = arith.cmpi ne, %convert_element_type3A_99, %cond3A_100 : i32
      scf.if %cond3A_101 {
        %dma_wait3A = arith.constant 0 : i32
        %dma_wait3A_107 = arith.constant 0 : i32
        %dma_wait3A_108 = tpu.memref_slice %arg2[%dma_wait3A, %dma_wait3A_107] : memref<10000x128xf32, #tpu.memory_space<hbm>> -> memref<128x128xf32, #tpu.memory_space<hbm>>
        %dma_wait3A_109 = arith.constant 0 : i32
        %dma_wait3A_110 = arith.constant 0 : i32
        %dma_wait3A_111 = tpu.memref_slice %arg2[%dma_wait3A_109, %dma_wait3A_110] : memref<10000x128xf32, #tpu.memory_space<hbm>> -> memref<128x128xf32, #tpu.memory_space<hbm>>
        tpu.wait_dma2 semaphore(%arg23 : memref<!tpu.dma_semaphore, #tpu.memory_space<semaphore_mem>>) src(%dma_wait3A_111 : memref<128x128xf32, #tpu.memory_space<hbm>>) dst(%arg13 : memref<128x128xf32, #tpu.memory_space<vmem>>)
      } else {
      }
      %lt3A_102 = arith.constant 2500 : i32
      %lt3A_103 = arith.cmpi slt, %add3A_46, %lt3A_102 : i32
      %convert_element_type3A_104 = arith.extui %lt3A_103 : i1 to i32
      %cond3A_105 = arith.constant 0 : i32
      %cond3A_106 = arith.cmpi ne, %convert_element_type3A_104, %cond3A_105 : i32
      scf.if %cond3A_106 {
        %dma_wait3A = arith.constant 0 : i32
        %dma_wait3A_107 = arith.constant 0 : i32
        %dma_wait3A_108 = tpu.memref_slice %arg2[%dma_wait3A, %dma_wait3A_107] : memref<10000x128xf32, #tpu.memory_space<hbm>> -> memref<128x128xf32, #tpu.memory_space<hbm>>
        %dma_wait3A_109 = arith.constant 0 : i32
        %dma_wait3A_110 = arith.constant 0 : i32
        %dma_wait3A_111 = tpu.memref_slice %arg2[%dma_wait3A_109, %dma_wait3A_110] : memref<10000x128xf32, #tpu.memory_space<hbm>> -> memref<128x128xf32, #tpu.memory_space<hbm>>
        tpu.wait_dma2 semaphore(%arg24 : memref<!tpu.dma_semaphore, #tpu.memory_space<semaphore_mem>>) src(%dma_wait3A_111 : memref<128x128xf32, #tpu.memory_space<hbm>>) dst(%arg14 : memref<128x128xf32, #tpu.memory_space<vmem>>)
      } else {
      }
    }
    %scan3A_13 = arith.constant 27 : i32
    %barrier3A_14 = arith.constant 0 : index
    tpu.barrier barrier_id(%barrier3A_14)
    %lt3A_15 = arith.constant 15 : i32
    %lt3A_16 = arith.cmpi slt, %arg1, %lt3A_15 : i32
    %convert_element_type3A_17 = arith.extui %lt3A_16 : i1 to i32
    %cond3A_18 = arith.constant 0 : i32
    %cond3A_19 = arith.cmpi ne, %convert_element_type3A_17, %cond3A_18 : i32
    scf.if %cond3A_19 {
      "tpu.region"() ({
        %run_scoped3A = tpu.sem_alloc : memref<!tpu.dma_semaphore, #tpu.memory_space<semaphore_mem>>
        %dma_start3A = arith.constant 0 : i32
        %dma_start3A_25 = arith.constant 0 : i32
        %dma_start3A_26 = tpu.memref_slice %arg5[%arg0, %dma_start3A, %dma_start3A_25] : memref<2x10000x128xf32, #tpu.memory_space<hbm>> -> memref<1x10000x128xf32, #tpu.memory_space<hbm>>
        %dma_start3A_27 = tpu.memref_squeeze %dma_start3A_26 : memref<1x10000x128xf32, #tpu.memory_space<hbm>> -> memref<10000x128xf32, #tpu.memory_space<hbm>>
        %dma_start3A_28 = arith.constant 0 : i32
        %dma_start3A_29 = tpu.memref_slice %dma_start3A_27[%mul3A_2, %dma_start3A_28] : memref<10000x128xf32, #tpu.memory_space<hbm>> -> memref<624x128xf32, #tpu.memory_space<hbm>>
        %dma_start3A_30 = arith.constant 0 : i32
        %dma_start3A_31 = tpu.memref_slice %arg15[%mul3A_2, %dma_start3A_30] : memref<10000x128xf32, #tpu.memory_space<vmem_shared>> -> memref<624x128xf32, #tpu.memory_space<vmem_shared>>
        tpu.enqueue_dma source(%dma_start3A_31 : memref<624x128xf32, #tpu.memory_space<vmem_shared>>) target(%dma_start3A_29 : memref<624x128xf32, #tpu.memory_space<hbm>>) target_semaphore(%run_scoped3A : memref<!tpu.dma_semaphore, #tpu.memory_space<semaphore_mem>>)
        %dma_wait3A = arith.constant 0 : i32
        %dma_wait3A_32 = arith.constant 0 : i32
        %dma_wait3A_33 = tpu.memref_slice %arg5[%arg0, %dma_wait3A, %dma_wait3A_32] : memref<2x10000x128xf32, #tpu.memory_space<hbm>> -> memref<1x10000x128xf32, #tpu.memory_space<hbm>>
        %dma_wait3A_34 = tpu.memref_squeeze %dma_wait3A_33 : memref<1x10000x128xf32, #tpu.memory_space<hbm>> -> memref<10000x128xf32, #tpu.memory_space<hbm>>
        %dma_wait3A_35 = arith.constant 0 : i32
        %dma_wait3A_36 = tpu.memref_slice %dma_wait3A_34[%mul3A_2, %dma_wait3A_35] : memref<10000x128xf32, #tpu.memory_space<hbm>> -> memref<624x128xf32, #tpu.memory_space<hbm>>
        %dma_wait3A_37 = arith.constant 0 : i32
        %dma_wait3A_38 = tpu.memref_slice %arg15[%mul3A_2, %dma_wait3A_37] : memref<10000x128xf32, #tpu.memory_space<vmem_shared>> -> memref<624x128xf32, #tpu.memory_space<vmem_shared>>
        tpu.wait_dma2 semaphore(%run_scoped3A : memref<!tpu.dma_semaphore, #tpu.memory_space<semaphore_mem>>) src(%dma_wait3A_38 : memref<624x128xf32, #tpu.memory_space<vmem_shared>>) dst(%dma_wait3A_36 : memref<624x128xf32, #tpu.memory_space<hbm>>)
        tpu.yield
      }) : () -> ()
    } else {
    }
    %eq3A_20 = arith.constant 15 : i32
    %eq3A_21 = arith.cmpi eq, %arg1, %eq3A_20 : i32
    %convert_element_type3A_22 = arith.extui %eq3A_21 : i1 to i32
    %cond3A_23 = arith.constant 0 : i32
    %cond3A_24 = arith.cmpi ne, %convert_element_type3A_22, %cond3A_23 : i32
    scf.if %cond3A_24 {
      "tpu.region"() ({
        %run_scoped3A = tpu.sem_alloc : memref<!tpu.dma_semaphore, #tpu.memory_space<semaphore_mem>>
        %dma_start3A = arith.constant 0 : i32
        %dma_start3A_25 = arith.constant 0 : i32
        %dma_start3A_26 = tpu.memref_slice %arg5[%arg0, %dma_start3A, %dma_start3A_25] : memref<2x10000x128xf32, #tpu.memory_space<hbm>> -> memref<1x10000x128xf32, #tpu.memory_space<hbm>>
        %dma_start3A_27 = tpu.memref_squeeze %dma_start3A_26 : memref<1x10000x128xf32, #tpu.memory_space<hbm>> -> memref<10000x128xf32, #tpu.memory_space<hbm>>
        %dma_start3A_28 = arith.constant 0 : i32
        %dma_start3A_29 = tpu.memref_slice %dma_start3A_27[%mul3A_2, %dma_start3A_28] : memref<10000x128xf32, #tpu.memory_space<hbm>> -> memref<640x128xf32, #tpu.memory_space<hbm>>
        %dma_start3A_30 = arith.constant 0 : i32
        %dma_start3A_31 = tpu.memref_slice %arg15[%mul3A_2, %dma_start3A_30] : memref<10000x128xf32, #tpu.memory_space<vmem_shared>> -> memref<640x128xf32, #tpu.memory_space<vmem_shared>>
        tpu.enqueue_dma source(%dma_start3A_31 : memref<640x128xf32, #tpu.memory_space<vmem_shared>>) target(%dma_start3A_29 : memref<640x128xf32, #tpu.memory_space<hbm>>) target_semaphore(%run_scoped3A : memref<!tpu.dma_semaphore, #tpu.memory_space<semaphore_mem>>)
        %dma_wait3A = arith.constant 0 : i32
        %dma_wait3A_32 = arith.constant 0 : i32
        %dma_wait3A_33 = tpu.memref_slice %arg5[%arg0, %dma_wait3A, %dma_wait3A_32] : memref<2x10000x128xf32, #tpu.memory_space<hbm>> -> memref<1x10000x128xf32, #tpu.memory_space<hbm>>
        %dma_wait3A_34 = tpu.memref_squeeze %dma_wait3A_33 : memref<1x10000x128xf32, #tpu.memory_space<hbm>> -> memref<10000x128xf32, #tpu.memory_space<hbm>>
        %dma_wait3A_35 = arith.constant 0 : i32
        %dma_wait3A_36 = tpu.memref_slice %dma_wait3A_34[%mul3A_2, %dma_wait3A_35] : memref<10000x128xf32, #tpu.memory_space<hbm>> -> memref<640x128xf32, #tpu.memory_space<hbm>>
        %dma_wait3A_37 = arith.constant 0 : i32
        %dma_wait3A_38 = tpu.memref_slice %arg15[%mul3A_2, %dma_wait3A_37] : memref<10000x128xf32, #tpu.memory_space<vmem_shared>> -> memref<640x128xf32, #tpu.memory_space<vmem_shared>>
        tpu.wait_dma2 semaphore(%run_scoped3A : memref<!tpu.dma_semaphore, #tpu.memory_space<semaphore_mem>>) src(%dma_wait3A_38 : memref<640x128xf32, #tpu.memory_space<vmem_shared>>) dst(%dma_wait3A_36 : memref<640x128xf32, #tpu.memory_space<hbm>>)
        tpu.yield
      }) : () -> ()
    } else {
    }
    return
  }
}

module attributes {stable_mosaic.version = 14 : i64} {
  func.func @_ta_body(%arg0: i32, %arg1: memref<2x2000x128xf32, #tpu.memory_space<vmem>>, %arg2: memref<2000x128xf32, #tpu.memory_space<vmem>>, %arg3: memref<2000x1xf32, #tpu.memory_space<vmem>>, %arg4: memref<128x128xf32, #tpu.memory_space<vmem>>, %arg5: memref<2000x128xf32, #tpu.memory_space<vmem>>) attributes {dimension_semantics = [#tpu.dimension_semantics<arbitrary>], iteration_bounds = array<i64: 5>, scalar_prefetch = 0 : i64, scratch_operands = 0 : i64, tpu.core_type = #tpu.core_type<tc>, window_params = [{transform_indices = @transform_0, window_bounds = array<i64: 2, 2000, 128>}, {transform_indices = @transform_1, window_bounds = array<i64: 2000, 128>}, {transform_indices = @transform_2, window_bounds = array<i64: 2000, 1>}, {pipeline_mode = #tpu.pipeline_mode<synchronous>, transform_indices = @transform_3, window_bounds = array<i64: 128, 128>}, {transform_indices = @transform_4, window_bounds = array<i64: 2000, 128>}]} {
    %get3A = arith.constant 0 : index
    %get3A_0 = arith.constant 0 : index
    %get3A_1 = vector.load %arg3[%get3A, %get3A_0] : memref<2000x1xf32, #tpu.memory_space<vmem>>, vector<2000x1xf32>
    %get3A_2 = arith.constant 0 : index
    %get3A_3 = arith.constant 0 : index
    %get3A_4 = arith.constant 0 : index
    %get3A_5 = vector.load %arg1[%get3A_2, %get3A_3, %get3A_4] : memref<2x2000x128xf32, #tpu.memory_space<vmem>>, vector<1x2000x128xf32>
    %get3A_6 = vector.shape_cast %get3A_5 : vector<1x2000x128xf32> to vector<2000x128xf32>
    %get3A_7 = arith.constant 1 : index
    %get3A_8 = arith.constant 0 : index
    %get3A_9 = arith.constant 0 : index
    %get3A_10 = vector.load %arg1[%get3A_7, %get3A_8, %get3A_9] : memref<2x2000x128xf32, #tpu.memory_space<vmem>>, vector<1x2000x128xf32>
    %get3A_11 = vector.shape_cast %get3A_10 : vector<1x2000x128xf32> to vector<2000x128xf32>
    %add3A = arith.addf %get3A_6, %get3A_11 : vector<2000x128xf32>
    %get3A_12 = arith.constant 0 : index
    %get3A_13 = arith.constant 0 : index
    %get3A_14 = vector.load %arg2[%get3A_12, %get3A_13] : memref<2000x128xf32, #tpu.memory_space<vmem>>, vector<2000x128xf32>
    %sub3A = arith.subf %add3A, %get3A_14 : vector<2000x128xf32>
    %mul3A = vector.broadcast %get3A_1 : vector<2000x1xf32> to vector<2000x128xf32>
    %mul3A_15 = arith.mulf %mul3A, %sub3A : vector<2000x128xf32>
    %max3A = arith.constant 0.000000e+00 : f32
    %max3A_16 = vector.broadcast %max3A : f32 to vector<2000x128xf32>
    %max3A_17 = arith.maximumf %mul3A_15, %max3A_16 : vector<2000x128xf32>
    %get3A_18 = arith.constant 0 : index
    %get3A_19 = arith.constant 0 : index
    %get3A_20 = vector.load %arg4[%get3A_18, %get3A_19] : memref<128x128xf32, #tpu.memory_space<vmem>>, vector<128x128xf32>
    %dot_general3A = arith.constant dense<0.000000e+00> : vector<2000x128xf32>
    %dot_general3A_21 = tpu.matmul %max3A_17, %get3A_20, %dot_general3A {dimension_numbers = #tpu.dot_dimension_numbers<[1], [0], [0], [1], [0, 0, 1, 1], [], []>, transpose_lhs_hint = false} : vector<2000x128xf32>, vector<128x128xf32>, vector<2000x128xf32> -> vector<2000x128xf32>
    %mul3A_22 = vector.broadcast %get3A_1 : vector<2000x1xf32> to vector<2000x128xf32>
    %mul3A_23 = arith.mulf %mul3A_22, %dot_general3A_21 : vector<2000x128xf32>
    %swap3A = arith.constant 0 : index
    %swap3A_24 = arith.constant 0 : index
    %swap3A_25 = vector.load %arg5[%swap3A, %swap3A_24] : memref<2000x128xf32, #tpu.memory_space<vmem>>, vector<2000x128xf32>
    tpu.vector_store %arg5[%swap3A, %swap3A_24], %mul3A_23 {strides = array<i32>} : memref<2000x128xf32, #tpu.memory_space<vmem>>, vector<2000x128xf32>,
    return
  }
  func.func @transform_0(%arg0: i32) -> (i32, i32, i32) {
    %c0_i32 = arith.constant 0 : i32
    %c0_i32_0 = arith.constant 0 : i32
    %c0_i32_1 = arith.constant 0 : i32
    return %c0_i32, %arg0, %c0_i32_0 : i32, i32, i32
  }
  func.func @transform_1(%arg0: i32) -> (i32, i32) {
    %c0_i32 = arith.constant 0 : i32
    %c0_i32_0 = arith.constant 0 : i32
    return %arg0, %c0_i32 : i32, i32
  }
  func.func @transform_2(%arg0: i32) -> (i32, i32) {
    %c0_i32 = arith.constant 0 : i32
    %c0_i32_0 = arith.constant 0 : i32
    return %arg0, %c0_i32 : i32, i32
  }
  func.func @transform_3(%arg0: i32) -> (i32, i32) {
    %c0_i32 = arith.constant 0 : i32
    %c0_i32_0 = arith.constant 0 : i32
    %c0_i32_1 = arith.constant 0 : i32
    return %c0_i32, %c0_i32_0 : i32, i32
  }
  func.func @transform_4(%arg0: i32) -> (i32, i32) {
    %c0_i32 = arith.constant 0 : i32
    %c0_i32_0 = arith.constant 0 : i32
    return %arg0, %c0_i32 : i32, i32
  }
}

module attributes {stable_mosaic.version = 14 : i64} {
  func.func @_t0_body(%arg0: i32, %arg1: memref<2x2000x1xf32, #tpu.memory_space<vmem>>, %arg2: memref<2000x128xf32, #tpu.memory_space<vmem>>, %arg3: memref<128x128xf32, #tpu.memory_space<vmem>>, %arg4: memref<2000x1xf32, #tpu.memory_space<vmem>>, %arg5: memref<2000x128xf32, #tpu.memory_space<vmem>>) attributes {dimension_semantics = [#tpu.dimension_semantics<arbitrary>], iteration_bounds = array<i64: 5>, scalar_prefetch = 0 : i64, scratch_operands = 0 : i64, tpu.core_type = #tpu.core_type<tc>, window_params = [{transform_indices = @transform_0, window_bounds = array<i64: 2, 2000, 1>}, {transform_indices = @transform_1, window_bounds = array<i64: 2000, 128>}, {pipeline_mode = #tpu.pipeline_mode<synchronous>, transform_indices = @transform_2, window_bounds = array<i64: 128, 128>}, {transform_indices = @transform_3, window_bounds = array<i64: 2000, 1>}, {transform_indices = @transform_4, window_bounds = array<i64: 2000, 128>}]} {
    %get3A = arith.constant 0 : index
    %get3A_0 = arith.constant 0 : index
    %get3A_1 = arith.constant 0 : index
    %get3A_2 = vector.load %arg1[%get3A, %get3A_0, %get3A_1] : memref<2x2000x1xf32, #tpu.memory_space<vmem>>, vector<1x2000x1xf32>
    %get3A_3 = vector.shape_cast %get3A_2 : vector<1x2000x1xf32> to vector<2000x1xf32>
    %get3A_4 = arith.constant 1 : index
    %get3A_5 = arith.constant 0 : index
    %get3A_6 = arith.constant 0 : index
    %get3A_7 = vector.load %arg1[%get3A_4, %get3A_5, %get3A_6] : memref<2x2000x1xf32, #tpu.memory_space<vmem>>, vector<1x2000x1xf32>
    %get3A_8 = vector.shape_cast %get3A_7 : vector<1x2000x1xf32> to vector<2000x1xf32>
    %add3A = arith.addf %get3A_3, %get3A_8 : vector<2000x1xf32>
    %add3A_9 = arith.constant 1.000000e+00 : f32
    %add3A_10 = vector.broadcast %add3A_9 : f32 to vector<2000x1xf32>
    %add3A_11 = arith.addf %add3A, %add3A_10 : vector<2000x1xf32>
    %rsqrt3A = math.rsqrt %add3A_11 : vector<2000x1xf32>
    %swap3A = arith.constant 0 : index
    %swap3A_12 = arith.constant 0 : index
    %swap3A_13 = vector.load %arg4[%swap3A, %swap3A_12] : memref<2000x1xf32, #tpu.memory_space<vmem>>, vector<2000x1xf32>
    tpu.vector_store %arg4[%swap3A, %swap3A_12], %rsqrt3A {strides = array<i32>} : memref<2000x1xf32, #tpu.memory_space<vmem>>, vector<2000x1xf32>,
    %get3A_14 = arith.constant 0 : index
    %get3A_15 = arith.constant 0 : index
    %get3A_16 = vector.load %arg2[%get3A_14, %get3A_15] : memref<2000x128xf32, #tpu.memory_space<vmem>>, vector<2000x128xf32>
    %get3A_17 = arith.constant 0 : index
    %get3A_18 = arith.constant 0 : index
    %get3A_19 = vector.load %arg3[%get3A_17, %get3A_18] : memref<128x128xf32, #tpu.memory_space<vmem>>, vector<128x128xf32>
    %dot_general3A = arith.constant dense<0.000000e+00> : vector<2000x128xf32>
    %dot_general3A_20 = tpu.matmul %get3A_16, %get3A_19, %dot_general3A {dimension_numbers = #tpu.dot_dimension_numbers<[1], [0], [0], [1], [0, 0, 1, 1], [], []>, transpose_lhs_hint = false} : vector<2000x128xf32>, vector<128x128xf32>, vector<2000x128xf32> -> vector<2000x128xf32>
    %mul3A = vector.broadcast %rsqrt3A : vector<2000x1xf32> to vector<2000x128xf32>
    %mul3A_21 = arith.mulf %mul3A, %dot_general3A_20 : vector<2000x128xf32>
    %swap3A_22 = arith.constant 0 : index
    %swap3A_23 = arith.constant 0 : index
    %swap3A_24 = vector.load %arg5[%swap3A_22, %swap3A_23] : memref<2000x128xf32, #tpu.memory_space<vmem>>, vector<2000x128xf32>
    tpu.vector_store %arg5[%swap3A_22, %swap3A_23], %mul3A_21 {strides = array<i32>} : memref<2000x128xf32, #tpu.memory_space<vmem>>, vector<2000x128xf32>,
    return
  }
  func.func @transform_0(%arg0: i32) -> (i32, i32, i32) {
    %c0_i32 = arith.constant 0 : i32
    %c0_i32_0 = arith.constant 0 : i32
    %c0_i32_1 = arith.constant 0 : i32
    return %c0_i32, %arg0, %c0_i32_0 : i32, i32, i32
  }
  func.func @transform_1(%arg0: i32) -> (i32, i32) {
    %c0_i32 = arith.constant 0 : i32
    %c0_i32_0 = arith.constant 0 : i32
    return %arg0, %c0_i32 : i32, i32
  }
  func.func @transform_2(%arg0: i32) -> (i32, i32) {
    %c0_i32 = arith.constant 0 : i32
    %c0_i32_0 = arith.constant 0 : i32
    %c0_i32_1 = arith.constant 0 : i32
    return %c0_i32, %c0_i32_0 : i32, i32
  }
  func.func @transform_3(%arg0: i32) -> (i32, i32) {
    %c0_i32 = arith.constant 0 : i32
    %c0_i32_0 = arith.constant 0 : i32
    return %arg0, %c0_i32 : i32, i32
  }
  func.func @transform_4(%arg0: i32) -> (i32, i32) {
    %c0_i32 = arith.constant 0 : i32
    %c0_i32_0 = arith.constant 0 : i32
    return %arg0, %c0_i32 : i32, i32
  }
}

module attributes {stable_mosaic.version = 14 : i64} {
  func.func @_tb_body(%arg0: i32, %arg1: memref<2x2000x128xf32, #tpu.memory_space<vmem>>, %arg2: memref<2000x128xf32, #tpu.memory_space<vmem>>, %arg3: memref<2000x1xf32, #tpu.memory_space<vmem>>, %arg4: memref<2000x128xf32, #tpu.memory_space<vmem>>) attributes {dimension_semantics = [#tpu.dimension_semantics<arbitrary>], iteration_bounds = array<i64: 5>, scalar_prefetch = 0 : i64, scratch_operands = 0 : i64, tpu.core_type = #tpu.core_type<tc>, window_params = [{transform_indices = @transform_0, window_bounds = array<i64: 2, 2000, 128>}, {transform_indices = @transform_1, window_bounds = array<i64: 2000, 128>}, {transform_indices = @transform_2, window_bounds = array<i64: 2000, 1>}, {transform_indices = @transform_3, window_bounds = array<i64: 2000, 128>}]} {
    %get3A = arith.constant 0 : index
    %get3A_0 = arith.constant 0 : index
    %get3A_1 = vector.load %arg3[%get3A, %get3A_0] : memref<2000x1xf32, #tpu.memory_space<vmem>>, vector<2000x1xf32>
    %get3A_2 = arith.constant 0 : index
    %get3A_3 = arith.constant 0 : index
    %get3A_4 = arith.constant 0 : index
    %get3A_5 = vector.load %arg1[%get3A_2, %get3A_3, %get3A_4] : memref<2x2000x128xf32, #tpu.memory_space<vmem>>, vector<1x2000x128xf32>
    %get3A_6 = vector.shape_cast %get3A_5 : vector<1x2000x128xf32> to vector<2000x128xf32>
    %get3A_7 = arith.constant 1 : index
    %get3A_8 = arith.constant 0 : index
    %get3A_9 = arith.constant 0 : index
    %get3A_10 = vector.load %arg1[%get3A_7, %get3A_8, %get3A_9] : memref<2x2000x128xf32, #tpu.memory_space<vmem>>, vector<1x2000x128xf32>
    %get3A_11 = vector.shape_cast %get3A_10 : vector<1x2000x128xf32> to vector<2000x128xf32>
    %add3A = arith.addf %get3A_6, %get3A_11 : vector<2000x128xf32>
    %get3A_12 = arith.constant 0 : index
    %get3A_13 = arith.constant 0 : index
    %get3A_14 = vector.load %arg2[%get3A_12, %get3A_13] : memref<2000x128xf32, #tpu.memory_space<vmem>>, vector<2000x128xf32>
    %sub3A = arith.subf %add3A, %get3A_14 : vector<2000x128xf32>
    %mul3A = arith.mulf %get3A_1, %get3A_1 : vector<2000x1xf32>
    %mul3A_15 = vector.broadcast %mul3A : vector<2000x1xf32> to vector<2000x128xf32>
    %mul3A_16 = arith.mulf %mul3A_15, %sub3A : vector<2000x128xf32>
    %swap3A = arith.constant 0 : index
    %swap3A_17 = arith.constant 0 : index
    %swap3A_18 = vector.load %arg4[%swap3A, %swap3A_17] : memref<2000x128xf32, #tpu.memory_space<vmem>>, vector<2000x128xf32>
    tpu.vector_store %arg4[%swap3A, %swap3A_17], %mul3A_16 {strides = array<i32>} : memref<2000x128xf32, #tpu.memory_space<vmem>>, vector<2000x128xf32>,
    return
  }
  func.func @transform_0(%arg0: i32) -> (i32, i32, i32) {
    %c0_i32 = arith.constant 0 : i32
    %c0_i32_0 = arith.constant 0 : i32
    %c0_i32_1 = arith.constant 0 : i32
    return %c0_i32, %arg0, %c0_i32_0 : i32, i32, i32
  }
  func.func @transform_1(%arg0: i32) -> (i32, i32) {
    %c0_i32 = arith.constant 0 : i32
    %c0_i32_0 = arith.constant 0 : i32
    return %arg0, %c0_i32 : i32, i32
  }
  func.func @transform_2(%arg0: i32) -> (i32, i32) {
    %c0_i32 = arith.constant 0 : i32
    %c0_i32_0 = arith.constant 0 : i32
    return %arg0, %c0_i32 : i32, i32
  }
  func.func @transform_3(%arg0: i32) -> (i32, i32) {
    %c0_i32 = arith.constant 0 : i32
    %c0_i32_0 = arith.constant 0 : i32
    return %arg0, %c0_i32 : i32, i32
  }
}

module attributes {stable_mosaic.version = 14 : i64} {
  func.func @_tc_body(%arg0: i32, %arg1: memref<2x2000x128xf32, #tpu.memory_space<vmem>>, %arg2: memref<2000x128xf32, #tpu.memory_space<vmem>>, %arg3: memref<2000x1xf32, #tpu.memory_space<vmem>>, %arg4: memref<128x128xf32, #tpu.memory_space<vmem>>, %arg5: memref<1x128xf32, #tpu.memory_space<vmem>>, %arg6: memref<2000x128xf32, #tpu.memory_space<vmem>>) attributes {dimension_semantics = [#tpu.dimension_semantics<arbitrary>], iteration_bounds = array<i64: 5>, scalar_prefetch = 0 : i64, scratch_operands = 0 : i64, tpu.core_type = #tpu.core_type<tc>, window_params = [{transform_indices = @transform_0, window_bounds = array<i64: 2, 2000, 128>}, {transform_indices = @transform_1, window_bounds = array<i64: 2000, 128>}, {transform_indices = @transform_2, window_bounds = array<i64: 2000, 1>}, {pipeline_mode = #tpu.pipeline_mode<synchronous>, transform_indices = @transform_3, window_bounds = array<i64: 128, 128>}, {pipeline_mode = #tpu.pipeline_mode<synchronous>, transform_indices = @transform_4, window_bounds = array<i64: 1, 128>}, {transform_indices = @transform_5, window_bounds = array<i64: 2000, 128>}]} {
    %get3A = arith.constant 0 : index
    %get3A_0 = arith.constant 0 : index
    %get3A_1 = vector.load %arg3[%get3A, %get3A_0] : memref<2000x1xf32, #tpu.memory_space<vmem>>, vector<2000x1xf32>
    %get3A_2 = arith.constant 0 : index
    %get3A_3 = arith.constant 0 : index
    %get3A_4 = arith.constant 0 : index
    %get3A_5 = vector.load %arg1[%get3A_2, %get3A_3, %get3A_4] : memref<2x2000x128xf32, #tpu.memory_space<vmem>>, vector<1x2000x128xf32>
    %get3A_6 = vector.shape_cast %get3A_5 : vector<1x2000x128xf32> to vector<2000x128xf32>
    %get3A_7 = arith.constant 1 : index
    %get3A_8 = arith.constant 0 : index
    %get3A_9 = arith.constant 0 : index
    %get3A_10 = vector.load %arg1[%get3A_7, %get3A_8, %get3A_9] : memref<2x2000x128xf32, #tpu.memory_space<vmem>>, vector<1x2000x128xf32>
    %get3A_11 = vector.shape_cast %get3A_10 : vector<1x2000x128xf32> to vector<2000x128xf32>
    %add3A = arith.addf %get3A_6, %get3A_11 : vector<2000x128xf32>
    %get3A_12 = arith.constant 0 : index
    %get3A_13 = arith.constant 0 : index
    %get3A_14 = vector.load %arg2[%get3A_12, %get3A_13] : memref<2000x128xf32, #tpu.memory_space<vmem>>, vector<2000x128xf32>
    %sub3A = arith.subf %add3A, %get3A_14 : vector<2000x128xf32>
    %mul3A = vector.broadcast %get3A_1 : vector<2000x1xf32> to vector<2000x128xf32>
    %mul3A_15 = arith.mulf %mul3A, %sub3A : vector<2000x128xf32>
    %get3A_16 = arith.constant 0 : index
    %get3A_17 = arith.constant 0 : index
    %get3A_18 = vector.load %arg4[%get3A_16, %get3A_17] : memref<128x128xf32, #tpu.memory_space<vmem>>, vector<128x128xf32>
    %dot_general3A = arith.constant dense<0.000000e+00> : vector<2000x128xf32>
    %dot_general3A_19 = tpu.matmul %mul3A_15, %get3A_18, %dot_general3A {dimension_numbers = #tpu.dot_dimension_numbers<[1], [0], [0], [1], [0, 0, 1, 1], [], []>, transpose_lhs_hint = false} : vector<2000x128xf32>, vector<128x128xf32>, vector<2000x128xf32> -> vector<2000x128xf32>
    %get3A_20 = arith.constant 0 : index
    %get3A_21 = arith.constant 0 : index
    %get3A_22 = vector.load %arg5[%get3A_20, %get3A_21] : memref<1x128xf32, #tpu.memory_space<vmem>>, vector<1x128xf32>
    %add3A_23 = vector.broadcast %get3A_22 : vector<1x128xf32> to vector<2000x128xf32>
    %add3A_24 = arith.addf %dot_general3A_19, %add3A_23 : vector<2000x128xf32>
    %max3A = arith.constant 0.000000e+00 : f32
    %max3A_25 = vector.broadcast %max3A : f32 to vector<2000x128xf32>
    %max3A_26 = arith.maximumf %add3A_24, %max3A_25 : vector<2000x128xf32>
    %mul3A_27 = vector.broadcast %get3A_1 : vector<2000x1xf32> to vector<2000x128xf32>
    %mul3A_28 = arith.mulf %mul3A_27, %max3A_26 : vector<2000x128xf32>
    %swap3A = arith.constant 0 : index
    %swap3A_29 = arith.constant 0 : index
    %swap3A_30 = vector.load %arg6[%swap3A, %swap3A_29] : memref<2000x128xf32, #tpu.memory_space<vmem>>, vector<2000x128xf32>
    tpu.vector_store %arg6[%swap3A, %swap3A_29], %mul3A_28 {strides = array<i32>} : memref<2000x128xf32, #tpu.memory_space<vmem>>, vector<2000x128xf32>,
    return
  }
  func.func @transform_0(%arg0: i32) -> (i32, i32, i32) {
    %c0_i32 = arith.constant 0 : i32
    %c0_i32_0 = arith.constant 0 : i32
    %c0_i32_1 = arith.constant 0 : i32
    return %c0_i32, %arg0, %c0_i32_0 : i32, i32, i32
  }
  func.func @transform_1(%arg0: i32) -> (i32, i32) {
    %c0_i32 = arith.constant 0 : i32
    %c0_i32_0 = arith.constant 0 : i32
    return %arg0, %c0_i32 : i32, i32
  }
  func.func @transform_2(%arg0: i32) -> (i32, i32) {
    %c0_i32 = arith.constant 0 : i32
    %c0_i32_0 = arith.constant 0 : i32
    return %arg0, %c0_i32 : i32, i32
  }
  func.func @transform_3(%arg0: i32) -> (i32, i32) {
    %c0_i32 = arith.constant 0 : i32
    %c0_i32_0 = arith.constant 0 : i32
    %c0_i32_1 = arith.constant 0 : i32
    return %c0_i32, %c0_i32_0 : i32, i32
  }
  func.func @transform_4(%arg0: i32) -> (i32, i32) {
    %c0_i32 = arith.constant 0 : i32
    %c0_i32_0 = arith.constant 0 : i32
    %c0_i32_1 = arith.constant 0 : i32
    return %c0_i32, %c0_i32_0 : i32, i32
  }
  func.func @transform_5(%arg0: i32) -> (i32, i32) {
    %c0_i32 = arith.constant 0 : i32
    %c0_i32_0 = arith.constant 0 : i32
    return %arg0, %c0_i32 : i32, i32
  }
}

module attributes {stable_mosaic.version = 14 : i64} {
  func.func @_td_body(%arg0: i32, %arg1: memref<2x2000x128xf32, #tpu.memory_space<vmem>>, %arg2: memref<2000x128xf32, #tpu.memory_space<vmem>>, %arg3: memref<2000x1xf32, #tpu.memory_space<vmem>>, %arg4: memref<128x64xf32, #tpu.memory_space<vmem>>, %arg5: memref<1x64xf32, #tpu.memory_space<vmem>>, %arg6: memref<2000x64xf32, #tpu.memory_space<vmem>>) attributes {dimension_semantics = [#tpu.dimension_semantics<arbitrary>], iteration_bounds = array<i64: 5>, scalar_prefetch = 0 : i64, scratch_operands = 0 : i64, tpu.core_type = #tpu.core_type<tc>, window_params = [{transform_indices = @transform_0, window_bounds = array<i64: 2, 2000, 128>}, {transform_indices = @transform_1, window_bounds = array<i64: 2000, 128>}, {transform_indices = @transform_2, window_bounds = array<i64: 2000, 1>}, {pipeline_mode = #tpu.pipeline_mode<synchronous>, transform_indices = @transform_3, window_bounds = array<i64: 128, 64>}, {pipeline_mode = #tpu.pipeline_mode<synchronous>, transform_indices = @transform_4, window_bounds = array<i64: 1, 64>}, {transform_indices = @transform_5, window_bounds = array<i64: 2000, 64>}]} {
    %get3A = arith.constant 0 : index
    %get3A_0 = arith.constant 0 : index
    %get3A_1 = vector.load %arg3[%get3A, %get3A_0] : memref<2000x1xf32, #tpu.memory_space<vmem>>, vector<2000x1xf32>
    %get3A_2 = arith.constant 0 : index
    %get3A_3 = arith.constant 0 : index
    %get3A_4 = arith.constant 0 : index
    %get3A_5 = vector.load %arg1[%get3A_2, %get3A_3, %get3A_4] : memref<2x2000x128xf32, #tpu.memory_space<vmem>>, vector<1x2000x128xf32>
    %get3A_6 = vector.shape_cast %get3A_5 : vector<1x2000x128xf32> to vector<2000x128xf32>
    %get3A_7 = arith.constant 1 : index
    %get3A_8 = arith.constant 0 : index
    %get3A_9 = arith.constant 0 : index
    %get3A_10 = vector.load %arg1[%get3A_7, %get3A_8, %get3A_9] : memref<2x2000x128xf32, #tpu.memory_space<vmem>>, vector<1x2000x128xf32>
    %get3A_11 = vector.shape_cast %get3A_10 : vector<1x2000x128xf32> to vector<2000x128xf32>
    %add3A = arith.addf %get3A_6, %get3A_11 : vector<2000x128xf32>
    %get3A_12 = arith.constant 0 : index
    %get3A_13 = arith.constant 0 : index
    %get3A_14 = vector.load %arg2[%get3A_12, %get3A_13] : memref<2000x128xf32, #tpu.memory_space<vmem>>, vector<2000x128xf32>
    %sub3A = arith.subf %add3A, %get3A_14 : vector<2000x128xf32>
    %mul3A = vector.broadcast %get3A_1 : vector<2000x1xf32> to vector<2000x128xf32>
    %mul3A_15 = arith.mulf %mul3A, %sub3A : vector<2000x128xf32>
    %get3A_16 = arith.constant 0 : index
    %get3A_17 = arith.constant 0 : index
    %get3A_18 = vector.load %arg4[%get3A_16, %get3A_17] : memref<128x64xf32, #tpu.memory_space<vmem>>, vector<128x64xf32>
    %dot_general3A = arith.constant dense<0.000000e+00> : vector<2000x64xf32>
    %dot_general3A_19 = tpu.matmul %mul3A_15, %get3A_18, %dot_general3A {dimension_numbers = #tpu.dot_dimension_numbers<[1], [0], [0], [1], [0, 0, 1, 1], [], []>, transpose_lhs_hint = false} : vector<2000x128xf32>, vector<128x64xf32>, vector<2000x64xf32> -> vector<2000x64xf32>
    %get3A_20 = arith.constant 0 : index
    %get3A_21 = arith.constant 0 : index
    %get3A_22 = vector.load %arg5[%get3A_20, %get3A_21] : memref<1x64xf32, #tpu.memory_space<vmem>>, vector<1x64xf32>
    %add3A_23 = vector.broadcast %get3A_22 : vector<1x64xf32> to vector<2000x64xf32>
    %add3A_24 = arith.addf %dot_general3A_19, %add3A_23 : vector<2000x64xf32>
    %reduce_max3A = arith.constant dense<0xFF800000> : vector<2000xf32>
    %reduce_max3A_25 = vector.multi_reduction <maximumf>, %add3A_24, %reduce_max3A [1] : vector<2000x64xf32> to vector<2000xf32>
    %broadcast_in_dim3A = vector.shape_cast %reduce_max3A_25 : vector<2000xf32> to vector<2000x1xf32>
    %sub3A_26 = vector.broadcast %broadcast_in_dim3A : vector<2000x1xf32> to vector<2000x64xf32>
    %sub3A_27 = arith.subf %add3A_24, %sub3A_26 : vector<2000x64xf32>
    %exp3A = math.exp %sub3A_27 : vector<2000x64xf32>
    %sub3A_28 = vector.broadcast %broadcast_in_dim3A : vector<2000x1xf32> to vector<2000x64xf32>
    %sub3A_29 = arith.subf %add3A_24, %sub3A_28 : vector<2000x64xf32>
    %reduce_sum3A = arith.constant dense<0.000000e+00> : vector<2000xf32>
    %reduce_sum3A_30 = vector.multi_reduction <add>, %exp3A, %reduce_sum3A [1] : vector<2000x64xf32> to vector<2000xf32>
    %broadcast_in_dim3A_31 = vector.shape_cast %reduce_sum3A_30 : vector<2000xf32> to vector<2000x1xf32>
    %log3A = math.log %broadcast_in_dim3A_31 : vector<2000x1xf32>
    %sub3A_32 = vector.broadcast %log3A : vector<2000x1xf32> to vector<2000x64xf32>
    %sub3A_33 = arith.subf %sub3A_29, %sub3A_32 : vector<2000x64xf32>
    %swap3A = arith.constant 0 : index
    %swap3A_34 = arith.constant 0 : index
    %swap3A_35 = vector.load %arg6[%swap3A, %swap3A_34] : memref<2000x64xf32, #tpu.memory_space<vmem>>, vector<2000x64xf32>
    tpu.vector_store %arg6[%swap3A, %swap3A_34], %sub3A_33 {strides = array<i32>} : memref<2000x64xf32, #tpu.memory_space<vmem>>, vector<2000x64xf32>,
    return
  }
  func.func @transform_0(%arg0: i32) -> (i32, i32, i32) {
    %c0_i32 = arith.constant 0 : i32
    %c0_i32_0 = arith.constant 0 : i32
    %c0_i32_1 = arith.constant 0 : i32
    return %c0_i32, %arg0, %c0_i32_0 : i32, i32, i32
  }
  func.func @transform_1(%arg0: i32) -> (i32, i32) {
    %c0_i32 = arith.constant 0 : i32
    %c0_i32_0 = arith.constant 0 : i32
    return %arg0, %c0_i32 : i32, i32
  }
  func.func @transform_2(%arg0: i32) -> (i32, i32) {
    %c0_i32 = arith.constant 0 : i32
    %c0_i32_0 = arith.constant 0 : i32
    return %arg0, %c0_i32 : i32, i32
  }
  func.func @transform_3(%arg0: i32) -> (i32, i32) {
    %c0_i32 = arith.constant 0 : i32
    %c0_i32_0 = arith.constant 0 : i32
    %c0_i32_1 = arith.constant 0 : i32
    return %c0_i32, %c0_i32_0 : i32, i32
  }
  func.func @transform_4(%arg0: i32) -> (i32, i32) {
    %c0_i32 = arith.constant 0 : i32
    %c0_i32_0 = arith.constant 0 : i32
    %c0_i32_1 = arith.constant 0 : i32
    return %c0_i32, %c0_i32_0 : i32, i32
  }
  func.func @transform_5(%arg0: i32) -> (i32, i32) {
    %c0_i32 = arith.constant 0 : i32
    %c0_i32_0 = arith.constant 0 : i32
    return %arg0, %c0_i32 : i32, i32
  }
}

</mosaic_0001>

<sc_bundles>
// kernel: kernel.14.cloned.1.call-start
scs
__scs_entry_jumppad:
0x0: {  	(pc) =	sbr.rel $0x88, $3  }
0x1: {  	(tag) =	ssettag $0x0;
	lr =	simm.s32 $0x1  }
0x2: {  	[smem:$0x3F98] =	sst lr;
	_ =	strace $0xD0000000  }
0x3: {  	_ = 	snop  }
0x4: {  	_ = 	snop  }
0x5: {  	_ = 	snop  }
0x6: {  	_ = 	snop  }
0x7: {  	_ = 	snop  }
__scs_overlays_trampoline_lowered:
0x8: {  	[smem:$0x3FA7] =	sst s0  }
0x9: {  	[smem:$0x3FA8] =	sst s1  }
0xa: {  	[smem:$0x3FA9] =	sst s2  }
0xb: {  	[smem:$0x3FAA] =	sst s3  }
0xc: {  	[smem:$0x3FAB] =	sst s4  }
0xd: {  	[smem:$0x3FAC] =	sst s5  }
0xe: {  	[smem:$0x3FAD] =	sst s6  }
0xf: {  	[smem:$0x3FAE] =	sst s7  }
0x10: {  	[smem:$0x3FAF] =	sst s8  }
0x11: {  	[smem:$0x3FB0] =	sst s9;
	s0 =	simm.s32 @!p0 $0x0  }
0x12: {  	s1 =	sld [smem:$0x3F96];
	s0 =	simm.s32 @p0 $0x1  }
0x13: {  	[smem:$0x3FB1] =	sst s0;
	s0 =	simm.s32 @!p1 $0x0  }
0x14: {  	s2 =	sld [smem:$0x3F95];
	s0 =	simm.s32 @p1 $0x1  }
0x15: {  	[smem:$0x3FB2] =	sst s0;
	s0 =	simm.s32 @!p2 $0x0  }
0x16: {  	s3 =	sld [smem:$0x3FDB];
	s0 =	simm.s32 @p2 $0x1  }
0x17: {  	s4 =	simm.s32 $0x1BF5;
	[smem:$0x3FB4] =	sst s0  }
0x18: {  	s0 =	sld [smem:$0x3F97];
	_ =	swait.ge [sflag:s4], $0x0  }
0x19: {  	s7 =	sld [smem:$0x3F98]  }
0x1a: {  	s8 =	sadd.s32 $0xFFFFE003, lr  }
0x1b: {  	s9 =	sadd.s32 $0xFFFFFEF7, lr;
	s5 =	simm.s32 $0xFFFFFFFF;
	p2 =	slt.u32 s8, $0xFFFFF086  }
0x1c: {  	p1 =	slt.u32 s9, $0xF7A;
	s5 =	simm.s32 @!p2 $0x0  }
0x1d: {  	s5 =	simm.s32 @p1 $0x1;
	p0 =	seq.s32 s7, s2  }
0x1e: {  	s7 =	smul.u32 @!p0 $0xF7A, s2;
	p2 =	seq.s32 @!p0 s5, $0x0  }
0x1f: {  	s9 =	smul.u32 $0xF7A, s1;
	s8 =	simm.s32 @!p0 $0x1BF5;
	p2 =	por !p2, p0  }
0x20: {  	[sflag:s8] =	ssyncset.s32 @!p0 $0xFFFFF086;
	s6 =	sadd.s32 @!p0 s3, s7;
	s7 =	simm.s32 @!p0 $0x108  }
0x21: {  	s3 =	sadd.s32 s3, s9;
	s6 =	sadd.s32 @!p0 $0x88, s6;
	s7 =	simm.s32 @p2 $0x1082  }
0x22: {  	[simem:s7], [sflag:s8] =	dma.local @!p0 [hbm:s6], $0xF7A  }
0x23: {  	s9 =	sor.u32 $0xD0000000, s2;
	s6 =	simm.s32 $0x108;
	_ =	swait.ge @!p0 [sflag:s8], $0x0  }
0x24: {  	s3 =	sadd.s32 $0x88, s3;
	s6 =	simm.s32 @!p1 $0x1082;
	[sflag:s4] =	ssyncset.s32 $0xFFFFF086  }
0x25: {  	[simem:s6], [sflag:s4] =	dma.local [hbm:s3], $0xF7A  }
0x26: {  	[smem:$0x3F98] =	sst s1;
	(tag) =	ssettag s2;
	_ =	strace s9  }
0x27: {  	s1 =	sld [smem:$0x3FA8]  }
0x28: {  	s2 =	sld [smem:$0x3FA9]  }
0x29: {  	s4 =	sld [smem:$0x3FAB]  }
0x2a: {  	p0 =	seq.s32 s5, $0x0;
	s5 =	sld [smem:$0x3FAC]  }
0x2b: {  	s6 =	sld [smem:$0x3FAD]  }
0x2c: {  	s7 =	sld [smem:$0x3FAE]  }
0x2d: {  	s3 =	simm.s32 $0x108;
	s8 =	sld [smem:$0x3FAF]  }
0x2e: {  	s3 =	simm.s32 @!p0 $0x1082;
	s9 =	sld [smem:$0x3FB0]  }
0x2f: {  	lr =	sadd.s32 s0, s3;
	s0 =	sld [smem:$0x3FA7]  }
0x30: {  	s3 =	sld [smem:$0x3FAA]  }
0x31: {  	[smem:$0x3FB3] =	sst s10  }
0x32: {  	s10 =	sld [smem:$0x3FB1];
	_ =	sdelay $0x3  }
0x33: {  	p0 =	seq.s32 s10, $0x1;
	s10 =	sld [smem:$0x3FB3];
	_ =	sdelay $0x3  }
0x34: {  	[smem:$0x3FB3] =	sst s10  }
0x35: {  	s10 =	sld [smem:$0x3FB2];
	_ =	sdelay $0x3  }
0x36: {  	p1 =	seq.s32 s10, $0x1;
	s10 =	sld [smem:$0x3FB3];
	_ =	sdelay $0x3  }
0x37: {  	[smem:$0x3FB3] =	sst s10  }
0x38: {  	s10 =	sld [smem:$0x3FB4]  }
0x39: {  	_ = 	snop;
	(pc) =	sbr.ind lr, $3  }
0x3a: {  	_ = 	snop  }
0x3b: {  	_ = 	snop  }
0x3c: {  	p2 =	seq.s32 s10, $0x1;
	s10 =	sld [smem:$0x3FB3]  }
0x3d: {  	_ =	shalt  }
0x3e: {  	_ =	shalt  }
0x3f: {  	_ =	shalt  }
0x40: {  	_ =	shalt  }
0x41: {  	_ =	shalt  }
0x42: {  	_ =	shalt  }
0x43: {  	_ =	shalt  }
0x44: {  	_ =	shalt  }
0x45: {  	_ =	shalt  }
0x46: {  	_ =	shalt  }
0x47: {  	_ =	shalt  }
0x48: {  	_ =	shalt  }
0x49: {  	_ =	shalt  }
0x4a: {  	_ =	shalt  }
0x4b: {  	_ =	shalt  }
0x4c: {  	_ =	shalt  }
0x4d: {  	_ =	shalt  }
0x4e: {  	_ =	shalt  }
0x4f: {  	_ =	shalt  }
0x50: {  	_ =	shalt  }
0x51: {  	_ =	shalt  }
0x52: {  	_ =	shalt  }
0x53: {  	_ =	shalt  }
0x54: {  	_ =	shalt  }
0x55: {  	_ =	shalt  }
0x56: {  	_ =	shalt  }
0x57: {  	_ =	shalt  }
0x58: {  	_ =	shalt  }
0x59: {  	_ =	shalt  }
0x5a: {  	_ =	shalt  }
0x5b: {  	_ =	shalt  }
0x5c: {  	_ =	shalt  }
0x5d: {  	_ =	shalt  }
0x5e: {  	_ =	shalt  }
0x5f: {  	_ =	shalt  }
0x60: {  	_ =	shalt  }
0x61: {  	_ =	shalt  }
0x62: {  	_ =	shalt  }
0x63: {  	_ =	shalt  }
0x64: {  	_ =	shalt  }
0x65: {  	_ =	shalt  }
0x66: {  	_ =	shalt  }
0x67: {  	_ =	shalt  }
0x68: {  	_ =	shalt  }
0x69: {  	_ =	shalt  }
0x6a: {  	_ =	shalt  }
0x6b: {  	_ =	shalt  }
0x6c: {  	_ =	shalt  }
0x6d: {  	_ =	shalt  }
0x6e: {  	_ =	shalt  }
0x6f: {  	_ =	shalt  }
0x70: {  	_ =	shalt  }
0x71: {  	_ =	shalt  }
0x72: {  	_ =	shalt  }
0x73: {  	_ =	shalt  }
0x74: {  	_ =	shalt  }
0x75: {  	_ =	shalt  }
0x76: {  	_ =	shalt  }
0x77: {  	_ =	shalt  }
0x78: {  	_ =	shalt  }
0x79: {  	_ =	shalt  }
0x7a: {  	_ =	shalt  }
0x7b: {  	_ =	shalt  }
0x7c: {  	_ =	shalt  }
0x7d: {  	_ =	shalt  }
0x7e: {  	_ =	shalt  }
0x7f: {  	_ =	shalt  }
0x80: {  	_ =	shalt  }
0x81: {  	_ =	shalt  }
0x82: {  	_ =	shalt  }
0x83: {  	_ =	shalt  }
0x84: {  	_ =	shalt  }
0x85: {  	_ =	shalt  }
0x86: {  	_ =	shalt  }
0x87: {  	_ =	shalt  }
.Lfunc_end0:
.L_simem_size_0:
called_computation_lowered:
.L_overlay_start_0:
0x88: {  	s2 =	sld [smem:$0x3FD9]  }
0x89: {  	s3 =	sld [smem:$0x3FFE];
	_ =	sdelay $0x1  }
0x8a: {  	s1 =	srdreg.scid  }
0x8b: {  	s0 =	sand.u32 $0x1, s1  }
0x8c: {  	s16 =	sshll.u32 s0, $0xA;
	s2 =	sadd.s32 s3, s2  }
0x8d: {  	s2 =	sadd.s32 s2, s16  }
0x8e: {  	[smem:$0x3FBF] =	sst s2  }
0x8f: {  	_ = 	snop  }
0x90: {  	(tm) =	ssettm $0x1  }
0x91: {  	s17 =	sld [smem:$0x3FFB];
	_ =	sdelay $0x3  }
0x92: {  	_ =	strace s17  }
0x93: {  	s2 =	sld [smem:$0x3FFC];
	_ =	sdelay $0x3  }
0x94: {  	_ =	strace s2  }
0x95: {  	s2 =	sld [smem:$0x3FFD];
	_ =	sdelay $0x3  }
0x96: {  	_ =	strace s2  }
0x97: {  	_ =	strace $0x8FFFFFFF  }
0x98: {  	s18 =	sld [smem:$0x3FDB];
	_ =	sdelay $0x1  }
0x99: {  	s19 =	simm.s32 $_scs_section_size  }
0x9a: {  	s4 =	simm.s32 $_size__tile_overlayer_lowered;
	s5 =	simm.s32 $_tile_overlayer_lowered  }
0x9b: {  	s22 =	simm.s32 $0x1BFF;
	s21 =	sshll.u32 s5, $0x1;
	s2 =	sadd.s32 s19, s18  }
0x9c: {  	s6 =	simm.s32 $0x0;
	s20 =	sshll.u32 s4, $0x1;
	s4 =	sadd.s32 s21, s2  }
0x9d: {  	[timem:s6], [sflag:s22] =	dma.local [hbm:s4], s20  }
0x9e: {  	_ =	swait.ge [sflag:s22], s20  }
0x9f: {  	s3 =	ssub.s32 $0x0, s20;
	[sflag:s22] =	ssyncset.done $0x0  }
0xa0: {  	[sflag:s22] =	ssyncadd.s32 s3;
	_ =	sdelay $0x1  }
0xa1: {  	s23 =	simm.s32 $0x1B8B  }
0xa2: {  	_ =	swait.ge [sflag:s23], $0x1  }
0xa3: {  	[sflag:s23] =	ssyncset.done $0x0  }
0xa4: {  	s25 =	simm.s32 $0x1B8E;
	s24 =	sld [smem:$0x3FFE];
	[sflag:s23] =	ssyncadd.s32 $0xFFFFFFFF  }
0xa5: {  	s26 =	simm.s32 $execute0_lowered;
	[smem:$0x3FD2] =	sst s25  }
0xa6: {  	s4 =	sshll.u32 s26, $0x1;
	_ =	strace $0x80000046;
	[dreg:$0x1] =	wrdreg $0xFFFFFFFF  }
0xa7: {  	s28 =	simm.s32 $_size_execute0_lowered;
	s2 =	sadd.s32 s2, s4;
	[dreg:$0x0] =	wrdreg $0x0  }
0xa8: {  	s4 =	sshll.u32 s28, $0x1;
	[dreg:$0x2] =	wrdreg s2  }
0xa9: {  	[dreg:$0x3] =	wrdreg s4  }
0xaa: {  	[dreg:$0x4] =	wrdreg $0xC0  }
0xab: {  	_ =	task [dreg:s6], $0x5FFFF  }
0xac: {  	[dreg:$0x1] =	wrdreg $0xFFFFFFFF  }
0xad: {  	[dreg:$0x0] =	wrdreg $0x60  }
0xae: {  	[dreg:$0x2] =	wrdreg s24  }
0xaf: {  	[dreg:$0x3] =	wrdreg $0x2B000  }
0xb0: {  	[dreg:$0x4] =	wrdreg $0x9  }
0xb1: {  	_ =	task.clear_ibuf [dreg:s6], $0x5FFFF;
	_ =	strace $0x90000046  }
0xb2: {  	s29 =	simm.s32 $0x9;
	_ =	strace $0x80000048  }
0xb3: {  	_ =	swait.ge [sflag:s29], $0x1  }
0xb4: {  	[sflag:s29] =	ssyncadd.s32 $0xFFFFFFFF  }
0xb5: {  	_ =	strace $0x90000048  }
0xb6: {  	_ =	sfence  }
0xb7: {  	s30 =	sld [smem:$0x0];
	_ =	sdelay $0x2  }
0xb8: {  	s31 =	sshll.u32 s1, $0xD;
	s1 =	sshrl.u32 s1, $0x2  }
0xb9: {  	s3 =	sand.u32 $0x4000, s31;
	s1 =	sadd.s32 s1, s30  }
0xba: {  	s0 =	sor.u32 s3, s0;
	s1 =	sshll.u32 s1, $0x11  }
0xbb: {  	s0 =	sor.u32 s1, s0  }
0xbc: {  	s0 =	sadd.s32 $0x8F2B, s0  }
0xbd: {  	[sflag:s0] =	ssyncadd.remote.s32 $0x1  }
0xbe: {  	_ =	sfence.sel $0xFFFF  }
0xbf: {  	[dreg:$0x0] =	wrdreg $0xFFFFFFFF;
	(pc) =	sbr.abs _section_cstart, $3  }
0xc0: {  	[dreg:$0x1] =	wrdreg $0xFFFFFFFF  }
0xc1: {  	_ =	task.clear_ibuf [dreg:s6], $0x2FFFF;
	_ =	strace $0x9FFFFFFF  }
0xc2: {  	(tm) =	ssettm $0x7FFFFFFF  }
0xc3: {  	_ =	shalt  }
tec
execute0_lowered:
.L_overlay_start_1:
0x0: {  	(tag) =	ssettag $0x1  }
0x1: {  	s3 =	rddreg [dreg:$0x0]  }
0x2: {  	s1 =	rddreg [dreg:$0x1]  }
0x3: {  	s4 =	srdreg.scid;
	s0 =	rddreg [dreg:$0x2];
	s2 =	simm.s32 $0x0  }
0x4: {  	s7 =	stileid.u32;
	s4 =	sand.u32 $0x1, s4;
	[smem:$0x7FF] =	sst s2  }
0x5: {  	s30 =	sshll.u32 s7, $0x4;
	p1 =	sne.s32 s7, $0x0;
	s5 =	sshll.u32 s4, $0x8  }
0x6: {  	_ =	strace $0x80000047;
	s6 =	ssub.s32 $0x2, s4;
	s4 =	sshll.u32 s4, $0x4  }
0x7: {  	s9 =	simm.s32 @!p1 $0x0;
	s5 =	sadd.s32 s5, s3;
	s8 =	sshrl.u32 s6, $0x1  }
0x8: {  	s3 =	sadd.s32 s4, s3;
	s31 =	sor.u32 s4, s7;
	s7 =	simm.s32 $0x380  }
0x9: {  	s9 =	simm.s32 @p1 $0x1;
	s6 =	ssub.s32 s6, s8;
	s3 =	sadd.s32 $0xDA00, s3  }
0xa: {  	s5 =	sadd.s32 s30, s5;
	s8 =	simm.s32 $0xD;
	[smem:$0x7FD] =	sst s9  }
0xb: {  	v0 =	vimm.f32 $1.000000000e+00;
	v1 =	vimm.f32 $0.0e+00;
	s4 =	smax.u32 s6, $0x1;
	s5 =	sadd.s32 $0x3C00, s5;
	s6 =	sor.u32 $0xA0, s31  }
.LBB2_1:
0xc: {  	[tilespmem:$0x300] =	vst v0  }
0xd: {  	[tilespmem:$0x310] =	vst v0  }
0xe: {  	[tilespmem:$0x320] =	vst v0  }
.Ltmp0:
0xf: {  	[tilespmem:$0x330] =	vst v0;
	(pc) =	sbr.rel @p1 .LBB2_5-.Ltmp0, $4  }
0x10: {  	[tilespmem:$0x340] =	vst v0  }
0x11: {  	[tilespmem:$0x350] =	vst v0  }
0x12: {  	[tilespmem:$0x360] =	vst v0  }
0x13: {  	[tilespmem:$0x370] =	vst v0  }
0x14: {  	s9 =	simm.s32 $0x40;
	s10 =	simm.s32 $0x0  }
.LBB2_3:
0x15: {  	p0 =	sne.s32 s9, $0x9C00;
	[tilespmem:s10+$0x380] =	vst v1;
	s10 =	smov.u32 s9;
	s9 =	sadd.s32 $0x40, s9  }
.Ltmp1:
0x16: {  	(pc) =	sbr.rel @p0 .LBB2_3-.Ltmp1, $2  }
0x17: {  	_ =	sdelay $0x2  }
0x18: {  	s10 =	sshra.s32 s10, $0x2  }
0x19: {  	[tilespmem:s10+$0x380] =	vst v1  }
0x1a: {  	[spmem:s1] =	stream.linear.scatter [tilespmem:s7], [sflag:$0xD], $0x2780, $0x38;
	[tilespmem:$0x2D78] =	vst v63  }
0x1b: {  	_ =	swait.ge [sflag:s8], $0x2780  }
0x1c: {  	[sflag:s8] =	ssyncset.done $0x0  }
0x1d: {  	[sflag:s8] =	ssyncadd.s32 $0xFFFFD880  }
.LBB2_5:
0x1e: {  	s9 =	sadd.s32 $0xFFFFFF60, s6;
	s10 =	sadd.s32 $0xFFFFFF80, s6;
	[bflag:$0x0] =	sbarrier.arrive $0xFFFF  }
0x1f: {  	s24 =	sadd.s32 $0xFFFFFFA0, s6;
	s25 =	sadd.s32 $0xFFFFFFC0, s6;
	s26 =	sadd.s32 $0xFFFFFFE0, s6  }
0x20: {  	p0 =	sgt.u32 s9, $0x9C3;
	p2 =	sgt.u32 s25, $0x9C3;
	p4 =	sgt.u32 s24, $0x9C3  }
0x21: {  	p6 =	sgt.u32 @!p0 s10, $0x9C3;
	s11 =	sadd.s32 @!p0 $0x0, s5;
	s10 =	simm.s32 @!p0 $0x0  }
0x22: {  	s13 =	sadd.s32 @!p2 $0x0, s5;
	p5 =	por p2, p2;
	p3 =	por p6, p0  }
0x23: {  	[tilespmem:s10], [sflag:$0x1] =	stream.linear.gather @!p0 [hbm4b:s11+s10], $0x80, $0x38;
	[tilespmem:$0x2D78] =	vst v63  }
0x24: {  	s13 =	sadd.s32 @!p2 $0x600, s13;
	p2 =	sgt.u32 s26, $0x9C3;
	s9 =	simm.s32 @!p5 $0x0  }
0x25: {  	s12 =	sadd.s32 @!p3 $0x0, s5;
	s14 =	simm.s32 @!p3 $0x0;
	p1 =	por @!p3 $0x1, $0x1  }
0x26: {  	s11 =	simm.s32 @!p3 $0x80;
	s9 =	simm.s32 @p5 $0x1;
	s12 =	sadd.s32 @!p3 $0x200, s12  }
0x27: {  	s15 =	simm.s32 @!p1 $0x0;
	[smem:$0x7FC] =	sst s9;
	s9 =	simm.s32 @!p5 $0x180  }
0x28: {  	[tilespmem:s11], [sflag:$0x2] =	stream.linear.gather @!p3 [hbm4b:s12+s14], $0x80, $0x38;
	[tilespmem:$0x2D78] =	vst v63  }
0x29: {  	s15 =	simm.s32 @p1 $0x1;
	p1 =	sgt.u32 s6, $0x9C3;
	s12 =	simm.s32 @!p5 $0x0  }
0x2a: {  	s14 =	simm.s32 @!p4 $0x0;
	[smem:$0x7FA] =	sst s15;
	s15 =	sadd.s32 @!p4 $0x0, s5  }
0x2b: {  	s16 =	sadd.s32 @!p1 $0x0, s5;
	s11 =	sadd.s32 @!p4 $0x400, s15;
	s15 =	simm.s32 @!p4 $0x100  }
0x2c: {  	[tilespmem:s15], [sflag:$0x3] =	stream.linear.gather @!p4 [hbm4b:s11+s14], $0x80, $0x38;
	[tilespmem:$0x2D78] =	vst v63  }
0x2d: {  	p3 =	por p1, p1;
	s11 =	simm.s32 @!p2 $0x200;
	s14 =	sadd.s32 @!p2 $0x0, s5  }
0x2e: {  	[tilespmem:s9], [sflag:$0x4] =	stream.linear.gather @!p5 [hbm4b:s13+s12], $0x80, $0x38;
	[tilespmem:$0x2D78] =	vst v63  }
0x2f: {  	s12 =	sadd.s32 @!p2 $0x800, s14;
	s13 =	simm.s32 @!p2 $0x0;
	s14 =	sadd.s32 @!p1 $0xA00, s16  }
0x30: {  	[tilespmem:s11], [sflag:$0x5] =	stream.linear.gather @!p2 [hbm4b:s12+s13], $0x80, $0x38;
	[tilespmem:$0x2D78] =	vst v63  }
0x31: {  	s12 =	simm.s32 @!p1 $0x0;
	s13 =	simm.s32 @!p1 $0x280;
	p1 =	por !p6, p0  }
0x32: {  	[tilespmem:s13], [sflag:$0x6] =	stream.linear.gather @!p3 [hbm4b:s14+s12], $0x80, $0x38;
	[tilespmem:$0x2D78] =	vst v63  }
0x33: {  	s12 =	simm.s32 @!p1 $0x0  }
0x34: {  	s28 =	sld [smem:$0x7FA];
	s12 =	simm.s32 @p1 $0x1  }
0x35: {  	[smem:$0x7FB] =	sst s12  }
0x36: {  	s12 =	simm.s32 @!p0 $0x1;
	s29 =	sld [smem:$0x7FB]  }
0x37: {  	p6 =	por @!p0 $0x0, $0x0;
	_ =	swait.ge @!p0 [sflag:s12], $0x80  }
0x38: {  	s14 =	simm.s32 @!p0 $0x300;
	p1 =	seq.s32 s28, $0x1;
	[sflag:s12] =	ssyncset.done @!p0 $0x0  }
0x39: {  	[sflag:s12] =	ssyncadd.s32 @!p0 $0xFFFFFF80;
	s12 =	simm.s32 @!p0 $0x80;
	p5 =	seq.s32 s29, $0x1  }
0x3a: {  	[spmem:s1] =	stream.indirect.scatter.add.f32 @!p0 [tilespmem:s14], [sflag:$0x7], $0x1, s10, s12, $0xb8;
	[tilespmem:$0x2D78] =	vst v63  }
0x3b: {  	p1 =	por @!p5 p6, p6;
	p6 =	por $0x0, $0x0  }
0x3c: {  	p6 =	por @!p0 p1, p1  }
0x3d: {  	s16 =	simm.s32 @p6 $0x2  }
0x3e: {  	_ =	swait.ge @p6 [sflag:s16], $0x80  }
0x3f: {  	s10 =	simm.s32 @!p4 $0x3;
	[sflag:s16] =	ssyncset.done @p6 $0x0  }
0x40: {  	s12 =	simm.s32 @p6 $0x80;
	s14 =	simm.s32 @p6 $0x300;
	[sflag:s16] =	ssyncadd.s32 @p6 $0xFFFFFF80  }
0x41: {  	[spmem:s1] =	stream.indirect.scatter.add.f32 @p6 [tilespmem:s14], [sflag:$0x8], $0x1, s12, s12, $0xb8;
	[tilespmem:$0x2D78] =	vst v63  }
0x42: {  	_ =	swait.ge @!p4 [sflag:s10], $0x80  }
0x43: {  	s30 =	sld [smem:$0x7FC];
	[sflag:s10] =	ssyncset.done @!p4 $0x0  }
0x44: {  	s16 =	simm.s32 @!p4 $0x300;
	s14 =	simm.s32 @!p4 $0x80;
	[sflag:s10] =	ssyncadd.s32 @!p4 $0xFFFFFF80  }
0x45: {  	[spmem:s1] =	stream.indirect.scatter.add.f32 @!p4 [tilespmem:s16], [sflag:$0x9], $0x1, s15, s14, $0xb8;
	[tilespmem:$0x2D78] =	vst v63  }
0x46: {  	p1 =	seq.s32 s30, $0x1  }
0x47: {  	s12 =	simm.s32 @!p1 $0x4  }
0x48: {  	_ =	swait.ge @!p1 [sflag:s12], $0x80  }
0x49: {  	s10 =	simm.s32 @!p2 $0x5;
	[sflag:s12] =	ssyncset.done @!p1 $0x0  }
0x4a: {  	s14 =	simm.s32 @!p1 $0x80;
	s15 =	simm.s32 @!p1 $0x300;
	[sflag:s12] =	ssyncadd.s32 @!p1 $0xFFFFFF80  }
0x4b: {  	[spmem:s1] =	stream.indirect.scatter.add.f32 @!p1 [tilespmem:s15], [sflag:$0xA], $0x1, s9, s14, $0xb8;
	[tilespmem:$0x2D78] =	vst v63  }
0x4c: {  	_ =	swait.ge @!p2 [sflag:s10], $0x80  }
0x4d: {  	s18 =	simm.s32 @!p0 $0x7;
	s12 =	simm.s32 @!p2 $0x80;
	[sflag:s10] =	ssyncset.done @!p2 $0x0  }
0x4e: {  	s14 =	simm.s32 @!p3 $0x6;
	[sflag:s10] =	ssyncadd.s32 @!p2 $0xFFFFFF80;
	s10 =	simm.s32 @!p2 $0x300  }
0x4f: {  	[spmem:s1] =	stream.indirect.scatter.add.f32 @!p2 [tilespmem:s10], [sflag:$0xB], $0x1, s11, s12, $0xb8;
	[tilespmem:$0x2D78] =	vst v63  }
0x50: {  	s17 =	simm.s32 @p6 $0x8;
	s16 =	simm.s32 @!p4 $0x9;
	_ =	swait.ge @!p3 [sflag:s14], $0x80  }
0x51: {  	s9 =	simm.s32 $0xC00;
	s15 =	simm.s32 @!p3 $0x300;
	[sflag:s14] =	ssyncset.done @!p3 $0x0  }
0x52: {  	s12 =	simm.s32 @!p3 $0x80;
	s10 =	sadd.s32 $0xC0, s6;
	[sflag:s14] =	ssyncadd.s32 @!p3 $0xFFFFFF80  }
0x53: {  	[spmem:s1] =	stream.indirect.scatter.add.f32 @!p3 [tilespmem:s15], [sflag:$0xC], $0x1, s13, s12, $0xb8;
	[tilespmem:$0x2D78] =	vst v63  }
0x54: {  	s11 =	simm.s32 $0x1800;
	s31 =	sadd.s32 $0xFFFFFF60, s10;
	_ =	swait.ge @!p0 [sflag:s18], $0x80  }
0x55: {  	s15 =	simm.s32 @!p1 $0xA;
	s13 =	simm.s32 @!p2 $0xB;
	[sflag:s18] =	ssyncset.done @!p0 $0x0  }
0x56: {  	s12 =	sadd.s32 $0xFFFFFF80, s10;
	p1 =	sgt.u32 s31, $0x9C3;
	[sflag:s18] =	ssyncadd.s32 @!p0 $0xFFFFFF80  }
.LBB2_6:
0x57: {  	s14 =	simm.s32 @!p3 $0x0  }
0x58: {  	s14 =	simm.s32 @p3 $0x1  }
0x59: {  	[smem:$0x7F7] =	sst s14  }
0x5a: {  	_ =	swait.ge @p6 [sflag:s17], $0x80  }
0x5b: {  	p5 =	sgt.u32 @!p1 s12, $0x9C3;
	[sflag:s17] =	ssyncset.done @p6 $0x0  }
0x5c: {  	p0 =	por p5, p1;
	p5 =	por !p5, p1;
	[sflag:s17] =	ssyncadd.s32 @p6 $0xFFFFFF80  }
0x5d: {  	p3 =	por @!p0 $0x1, $0x1;
	p6 =	por @!p1 $0x0, $0x0;
	_ =	swait.ge @!p4 [sflag:s16], $0x80  }
0x5e: {  	p3 =	por @!p5 p6, p6;
	[sflag:s16] =	ssyncset.done @!p4 $0x0;
	s25 =	sld [smem:$0x7FC]  }
0x5f: {  	s24 =	smov.u32 s11;
	[sflag:s16] =	ssyncadd.s32 @!p4 $0xFFFFFF80;
	s16 =	simm.s32 @!p3 $0x0  }
0x60: {  	s21 =	sadd.s32 $0xFFFFFFC0, s10;
	s11 =	sadd.s32 $0xC00, s11;
	s16 =	simm.s32 @p3 $0x1  }
0x61: {  	p6 =	sne.s32 s11, $0xA800;
	[smem:$0x7F8] =	sst s16;
	p5 =	seq.s32 s25, $0x1  }
0x62: {  	p4 =	sgt.u32 s21, $0x9C3;
	s21 =	simm.s32 @!p6 $0x0;
	_ =	swait.ge @!p5 [sflag:s15], $0x80  }
0x63: {  	s21 =	simm.s32 @p6 $0x1;
	[sflag:s15] =	ssyncset.done @!p5 $0x0  }
0x64: {  	[smem:$0x7F9] =	sst s21;
	[sflag:s15] =	ssyncadd.s32 @!p5 $0xFFFFFF80  }
0x65: {  	_ =	swait.ge @!p2 [sflag:s13], $0x80  }
0x66: {  	s18 =	sadd.s32 $0xFFFFFFA0, s10;
	s26 =	sld [smem:$0x7F7]  }
0x67: {  	s19 =	sadd.s32 @!p1 s9, s5;
	s12 =	simm.s32 @!p1 $0x0;
	s20 =	sadd.s32 @!p0 s9, s5  }
0x68: {  	s28 =	sadd.s32 $0xFFFFFFE0, s10;
	s22 =	simm.s32 @!p0 $0x80;
	s17 =	sadd.s32 @!p0 $0x200, s20  }
0x69: {  	s20 =	simm.s32 @!p0 $0x0;
	[sflag:s13] =	ssyncset.done @!p2 $0x0;
	p3 =	seq.s32 s26, $0x1  }
0x6a: {  	s16 =	sadd.s32 @!p4 s9, s5;
	[sflag:s13] =	ssyncadd.s32 @!p2 $0xFFFFFF80;
	s21 =	simm.s32 @!p3 $0xC  }
0x6b: {  	p6 =	sgt.u32 s10, $0x9C3;
	s16 =	sadd.s32 @!p4 $0x600, s16;
	_ =	swait.ge @!p3 [sflag:s21], $0x80  }
0x6c: {  	p5 =	por p4, p4;
	p4 =	sgt.u32 s18, $0x9C3;
	[sflag:s21] =	ssyncset.done @!p3 $0x0  }
0x6d: {  	p2 =	sgt.u32 s28, $0x9C3;
	s13 =	sadd.s32 @!p4 s9, s5;
	[sflag:s21] =	ssyncadd.s32 @!p3 $0xFFFFFF80  }
0x6e: {  	[tilespmem:s12], [sflag:$0x1] =	stream.linear.gather @!p1 [hbm4b:s19+s12], $0x80, $0x38;
	[tilespmem:$0x2D78] =	vst v63  }
0x6f: {  	s15 =	simm.s32 @!p5 $0x180;
	s18 =	sadd.s32 @!p4 $0x400, s13;
	s13 =	simm.s32 @!p2 $0x200  }
0x70: {  	[tilespmem:s22], [sflag:$0x2] =	stream.linear.gather @!p0 [hbm4b:s17+s20], $0x80, $0x38;
	[tilespmem:$0x2D78] =	vst v63  }
0x71: {  	s21 =	sadd.s32 @!p2 s9, s5;
	s17 =	simm.s32 @!p4 $0x0;
	s20 =	simm.s32 @!p4 $0x100  }
0x72: {  	[tilespmem:s20], [sflag:$0x3] =	stream.linear.gather @!p4 [hbm4b:s18+s17], $0x80, $0x38;
	[tilespmem:$0x2D78] =	vst v63  }
0x73: {  	s9 =	sadd.s32 @!p6 s9, s5;
	p3 =	por p6, p6;
	s19 =	simm.s32 @!p5 $0x0  }
0x74: {  	[tilespmem:s15], [sflag:$0x4] =	stream.linear.gather @!p5 [hbm4b:s16+s19], $0x80, $0x38;
	[tilespmem:$0x2D78] =	vst v63  }
0x75: {  	s17 =	sadd.s32 @!p2 $0x800, s21;
	s18 =	simm.s32 @!p2 $0x0;
	s21 =	simm.s32 @!p6 $0x0  }
0x76: {  	[tilespmem:s13], [sflag:$0x5] =	stream.linear.gather @!p2 [hbm4b:s17+s18], $0x80, $0x38;
	[tilespmem:$0x2D78] =	vst v63  }
0x77: {  	s19 =	sadd.s32 @!p6 $0xA00, s9;
	s16 =	simm.s32 @!p6 $0x280;
	s17 =	simm.s32 @!p1 $0x1  }
0x78: {  	[tilespmem:s16], [sflag:$0x6] =	stream.linear.gather @!p3 [hbm4b:s19+s21], $0x80, $0x38;
	[tilespmem:$0x2D78] =	vst v63  }
0x79: {  	_ =	swait.ge @!p1 [sflag:s17], $0x80  }
0x7a: {  	[sflag:s17] =	ssyncset.done @!p1 $0x0;
	s29 =	sld [smem:$0x7F8]  }
0x7b: {  	s14 =	simm.s32 @!p1 $0x300;
	[sflag:s17] =	ssyncadd.s32 @!p1 $0xFFFFFF80;
	s17 =	simm.s32 @!p1 $0x80  }
0x7c: {  	[spmem:s1] =	stream.indirect.scatter.add.f32 @!p1 [tilespmem:s14], [sflag:$0x7], $0x1, s12, s17, $0xb8;
	[tilespmem:$0x2D78] =	vst v63  }
0x7d: {  	p6 =	por $0x0, $0x0;
	p0 =	seq.s32 s29, $0x1  }
0x7e: {  	p6 =	por @!p1 p0, p0  }
0x7f: {  	s19 =	simm.s32 @p6 $0x2  }
0x80: {  	_ =	swait.ge @p6 [sflag:s19], $0x80  }
0x81: {  	s18 =	simm.s32 @!p4 $0x3;
	[sflag:s19] =	ssyncset.done @p6 $0x0  }
0x82: {  	s12 =	simm.s32 @p6 $0x80;
	s14 =	simm.s32 @p6 $0x300;
	[sflag:s19] =	ssyncadd.s32 @p6 $0xFFFFFF80  }
0x83: {  	[spmem:s1] =	stream.indirect.scatter.add.f32 @p6 [tilespmem:s14], [sflag:$0x8], $0x1, s12, s12, $0xb8;
	[tilespmem:$0x2D78] =	vst v63  }
0x84: {  	_ =	swait.ge @!p4 [sflag:s18], $0x80  }
0x85: {  	s17 =	simm.s32 @!p4 $0x300;
	[sflag:s18] =	ssyncset.done @!p4 $0x0  }
0x86: {  	s12 =	simm.s32 @!p5 $0x4;
	s14 =	simm.s32 @!p4 $0x80;
	[sflag:s18] =	ssyncadd.s32 @!p4 $0xFFFFFF80  }
0x87: {  	[spmem:s1] =	stream.indirect.scatter.add.f32 @!p4 [tilespmem:s17], [sflag:$0x9], $0x1, s20, s14, $0xb8;
	[tilespmem:$0x2D78] =	vst v63  }
0x88: {  	_ =	swait.ge @!p5 [sflag:s12], $0x80  }
0x89: {  	s18 =	simm.s32 @!p5 $0x300;
	[sflag:s12] =	ssyncset.done @!p5 $0x0  }
0x8a: {  	s14 =	simm.s32 @!p2 $0x5;
	s17 =	simm.s32 @!p5 $0x80;
	[sflag:s12] =	ssyncadd.s32 @!p5 $0xFFFFFF80  }
0x8b: {  	[spmem:s1] =	stream.indirect.scatter.add.f32 @!p5 [tilespmem:s18], [sflag:$0xA], $0x1, s15, s17, $0xb8;
	[tilespmem:$0x2D78] =	vst v63  }
0x8c: {  	_ =	swait.ge @!p2 [sflag:s14], $0x80  }
0x8d: {  	s12 =	simm.s32 @!p2 $0x80;
	[sflag:s14] =	ssyncset.done @!p2 $0x0  }
0x8e: {  	s15 =	simm.s32 @!p3 $0x6;
	[sflag:s14] =	ssyncadd.s32 @!p2 $0xFFFFFF80;
	s14 =	simm.s32 @!p2 $0x300  }
0x8f: {  	[spmem:s1] =	stream.indirect.scatter.add.f32 @!p2 [tilespmem:s14], [sflag:$0xB], $0x1, s13, s12, $0xb8;
	[tilespmem:$0x2D78] =	vst v63  }
0x90: {  	_ =	swait.ge @!p3 [sflag:s15], $0x80  }
0x91: {  	s18 =	simm.s32 @!p1 $0x7;
	[sflag:s15] =	ssyncset.done @!p3 $0x0  }
0x92: {  	s12 =	simm.s32 @!p3 $0x80;
	s13 =	simm.s32 @!p3 $0x300;
	[sflag:s15] =	ssyncadd.s32 @!p3 $0xFFFFFF80  }
0x93: {  	[spmem:s1] =	stream.indirect.scatter.add.f32 @!p3 [tilespmem:s13], [sflag:$0xC], $0x1, s16, s12, $0xb8;
	[tilespmem:$0x2D78] =	vst v63  }
0x94: {  	_ =	swait.ge @!p1 [sflag:s18], $0x80  }
0x95: {  	s31 =	sld [smem:$0x7F9];
	_ =	sdelay $0x2  }
0x96: {  	s10 =	sadd.s32 $0xC0, s10;
	p0 =	seq.s32 s31, $0x1  }
.Ltmp2:
0x97: {  	s30 =	sadd.s32 $0xFFFFFF60, s10;
	(pc) =	sbr.rel @p0 .LBB2_6-.Ltmp2, $4  }
0x98: {  	s9 =	smov.u32 s24;
	s17 =	simm.s32 @p6 $0x8;
	s12 =	simm.s32 @!p5 $0x0  }
0x99: {  	s15 =	simm.s32 @!p5 $0xA;
	s13 =	simm.s32 @!p2 $0xB;
	s12 =	simm.s32 @p5 $0x1  }
0x9a: {  	s16 =	simm.s32 @!p4 $0x9;
	[smem:$0x7FC] =	sst s12;
	[sflag:s18] =	ssyncset.done @!p1 $0x0  }
0x9b: {  	s12 =	sadd.s32 $0xFFFFFF80, s10;
	[sflag:s18] =	ssyncadd.s32 @!p1 $0xFFFFFF80;
	p1 =	sgt.u32 s30, $0x9C3  }
0x9c: {  	_ =	swait.ge @p6 [sflag:s17], $0x80  }
0x9d: {  	[sflag:s17] =	ssyncset.done @p6 $0x0  }
0x9e: {  	[sflag:s17] =	ssyncadd.s32 @p6 $0xFFFFFF80  }
0x9f: {  	_ =	swait.ge @!p4 [sflag:s16], $0x80  }
0xa0: {  	s11 =	sld [smem:$0x7FC];
	_ =	sdelay $0x1  }
0xa1: {  	[sflag:s16] =	ssyncset.done @!p4 $0x0  }
0xa2: {  	[sflag:s16] =	ssyncadd.s32 @!p4 $0xFFFFFF80;
	p0 =	seq.s32 s11, $0x1  }
0xa3: {  	_ =	swait.ge @!p0 [sflag:s15], $0x80  }
0xa4: {  	p5 =	sgt.u32 @!p1 s12, $0x9C3;
	[sflag:s15] =	ssyncset.done @!p0 $0x0  }
0xa5: {  	s23 =	sadd.s32 $0xFFFFFFA0, s10;
	s12 =	sadd.s32 @!p1 s9, s5;
	[sflag:s15] =	ssyncadd.s32 @!p0 $0xFFFFFF80  }
0xa6: {  	s24 =	sadd.s32 $0xFFFFFFC0, s10;
	s25 =	sadd.s32 $0xFFFFFFE0, s10;
	_ =	swait.ge @!p2 [sflag:s13], $0x80  }
0xa7: {  	s17 =	simm.s32 @!p3 $0xC;
	p4 =	por p5, p1;
	[sflag:s13] =	ssyncset.done @!p2 $0x0  }
0xa8: {  	p6 =	sgt.u32 s10, $0x9C3;
	[sflag:s13] =	ssyncadd.s32 @!p2 $0xFFFFFF80;
	p2 =	por @!p4 $0x1, $0x1  }
0xa9: {  	p5 =	por !p5, p1;
	s14 =	sadd.s32 @!p4 s9, s5;
	s13 =	simm.s32 @!p2 $0x0  }
0xaa: {  	s16 =	simm.s32 @!p4 $0x0;
	s14 =	sadd.s32 @!p4 $0x200, s14;
	s13 =	simm.s32 @p2 $0x1  }
0xab: {  	s11 =	simm.s32 @!p4 $0x80;
	p0 =	sgt.u32 s24, $0x9C3;
	[smem:$0x7F5] =	sst s13  }
0xac: {  	s15 =	simm.s32 @!p1 $0x0;
	s13 =	sadd.s32 @!p0 s9, s5;
	_ =	swait.ge @!p3 [sflag:s17], $0x80  }
0xad: {  	s13 =	sadd.s32 @!p0 $0x600, s13;
	p0 =	por p0, p0;
	[sflag:s17] =	ssyncset.done @!p3 $0x0  }
0xae: {  	s10 =	simm.s32 @!p0 $0x0;
	[sflag:s17] =	ssyncadd.s32 @!p3 $0xFFFFFF80;
	p3 =	sgt.u32 s23, $0x9C3  }
0xaf: {  	[tilespmem:s15], [sflag:$0x1] =	stream.linear.gather @!p1 [hbm4b:s12+s15], $0x80, $0x38;
	[tilespmem:$0x2D78] =	vst v63  }
0xb0: {  	p2 =	sgt.u32 s25, $0x9C3;
	s10 =	simm.s32 @p0 $0x1;
	s12 =	sadd.s32 @!p3 s9, s5  }
0xb1: {  	[tilespmem:s11], [sflag:$0x2] =	stream.linear.gather @!p4 [hbm4b:s14+s16], $0x80, $0x38;
	[tilespmem:$0x2D78] =	vst v63  }
0xb2: {  	[smem:$0x7F6] =	sst s10;
	s10 =	simm.s32 @!p0 $0x180;
	s11 =	sadd.s32 @!p3 $0x400, s12  }
0xb3: {  	s12 =	simm.s32 @!p0 $0x0;
	s14 =	simm.s32 @!p3 $0x0;
	s16 =	simm.s32 @!p3 $0x100  }
0xb4: {  	[tilespmem:s16], [sflag:$0x3] =	stream.linear.gather @!p3 [hbm4b:s11+s14], $0x80, $0x38;
	[tilespmem:$0x2D78] =	vst v63  }
0xb5: {  	p4 =	por p6, p6;
	s11 =	simm.s32 @!p2 $0x200;
	s14 =	sadd.s32 @!p2 s9, s5  }
0xb6: {  	[tilespmem:s10], [sflag:$0x4] =	stream.linear.gather @!p0 [hbm4b:s13+s12], $0x80, $0x38;
	[tilespmem:$0x2D78] =	vst v63  }
0xb7: {  	s9 =	sadd.s32 @!p6 s9, s5;
	s12 =	sadd.s32 @!p2 $0x800, s14;
	s13 =	simm.s32 @!p2 $0x0  }
0xb8: {  	[tilespmem:s11], [sflag:$0x5] =	stream.linear.gather @!p2 [hbm4b:s12+s13], $0x80, $0x38;
	[tilespmem:$0x2D78] =	vst v63  }
0xb9: {  	s9 =	sadd.s32 @!p6 $0xA00, s9;
	s12 =	simm.s32 @!p6 $0x0;
	s13 =	simm.s32 @!p6 $0x280  }
0xba: {  	[tilespmem:s13], [sflag:$0x6] =	stream.linear.gather @!p4 [hbm4b:s9+s12], $0x80, $0x38;
	[tilespmem:$0x2D78] =	vst v63  }
0xbb: {  	s9 =	simm.s32 @!p5 $0x0  }
0xbc: {  	s26 =	sld [smem:$0x7F5];
	s9 =	simm.s32 @p5 $0x1  }
0xbd: {  	[smem:$0x7F4] =	sst s9  }
0xbe: {  	s28 =	sld [smem:$0x7F4];
	_ =	sdelay $0x2  }
0xbf: {  	p6 =	por @!p1 $0x0, $0x0;
	p5 =	seq.s32 s26, $0x1;
	p0 =	seq.s32 s28, $0x1  }
0xc0: {  	p5 =	por @!p0 p6, p6  }
0xc1: {  	s12 =	simm.s32 @!p5 $0x0  }
0xc2: {  	s12 =	simm.s32 @p5 $0x1  }
0xc3: {  	s9 =	simm.s32 @!p1 $0x1;
	[smem:$0x7F5] =	sst s12  }
0xc4: {  	_ =	swait.ge @!p1 [sflag:s9], $0x80  }
0xc5: {  	s29 =	sld [smem:$0x7F5];
	[sflag:s9] =	ssyncset.done @!p1 $0x0  }
0xc6: {  	s12 =	simm.s32 @!p1 $0x300;
	[sflag:s9] =	ssyncadd.s32 @!p1 $0xFFFFFF80;
	s9 =	simm.s32 @!p1 $0x80  }
0xc7: {  	[spmem:s1] =	stream.indirect.scatter.add.f32 @!p1 [tilespmem:s12], [sflag:$0x7], $0x1, s15, s9, $0xb8;
	[tilespmem:$0x2D78] =	vst v63  }
0xc8: {  	p5 =	por $0x0, $0x0;
	p6 =	seq.s32 s29, $0x1  }
0xc9: {  	p5 =	por @!p1 p6, p6  }
0xca: {  	s14 =	simm.s32 @p5 $0x2  }
0xcb: {  	_ =	swait.ge @p5 [sflag:s14], $0x80  }
0xcc: {  	s9 =	simm.s32 @!p3 $0x3;
	[sflag:s14] =	ssyncset.done @p5 $0x0  }
0xcd: {  	s12 =	simm.s32 @p5 $0x80;
	s15 =	simm.s32 @p5 $0x300;
	[sflag:s14] =	ssyncadd.s32 @p5 $0xFFFFFF80  }
0xce: {  	[spmem:s1] =	stream.indirect.scatter.add.f32 @p5 [tilespmem:s15], [sflag:$0x8], $0x1, s12, s12, $0xb8;
	[tilespmem:$0x2D78] =	vst v63  }
0xcf: {  	_ =	swait.ge @!p3 [sflag:s9], $0x80  }
0xd0: {  	s30 =	sld [smem:$0x7F6];
	[sflag:s9] =	ssyncset.done @!p3 $0x0  }
0xd1: {  	s14 =	simm.s32 @!p3 $0x80;
	s15 =	simm.s32 @!p3 $0x300;
	[sflag:s9] =	ssyncadd.s32 @!p3 $0xFFFFFF80  }
0xd2: {  	[spmem:s1] =	stream.indirect.scatter.add.f32 @!p3 [tilespmem:s15], [sflag:$0x9], $0x1, s16, s14, $0xb8;
	[tilespmem:$0x2D78] =	vst v63  }
0xd3: {  	p0 =	seq.s32 s30, $0x1  }
0xd4: {  	s12 =	simm.s32 @!p0 $0x4  }
0xd5: {  	_ =	swait.ge @!p0 [sflag:s12], $0x80  }
0xd6: {  	s9 =	simm.s32 @!p2 $0x5;
	[sflag:s12] =	ssyncset.done @!p0 $0x0  }
0xd7: {  	s14 =	simm.s32 @!p0 $0x80;
	s15 =	simm.s32 @!p0 $0x300;
	[sflag:s12] =	ssyncadd.s32 @!p0 $0xFFFFFF80  }
0xd8: {  	[spmem:s1] =	stream.indirect.scatter.add.f32 @!p0 [tilespmem:s15], [sflag:$0xA], $0x1, s10, s14, $0xb8;
	[tilespmem:$0x2D78] =	vst v63  }
0xd9: {  	_ =	swait.ge @!p2 [sflag:s9], $0x80  }
0xda: {  	s12 =	simm.s32 @!p4 $0x6;
	[sflag:s9] =	ssyncset.done @!p2 $0x0  }
0xdb: {  	s10 =	simm.s32 @!p2 $0x80;
	[sflag:s9] =	ssyncadd.s32 @!p2 $0xFFFFFF80;
	s9 =	simm.s32 @!p2 $0x300  }
0xdc: {  	[spmem:s1] =	stream.indirect.scatter.add.f32 @!p2 [tilespmem:s9], [sflag:$0xB], $0x1, s11, s10, $0xb8;
	[tilespmem:$0x2D78] =	vst v63  }
0xdd: {  	_ =	swait.ge @!p4 [sflag:s12], $0x80  }
0xde: {  	s9 =	simm.s32 @!p1 $0x7;
	[sflag:s12] =	ssyncset.done @!p4 $0x0  }
0xdf: {  	s10 =	simm.s32 @!p4 $0x80;
	s11 =	simm.s32 @!p4 $0x300;
	[sflag:s12] =	ssyncadd.s32 @!p4 $0xFFFFFF80  }
0xe0: {  	[spmem:s1] =	stream.indirect.scatter.add.f32 @!p4 [tilespmem:s11], [sflag:$0xC], $0x1, s13, s10, $0xb8;
	[tilespmem:$0x2D78] =	vst v63  }
0xe1: {  	_ =	swait.ge @!p1 [sflag:s9], $0x80  }
0xe2: {  	[sflag:s9] =	ssyncset.done @!p1 $0x0  }
0xe3: {  	[sflag:s9] =	ssyncadd.s32 @!p1 $0xFFFFFF80;
	s9 =	simm.s32 @p5 $0x8  }
0xe4: {  	_ =	swait.ge @p5 [sflag:s9], $0x80  }
0xe5: {  	[sflag:s9] =	ssyncset.done @p5 $0x0  }
0xe6: {  	[sflag:s9] =	ssyncadd.s32 @p5 $0xFFFFFF80;
	s9 =	simm.s32 @!p3 $0x9  }
0xe7: {  	_ =	swait.ge @!p3 [sflag:s9], $0x80  }
0xe8: {  	[sflag:s9] =	ssyncset.done @!p3 $0x0  }
0xe9: {  	[sflag:s9] =	ssyncadd.s32 @!p3 $0xFFFFFF80;
	s9 =	simm.s32 @!p0 $0xA  }
0xea: {  	_ =	swait.ge @!p0 [sflag:s9], $0x80  }
0xeb: {  	[sflag:s9] =	ssyncset.done @!p0 $0x0  }
0xec: {  	[sflag:s9] =	ssyncadd.s32 @!p0 $0xFFFFFF80;
	s9 =	simm.s32 @!p2 $0xB  }
0xed: {  	_ =	swait.ge @!p2 [sflag:s9], $0x80  }
0xee: {  	[sflag:s9] =	ssyncset.done @!p2 $0x0  }
0xef: {  	[sflag:s9] =	ssyncadd.s32 @!p2 $0xFFFFFF80;
	s9 =	simm.s32 @!p4 $0xC  }
0xf0: {  	_ =	swait.ge @!p4 [sflag:s9], $0x80  }
0xf1: {  	[sflag:s9] =	ssyncset.done @!p4 $0x0  }
0xf2: {  	[sflag:s9] =	ssyncadd.s32 @!p4 $0xFFFFFF80  }
0xf3: {  	[bflag:$0x0] =	sbarrier.arrive $0xFFFF  }
0xf4: {  	s31 =	sld [smem:$0x7FD];
	_ =	sdelay $0x2  }
0xf5: {  	s2 =	sadd.s32 $0x1, s2;
	p1 =	seq.s32 s31, $0x1  }
0xf6: {  	p0 =	sne.s32 s2, s4;
	s9 =	sshrl.u32 @!p1 s1, $0x3;
	s10 =	simm.s32 @!p1 $0x1  }
0xf7: {  	s11 =	simm.s32 @!p1 $0x20;
	s12 =	simm.s32 @!p1 $0x10;
	s13 =	simm.s32 @!p1 $0x1C0D  }
0xf8: {  	[hbm:s3@s11], [sflag:s13] =	dma.strided @!p1 [spmem:s9@s12], $0x4F0, s10, $0x10   }
.Ltmp3:
0xf9: {  	_ = 	snop;
	(pc) =	sbr.rel @p0 .LBB2_1-.Ltmp3, $4  }
0xfa: {  	s9 =	simm.s32 @!p1 $0xD  }
0xfb: {  	_ =	swait.ge @!p1 [sflag:s9], $0x4F0  }
0xfc: {  	[sflag:s9] =	ssyncset.done @!p1 $0x0  }
0xfd: {  	[sflag:s9] =	ssyncadd.s32 @!p1 $0xFFFFFB10  }
0xfe: {  	_ =	sfence.sel $0x180000  }
0xff: {  	[bflag:$0x0] =	sbarrier.arrive $0xFFFF  }
0x100: {  	_ =	strace $0x90000047  }
0x101: {  	s0 =	sadd.s32 @!p1 $0x100000, s0;
	[bflag:$0x2] =	sbarrier.arrive $0xFFFF  }
0x102: {  	[sflag:s0] =	ssyncadd.tile.s32 @!p1 $0x1;
	_ =	shalt  }
.Lfunc_end2:
_tile_overlayer_lowered:
.L_overlay_start_2:
0x103: {  	(tag) =	ssettag $0x2  }
0x104: {  	s0 =	rddreg [dreg:$0x0];
	s2 =	stileid.u32  }
0x105: {  	s1 =	rddreg [dreg:$0x1];
	p0 =	sne.s32 s2, $0x0  }
0x106: {  	s3 =	rddreg [dreg:$0x2];
	[bflag:$0x3] =	sbarrier.arrive $0xFFFF;
	s2 =	simm.s32 @!p0 $0x1C0D  }
0x107: {  	[timem:s3], [sflag:s2] =	dma.local @!p0 [hbm:s0], s1  }
0x108: {  	s0 =	simm.s32 @!p0 $0xD  }
0x109: {  	_ =	swait.ge @!p0 [sflag:s0], s1  }
0x10a: {  	s1 =	ssub.s32 @!p0 $0x0, s1;
	[sflag:s0] =	ssyncset.done @!p0 $0x0  }
0x10b: {  	[sflag:s0] =	ssyncadd.s32 @!p0 s1  }
0x10c: {  	[bflag:$0x3] =	sbarrier.arrive $0xFFFF  }
0x10d: {  	_ =	shalt  }

// kernel: kernel.17.cloned.1.call-start
scs
__scs_entry_jumppad:
0x0: {  	(pc) =	sbr.rel $0x88, $3  }
0x1: {  	(tag) =	ssettag $0x0;
	lr =	simm.s32 $0x1  }
0x2: {  	[smem:$0x3F98] =	sst lr;
	_ =	strace $0xD0000000  }
0x3: {  	_ = 	snop  }
0x4: {  	_ = 	snop  }
0x5: {  	_ = 	snop  }
0x6: {  	_ = 	snop  }
0x7: {  	_ = 	snop  }
__scs_overlays_trampoline_lowered:
0x8: {  	[smem:$0x3FA7] =	sst s0  }
0x9: {  	[smem:$0x3FA8] =	sst s1  }
0xa: {  	[smem:$0x3FA9] =	sst s2  }
0xb: {  	[smem:$0x3FAA] =	sst s3  }
0xc: {  	[smem:$0x3FAB] =	sst s4  }
0xd: {  	[smem:$0x3FAC] =	sst s5  }
0xe: {  	[smem:$0x3FAD] =	sst s6  }
0xf: {  	[smem:$0x3FAE] =	sst s7  }
0x10: {  	[smem:$0x3FAF] =	sst s8  }
0x11: {  	[smem:$0x3FB0] =	sst s9;
	s0 =	simm.s32 @!p0 $0x0  }
0x12: {  	s1 =	sld [smem:$0x3F96];
	s0 =	simm.s32 @p0 $0x1  }
0x13: {  	[smem:$0x3FB1] =	sst s0;
	s0 =	simm.s32 @!p1 $0x0  }
0x14: {  	s2 =	sld [smem:$0x3F95];
	s0 =	simm.s32 @p1 $0x1  }
0x15: {  	[smem:$0x3FB2] =	sst s0;
	s0 =	simm.s32 @!p2 $0x0  }
0x16: {  	s3 =	sld [smem:$0x3FDB];
	s0 =	simm.s32 @p2 $0x1  }
0x17: {  	s4 =	simm.s32 $0x1BF5;
	[smem:$0x3FB4] =	sst s0  }
0x18: {  	s0 =	sld [smem:$0x3F97];
	_ =	swait.ge [sflag:s4], $0x0  }
0x19: {  	s7 =	sld [smem:$0x3F98]  }
0x1a: {  	s8 =	sadd.s32 $0xFFFFE003, lr  }
0x1b: {  	s9 =	sadd.s32 $0xFFFFFEF7, lr;
	s5 =	simm.s32 $0xFFFFFFFF;
	p2 =	slt.u32 s8, $0xFFFFF086  }
0x1c: {  	p1 =	slt.u32 s9, $0xF7A;
	s5 =	simm.s32 @!p2 $0x0  }
0x1d: {  	s5 =	simm.s32 @p1 $0x1;
	p0 =	seq.s32 s7, s2  }
0x1e: {  	s7 =	smul.u32 @!p0 $0xF7A, s2;
	p2 =	seq.s32 @!p0 s5, $0x0  }
0x1f: {  	s9 =	smul.u32 $0xF7A, s1;
	s8 =	simm.s32 @!p0 $0x1BF5;
	p2 =	por !p2, p0  }
0x20: {  	[sflag:s8] =	ssyncset.s32 @!p0 $0xFFFFF086;
	s6 =	sadd.s32 @!p0 s3, s7;
	s7 =	simm.s32 @!p0 $0x108  }
0x21: {  	s3 =	sadd.s32 s3, s9;
	s6 =	sadd.s32 @!p0 $0x88, s6;
	s7 =	simm.s32 @p2 $0x1082  }
0x22: {  	[simem:s7], [sflag:s8] =	dma.local @!p0 [hbm:s6], $0xF7A  }
0x23: {  	s9 =	sor.u32 $0xD0000000, s2;
	s6 =	simm.s32 $0x108;
	_ =	swait.ge @!p0 [sflag:s8], $0x0  }
0x24: {  	s3 =	sadd.s32 $0x88, s3;
	s6 =	simm.s32 @!p1 $0x1082;
	[sflag:s4] =	ssyncset.s32 $0xFFFFF086  }
0x25: {  	[simem:s6], [sflag:s4] =	dma.local [hbm:s3], $0xF7A  }
0x26: {  	[smem:$0x3F98] =	sst s1;
	(tag) =	ssettag s2;
	_ =	strace s9  }
0x27: {  	s1 =	sld [smem:$0x3FA8]  }
0x28: {  	s2 =	sld [smem:$0x3FA9]  }
0x29: {  	s4 =	sld [smem:$0x3FAB]  }
0x2a: {  	p0 =	seq.s32 s5, $0x0;
	s5 =	sld [smem:$0x3FAC]  }
0x2b: {  	s6 =	sld [smem:$0x3FAD]  }
0x2c: {  	s7 =	sld [smem:$0x3FAE]  }
0x2d: {  	s3 =	simm.s32 $0x108;
	s8 =	sld [smem:$0x3FAF]  }
0x2e: {  	s3 =	simm.s32 @!p0 $0x1082;
	s9 =	sld [smem:$0x3FB0]  }
0x2f: {  	lr =	sadd.s32 s0, s3;
	s0 =	sld [smem:$0x3FA7]  }
0x30: {  	s3 =	sld [smem:$0x3FAA]  }
0x31: {  	[smem:$0x3FB3] =	sst s10  }
0x32: {  	s10 =	sld [smem:$0x3FB1];
	_ =	sdelay $0x3  }
0x33: {  	p0 =	seq.s32 s10, $0x1;
	s10 =	sld [smem:$0x3FB3];
	_ =	sdelay $0x3  }
0x34: {  	[smem:$0x3FB3] =	sst s10  }
0x35: {  	s10 =	sld [smem:$0x3FB2];
	_ =	sdelay $0x3  }
0x36: {  	p1 =	seq.s32 s10, $0x1;
	s10 =	sld [smem:$0x3FB3];
	_ =	sdelay $0x3  }
0x37: {  	[smem:$0x3FB3] =	sst s10  }
0x38: {  	s10 =	sld [smem:$0x3FB4]  }
0x39: {  	_ = 	snop;
	(pc) =	sbr.ind lr, $3  }
0x3a: {  	_ = 	snop  }
0x3b: {  	_ = 	snop  }
0x3c: {  	p2 =	seq.s32 s10, $0x1;
	s10 =	sld [smem:$0x3FB3]  }
0x3d: {  	_ =	shalt  }
0x3e: {  	_ =	shalt  }
0x3f: {  	_ =	shalt  }
0x40: {  	_ =	shalt  }
0x41: {  	_ =	shalt  }
0x42: {  	_ =	shalt  }
0x43: {  	_ =	shalt  }
0x44: {  	_ =	shalt  }
0x45: {  	_ =	shalt  }
0x46: {  	_ =	shalt  }
0x47: {  	_ =	shalt  }
0x48: {  	_ =	shalt  }
0x49: {  	_ =	shalt  }
0x4a: {  	_ =	shalt  }
0x4b: {  	_ =	shalt  }
0x4c: {  	_ =	shalt  }
0x4d: {  	_ =	shalt  }
0x4e: {  	_ =	shalt  }
0x4f: {  	_ =	shalt  }
0x50: {  	_ =	shalt  }
0x51: {  	_ =	shalt  }
0x52: {  	_ =	shalt  }
0x53: {  	_ =	shalt  }
0x54: {  	_ =	shalt  }
0x55: {  	_ =	shalt  }
0x56: {  	_ =	shalt  }
0x57: {  	_ =	shalt  }
0x58: {  	_ =	shalt  }
0x59: {  	_ =	shalt  }
0x5a: {  	_ =	shalt  }
0x5b: {  	_ =	shalt  }
0x5c: {  	_ =	shalt  }
0x5d: {  	_ =	shalt  }
0x5e: {  	_ =	shalt  }
0x5f: {  	_ =	shalt  }
0x60: {  	_ =	shalt  }
0x61: {  	_ =	shalt  }
0x62: {  	_ =	shalt  }
0x63: {  	_ =	shalt  }
0x64: {  	_ =	shalt  }
0x65: {  	_ =	shalt  }
0x66: {  	_ =	shalt  }
0x67: {  	_ =	shalt  }
0x68: {  	_ =	shalt  }
0x69: {  	_ =	shalt  }
0x6a: {  	_ =	shalt  }
0x6b: {  	_ =	shalt  }
0x6c: {  	_ =	shalt  }
0x6d: {  	_ =	shalt  }
0x6e: {  	_ =	shalt  }
0x6f: {  	_ =	shalt  }
0x70: {  	_ =	shalt  }
0x71: {  	_ =	shalt  }
0x72: {  	_ =	shalt  }
0x73: {  	_ =	shalt  }
0x74: {  	_ =	shalt  }
0x75: {  	_ =	shalt  }
0x76: {  	_ =	shalt  }
0x77: {  	_ =	shalt  }
0x78: {  	_ =	shalt  }
0x79: {  	_ =	shalt  }
0x7a: {  	_ =	shalt  }
0x7b: {  	_ =	shalt  }
0x7c: {  	_ =	shalt  }
0x7d: {  	_ =	shalt  }
0x7e: {  	_ =	shalt  }
0x7f: {  	_ =	shalt  }
0x80: {  	_ =	shalt  }
0x81: {  	_ =	shalt  }
0x82: {  	_ =	shalt  }
0x83: {  	_ =	shalt  }
0x84: {  	_ =	shalt  }
0x85: {  	_ =	shalt  }
0x86: {  	_ =	shalt  }
0x87: {  	_ =	shalt  }
.Lfunc_end0:
.L_simem_size_0:
called_computation.1_lowered:
.L_overlay_start_0:
0x88: {  	s2 =	sld [smem:$0x3FD9]  }
0x89: {  	s3 =	sld [smem:$0x3FFE];
	_ =	sdelay $0x1  }
0x8a: {  	s1 =	srdreg.scid  }
0x8b: {  	s0 =	sand.u32 $0x1, s1  }
0x8c: {  	s17 =	sshll.u32 s0, $0xA;
	s2 =	sadd.s32 s3, s2  }
0x8d: {  	s2 =	sadd.s32 s2, s17  }
0x8e: {  	[smem:$0x3FBF] =	sst s2  }
0x8f: {  	_ = 	snop  }
0x90: {  	s2 =	sld [smem:$0x3FD0];
	(tm) =	ssettm $0x1  }
0x91: {  	s18 =	sld [smem:$0x3FFB];
	_ =	sdelay $0x3  }
0x92: {  	_ =	strace s18  }
0x93: {  	s3 =	sld [smem:$0x3FFC];
	_ =	sdelay $0x3  }
0x94: {  	_ =	strace s3  }
0x95: {  	s3 =	sld [smem:$0x3FFD];
	_ =	sdelay $0x3  }
0x96: {  	_ =	strace s3  }
0x97: {  	_ =	strace $0x8FFFFFFF  }
0x98: {  	s19 =	sld [smem:$0x3FDB];
	_ =	sdelay $0x1  }
0x99: {  	s4 =	simm.s32 $_scs_section_size  }
0x9a: {  	s5 =	simm.s32 $_size__tile_overlayer_lowered;
	s6 =	simm.s32 $_tile_overlayer_lowered  }
0x9b: {  	s22 =	simm.s32 $0x1BFF;
	s21 =	sshll.u32 s6, $0x1;
	s3 =	sadd.s32 s4, s19  }
0x9c: {  	s7 =	simm.s32 $0x0;
	s20 =	sshll.u32 s5, $0x1;
	s5 =	sadd.s32 s21, s3  }
0x9d: {  	[timem:s7], [sflag:s22] =	dma.local [hbm:s5], s20  }
0x9e: {  	_ =	swait.ge [sflag:s22], s20  }
0x9f: {  	s4 =	ssub.s32 $0x0, s20;
	[sflag:s22] =	ssyncset.done $0x0  }
0xa0: {  	[sflag:s22] =	ssyncadd.s32 s4;
	_ =	sdelay $0x1  }
0xa1: {  	s23 =	simm.s32 $0x1B8B  }
0xa2: {  	_ =	swait.ge [sflag:s23], $0x1  }
0xa3: {  	[sflag:s23] =	ssyncset.done $0x0  }
0xa4: {  	s25 =	simm.s32 $0x1B8E;
	s24 =	sld [smem:$0x3FFE];
	[sflag:s23] =	ssyncadd.s32 $0xFFFFFFFF  }
0xa5: {  	s26 =	simm.s32 $execute0_lowered;
	[smem:$0x3FD2] =	sst s25  }
0xa6: {  	s5 =	sshll.u32 s26, $0x1;
	_ =	strace $0x80000049;
	[dreg:$0x1] =	wrdreg $0xFFFFFFFF  }
0xa7: {  	s28 =	simm.s32 $_size_execute0_lowered;
	s3 =	sadd.s32 s3, s5;
	[dreg:$0x0] =	wrdreg $0x0  }
0xa8: {  	s5 =	sshll.u32 s28, $0x1;
	[dreg:$0x2] =	wrdreg s3  }
0xa9: {  	[dreg:$0x3] =	wrdreg s5  }
0xaa: {  	[dreg:$0x4] =	wrdreg $0xC0  }
0xab: {  	_ =	task [dreg:s7], $0x5FFFF  }
0xac: {  	[dreg:$0x1] =	wrdreg $0xFFFFFFFF  }
0xad: {  	[dreg:$0x0] =	wrdreg $0x60  }
0xae: {  	[dreg:$0x2] =	wrdreg s24  }
0xaf: {  	[dreg:$0x3] =	wrdreg s2  }
0xb0: {  	[dreg:$0x4] =	wrdreg $0xC3000  }
0xb1: {  	[dreg:$0x5] =	wrdreg $0x9  }
0xb2: {  	_ =	task.clear_ibuf [dreg:s7], $0x6FFFF;
	_ =	strace $0x90000049  }
0xb3: {  	s29 =	simm.s32 $0x9;
	_ =	strace $0x8000004B  }
0xb4: {  	_ =	swait.ge [sflag:s29], $0x1  }
0xb5: {  	[sflag:s29] =	ssyncadd.s32 $0xFFFFFFFF  }
0xb6: {  	_ =	strace $0x9000004B  }
0xb7: {  	_ =	sfence  }
0xb8: {  	s30 =	sld [smem:$0x0];
	_ =	sdelay $0x2  }
0xb9: {  	s31 =	sshll.u32 s1, $0xD;
	s1 =	sshrl.u32 s1, $0x2  }
0xba: {  	s3 =	sand.u32 $0x4000, s31;
	s1 =	sadd.s32 s1, s30  }
0xbb: {  	s0 =	sor.u32 s3, s0;
	s1 =	sshll.u32 s1, $0x11  }
0xbc: {  	s0 =	sor.u32 s1, s0  }
0xbd: {  	s0 =	sadd.s32 $0x8F2B, s0  }
0xbe: {  	[sflag:s0] =	ssyncadd.remote.s32 $0x1  }
0xbf: {  	_ =	sfence.sel $0xFFFF  }
0xc0: {  	[dreg:$0x0] =	wrdreg $0xFFFFFFFF;
	(pc) =	sbr.abs _section_cstart, $3  }
0xc1: {  	[dreg:$0x1] =	wrdreg $0xFFFFFFFF  }
0xc2: {  	_ =	task.clear_ibuf [dreg:s7], $0x2FFFF;
	_ =	strace $0x9FFFFFFF  }
0xc3: {  	(tm) =	ssettm $0x7FFFFFFF  }
tec
execute0_lowered:
.L_overlay_start_1:
0x0: {  	(tag) =	ssettag $0x1  }
0x1: {  	s7 =	rddreg [dreg:$0x0]  }
0x2: {  	s11 =	rddreg [dreg:$0x1]  }
0x3: {  	s1 =	rddreg [dreg:$0x2]  }
0x4: {  	s0 =	rddreg [dreg:$0x3];
	s2 =	simm.s32 $0x0  }
0x5: {  	s3 =	srdreg.scid;
	[smem:$0x7FF] =	sst s2  }
0x6: {  	s4 =	sadd.s32 $0xDA00, s7;
	s6 =	sand.u32 $0x1, s3;
	s17 =	sadd.s32 $0x124800, s1  }
0x7: {  	s3 =	stileid.u32;
	_ =	strace $0x8000004A;
	s5 =	smul.u32 $0x27100, s6  }
0x8: {  	s12 =	sshll.u32 s6, $0x8;
	s9 =	ssub.s32 $0x2, s6;
	s10 =	smul.u32 $0x4E000, s3  }
0x9: {  	s28 =	sshll.u32 s6, $0x4;
	s16 =	sshll.u32 s3, $0x4;
	p0 =	seq.s32 s3, $0xF  }
0xa: {  	s8 =	sadd.s32 s12, s7;
	s14 =	sshrl.u32 s9, $0x1;
	s11 =	sadd.s32 s12, s11  }
0xb: {  	s31 =	sor.u32 s28, s3;
	s13 =	sadd.s32 s5, s7;
	s5 =	smul.u32 $0x2700, s3  }
0xc: {  	s9 =	ssub.s32 s9, s14;
	s29 =	sshrl.u32 s10, $0x2;
	s7 =	sadd.s32 $0x32300, s7  }
0xd: {  	s30 =	sadd.s32 s16, s8;
	s11 =	sadd.s32 s16, s11;
	s12 =	sor.u32 $0x40, s31  }
0xe: {  	s14 =	sshll.u32 @!p0 s3, $0x6;
	s15 =	sadd.s32 s29, s1;
	s8 =	sadd.s32 $0x34C00, s13  }
0xf: {  	s9 =	smax.u32 s9, $0x1;
	s10 =	sadd.s32 $0x3C00, s30;
	s13 =	sshrl.u32 @p0 s17, $0x3  }
0x10: {  	s14 =	sor.u32 @!p0 $0x1C0A, s14;
	s6 =	sadd.s32 s4, s5;
	s15 =	sshrl.u32 @!p0 s15, $0x3  }
.LBB2_1:
0x11: {  	s16 =	simm.s32 @p0 $0x1FCA  }
0x12: {  	[spmem:s13], [sflag:s16] =	dma.local @p0 [hbm:s7], $0x2800  }
0x13: {  	s16 =	simm.s32 @p0 $0xA  }
0x14: {  	_ =	swait.ge @p0 [sflag:s16], $0x2800  }
0x15: {  	[sflag:s16] =	ssyncset.done @p0 $0x0  }
0x16: {  	[sflag:s16] =	ssyncadd.s32 @p0 $0xFFFFD800;
	s16 =	simm.s32 @!p0 $0xA  }
0x17: {  	[spmem:s15], [sflag:s14] =	dma.local @!p0 [hbm:s6], $0x2700  }
0x18: {  	_ =	swait.ge @!p0 [sflag:s16], $0x2700  }
0x19: {  	s30 =	sadd.s32 $0xFFFFFFC0, s12;
	p1 =	sgt.u32 s12, $0x9C3;
	[sflag:s16] =	ssyncset.done @!p0 $0x0  }
0x1a: {  	s31 =	sadd.s32 $0xFFFFFFE0, s12;
	p3 =	sgt.u32 s30, $0x9C3;
	[sflag:s16] =	ssyncadd.s32 @!p0 $0xFFFFD900  }
0x1b: {  	s17 =	sadd.s32 @!p3 $0x0, s11;
	s18 =	simm.s32 @!p3 $0x0;
	[bflag:$0x0] =	sbarrier.arrive $0xFFFF  }
0x1c: {  	[tilespmem:s18], [sflag:$0x4] =	stream.linear.gather @!p3 [hbm4b:s17+s18], $0x80, $0x38;
	[tilespmem:$0x1FB80] =	vst v63  }
0x1d: {  	p2 =	sgt.u32 s31, $0x9C3;
	s19 =	simm.s32 @!p3 $0x180;
	s17 =	sadd.s32 @!p3 $0x0, s10  }
0x1e: {  	[tilespmem:s19], [sflag:$0x4] =	stream.linear.gather @!p3 [hbm4b:s17+s18], $0x80, $0x38;
	[tilespmem:$0x1FB80] =	vst v63  }
0x1f: {  	s23 =	sadd.s32 @!p1 $0x0, s11;
	s20 =	sadd.s32 @!p2 $0x0, s10;
	s17 =	sadd.s32 @!p2 $0x0, s11  }
0x20: {  	s21 =	simm.s32 @!p2 $0x0;
	s22 =	simm.s32 @!p2 $0x80;
	s17 =	sadd.s32 @!p2 $0x200, s17  }
0x21: {  	[tilespmem:s22], [sflag:$0x5] =	stream.linear.gather @!p2 [hbm4b:s17+s21], $0x80, $0x38;
	[tilespmem:$0x1FB80] =	vst v63  }
0x22: {  	s16 =	simm.s32 @!p1 $0x100;
	s17 =	sadd.s32 @!p2 $0x200, s20;
	s20 =	simm.s32 @!p2 $0x200  }
0x23: {  	[tilespmem:s20], [sflag:$0x5] =	stream.linear.gather @!p2 [hbm4b:s17+s21], $0x80, $0x38;
	[tilespmem:$0x1FB80] =	vst v63  }
0x24: {  	s17 =	sadd.s32 @!p1 $0x0, s10;
	s21 =	sadd.s32 @!p1 $0x400, s23;
	s23 =	simm.s32 @!p1 $0x0  }
0x25: {  	[tilespmem:s16], [sflag:$0x6] =	stream.linear.gather @!p1 [hbm4b:s21+s23], $0x80, $0x38;
	[tilespmem:$0x1FB80] =	vst v63  }
0x26: {  	s24 =	simm.s32 @!p3 $0x4;
	s17 =	sadd.s32 @!p1 $0x400, s17;
	s21 =	simm.s32 @!p1 $0x280  }
0x27: {  	[tilespmem:s21], [sflag:$0x6] =	stream.linear.gather @!p1 [hbm4b:s17+s23], $0x80, $0x38;
	[tilespmem:$0x1FB80] =	vst v63  }
0x28: {  	_ =	swait.ge @!p3 [sflag:s24], $0x80  }
0x29: {  	[sflag:s24] =	ssyncset.done @!p3 $0x0  }
0x2a: {  	[sflag:s24] =	ssyncadd.s32 @!p3 $0xFFFFFF80  }
0x2b: {  	_ =	swait.ge @!p3 [sflag:s24], $0x80  }
0x2c: {  	s25 =	simm.s32 @!p2 $0x5;
	[sflag:s24] =	ssyncset.done @!p3 $0x0  }
0x2d: {  	s17 =	simm.s32 @!p3 $0x80;
	s23 =	simm.s32 @!p3 $0x300;
	[sflag:s24] =	ssyncadd.s32 @!p3 $0xFFFFFF80  }
0x2e: {  	[tilespmem:s23], [sflag:$0x1] =	stream.indirect.gather @!p3 [hbm4b:s4+s17], $0x80, s18, s17, $0xb8;
	[tilespmem:$0x1FB80] =	vst v63  }
0x2f: {  	_ =	swait.ge @!p2 [sflag:s25], $0x80  }
0x30: {  	[sflag:s25] =	ssyncset.done @!p2 $0x0  }
0x31: {  	[sflag:s25] =	ssyncadd.s32 @!p2 $0xFFFFFF80  }
0x32: {  	_ =	swait.ge @!p2 [sflag:s25], $0x80  }
0x33: {  	p1 =	por p1, p1;
	[sflag:s25] =	ssyncset.done @!p2 $0x0  }
0x34: {  	s24 =	simm.s32 @!p1 $0x6;
	s18 =	simm.s32 @!p2 $0x4300;
	[sflag:s25] =	ssyncadd.s32 @!p2 $0xFFFFFF80  }
0x35: {  	[tilespmem:s18], [sflag:$0x2] =	stream.indirect.gather @!p2 [hbm4b:s4+s22], $0x80, s22, s22, $0xb8;
	[tilespmem:$0x1FB80] =	vst v63  }
0x36: {  	_ =	swait.ge @!p1 [sflag:s24], $0x80  }
0x37: {  	[sflag:s24] =	ssyncset.done @!p1 $0x0  }
0x38: {  	[sflag:s24] =	ssyncadd.s32 @!p1 $0xFFFFFF80  }
0x39: {  	_ =	swait.ge @!p1 [sflag:s24], $0x80  }
0x3a: {  	s26 =	simm.s32 @!p1 $0x8300;
	[sflag:s24] =	ssyncset.done @!p1 $0x0  }
0x3b: {  	s25 =	simm.s32 @!p3 $0x1;
	[sflag:s24] =	ssyncadd.s32 @!p1 $0xFFFFFF80;
	s24 =	simm.s32 @!p1 $0x80  }
0x3c: {  	[tilespmem:s26], [sflag:$0x3] =	stream.indirect.gather @!p1 [hbm4b:s4+s24], $0x80, s16, s24, $0xb8;
	[tilespmem:$0x1FB80] =	vst v63  }
0x3d: {  	_ =	swait.ge @!p3 [sflag:s25], $0x4000  }
0x3e: {  	[sflag:s25] =	ssyncset.done @!p3 $0x0  }
0x3f: {  	s16 =	simm.s32 @!p2 $0x2;
	[sflag:s25] =	ssyncadd.s32 @!p3 $0xFFFFC000  }
0x40: {  	[spmem:s1] =	stream.indirect.scatter.add.f32 @!p3 [tilespmem:s23], [sflag:$0x7], $0x80, s19, s17, $0xb8;
	[tilespmem:$0x1FB80] =	vst v63  }
0x41: {  	_ =	swait.ge @!p2 [sflag:s16], $0x4000  }
0x42: {  	[sflag:s16] =	ssyncset.done @!p2 $0x0  }
0x43: {  	[sflag:s16] =	ssyncadd.s32 @!p2 $0xFFFFC000;
	s16 =	simm.s32 @!p1 $0x3  }
0x44: {  	[spmem:s1] =	stream.indirect.scatter.add.f32 @!p2 [tilespmem:s18], [sflag:$0x8], $0x80, s20, s22, $0xb8;
	[tilespmem:$0x1FB80] =	vst v63  }
0x45: {  	_ =	swait.ge @!p1 [sflag:s16], $0x4000  }
0x46: {  	[sflag:s16] =	ssyncset.done @!p1 $0x0  }
0x47: {  	s17 =	simm.s32 @!p3 $0x7;
	[sflag:s16] =	ssyncadd.s32 @!p1 $0xFFFFC000  }
0x48: {  	[spmem:s1] =	stream.indirect.scatter.add.f32 @!p1 [tilespmem:s26], [sflag:$0x9], $0x80, s21, s24, $0xb8;
	[tilespmem:$0x1FB80] =	vst v63  }
0x49: {  	_ =	swait.ge @!p3 [sflag:s17], $0x4000  }
0x4a: {  	[sflag:s17] =	ssyncset.done @!p3 $0x0  }
0x4b: {  	s21 =	simm.s32 @!p2 $0x8;
	[sflag:s17] =	ssyncadd.s32 @!p3 $0xFFFFC000  }
0x4c: {  	s19 =	simm.s32 @!p1 $0x9;
	s18 =	sadd.s32 $0x60, s12;
	_ =	swait.ge @!p2 [sflag:s21], $0x4000  }
0x4d: {  	s20 =	sadd.s32 $0xFFFFFFC0, s18;
	p4 =	sgt.u32 s18, $0x9C3;
	[sflag:s21] =	ssyncset.done @!p2 $0x0  }
0x4e: {  	s16 =	simm.s32 $0x600;
	s17 =	simm.s32 $0xC00;
	[sflag:s21] =	ssyncadd.s32 @!p2 $0xFFFFC000  }
.LBB2_2:
0x4f: {  	s22 =	sadd.s32 $0xFFFFFFE0, s18  }
0x50: {  	p2 =	sgt.u32 s20, $0x9C3;
	_ =	swait.ge @!p1 [sflag:s19], $0x4000;
	s24 =	smov.u32 s17  }
0x51: {  	s20 =	sadd.s32 @!p2 s16, s11;
	s25 =	simm.s32 @!p2 $0x0;
	[sflag:s19] =	ssyncset.done @!p1 $0x0  }
0x52: {  	s17 =	sadd.s32 $0x600, s17;
	s21 =	simm.s32 @!p4 $0x100;
	[sflag:s19] =	ssyncadd.s32 @!p1 $0xFFFFC000  }
0x53: {  	[tilespmem:s25], [sflag:$0x4] =	stream.linear.gather @!p2 [hbm4b:s20+s25], $0x80, $0x38;
	[tilespmem:$0x1FB80] =	vst v63  }
0x54: {  	p3 =	sgt.u32 s22, $0x9C3;
	s19 =	simm.s32 @!p2 $0x180;
	s20 =	sadd.s32 @!p2 s16, s10  }
0x55: {  	[tilespmem:s19], [sflag:$0x4] =	stream.linear.gather @!p2 [hbm4b:s20+s25], $0x80, $0x38;
	[tilespmem:$0x1FB80] =	vst v63  }
0x56: {  	s23 =	sadd.s32 @!p4 s16, s10;
	s22 =	sadd.s32 @!p3 s16, s10;
	s20 =	sadd.s32 @!p3 s16, s11  }
0x57: {  	s28 =	simm.s32 @!p3 $0x0;
	s26 =	sadd.s32 @!p3 $0x200, s20;
	s20 =	simm.s32 @!p3 $0x80  }
0x58: {  	[tilespmem:s20], [sflag:$0x5] =	stream.linear.gather @!p3 [hbm4b:s26+s28], $0x80, $0x38;
	[tilespmem:$0x1FB80] =	vst v63  }
0x59: {  	s16 =	sadd.s32 @!p4 s16, s11;
	s26 =	sadd.s32 @!p3 $0x200, s22;
	s22 =	simm.s32 @!p3 $0x200  }
0x5a: {  	[tilespmem:s22], [sflag:$0x5] =	stream.linear.gather @!p3 [hbm4b:s26+s28], $0x80, $0x38;
	[tilespmem:$0x1FB80] =	vst v63  }
0x5b: {  	s16 =	sadd.s32 @!p4 $0x400, s16;
	s26 =	simm.s32 @!p4 $0x0;
	s28 =	sadd.s32 @!p4 $0x400, s23  }
0x5c: {  	[tilespmem:s21], [sflag:$0x6] =	stream.linear.gather @!p4 [hbm4b:s16+s26], $0x80, $0x38;
	[tilespmem:$0x1FB80] =	vst v63  }
0x5d: {  	p5 =	sne.s32 s17, $0xA200;
	s29 =	simm.s32 @!p2 $0x4;
	s23 =	simm.s32 @!p4 $0x280  }
0x5e: {  	[tilespmem:s23], [sflag:$0x6] =	stream.linear.gather @!p4 [hbm4b:s28+s26], $0x80, $0x38;
	[tilespmem:$0x1FB80] =	vst v63  }
0x5f: {  	p1 =	por p4, p4;
	s16 =	smov.u32 s24;
	_ =	swait.ge @!p2 [sflag:s29], $0x80  }
0x60: {  	[sflag:s29] =	ssyncset.done @!p2 $0x0  }
0x61: {  	[sflag:s29] =	ssyncadd.s32 @!p2 $0xFFFFFF80  }
0x62: {  	s24 =	simm.s32 @!p2 $0x80;
	s26 =	simm.s32 @!p2 $0x300;
	_ =	swait.ge @!p2 [sflag:s29], $0x80  }
0x63: {  	s28 =	simm.s32 @!p3 $0x5;
	[sflag:s29] =	ssyncset.done @!p2 $0x0  }
0x64: {  	[sflag:s29] =	ssyncadd.s32 @!p2 $0xFFFFFF80  }
0x65: {  	[tilespmem:s26], [sflag:$0x1] =	stream.indirect.gather @!p2 [hbm4b:s4+s24], $0x80, s25, s24, $0xb8;
	[tilespmem:$0x1FB80] =	vst v63  }
0x66: {  	_ =	swait.ge @!p3 [sflag:s28], $0x80  }
0x67: {  	[sflag:s28] =	ssyncset.done @!p3 $0x0  }
0x68: {  	[sflag:s28] =	ssyncadd.s32 @!p3 $0xFFFFFF80  }
0x69: {  	s25 =	simm.s32 @!p3 $0x4300;
	_ =	swait.ge @!p3 [sflag:s28], $0x80  }
0x6a: {  	[sflag:s28] =	ssyncset.done @!p3 $0x0  }
0x6b: {  	[sflag:s28] =	ssyncadd.s32 @!p3 $0xFFFFFF80;
	s28 =	simm.s32 @!p1 $0x6  }
0x6c: {  	[tilespmem:s25], [sflag:$0x2] =	stream.indirect.gather @!p3 [hbm4b:s4+s20], $0x80, s20, s20, $0xb8;
	[tilespmem:$0x1FB80] =	vst v63  }
0x6d: {  	_ =	swait.ge @!p1 [sflag:s28], $0x80  }
0x6e: {  	[sflag:s28] =	ssyncset.done @!p1 $0x0  }
0x6f: {  	[sflag:s28] =	ssyncadd.s32 @!p1 $0xFFFFFF80  }
0x70: {  	s29 =	simm.s32 @!p2 $0x1;
	_ =	swait.ge @!p1 [sflag:s28], $0x80  }
0x71: {  	[sflag:s28] =	ssyncset.done @!p1 $0x0  }
0x72: {  	s30 =	simm.s32 @!p1 $0x8300;
	[sflag:s28] =	ssyncadd.s32 @!p1 $0xFFFFFF80;
	s28 =	simm.s32 @!p1 $0x80  }
0x73: {  	[tilespmem:s30], [sflag:$0x3] =	stream.indirect.gather @!p1 [hbm4b:s4+s28], $0x80, s21, s28, $0xb8;
	[tilespmem:$0x1FB80] =	vst v63  }
0x74: {  	_ =	swait.ge @!p2 [sflag:s29], $0x4000  }
0x75: {  	s21 =	simm.s32 @!p3 $0x2;
	[sflag:s29] =	ssyncset.done @!p2 $0x0  }
0x76: {  	[sflag:s29] =	ssyncadd.s32 @!p2 $0xFFFFC000  }
0x77: {  	[spmem:s1] =	stream.indirect.scatter.add.f32 @!p2 [tilespmem:s26], [sflag:$0x7], $0x80, s19, s24, $0xb8;
	[tilespmem:$0x1FB80] =	vst v63  }
0x78: {  	_ =	swait.ge @!p3 [sflag:s21], $0x4000  }
0x79: {  	[sflag:s21] =	ssyncset.done @!p3 $0x0  }
0x7a: {  	s19 =	simm.s32 @!p1 $0x3;
	[sflag:s21] =	ssyncadd.s32 @!p3 $0xFFFFC000  }
0x7b: {  	[spmem:s1] =	stream.indirect.scatter.add.f32 @!p3 [tilespmem:s25], [sflag:$0x8], $0x80, s22, s20, $0xb8;
	[tilespmem:$0x1FB80] =	vst v63  }
0x7c: {  	s20 =	simm.s32 @!p2 $0x7;
	_ =	swait.ge @!p1 [sflag:s19], $0x4000  }
0x7d: {  	[sflag:s19] =	ssyncset.done @!p1 $0x0  }
0x7e: {  	[sflag:s19] =	ssyncadd.s32 @!p1 $0xFFFFC000  }
0x7f: {  	[spmem:s1] =	stream.indirect.scatter.add.f32 @!p1 [tilespmem:s30], [sflag:$0x9], $0x80, s23, s28, $0xb8;
	[tilespmem:$0x1FB80] =	vst v63  }
0x80: {  	s21 =	simm.s32 @!p3 $0x8;
	_ =	swait.ge @!p2 [sflag:s20], $0x4000  }
.Ltmp0:
0x81: {  	[sflag:s20] =	ssyncset.done @!p2 $0x0;
	(pc) =	sbr.rel @p5 .LBB2_2-.Ltmp0, $4  }
0x82: {  	[sflag:s20] =	ssyncadd.s32 @!p2 $0xFFFFC000  }
0x83: {  	_ =	swait.ge @!p3 [sflag:s21], $0x4000  }
0x84: {  	s18 =	sadd.s32 $0x60, s18;
	s19 =	simm.s32 @!p1 $0x9;
	[sflag:s21] =	ssyncset.done @!p3 $0x0  }
0x85: {  	p4 =	sgt.u32 s18, $0x9C3;
	s20 =	sadd.s32 $0xFFFFFFC0, s18;
	[sflag:s21] =	ssyncadd.s32 @!p3 $0xFFFFC000  }
0x86: {  	_ =	swait.ge @!p1 [sflag:s19], $0x4000  }
0x87: {  	s17 =	sadd.s32 $0xFFFFFFE0, s18;
	p2 =	sgt.u32 s20, $0x9C3;
	[sflag:s19] =	ssyncset.done @!p1 $0x0  }
0x88: {  	s18 =	sadd.s32 @!p2 s16, s11;
	s20 =	simm.s32 @!p2 $0x0;
	[sflag:s19] =	ssyncadd.s32 @!p1 $0xFFFFC000  }
0x89: {  	[tilespmem:s20], [sflag:$0x4] =	stream.linear.gather @!p2 [hbm4b:s18+s20], $0x80, $0x38;
	[tilespmem:$0x1FB80] =	vst v63  }
0x8a: {  	s19 =	simm.s32 @!p2 $0x180;
	p1 =	sgt.u32 s17, $0x9C3;
	s18 =	sadd.s32 @!p2 s16, s10  }
0x8b: {  	[tilespmem:s19], [sflag:$0x4] =	stream.linear.gather @!p2 [hbm4b:s18+s20], $0x80, $0x38;
	[tilespmem:$0x1FB80] =	vst v63  }
0x8c: {  	s24 =	sadd.s32 @!p4 s16, s11;
	s21 =	sadd.s32 @!p1 s16, s10;
	s18 =	sadd.s32 @!p1 s16, s11  }
0x8d: {  	s22 =	simm.s32 @!p1 $0x0;
	s23 =	simm.s32 @!p1 $0x80;
	s18 =	sadd.s32 @!p1 $0x200, s18  }
0x8e: {  	[tilespmem:s23], [sflag:$0x5] =	stream.linear.gather @!p1 [hbm4b:s18+s22], $0x80, $0x38;
	[tilespmem:$0x1FB80] =	vst v63  }
0x8f: {  	s17 =	simm.s32 @!p4 $0x100;
	s18 =	sadd.s32 @!p1 $0x200, s21;
	s21 =	simm.s32 @!p1 $0x200  }
0x90: {  	[tilespmem:s21], [sflag:$0x5] =	stream.linear.gather @!p1 [hbm4b:s18+s22], $0x80, $0x38;
	[tilespmem:$0x1FB80] =	vst v63  }
0x91: {  	s16 =	sadd.s32 @!p4 s16, s10;
	s18 =	sadd.s32 @!p4 $0x400, s24;
	s22 =	simm.s32 @!p4 $0x0  }
0x92: {  	[tilespmem:s17], [sflag:$0x6] =	stream.linear.gather @!p4 [hbm4b:s18+s22], $0x80, $0x38;
	[tilespmem:$0x1FB80] =	vst v63  }
0x93: {  	s16 =	sadd.s32 @!p4 $0x400, s16;
	s24 =	simm.s32 @!p2 $0x4;
	s18 =	simm.s32 @!p4 $0x280  }
0x94: {  	[tilespmem:s18], [sflag:$0x6] =	stream.linear.gather @!p4 [hbm4b:s16+s22], $0x80, $0x38;
	[tilespmem:$0x1FB80] =	vst v63  }
0x95: {  	_ =	swait.ge @!p2 [sflag:s24], $0x80  }
0x96: {  	[sflag:s24] =	ssyncset.done @!p2 $0x0  }
0x97: {  	[sflag:s24] =	ssyncadd.s32 @!p2 $0xFFFFFF80  }
0x98: {  	_ =	swait.ge @!p2 [sflag:s24], $0x80  }
0x99: {  	s25 =	simm.s32 @!p1 $0x5;
	[sflag:s24] =	ssyncset.done @!p2 $0x0  }
0x9a: {  	s16 =	simm.s32 @!p2 $0x80;
	s22 =	simm.s32 @!p2 $0x300;
	[sflag:s24] =	ssyncadd.s32 @!p2 $0xFFFFFF80  }
0x9b: {  	[tilespmem:s22], [sflag:$0x1] =	stream.indirect.gather @!p2 [hbm4b:s4+s16], $0x80, s20, s16, $0xb8;
	[tilespmem:$0x1FB80] =	vst v63  }
0x9c: {  	_ =	swait.ge @!p1 [sflag:s25], $0x80  }
0x9d: {  	[sflag:s25] =	ssyncset.done @!p1 $0x0  }
0x9e: {  	[sflag:s25] =	ssyncadd.s32 @!p1 $0xFFFFFF80  }
0x9f: {  	_ =	swait.ge @!p1 [sflag:s25], $0x80  }
0xa0: {  	p3 =	por p4, p4;
	[sflag:s25] =	ssyncset.done @!p1 $0x0  }
0xa1: {  	s24 =	simm.s32 @!p3 $0x6;
	s20 =	simm.s32 @!p1 $0x4300;
	[sflag:s25] =	ssyncadd.s32 @!p1 $0xFFFFFF80  }
0xa2: {  	[tilespmem:s20], [sflag:$0x2] =	stream.indirect.gather @!p1 [hbm4b:s4+s23], $0x80, s23, s23, $0xb8;
	[tilespmem:$0x1FB80] =	vst v63  }
0xa3: {  	_ =	swait.ge @!p3 [sflag:s24], $0x80  }
0xa4: {  	[sflag:s24] =	ssyncset.done @!p3 $0x0  }
0xa5: {  	[sflag:s24] =	ssyncadd.s32 @!p3 $0xFFFFFF80  }
0xa6: {  	_ =	swait.ge @!p3 [sflag:s24], $0x80  }
0xa7: {  	s26 =	simm.s32 @!p3 $0x8300;
	[sflag:s24] =	ssyncset.done @!p3 $0x0  }
0xa8: {  	s25 =	simm.s32 @!p2 $0x1;
	[sflag:s24] =	ssyncadd.s32 @!p3 $0xFFFFFF80;
	s24 =	simm.s32 @!p3 $0x80  }
0xa9: {  	[tilespmem:s26], [sflag:$0x3] =	stream.indirect.gather @!p3 [hbm4b:s4+s24], $0x80, s17, s24, $0xb8;
	[tilespmem:$0x1FB80] =	vst v63  }
0xaa: {  	_ =	swait.ge @!p2 [sflag:s25], $0x4000  }
0xab: {  	[sflag:s25] =	ssyncset.done @!p2 $0x0  }
0xac: {  	s17 =	simm.s32 @!p1 $0x2;
	[sflag:s25] =	ssyncadd.s32 @!p2 $0xFFFFC000  }
0xad: {  	[spmem:s1] =	stream.indirect.scatter.add.f32 @!p2 [tilespmem:s22], [sflag:$0x7], $0x80, s19, s16, $0xb8;
	[tilespmem:$0x1FB80] =	vst v63  }
0xae: {  	_ =	swait.ge @!p1 [sflag:s17], $0x4000  }
0xaf: {  	[sflag:s17] =	ssyncset.done @!p1 $0x0  }
0xb0: {  	s16 =	simm.s32 @!p3 $0x3;
	[sflag:s17] =	ssyncadd.s32 @!p1 $0xFFFFC000  }
0xb1: {  	[spmem:s1] =	stream.indirect.scatter.add.f32 @!p1 [tilespmem:s20], [sflag:$0x8], $0x80, s21, s23, $0xb8;
	[tilespmem:$0x1FB80] =	vst v63  }
0xb2: {  	_ =	swait.ge @!p3 [sflag:s16], $0x4000  }
0xb3: {  	[sflag:s16] =	ssyncset.done @!p3 $0x0  }
0xb4: {  	s17 =	simm.s32 @!p2 $0x7;
	[sflag:s16] =	ssyncadd.s32 @!p3 $0xFFFFC000  }
0xb5: {  	[spmem:s1] =	stream.indirect.scatter.add.f32 @!p3 [tilespmem:s26], [sflag:$0x9], $0x80, s18, s24, $0xb8;
	[tilespmem:$0x1FB80] =	vst v63  }
0xb6: {  	_ =	swait.ge @!p2 [sflag:s17], $0x4000  }
0xb7: {  	[sflag:s17] =	ssyncset.done @!p2 $0x0  }
0xb8: {  	s16 =	simm.s32 @!p1 $0x8;
	[sflag:s17] =	ssyncadd.s32 @!p2 $0xFFFFC000  }
0xb9: {  	_ =	swait.ge @!p1 [sflag:s16], $0x4000  }
0xba: {  	[sflag:s16] =	ssyncset.done @!p1 $0x0  }
0xbb: {  	s17 =	simm.s32 @!p3 $0x9;
	[sflag:s16] =	ssyncadd.s32 @!p1 $0xFFFFC000  }
0xbc: {  	_ =	swait.ge @!p3 [sflag:s17], $0x4000  }
0xbd: {  	[sflag:s17] =	ssyncset.done @!p3 $0x0  }
0xbe: {  	[sflag:s17] =	ssyncadd.s32 @!p3 $0xFFFFC000  }
0xbf: {  	s16 =	sadd.s32 @p0 $0x24900, s8;
	s17 =	simm.s32 @p0 $0x1FCA;
	[bflag:$0x0] =	sbarrier.arrive $0xFFFF  }
0xc0: {  	[hbm:s16], [sflag:s17] =	dma.local @p0 [spmem:s13], $0x2800  }
0xc1: {  	s16 =	simm.s32 @p0 $0xA  }
0xc2: {  	_ =	swait.ge @p0 [sflag:s16], $0x2800  }
0xc3: {  	s2 =	sadd.s32 $0x1, s2;
	[sflag:s16] =	ssyncset.done @p0 $0x0  }
0xc4: {  	p1 =	sne.s32 s2, s9;
	[sflag:s16] =	ssyncadd.s32 @p0 $0xFFFFD800;
	s16 =	sadd.s32 @!p0 s5, s8  }
0xc5: {  	[hbm:s16], [sflag:s14] =	dma.local @!p0 [spmem:s15], $0x2700  }
.Ltmp1:
0xc6: {  	_ = 	snop;
	(pc) =	sbr.rel @p1 .LBB2_1-.Ltmp1, $4  }
0xc7: {  	s16 =	simm.s32 @!p0 $0xA  }
0xc8: {  	_ =	swait.ge @!p0 [sflag:s16], $0x2700  }
0xc9: {  	[sflag:s16] =	ssyncset.done @!p0 $0x0  }
0xca: {  	[sflag:s16] =	ssyncadd.s32 @!p0 $0xFFFFD900  }
0xcb: {  	_ =	sfence.sel $0x180000  }
0xcc: {  	[bflag:$0x0] =	sbarrier.arrive $0xFFFF  }
0xcd: {  	p0 =	sne.s32 s3, $0x0;
	_ =	strace $0x9000004A  }
0xce: {  	s0 =	sadd.s32 @!p0 $0x100000, s0;
	[bflag:$0x2] =	sbarrier.arrive $0xFFFF  }
0xcf: {  	[sflag:s0] =	ssyncadd.tile.s32 @!p0 $0x1;
	_ =	shalt  }
.Lfunc_end2:
_tile_overlayer_lowered:
.L_overlay_start_2:
0xd0: {  	(tag) =	ssettag $0x2  }
0xd1: {  	s0 =	rddreg [dreg:$0x0];
	s2 =	stileid.u32  }
0xd2: {  	s1 =	rddreg [dreg:$0x1];
	p0 =	sne.s32 s2, $0x0  }
0xd3: {  	s3 =	rddreg [dreg:$0x2];
	[bflag:$0x3] =	sbarrier.arrive $0xFFFF;
	s2 =	simm.s32 @!p0 $0x1C0A  }
0xd4: {  	[timem:s3], [sflag:s2] =	dma.local @!p0 [hbm:s0], s1  }
0xd5: {  	s0 =	simm.s32 @!p0 $0xA  }
0xd6: {  	_ =	swait.ge @!p0 [sflag:s0], s1  }
0xd7: {  	s1 =	ssub.s32 @!p0 $0x0, s1;
	[sflag:s0] =	ssyncset.done @!p0 $0x0  }
0xd8: {  	[sflag:s0] =	ssyncadd.s32 @!p0 s1  }
0xd9: {  	[bflag:$0x3] =	sbarrier.arrive $0xFFFF  }
0xda: {  	_ =	shalt  }

// kernel: kernel.20.cloned.1.call-start
scs
__scs_entry_jumppad:
0x0: {  	(pc) =	sbr.rel $0x88, $3  }
0x1: {  	(tag) =	ssettag $0x0;
	lr =	simm.s32 $0x1  }
0x2: {  	[smem:$0x3F98] =	sst lr;
	_ =	strace $0xD0000000  }
0x3: {  	_ = 	snop  }
0x4: {  	_ = 	snop  }
0x5: {  	_ = 	snop  }
0x6: {  	_ = 	snop  }
0x7: {  	_ = 	snop  }
__scs_overlays_trampoline_lowered:
0x8: {  	[smem:$0x3FA7] =	sst s0  }
0x9: {  	[smem:$0x3FA8] =	sst s1  }
0xa: {  	[smem:$0x3FA9] =	sst s2  }
0xb: {  	[smem:$0x3FAA] =	sst s3  }
0xc: {  	[smem:$0x3FAB] =	sst s4  }
0xd: {  	[smem:$0x3FAC] =	sst s5  }
0xe: {  	[smem:$0x3FAD] =	sst s6  }
0xf: {  	[smem:$0x3FAE] =	sst s7  }
0x10: {  	[smem:$0x3FAF] =	sst s8  }
0x11: {  	[smem:$0x3FB0] =	sst s9;
	s0 =	simm.s32 @!p0 $0x0  }
0x12: {  	s1 =	sld [smem:$0x3F96];
	s0 =	simm.s32 @p0 $0x1  }
0x13: {  	[smem:$0x3FB1] =	sst s0;
	s0 =	simm.s32 @!p1 $0x0  }
0x14: {  	s2 =	sld [smem:$0x3F95];
	s0 =	simm.s32 @p1 $0x1  }
0x15: {  	[smem:$0x3FB2] =	sst s0;
	s0 =	simm.s32 @!p2 $0x0  }
0x16: {  	s3 =	sld [smem:$0x3FDB];
	s0 =	simm.s32 @p2 $0x1  }
0x17: {  	s4 =	simm.s32 $0x1BF5;
	[smem:$0x3FB4] =	sst s0  }
0x18: {  	s0 =	sld [smem:$0x3F97];
	_ =	swait.ge [sflag:s4], $0x0  }
0x19: {  	s7 =	sld [smem:$0x3F98]  }
0x1a: {  	s8 =	sadd.s32 $0xFFFFE003, lr  }
0x1b: {  	s9 =	sadd.s32 $0xFFFFFEF7, lr;
	s5 =	simm.s32 $0xFFFFFFFF;
	p2 =	slt.u32 s8, $0xFFFFF086  }
0x1c: {  	p1 =	slt.u32 s9, $0xF7A;
	s5 =	simm.s32 @!p2 $0x0  }
0x1d: {  	s5 =	simm.s32 @p1 $0x1;
	p0 =	seq.s32 s7, s2  }
0x1e: {  	s7 =	smul.u32 @!p0 $0xF7A, s2;
	p2 =	seq.s32 @!p0 s5, $0x0  }
0x1f: {  	s9 =	smul.u32 $0xF7A, s1;
	s8 =	simm.s32 @!p0 $0x1BF5;
	p2 =	por !p2, p0  }
0x20: {  	[sflag:s8] =	ssyncset.s32 @!p0 $0xFFFFF086;
	s6 =	sadd.s32 @!p0 s3, s7;
	s7 =	simm.s32 @!p0 $0x108  }
0x21: {  	s3 =	sadd.s32 s3, s9;
	s6 =	sadd.s32 @!p0 $0x88, s6;
	s7 =	simm.s32 @p2 $0x1082  }
0x22: {  	[simem:s7], [sflag:s8] =	dma.local @!p0 [hbm:s6], $0xF7A  }
0x23: {  	s9 =	sor.u32 $0xD0000000, s2;
	s6 =	simm.s32 $0x108;
	_ =	swait.ge @!p0 [sflag:s8], $0x0  }
0x24: {  	s3 =	sadd.s32 $0x88, s3;
	s6 =	simm.s32 @!p1 $0x1082;
	[sflag:s4] =	ssyncset.s32 $0xFFFFF086  }
0x25: {  	[simem:s6], [sflag:s4] =	dma.local [hbm:s3], $0xF7A  }
0x26: {  	[smem:$0x3F98] =	sst s1;
	(tag) =	ssettag s2;
	_ =	strace s9  }
0x27: {  	s1 =	sld [smem:$0x3FA8]  }
0x28: {  	s2 =	sld [smem:$0x3FA9]  }
0x29: {  	s4 =	sld [smem:$0x3FAB]  }
0x2a: {  	p0 =	seq.s32 s5, $0x0;
	s5 =	sld [smem:$0x3FAC]  }
0x2b: {  	s6 =	sld [smem:$0x3FAD]  }
0x2c: {  	s7 =	sld [smem:$0x3FAE]  }
0x2d: {  	s3 =	simm.s32 $0x108;
	s8 =	sld [smem:$0x3FAF]  }
0x2e: {  	s3 =	simm.s32 @!p0 $0x1082;
	s9 =	sld [smem:$0x3FB0]  }
0x2f: {  	lr =	sadd.s32 s0, s3;
	s0 =	sld [smem:$0x3FA7]  }
0x30: {  	s3 =	sld [smem:$0x3FAA]  }
0x31: {  	[smem:$0x3FB3] =	sst s10  }
0x32: {  	s10 =	sld [smem:$0x3FB1];
	_ =	sdelay $0x3  }
0x33: {  	p0 =	seq.s32 s10, $0x1;
	s10 =	sld [smem:$0x3FB3];
	_ =	sdelay $0x3  }
0x34: {  	[smem:$0x3FB3] =	sst s10  }
0x35: {  	s10 =	sld [smem:$0x3FB2];
	_ =	sdelay $0x3  }
0x36: {  	p1 =	seq.s32 s10, $0x1;
	s10 =	sld [smem:$0x3FB3];
	_ =	sdelay $0x3  }
0x37: {  	[smem:$0x3FB3] =	sst s10  }
0x38: {  	s10 =	sld [smem:$0x3FB4]  }
0x39: {  	_ = 	snop;
	(pc) =	sbr.ind lr, $3  }
0x3a: {  	_ = 	snop  }
0x3b: {  	_ = 	snop  }
0x3c: {  	p2 =	seq.s32 s10, $0x1;
	s10 =	sld [smem:$0x3FB3]  }
0x3d: {  	_ =	shalt  }
0x3e: {  	_ =	shalt  }
0x3f: {  	_ =	shalt  }
0x40: {  	_ =	shalt  }
0x41: {  	_ =	shalt  }
0x42: {  	_ =	shalt  }
0x43: {  	_ =	shalt  }
0x44: {  	_ =	shalt  }
0x45: {  	_ =	shalt  }
0x46: {  	_ =	shalt  }
0x47: {  	_ =	shalt  }
0x48: {  	_ =	shalt  }
0x49: {  	_ =	shalt  }
0x4a: {  	_ =	shalt  }
0x4b: {  	_ =	shalt  }
0x4c: {  	_ =	shalt  }
0x4d: {  	_ =	shalt  }
0x4e: {  	_ =	shalt  }
0x4f: {  	_ =	shalt  }
0x50: {  	_ =	shalt  }
0x51: {  	_ =	shalt  }
0x52: {  	_ =	shalt  }
0x53: {  	_ =	shalt  }
0x54: {  	_ =	shalt  }
0x55: {  	_ =	shalt  }
0x56: {  	_ =	shalt  }
0x57: {  	_ =	shalt  }
0x58: {  	_ =	shalt  }
0x59: {  	_ =	shalt  }
0x5a: {  	_ =	shalt  }
0x5b: {  	_ =	shalt  }
0x5c: {  	_ =	shalt  }
0x5d: {  	_ =	shalt  }
0x5e: {  	_ =	shalt  }
0x5f: {  	_ =	shalt  }
0x60: {  	_ =	shalt  }
0x61: {  	_ =	shalt  }
0x62: {  	_ =	shalt  }
0x63: {  	_ =	shalt  }
0x64: {  	_ =	shalt  }
0x65: {  	_ =	shalt  }
0x66: {  	_ =	shalt  }
0x67: {  	_ =	shalt  }
0x68: {  	_ =	shalt  }
0x69: {  	_ =	shalt  }
0x6a: {  	_ =	shalt  }
0x6b: {  	_ =	shalt  }
0x6c: {  	_ =	shalt  }
0x6d: {  	_ =	shalt  }
0x6e: {  	_ =	shalt  }
0x6f: {  	_ =	shalt  }
0x70: {  	_ =	shalt  }
0x71: {  	_ =	shalt  }
0x72: {  	_ =	shalt  }
0x73: {  	_ =	shalt  }
0x74: {  	_ =	shalt  }
0x75: {  	_ =	shalt  }
0x76: {  	_ =	shalt  }
0x77: {  	_ =	shalt  }
0x78: {  	_ =	shalt  }
0x79: {  	_ =	shalt  }
0x7a: {  	_ =	shalt  }
0x7b: {  	_ =	shalt  }
0x7c: {  	_ =	shalt  }
0x7d: {  	_ =	shalt  }
0x7e: {  	_ =	shalt  }
0x7f: {  	_ =	shalt  }
0x80: {  	_ =	shalt  }
0x81: {  	_ =	shalt  }
0x82: {  	_ =	shalt  }
0x83: {  	_ =	shalt  }
0x84: {  	_ =	shalt  }
0x85: {  	_ =	shalt  }
0x86: {  	_ =	shalt  }
0x87: {  	_ =	shalt  }
.Lfunc_end0:
.L_simem_size_0:
called_computation.2_lowered:
.L_overlay_start_0:
0x88: {  	s2 =	sld [smem:$0x3FD9]  }
0x89: {  	s3 =	sld [smem:$0x3FFE];
	_ =	sdelay $0x1  }
0x8a: {  	s1 =	srdreg.scid  }
0x8b: {  	s0 =	sand.u32 $0x1, s1  }
0x8c: {  	s17 =	sshll.u32 s0, $0xA;
	s2 =	sadd.s32 s3, s2  }
0x8d: {  	s2 =	sadd.s32 s2, s17  }
0x8e: {  	[smem:$0x3FBF] =	sst s2  }
0x8f: {  	_ = 	snop  }
0x90: {  	s2 =	sld [smem:$0x3FD0];
	(tm) =	ssettm $0x1  }
0x91: {  	s18 =	sld [smem:$0x3FFB];
	_ =	sdelay $0x3  }
0x92: {  	_ =	strace s18  }
0x93: {  	s3 =	sld [smem:$0x3FFC];
	_ =	sdelay $0x3  }
0x94: {  	_ =	strace s3  }
0x95: {  	s3 =	sld [smem:$0x3FFD];
	_ =	sdelay $0x3  }
0x96: {  	_ =	strace s3  }
0x97: {  	_ =	strace $0x8FFFFFFF  }
0x98: {  	s19 =	sld [smem:$0x3FDB];
	_ =	sdelay $0x1  }
0x99: {  	s4 =	simm.s32 $_scs_section_size  }
0x9a: {  	s5 =	simm.s32 $_size__tile_overlayer_lowered;
	s6 =	simm.s32 $_tile_overlayer_lowered  }
0x9b: {  	s22 =	simm.s32 $0x1BFF;
	s21 =	sshll.u32 s6, $0x1;
	s3 =	sadd.s32 s4, s19  }
0x9c: {  	s7 =	simm.s32 $0x0;
	s20 =	sshll.u32 s5, $0x1;
	s5 =	sadd.s32 s21, s3  }
0x9d: {  	[timem:s7], [sflag:s22] =	dma.local [hbm:s5], s20  }
0x9e: {  	_ =	swait.ge [sflag:s22], s20  }
0x9f: {  	s4 =	ssub.s32 $0x0, s20;
	[sflag:s22] =	ssyncset.done $0x0  }
0xa0: {  	[sflag:s22] =	ssyncadd.s32 s4;
	_ =	sdelay $0x1  }
0xa1: {  	s23 =	simm.s32 $0x1B8B  }
0xa2: {  	_ =	swait.ge [sflag:s23], $0x1  }
0xa3: {  	[sflag:s23] =	ssyncset.done $0x0  }
0xa4: {  	s25 =	simm.s32 $0x1B8E;
	s24 =	sld [smem:$0x3FFE];
	[sflag:s23] =	ssyncadd.s32 $0xFFFFFFFF  }
0xa5: {  	s26 =	simm.s32 $execute0_lowered;
	[smem:$0x3FD2] =	sst s25  }
0xa6: {  	s5 =	sshll.u32 s26, $0x1;
	_ =	strace $0x8000004C;
	[dreg:$0x1] =	wrdreg $0xFFFFFFFF  }
0xa7: {  	s28 =	simm.s32 $_size_execute0_lowered;
	s3 =	sadd.s32 s3, s5;
	[dreg:$0x0] =	wrdreg $0x0  }
0xa8: {  	s5 =	sshll.u32 s28, $0x1;
	[dreg:$0x2] =	wrdreg s3  }
0xa9: {  	[dreg:$0x3] =	wrdreg s5  }
0xaa: {  	[dreg:$0x4] =	wrdreg $0xC0  }
0xab: {  	_ =	task [dreg:s7], $0x5FFFF  }
0xac: {  	[dreg:$0x1] =	wrdreg $0xFFFFFFFF  }
0xad: {  	[dreg:$0x0] =	wrdreg $0x60  }
0xae: {  	[dreg:$0x2] =	wrdreg s24  }
0xaf: {  	[dreg:$0x3] =	wrdreg s2  }
0xb0: {  	[dreg:$0x4] =	wrdreg $0xC3000  }
0xb1: {  	[dreg:$0x5] =	wrdreg $0x9  }
0xb2: {  	_ =	task.clear_ibuf [dreg:s7], $0x6FFFF;
	_ =	strace $0x9000004C  }
0xb3: {  	s29 =	simm.s32 $0x9;
	_ =	strace $0x8000004E  }
0xb4: {  	_ =	swait.ge [sflag:s29], $0x1  }
0xb5: {  	[sflag:s29] =	ssyncadd.s32 $0xFFFFFFFF  }
0xb6: {  	_ =	strace $0x9000004E  }
0xb7: {  	_ =	sfence  }
0xb8: {  	s30 =	sld [smem:$0x0];
	_ =	sdelay $0x2  }
0xb9: {  	s31 =	sshll.u32 s1, $0xD;
	s1 =	sshrl.u32 s1, $0x2  }
0xba: {  	s3 =	sand.u32 $0x4000, s31;
	s1 =	sadd.s32 s1, s30  }
0xbb: {  	s0 =	sor.u32 s3, s0;
	s1 =	sshll.u32 s1, $0x11  }
0xbc: {  	s0 =	sor.u32 s1, s0  }
0xbd: {  	s0 =	sadd.s32 $0x8F2B, s0  }
0xbe: {  	[sflag:s0] =	ssyncadd.remote.s32 $0x1  }
0xbf: {  	_ =	sfence.sel $0xFFFF  }
0xc0: {  	[dreg:$0x0] =	wrdreg $0xFFFFFFFF;
	(pc) =	sbr.abs _section_cstart, $3  }
0xc1: {  	[dreg:$0x1] =	wrdreg $0xFFFFFFFF  }
0xc2: {  	_ =	task.clear_ibuf [dreg:s7], $0x2FFFF;
	_ =	strace $0x9FFFFFFF  }
0xc3: {  	(tm) =	ssettm $0x7FFFFFFF  }
tec
execute0_lowered:
.L_overlay_start_1:
0x0: {  	(tag) =	ssettag $0x1  }
0x1: {  	s7 =	rddreg [dreg:$0x0]  }
0x2: {  	s11 =	rddreg [dreg:$0x1]  }
0x3: {  	s1 =	rddreg [dreg:$0x2]  }
0x4: {  	s0 =	rddreg [dreg:$0x3];
	s2 =	simm.s32 $0x0  }
0x5: {  	s3 =	srdreg.scid;
	[smem:$0x7FF] =	sst s2  }
0x6: {  	s4 =	sadd.s32 $0xDA00, s7;
	s6 =	sand.u32 $0x1, s3;
	s17 =	sadd.s32 $0x124800, s1  }
0x7: {  	s3 =	stileid.u32;
	_ =	strace $0x8000004D;
	s5 =	smul.u32 $0x27100, s6  }
0x8: {  	s12 =	sshll.u32 s6, $0x8;
	s9 =	ssub.s32 $0x2, s6;
	s10 =	smul.u32 $0x4E000, s3  }
0x9: {  	s28 =	sshll.u32 s6, $0x4;
	s16 =	sshll.u32 s3, $0x4;
	p0 =	seq.s32 s3, $0xF  }
0xa: {  	s8 =	sadd.s32 s12, s7;
	s14 =	sshrl.u32 s9, $0x1;
	s11 =	sadd.s32 s12, s11  }
0xb: {  	s31 =	sor.u32 s28, s3;
	s13 =	sadd.s32 s5, s7;
	s5 =	smul.u32 $0x2700, s3  }
0xc: {  	s9 =	ssub.s32 s9, s14;
	s29 =	sshrl.u32 s10, $0x2;
	s7 =	sadd.s32 $0x32300, s7  }
0xd: {  	s30 =	sadd.s32 s16, s8;
	s11 =	sadd.s32 s16, s11;
	s12 =	sor.u32 $0x40, s31  }
0xe: {  	s14 =	sshll.u32 @!p0 s3, $0x6;
	s15 =	sadd.s32 s29, s1;
	s8 =	sadd.s32 $0x34C00, s13  }
0xf: {  	s9 =	smax.u32 s9, $0x1;
	s10 =	sadd.s32 $0x3C00, s30;
	s13 =	sshrl.u32 @p0 s17, $0x3  }
0x10: {  	s14 =	sor.u32 @!p0 $0x1C0A, s14;
	s6 =	sadd.s32 s4, s5;
	s15 =	sshrl.u32 @!p0 s15, $0x3  }
.LBB2_1:
0x11: {  	s16 =	simm.s32 @p0 $0x1FCA  }
0x12: {  	[spmem:s13], [sflag:s16] =	dma.local @p0 [hbm:s7], $0x2800  }
0x13: {  	s16 =	simm.s32 @p0 $0xA  }
0x14: {  	_ =	swait.ge @p0 [sflag:s16], $0x2800  }
0x15: {  	[sflag:s16] =	ssyncset.done @p0 $0x0  }
0x16: {  	[sflag:s16] =	ssyncadd.s32 @p0 $0xFFFFD800;
	s16 =	simm.s32 @!p0 $0xA  }
0x17: {  	[spmem:s15], [sflag:s14] =	dma.local @!p0 [hbm:s6], $0x2700  }
0x18: {  	_ =	swait.ge @!p0 [sflag:s16], $0x2700  }
0x19: {  	s30 =	sadd.s32 $0xFFFFFFC0, s12;
	p1 =	sgt.u32 s12, $0x9C3;
	[sflag:s16] =	ssyncset.done @!p0 $0x0  }
0x1a: {  	s31 =	sadd.s32 $0xFFFFFFE0, s12;
	p3 =	sgt.u32 s30, $0x9C3;
	[sflag:s16] =	ssyncadd.s32 @!p0 $0xFFFFD900  }
0x1b: {  	s17 =	sadd.s32 @!p3 $0x0, s11;
	s18 =	simm.s32 @!p3 $0x0;
	[bflag:$0x0] =	sbarrier.arrive $0xFFFF  }
0x1c: {  	[tilespmem:s18], [sflag:$0x4] =	stream.linear.gather @!p3 [hbm4b:s17+s18], $0x80, $0x38;
	[tilespmem:$0x1FB80] =	vst v63  }
0x1d: {  	p2 =	sgt.u32 s31, $0x9C3;
	s19 =	simm.s32 @!p3 $0x180;
	s17 =	sadd.s32 @!p3 $0x0, s10  }
0x1e: {  	[tilespmem:s19], [sflag:$0x4] =	stream.linear.gather @!p3 [hbm4b:s17+s18], $0x80, $0x38;
	[tilespmem:$0x1FB80] =	vst v63  }
0x1f: {  	s23 =	sadd.s32 @!p1 $0x0, s11;
	s20 =	sadd.s32 @!p2 $0x0, s10;
	s17 =	sadd.s32 @!p2 $0x0, s11  }
0x20: {  	s21 =	simm.s32 @!p2 $0x0;
	s22 =	simm.s32 @!p2 $0x80;
	s17 =	sadd.s32 @!p2 $0x200, s17  }
0x21: {  	[tilespmem:s22], [sflag:$0x5] =	stream.linear.gather @!p2 [hbm4b:s17+s21], $0x80, $0x38;
	[tilespmem:$0x1FB80] =	vst v63  }
0x22: {  	s16 =	simm.s32 @!p1 $0x100;
	s17 =	sadd.s32 @!p2 $0x200, s20;
	s20 =	simm.s32 @!p2 $0x200  }
0x23: {  	[tilespmem:s20], [sflag:$0x5] =	stream.linear.gather @!p2 [hbm4b:s17+s21], $0x80, $0x38;
	[tilespmem:$0x1FB80] =	vst v63  }
0x24: {  	s17 =	sadd.s32 @!p1 $0x0, s10;
	s21 =	sadd.s32 @!p1 $0x400, s23;
	s23 =	simm.s32 @!p1 $0x0  }
0x25: {  	[tilespmem:s16], [sflag:$0x6] =	stream.linear.gather @!p1 [hbm4b:s21+s23], $0x80, $0x38;
	[tilespmem:$0x1FB80] =	vst v63  }
0x26: {  	s24 =	simm.s32 @!p3 $0x4;
	s17 =	sadd.s32 @!p1 $0x400, s17;
	s21 =	simm.s32 @!p1 $0x280  }
0x27: {  	[tilespmem:s21], [sflag:$0x6] =	stream.linear.gather @!p1 [hbm4b:s17+s23], $0x80, $0x38;
	[tilespmem:$0x1FB80] =	vst v63  }
0x28: {  	_ =	swait.ge @!p3 [sflag:s24], $0x80  }
0x29: {  	[sflag:s24] =	ssyncset.done @!p3 $0x0  }
0x2a: {  	[sflag:s24] =	ssyncadd.s32 @!p3 $0xFFFFFF80  }
0x2b: {  	_ =	swait.ge @!p3 [sflag:s24], $0x80  }
0x2c: {  	s25 =	simm.s32 @!p2 $0x5;
	[sflag:s24] =	ssyncset.done @!p3 $0x0  }
0x2d: {  	s17 =	simm.s32 @!p3 $0x80;
	s23 =	simm.s32 @!p3 $0x300;
	[sflag:s24] =	ssyncadd.s32 @!p3 $0xFFFFFF80  }
0x2e: {  	[tilespmem:s23], [sflag:$0x1] =	stream.indirect.gather @!p3 [hbm4b:s4+s17], $0x80, s18, s17, $0xb8;
	[tilespmem:$0x1FB80] =	vst v63  }
0x2f: {  	_ =	swait.ge @!p2 [sflag:s25], $0x80  }
0x30: {  	[sflag:s25] =	ssyncset.done @!p2 $0x0  }
0x31: {  	[sflag:s25] =	ssyncadd.s32 @!p2 $0xFFFFFF80  }
0x32: {  	_ =	swait.ge @!p2 [sflag:s25], $0x80  }
0x33: {  	p1 =	por p1, p1;
	[sflag:s25] =	ssyncset.done @!p2 $0x0  }
0x34: {  	s24 =	simm.s32 @!p1 $0x6;
	s18 =	simm.s32 @!p2 $0x4300;
	[sflag:s25] =	ssyncadd.s32 @!p2 $0xFFFFFF80  }
0x35: {  	[tilespmem:s18], [sflag:$0x2] =	stream.indirect.gather @!p2 [hbm4b:s4+s22], $0x80, s22, s22, $0xb8;
	[tilespmem:$0x1FB80] =	vst v63  }
0x36: {  	_ =	swait.ge @!p1 [sflag:s24], $0x80  }
0x37: {  	[sflag:s24] =	ssyncset.done @!p1 $0x0  }
0x38: {  	[sflag:s24] =	ssyncadd.s32 @!p1 $0xFFFFFF80  }
0x39: {  	_ =	swait.ge @!p1 [sflag:s24], $0x80  }
0x3a: {  	s26 =	simm.s32 @!p1 $0x8300;
	[sflag:s24] =	ssyncset.done @!p1 $0x0  }
0x3b: {  	s25 =	simm.s32 @!p3 $0x1;
	[sflag:s24] =	ssyncadd.s32 @!p1 $0xFFFFFF80;
	s24 =	simm.s32 @!p1 $0x80  }
0x3c: {  	[tilespmem:s26], [sflag:$0x3] =	stream.indirect.gather @!p1 [hbm4b:s4+s24], $0x80, s16, s24, $0xb8;
	[tilespmem:$0x1FB80] =	vst v63  }
0x3d: {  	_ =	swait.ge @!p3 [sflag:s25], $0x4000  }
0x3e: {  	[sflag:s25] =	ssyncset.done @!p3 $0x0  }
0x3f: {  	s16 =	simm.s32 @!p2 $0x2;
	[sflag:s25] =	ssyncadd.s32 @!p3 $0xFFFFC000  }
0x40: {  	[spmem:s1] =	stream.indirect.scatter.add.f32 @!p3 [tilespmem:s23], [sflag:$0x7], $0x80, s19, s17, $0xb8;
	[tilespmem:$0x1FB80] =	vst v63  }
0x41: {  	_ =	swait.ge @!p2 [sflag:s16], $0x4000  }
0x42: {  	[sflag:s16] =	ssyncset.done @!p2 $0x0  }
0x43: {  	[sflag:s16] =	ssyncadd.s32 @!p2 $0xFFFFC000;
	s16 =	simm.s32 @!p1 $0x3  }
0x44: {  	[spmem:s1] =	stream.indirect.scatter.add.f32 @!p2 [tilespmem:s18], [sflag:$0x8], $0x80, s20, s22, $0xb8;
	[tilespmem:$0x1FB80] =	vst v63  }
0x45: {  	_ =	swait.ge @!p1 [sflag:s16], $0x4000  }
0x46: {  	[sflag:s16] =	ssyncset.done @!p1 $0x0  }
0x47: {  	s17 =	simm.s32 @!p3 $0x7;
	[sflag:s16] =	ssyncadd.s32 @!p1 $0xFFFFC000  }
0x48: {  	[spmem:s1] =	stream.indirect.scatter.add.f32 @!p1 [tilespmem:s26], [sflag:$0x9], $0x80, s21, s24, $0xb8;
	[tilespmem:$0x1FB80] =	vst v63  }
0x49: {  	_ =	swait.ge @!p3 [sflag:s17], $0x4000  }
0x4a: {  	[sflag:s17] =	ssyncset.done @!p3 $0x0  }
0x4b: {  	s21 =	simm.s32 @!p2 $0x8;
	[sflag:s17] =	ssyncadd.s32 @!p3 $0xFFFFC000  }
0x4c: {  	s19 =	simm.s32 @!p1 $0x9;
	s18 =	sadd.s32 $0x60, s12;
	_ =	swait.ge @!p2 [sflag:s21], $0x4000  }
0x4d: {  	s20 =	sadd.s32 $0xFFFFFFC0, s18;
	p4 =	sgt.u32 s18, $0x9C3;
	[sflag:s21] =	ssyncset.done @!p2 $0x0  }
0x4e: {  	s16 =	simm.s32 $0x600;
	s17 =	simm.s32 $0xC00;
	[sflag:s21] =	ssyncadd.s32 @!p2 $0xFFFFC000  }
.LBB2_2:
0x4f: {  	s22 =	sadd.s32 $0xFFFFFFE0, s18  }
0x50: {  	p2 =	sgt.u32 s20, $0x9C3;
	_ =	swait.ge @!p1 [sflag:s19], $0x4000;
	s24 =	smov.u32 s17  }
0x51: {  	s20 =	sadd.s32 @!p2 s16, s11;
	s25 =	simm.s32 @!p2 $0x0;
	[sflag:s19] =	ssyncset.done @!p1 $0x0  }
0x52: {  	s17 =	sadd.s32 $0x600, s17;
	s21 =	simm.s32 @!p4 $0x100;
	[sflag:s19] =	ssyncadd.s32 @!p1 $0xFFFFC000  }
0x53: {  	[tilespmem:s25], [sflag:$0x4] =	stream.linear.gather @!p2 [hbm4b:s20+s25], $0x80, $0x38;
	[tilespmem:$0x1FB80] =	vst v63  }
0x54: {  	p3 =	sgt.u32 s22, $0x9C3;
	s19 =	simm.s32 @!p2 $0x180;
	s20 =	sadd.s32 @!p2 s16, s10  }
0x55: {  	[tilespmem:s19], [sflag:$0x4] =	stream.linear.gather @!p2 [hbm4b:s20+s25], $0x80, $0x38;
	[tilespmem:$0x1FB80] =	vst v63  }
0x56: {  	s23 =	sadd.s32 @!p4 s16, s10;
	s22 =	sadd.s32 @!p3 s16, s10;
	s20 =	sadd.s32 @!p3 s16, s11  }
0x57: {  	s28 =	simm.s32 @!p3 $0x0;
	s26 =	sadd.s32 @!p3 $0x200, s20;
	s20 =	simm.s32 @!p3 $0x80  }
0x58: {  	[tilespmem:s20], [sflag:$0x5] =	stream.linear.gather @!p3 [hbm4b:s26+s28], $0x80, $0x38;
	[tilespmem:$0x1FB80] =	vst v63  }
0x59: {  	s16 =	sadd.s32 @!p4 s16, s11;
	s26 =	sadd.s32 @!p3 $0x200, s22;
	s22 =	simm.s32 @!p3 $0x200  }
0x5a: {  	[tilespmem:s22], [sflag:$0x5] =	stream.linear.gather @!p3 [hbm4b:s26+s28], $0x80, $0x38;
	[tilespmem:$0x1FB80] =	vst v63  }
0x5b: {  	s16 =	sadd.s32 @!p4 $0x400, s16;
	s26 =	simm.s32 @!p4 $0x0;
	s28 =	sadd.s32 @!p4 $0x400, s23  }
0x5c: {  	[tilespmem:s21], [sflag:$0x6] =	stream.linear.gather @!p4 [hbm4b:s16+s26], $0x80, $0x38;
	[tilespmem:$0x1FB80] =	vst v63  }
0x5d: {  	p5 =	sne.s32 s17, $0xA200;
	s29 =	simm.s32 @!p2 $0x4;
	s23 =	simm.s32 @!p4 $0x280  }
0x5e: {  	[tilespmem:s23], [sflag:$0x6] =	stream.linear.gather @!p4 [hbm4b:s28+s26], $0x80, $0x38;
	[tilespmem:$0x1FB80] =	vst v63  }
0x5f: {  	p1 =	por p4, p4;
	s16 =	smov.u32 s24;
	_ =	swait.ge @!p2 [sflag:s29], $0x80  }
0x60: {  	[sflag:s29] =	ssyncset.done @!p2 $0x0  }
0x61: {  	[sflag:s29] =	ssyncadd.s32 @!p2 $0xFFFFFF80  }
0x62: {  	s24 =	simm.s32 @!p2 $0x80;
	s26 =	simm.s32 @!p2 $0x300;
	_ =	swait.ge @!p2 [sflag:s29], $0x80  }
0x63: {  	s28 =	simm.s32 @!p3 $0x5;
	[sflag:s29] =	ssyncset.done @!p2 $0x0  }
0x64: {  	[sflag:s29] =	ssyncadd.s32 @!p2 $0xFFFFFF80  }
0x65: {  	[tilespmem:s26], [sflag:$0x1] =	stream.indirect.gather @!p2 [hbm4b:s4+s24], $0x80, s25, s24, $0xb8;
	[tilespmem:$0x1FB80] =	vst v63  }
0x66: {  	_ =	swait.ge @!p3 [sflag:s28], $0x80  }
0x67: {  	[sflag:s28] =	ssyncset.done @!p3 $0x0  }
0x68: {  	[sflag:s28] =	ssyncadd.s32 @!p3 $0xFFFFFF80  }
0x69: {  	s25 =	simm.s32 @!p3 $0x4300;
	_ =	swait.ge @!p3 [sflag:s28], $0x80  }
0x6a: {  	[sflag:s28] =	ssyncset.done @!p3 $0x0  }
0x6b: {  	[sflag:s28] =	ssyncadd.s32 @!p3 $0xFFFFFF80;
	s28 =	simm.s32 @!p1 $0x6  }
0x6c: {  	[tilespmem:s25], [sflag:$0x2] =	stream.indirect.gather @!p3 [hbm4b:s4+s20], $0x80, s20, s20, $0xb8;
	[tilespmem:$0x1FB80] =	vst v63  }
0x6d: {  	_ =	swait.ge @!p1 [sflag:s28], $0x80  }
0x6e: {  	[sflag:s28] =	ssyncset.done @!p1 $0x0  }
0x6f: {  	[sflag:s28] =	ssyncadd.s32 @!p1 $0xFFFFFF80  }
0x70: {  	s29 =	simm.s32 @!p2 $0x1;
	_ =	swait.ge @!p1 [sflag:s28], $0x80  }
0x71: {  	[sflag:s28] =	ssyncset.done @!p1 $0x0  }
0x72: {  	s30 =	simm.s32 @!p1 $0x8300;
	[sflag:s28] =	ssyncadd.s32 @!p1 $0xFFFFFF80;
	s28 =	simm.s32 @!p1 $0x80  }
0x73: {  	[tilespmem:s30], [sflag:$0x3] =	stream.indirect.gather @!p1 [hbm4b:s4+s28], $0x80, s21, s28, $0xb8;
	[tilespmem:$0x1FB80] =	vst v63  }
0x74: {  	_ =	swait.ge @!p2 [sflag:s29], $0x4000  }
0x75: {  	s21 =	simm.s32 @!p3 $0x2;
	[sflag:s29] =	ssyncset.done @!p2 $0x0  }
0x76: {  	[sflag:s29] =	ssyncadd.s32 @!p2 $0xFFFFC000  }
0x77: {  	[spmem:s1] =	stream.indirect.scatter.add.f32 @!p2 [tilespmem:s26], [sflag:$0x7], $0x80, s19, s24, $0xb8;
	[tilespmem:$0x1FB80] =	vst v63  }
0x78: {  	_ =	swait.ge @!p3 [sflag:s21], $0x4000  }
0x79: {  	[sflag:s21] =	ssyncset.done @!p3 $0x0  }
0x7a: {  	s19 =	simm.s32 @!p1 $0x3;
	[sflag:s21] =	ssyncadd.s32 @!p3 $0xFFFFC000  }
0x7b: {  	[spmem:s1] =	stream.indirect.scatter.add.f32 @!p3 [tilespmem:s25], [sflag:$0x8], $0x80, s22, s20, $0xb8;
	[tilespmem:$0x1FB80] =	vst v63  }
0x7c: {  	s20 =	simm.s32 @!p2 $0x7;
	_ =	swait.ge @!p1 [sflag:s19], $0x4000  }
0x7d: {  	[sflag:s19] =	ssyncset.done @!p1 $0x0  }
0x7e: {  	[sflag:s19] =	ssyncadd.s32 @!p1 $0xFFFFC000  }
0x7f: {  	[spmem:s1] =	stream.indirect.scatter.add.f32 @!p1 [tilespmem:s30], [sflag:$0x9], $0x80, s23, s28, $0xb8;
	[tilespmem:$0x1FB80] =	vst v63  }
0x80: {  	s21 =	simm.s32 @!p3 $0x8;
	_ =	swait.ge @!p2 [sflag:s20], $0x4000  }
.Ltmp0:
0x81: {  	[sflag:s20] =	ssyncset.done @!p2 $0x0;
	(pc) =	sbr.rel @p5 .LBB2_2-.Ltmp0, $4  }
0x82: {  	[sflag:s20] =	ssyncadd.s32 @!p2 $0xFFFFC000  }
0x83: {  	_ =	swait.ge @!p3 [sflag:s21], $0x4000  }
0x84: {  	s18 =	sadd.s32 $0x60, s18;
	s19 =	simm.s32 @!p1 $0x9;
	[sflag:s21] =	ssyncset.done @!p3 $0x0  }
0x85: {  	p4 =	sgt.u32 s18, $0x9C3;
	s20 =	sadd.s32 $0xFFFFFFC0, s18;
	[sflag:s21] =	ssyncadd.s32 @!p3 $0xFFFFC000  }
0x86: {  	_ =	swait.ge @!p1 [sflag:s19], $0x4000  }
0x87: {  	s17 =	sadd.s32 $0xFFFFFFE0, s18;
	p2 =	sgt.u32 s20, $0x9C3;
	[sflag:s19] =	ssyncset.done @!p1 $0x0  }
0x88: {  	s18 =	sadd.s32 @!p2 s16, s11;
	s20 =	simm.s32 @!p2 $0x0;
	[sflag:s19] =	ssyncadd.s32 @!p1 $0xFFFFC000  }
0x89: {  	[tilespmem:s20], [sflag:$0x4] =	stream.linear.gather @!p2 [hbm4b:s18+s20], $0x80, $0x38;
	[tilespmem:$0x1FB80] =	vst v63  }
0x8a: {  	s19 =	simm.s32 @!p2 $0x180;
	p1 =	sgt.u32 s17, $0x9C3;
	s18 =	sadd.s32 @!p2 s16, s10  }
0x8b: {  	[tilespmem:s19], [sflag:$0x4] =	stream.linear.gather @!p2 [hbm4b:s18+s20], $0x80, $0x38;
	[tilespmem:$0x1FB80] =	vst v63  }
0x8c: {  	s24 =	sadd.s32 @!p4 s16, s11;
	s21 =	sadd.s32 @!p1 s16, s10;
	s18 =	sadd.s32 @!p1 s16, s11  }
0x8d: {  	s22 =	simm.s32 @!p1 $0x0;
	s23 =	simm.s32 @!p1 $0x80;
	s18 =	sadd.s32 @!p1 $0x200, s18  }
0x8e: {  	[tilespmem:s23], [sflag:$0x5] =	stream.linear.gather @!p1 [hbm4b:s18+s22], $0x80, $0x38;
	[tilespmem:$0x1FB80] =	vst v63  }
0x8f: {  	s17 =	simm.s32 @!p4 $0x100;
	s18 =	sadd.s32 @!p1 $0x200, s21;
	s21 =	simm.s32 @!p1 $0x200  }
0x90: {  	[tilespmem:s21], [sflag:$0x5] =	stream.linear.gather @!p1 [hbm4b:s18+s22], $0x80, $0x38;
	[tilespmem:$0x1FB80] =	vst v63  }
0x91: {  	s16 =	sadd.s32 @!p4 s16, s10;
	s18 =	sadd.s32 @!p4 $0x400, s24;
	s22 =	simm.s32 @!p4 $0x0  }
0x92: {  	[tilespmem:s17], [sflag:$0x6] =	stream.linear.gather @!p4 [hbm4b:s18+s22], $0x80, $0x38;
	[tilespmem:$0x1FB80] =	vst v63  }
0x93: {  	s16 =	sadd.s32 @!p4 $0x400, s16;
	s24 =	simm.s32 @!p2 $0x4;
	s18 =	simm.s32 @!p4 $0x280  }
0x94: {  	[tilespmem:s18], [sflag:$0x6] =	stream.linear.gather @!p4 [hbm4b:s16+s22], $0x80, $0x38;
	[tilespmem:$0x1FB80] =	vst v63  }
0x95: {  	_ =	swait.ge @!p2 [sflag:s24], $0x80  }
0x96: {  	[sflag:s24] =	ssyncset.done @!p2 $0x0  }
0x97: {  	[sflag:s24] =	ssyncadd.s32 @!p2 $0xFFFFFF80  }
0x98: {  	_ =	swait.ge @!p2 [sflag:s24], $0x80  }
0x99: {  	s25 =	simm.s32 @!p1 $0x5;
	[sflag:s24] =	ssyncset.done @!p2 $0x0  }
0x9a: {  	s16 =	simm.s32 @!p2 $0x80;
	s22 =	simm.s32 @!p2 $0x300;
	[sflag:s24] =	ssyncadd.s32 @!p2 $0xFFFFFF80  }
0x9b: {  	[tilespmem:s22], [sflag:$0x1] =	stream.indirect.gather @!p2 [hbm4b:s4+s16], $0x80, s20, s16, $0xb8;
	[tilespmem:$0x1FB80] =	vst v63  }
0x9c: {  	_ =	swait.ge @!p1 [sflag:s25], $0x80  }
0x9d: {  	[sflag:s25] =	ssyncset.done @!p1 $0x0  }
0x9e: {  	[sflag:s25] =	ssyncadd.s32 @!p1 $0xFFFFFF80  }
0x9f: {  	_ =	swait.ge @!p1 [sflag:s25], $0x80  }
0xa0: {  	p3 =	por p4, p4;
	[sflag:s25] =	ssyncset.done @!p1 $0x0  }
0xa1: {  	s24 =	simm.s32 @!p3 $0x6;
	s20 =	simm.s32 @!p1 $0x4300;
	[sflag:s25] =	ssyncadd.s32 @!p1 $0xFFFFFF80  }
0xa2: {  	[tilespmem:s20], [sflag:$0x2] =	stream.indirect.gather @!p1 [hbm4b:s4+s23], $0x80, s23, s23, $0xb8;
	[tilespmem:$0x1FB80] =	vst v63  }
0xa3: {  	_ =	swait.ge @!p3 [sflag:s24], $0x80  }
0xa4: {  	[sflag:s24] =	ssyncset.done @!p3 $0x0  }
0xa5: {  	[sflag:s24] =	ssyncadd.s32 @!p3 $0xFFFFFF80  }
0xa6: {  	_ =	swait.ge @!p3 [sflag:s24], $0x80  }
0xa7: {  	s26 =	simm.s32 @!p3 $0x8300;
	[sflag:s24] =	ssyncset.done @!p3 $0x0  }
0xa8: {  	s25 =	simm.s32 @!p2 $0x1;
	[sflag:s24] =	ssyncadd.s32 @!p3 $0xFFFFFF80;
	s24 =	simm.s32 @!p3 $0x80  }
0xa9: {  	[tilespmem:s26], [sflag:$0x3] =	stream.indirect.gather @!p3 [hbm4b:s4+s24], $0x80, s17, s24, $0xb8;
	[tilespmem:$0x1FB80] =	vst v63  }
0xaa: {  	_ =	swait.ge @!p2 [sflag:s25], $0x4000  }
0xab: {  	[sflag:s25] =	ssyncset.done @!p2 $0x0  }
0xac: {  	s17 =	simm.s32 @!p1 $0x2;
	[sflag:s25] =	ssyncadd.s32 @!p2 $0xFFFFC000  }
0xad: {  	[spmem:s1] =	stream.indirect.scatter.add.f32 @!p2 [tilespmem:s22], [sflag:$0x7], $0x80, s19, s16, $0xb8;
	[tilespmem:$0x1FB80] =	vst v63  }
0xae: {  	_ =	swait.ge @!p1 [sflag:s17], $0x4000  }
0xaf: {  	[sflag:s17] =	ssyncset.done @!p1 $0x0  }
0xb0: {  	s16 =	simm.s32 @!p3 $0x3;
	[sflag:s17] =	ssyncadd.s32 @!p1 $0xFFFFC000  }
0xb1: {  	[spmem:s1] =	stream.indirect.scatter.add.f32 @!p1 [tilespmem:s20], [sflag:$0x8], $0x80, s21, s23, $0xb8;
	[tilespmem:$0x1FB80] =	vst v63  }
0xb2: {  	_ =	swait.ge @!p3 [sflag:s16], $0x4000  }
0xb3: {  	[sflag:s16] =	ssyncset.done @!p3 $0x0  }
0xb4: {  	s17 =	simm.s32 @!p2 $0x7;
	[sflag:s16] =	ssyncadd.s32 @!p3 $0xFFFFC000  }
0xb5: {  	[spmem:s1] =	stream.indirect.scatter.add.f32 @!p3 [tilespmem:s26], [sflag:$0x9], $0x80, s18, s24, $0xb8;
	[tilespmem:$0x1FB80] =	vst v63  }
0xb6: {  	_ =	swait.ge @!p2 [sflag:s17], $0x4000  }
0xb7: {  	[sflag:s17] =	ssyncset.done @!p2 $0x0  }
0xb8: {  	s16 =	simm.s32 @!p1 $0x8;
	[sflag:s17] =	ssyncadd.s32 @!p2 $0xFFFFC000  }
0xb9: {  	_ =	swait.ge @!p1 [sflag:s16], $0x4000  }
0xba: {  	[sflag:s16] =	ssyncset.done @!p1 $0x0  }
0xbb: {  	s17 =	simm.s32 @!p3 $0x9;
	[sflag:s16] =	ssyncadd.s32 @!p1 $0xFFFFC000  }
0xbc: {  	_ =	swait.ge @!p3 [sflag:s17], $0x4000  }
0xbd: {  	[sflag:s17] =	ssyncset.done @!p3 $0x0  }
0xbe: {  	[sflag:s17] =	ssyncadd.s32 @!p3 $0xFFFFC000  }
0xbf: {  	s16 =	sadd.s32 @p0 $0x24900, s8;
	s17 =	simm.s32 @p0 $0x1FCA;
	[bflag:$0x0] =	sbarrier.arrive $0xFFFF  }
0xc0: {  	[hbm:s16], [sflag:s17] =	dma.local @p0 [spmem:s13], $0x2800  }
0xc1: {  	s16 =	simm.s32 @p0 $0xA  }
0xc2: {  	_ =	swait.ge @p0 [sflag:s16], $0x2800  }
0xc3: {  	s2 =	sadd.s32 $0x1, s2;
	[sflag:s16] =	ssyncset.done @p0 $0x0  }
0xc4: {  	p1 =	sne.s32 s2, s9;
	[sflag:s16] =	ssyncadd.s32 @p0 $0xFFFFD800;
	s16 =	sadd.s32 @!p0 s5, s8  }
0xc5: {  	[hbm:s16], [sflag:s14] =	dma.local @!p0 [spmem:s15], $0x2700  }
.Ltmp1:
0xc6: {  	_ = 	snop;
	(pc) =	sbr.rel @p1 .LBB2_1-.Ltmp1, $4  }
0xc7: {  	s16 =	simm.s32 @!p0 $0xA  }
0xc8: {  	_ =	swait.ge @!p0 [sflag:s16], $0x2700  }
0xc9: {  	[sflag:s16] =	ssyncset.done @!p0 $0x0  }
0xca: {  	[sflag:s16] =	ssyncadd.s32 @!p0 $0xFFFFD900  }
0xcb: {  	_ =	sfence.sel $0x180000  }
0xcc: {  	[bflag:$0x0] =	sbarrier.arrive $0xFFFF  }
0xcd: {  	p0 =	sne.s32 s3, $0x0;
	_ =	strace $0x9000004D  }
0xce: {  	s0 =	sadd.s32 @!p0 $0x100000, s0;
	[bflag:$0x2] =	sbarrier.arrive $0xFFFF  }
0xcf: {  	[sflag:s0] =	ssyncadd.tile.s32 @!p0 $0x1;
	_ =	shalt  }
.Lfunc_end2:
_tile_overlayer_lowered:
.L_overlay_start_2:
0xd0: {  	(tag) =	ssettag $0x2  }
0xd1: {  	s0 =	rddreg [dreg:$0x0];
	s2 =	stileid.u32  }
0xd2: {  	s1 =	rddreg [dreg:$0x1];
	p0 =	sne.s32 s2, $0x0  }
0xd3: {  	s3 =	rddreg [dreg:$0x2];
	[bflag:$0x3] =	sbarrier.arrive $0xFFFF;
	s2 =	simm.s32 @!p0 $0x1C0A  }
0xd4: {  	[timem:s3], [sflag:s2] =	dma.local @!p0 [hbm:s0], s1  }
0xd5: {  	s0 =	simm.s32 @!p0 $0xA  }
0xd6: {  	_ =	swait.ge @!p0 [sflag:s0], s1  }
0xd7: {  	s1 =	ssub.s32 @!p0 $0x0, s1;
	[sflag:s0] =	ssyncset.done @!p0 $0x0  }
0xd8: {  	[sflag:s0] =	ssyncadd.s32 @!p0 s1  }
0xd9: {  	[bflag:$0x3] =	sbarrier.arrive $0xFFFF  }
0xda: {  	_ =	shalt  }

// kernel: kernel.23.cloned.1.call-start
scs
__scs_entry_jumppad:
0x0: {  	(pc) =	sbr.rel $0x88, $3  }
0x1: {  	(tag) =	ssettag $0x0;
	lr =	simm.s32 $0x1  }
0x2: {  	[smem:$0x3F98] =	sst lr;
	_ =	strace $0xD0000000  }
0x3: {  	_ = 	snop  }
0x4: {  	_ = 	snop  }
0x5: {  	_ = 	snop  }
0x6: {  	_ = 	snop  }
0x7: {  	_ = 	snop  }
__scs_overlays_trampoline_lowered:
0x8: {  	[smem:$0x3FA7] =	sst s0  }
0x9: {  	[smem:$0x3FA8] =	sst s1  }
0xa: {  	[smem:$0x3FA9] =	sst s2  }
0xb: {  	[smem:$0x3FAA] =	sst s3  }
0xc: {  	[smem:$0x3FAB] =	sst s4  }
0xd: {  	[smem:$0x3FAC] =	sst s5  }
0xe: {  	[smem:$0x3FAD] =	sst s6  }
0xf: {  	[smem:$0x3FAE] =	sst s7  }
0x10: {  	[smem:$0x3FAF] =	sst s8  }
0x11: {  	[smem:$0x3FB0] =	sst s9;
	s0 =	simm.s32 @!p0 $0x0  }
0x12: {  	s1 =	sld [smem:$0x3F96];
	s0 =	simm.s32 @p0 $0x1  }
0x13: {  	[smem:$0x3FB1] =	sst s0;
	s0 =	simm.s32 @!p1 $0x0  }
0x14: {  	s2 =	sld [smem:$0x3F95];
	s0 =	simm.s32 @p1 $0x1  }
0x15: {  	[smem:$0x3FB2] =	sst s0;
	s0 =	simm.s32 @!p2 $0x0  }
0x16: {  	s3 =	sld [smem:$0x3FDB];
	s0 =	simm.s32 @p2 $0x1  }
0x17: {  	s4 =	simm.s32 $0x1BF5;
	[smem:$0x3FB4] =	sst s0  }
0x18: {  	s0 =	sld [smem:$0x3F97];
	_ =	swait.ge [sflag:s4], $0x0  }
0x19: {  	s7 =	sld [smem:$0x3F98]  }
0x1a: {  	s8 =	sadd.s32 $0xFFFFE003, lr  }
0x1b: {  	s9 =	sadd.s32 $0xFFFFFEF7, lr;
	s5 =	simm.s32 $0xFFFFFFFF;
	p2 =	slt.u32 s8, $0xFFFFF086  }
0x1c: {  	p1 =	slt.u32 s9, $0xF7A;
	s5 =	simm.s32 @!p2 $0x0  }
0x1d: {  	s5 =	simm.s32 @p1 $0x1;
	p0 =	seq.s32 s7, s2  }
0x1e: {  	s7 =	smul.u32 @!p0 $0xF7A, s2;
	p2 =	seq.s32 @!p0 s5, $0x0  }
0x1f: {  	s9 =	smul.u32 $0xF7A, s1;
	s8 =	simm.s32 @!p0 $0x1BF5;
	p2 =	por !p2, p0  }
0x20: {  	[sflag:s8] =	ssyncset.s32 @!p0 $0xFFFFF086;
	s6 =	sadd.s32 @!p0 s3, s7;
	s7 =	simm.s32 @!p0 $0x108  }
0x21: {  	s3 =	sadd.s32 s3, s9;
	s6 =	sadd.s32 @!p0 $0x88, s6;
	s7 =	simm.s32 @p2 $0x1082  }
0x22: {  	[simem:s7], [sflag:s8] =	dma.local @!p0 [hbm:s6], $0xF7A  }
0x23: {  	s9 =	sor.u32 $0xD0000000, s2;
	s6 =	simm.s32 $0x108;
	_ =	swait.ge @!p0 [sflag:s8], $0x0  }
0x24: {  	s3 =	sadd.s32 $0x88, s3;
	s6 =	simm.s32 @!p1 $0x1082;
	[sflag:s4] =	ssyncset.s32 $0xFFFFF086  }
0x25: {  	[simem:s6], [sflag:s4] =	dma.local [hbm:s3], $0xF7A  }
0x26: {  	[smem:$0x3F98] =	sst s1;
	(tag) =	ssettag s2;
	_ =	strace s9  }
0x27: {  	s1 =	sld [smem:$0x3FA8]  }
0x28: {  	s2 =	sld [smem:$0x3FA9]  }
0x29: {  	s4 =	sld [smem:$0x3FAB]  }
0x2a: {  	p0 =	seq.s32 s5, $0x0;
	s5 =	sld [smem:$0x3FAC]  }
0x2b: {  	s6 =	sld [smem:$0x3FAD]  }
0x2c: {  	s7 =	sld [smem:$0x3FAE]  }
0x2d: {  	s3 =	simm.s32 $0x108;
	s8 =	sld [smem:$0x3FAF]  }
0x2e: {  	s3 =	simm.s32 @!p0 $0x1082;
	s9 =	sld [smem:$0x3FB0]  }
0x2f: {  	lr =	sadd.s32 s0, s3;
	s0 =	sld [smem:$0x3FA7]  }
0x30: {  	s3 =	sld [smem:$0x3FAA]  }
0x31: {  	[smem:$0x3FB3] =	sst s10  }
0x32: {  	s10 =	sld [smem:$0x3FB1];
	_ =	sdelay $0x3  }
0x33: {  	p0 =	seq.s32 s10, $0x1;
	s10 =	sld [smem:$0x3FB3];
	_ =	sdelay $0x3  }
0x34: {  	[smem:$0x3FB3] =	sst s10  }
0x35: {  	s10 =	sld [smem:$0x3FB2];
	_ =	sdelay $0x3  }
0x36: {  	p1 =	seq.s32 s10, $0x1;
	s10 =	sld [smem:$0x3FB3];
	_ =	sdelay $0x3  }
0x37: {  	[smem:$0x3FB3] =	sst s10  }
0x38: {  	s10 =	sld [smem:$0x3FB4]  }
0x39: {  	_ = 	snop;
	(pc) =	sbr.ind lr, $3  }
0x3a: {  	_ = 	snop  }
0x3b: {  	_ = 	snop  }
0x3c: {  	p2 =	seq.s32 s10, $0x1;
	s10 =	sld [smem:$0x3FB3]  }
0x3d: {  	_ =	shalt  }
0x3e: {  	_ =	shalt  }
0x3f: {  	_ =	shalt  }
0x40: {  	_ =	shalt  }
0x41: {  	_ =	shalt  }
0x42: {  	_ =	shalt  }
0x43: {  	_ =	shalt  }
0x44: {  	_ =	shalt  }
0x45: {  	_ =	shalt  }
0x46: {  	_ =	shalt  }
0x47: {  	_ =	shalt  }
0x48: {  	_ =	shalt  }
0x49: {  	_ =	shalt  }
0x4a: {  	_ =	shalt  }
0x4b: {  	_ =	shalt  }
0x4c: {  	_ =	shalt  }
0x4d: {  	_ =	shalt  }
0x4e: {  	_ =	shalt  }
0x4f: {  	_ =	shalt  }
0x50: {  	_ =	shalt  }
0x51: {  	_ =	shalt  }
0x52: {  	_ =	shalt  }
0x53: {  	_ =	shalt  }
0x54: {  	_ =	shalt  }
0x55: {  	_ =	shalt  }
0x56: {  	_ =	shalt  }
0x57: {  	_ =	shalt  }
0x58: {  	_ =	shalt  }
0x59: {  	_ =	shalt  }
0x5a: {  	_ =	shalt  }
0x5b: {  	_ =	shalt  }
0x5c: {  	_ =	shalt  }
0x5d: {  	_ =	shalt  }
0x5e: {  	_ =	shalt  }
0x5f: {  	_ =	shalt  }
0x60: {  	_ =	shalt  }
0x61: {  	_ =	shalt  }
0x62: {  	_ =	shalt  }
0x63: {  	_ =	shalt  }
0x64: {  	_ =	shalt  }
0x65: {  	_ =	shalt  }
0x66: {  	_ =	shalt  }
0x67: {  	_ =	shalt  }
0x68: {  	_ =	shalt  }
0x69: {  	_ =	shalt  }
0x6a: {  	_ =	shalt  }
0x6b: {  	_ =	shalt  }
0x6c: {  	_ =	shalt  }
0x6d: {  	_ =	shalt  }
0x6e: {  	_ =	shalt  }
0x6f: {  	_ =	shalt  }
0x70: {  	_ =	shalt  }
0x71: {  	_ =	shalt  }
0x72: {  	_ =	shalt  }
0x73: {  	_ =	shalt  }
0x74: {  	_ =	shalt  }
0x75: {  	_ =	shalt  }
0x76: {  	_ =	shalt  }
0x77: {  	_ =	shalt  }
0x78: {  	_ =	shalt  }
0x79: {  	_ =	shalt  }
0x7a: {  	_ =	shalt  }
0x7b: {  	_ =	shalt  }
0x7c: {  	_ =	shalt  }
0x7d: {  	_ =	shalt  }
0x7e: {  	_ =	shalt  }
0x7f: {  	_ =	shalt  }
0x80: {  	_ =	shalt  }
0x81: {  	_ =	shalt  }
0x82: {  	_ =	shalt  }
0x83: {  	_ =	shalt  }
0x84: {  	_ =	shalt  }
0x85: {  	_ =	shalt  }
0x86: {  	_ =	shalt  }
0x87: {  	_ =	shalt  }
.Lfunc_end0:
.L_simem_size_0:
called_computation.3_lowered:
.L_overlay_start_0:
0x88: {  	s2 =	sld [smem:$0x3FD9]  }
0x89: {  	s3 =	sld [smem:$0x3FFE];
	_ =	sdelay $0x1  }
0x8a: {  	s1 =	srdreg.scid  }
0x8b: {  	s0 =	sand.u32 $0x1, s1  }
0x8c: {  	s17 =	sshll.u32 s0, $0xA;
	s2 =	sadd.s32 s3, s2  }
0x8d: {  	s2 =	sadd.s32 s2, s17  }
0x8e: {  	[smem:$0x3FBF] =	sst s2  }
0x8f: {  	_ = 	snop  }
0x90: {  	s2 =	sld [smem:$0x3FD0];
	(tm) =	ssettm $0x1  }
0x91: {  	s18 =	sld [smem:$0x3FFB];
	_ =	sdelay $0x3  }
0x92: {  	_ =	strace s18  }
0x93: {  	s3 =	sld [smem:$0x3FFC];
	_ =	sdelay $0x3  }
0x94: {  	_ =	strace s3  }
0x95: {  	s3 =	sld [smem:$0x3FFD];
	_ =	sdelay $0x3  }
0x96: {  	_ =	strace s3  }
0x97: {  	_ =	strace $0x8FFFFFFF  }
0x98: {  	s19 =	sld [smem:$0x3FDB];
	_ =	sdelay $0x1  }
0x99: {  	s4 =	simm.s32 $_scs_section_size  }
0x9a: {  	s5 =	simm.s32 $_size__tile_overlayer_lowered;
	s6 =	simm.s32 $_tile_overlayer_lowered  }
0x9b: {  	s22 =	simm.s32 $0x1BFF;
	s21 =	sshll.u32 s6, $0x1;
	s3 =	sadd.s32 s4, s19  }
0x9c: {  	s7 =	simm.s32 $0x0;
	s20 =	sshll.u32 s5, $0x1;
	s5 =	sadd.s32 s21, s3  }
0x9d: {  	[timem:s7], [sflag:s22] =	dma.local [hbm:s5], s20  }
0x9e: {  	_ =	swait.ge [sflag:s22], s20  }
0x9f: {  	s4 =	ssub.s32 $0x0, s20;
	[sflag:s22] =	ssyncset.done $0x0  }
0xa0: {  	[sflag:s22] =	ssyncadd.s32 s4;
	_ =	sdelay $0x1  }
0xa1: {  	s23 =	simm.s32 $0x1B8B  }
0xa2: {  	_ =	swait.ge [sflag:s23], $0x1  }
0xa3: {  	[sflag:s23] =	ssyncset.done $0x0  }
0xa4: {  	s25 =	simm.s32 $0x1B8E;
	s24 =	sld [smem:$0x3FFE];
	[sflag:s23] =	ssyncadd.s32 $0xFFFFFFFF  }
0xa5: {  	s26 =	simm.s32 $execute0_lowered;
	[smem:$0x3FD2] =	sst s25  }
0xa6: {  	s5 =	sshll.u32 s26, $0x1;
	_ =	strace $0x8000004F;
	[dreg:$0x1] =	wrdreg $0xFFFFFFFF  }
0xa7: {  	s28 =	simm.s32 $_size_execute0_lowered;
	s3 =	sadd.s32 s3, s5;
	[dreg:$0x0] =	wrdreg $0x0  }
0xa8: {  	s5 =	sshll.u32 s28, $0x1;
	[dreg:$0x2] =	wrdreg s3  }
0xa9: {  	[dreg:$0x3] =	wrdreg s5  }
0xaa: {  	[dreg:$0x4] =	wrdreg $0xC0  }
0xab: {  	_ =	task [dreg:s7], $0x5FFFF  }
0xac: {  	[dreg:$0x1] =	wrdreg $0xFFFFFFFF  }
0xad: {  	[dreg:$0x0] =	wrdreg $0x60  }
0xae: {  	[dreg:$0x2] =	wrdreg s24  }
0xaf: {  	[dreg:$0x3] =	wrdreg s2  }
0xb0: {  	[dreg:$0x4] =	wrdreg $0xC3000  }
0xb1: {  	[dreg:$0x5] =	wrdreg $0x9  }
0xb2: {  	_ =	task.clear_ibuf [dreg:s7], $0x6FFFF;
	_ =	strace $0x9000004F  }
0xb3: {  	s29 =	simm.s32 $0x9;
	_ =	strace $0x80000051  }
0xb4: {  	_ =	swait.ge [sflag:s29], $0x1  }
0xb5: {  	[sflag:s29] =	ssyncadd.s32 $0xFFFFFFFF  }
0xb6: {  	_ =	strace $0x90000051  }
0xb7: {  	_ =	sfence  }
0xb8: {  	s30 =	sld [smem:$0x0];
	_ =	sdelay $0x2  }
0xb9: {  	s31 =	sshll.u32 s1, $0xD;
	s1 =	sshrl.u32 s1, $0x2  }
0xba: {  	s3 =	sand.u32 $0x4000, s31;
	s1 =	sadd.s32 s1, s30  }
0xbb: {  	s0 =	sor.u32 s3, s0;
	s1 =	sshll.u32 s1, $0x11  }
0xbc: {  	s0 =	sor.u32 s1, s0  }
0xbd: {  	s0 =	sadd.s32 $0x8F2B, s0  }
0xbe: {  	[sflag:s0] =	ssyncadd.remote.s32 $0x1  }
0xbf: {  	_ =	sfence.sel $0xFFFF  }
0xc0: {  	[dreg:$0x0] =	wrdreg $0xFFFFFFFF;
	(pc) =	sbr.abs _section_cstart, $3  }
0xc1: {  	[dreg:$0x1] =	wrdreg $0xFFFFFFFF  }
0xc2: {  	_ =	task.clear_ibuf [dreg:s7], $0x2FFFF;
	_ =	strace $0x9FFFFFFF  }
0xc3: {  	(tm) =	ssettm $0x7FFFFFFF  }
tec
execute0_lowered:
.L_overlay_start_1:
0x0: {  	(tag) =	ssettag $0x1  }
0x1: {  	s7 =	rddreg [dreg:$0x0]  }
0x2: {  	s11 =	rddreg [dreg:$0x1]  }
0x3: {  	s1 =	rddreg [dreg:$0x2]  }
0x4: {  	s0 =	rddreg [dreg:$0x3];
	s2 =	simm.s32 $0x0  }
0x5: {  	s3 =	srdreg.scid;
	[smem:$0x7FF] =	sst s2  }
0x6: {  	s4 =	sadd.s32 $0xDA00, s7;
	s6 =	sand.u32 $0x1, s3;
	s17 =	sadd.s32 $0x124800, s1  }
0x7: {  	s3 =	stileid.u32;
	_ =	strace $0x80000050;
	s5 =	smul.u32 $0x27100, s6  }
0x8: {  	s12 =	sshll.u32 s6, $0x8;
	s9 =	ssub.s32 $0x2, s6;
	s10 =	smul.u32 $0x4E000, s3  }
0x9: {  	s28 =	sshll.u32 s6, $0x4;
	s16 =	sshll.u32 s3, $0x4;
	p0 =	seq.s32 s3, $0xF  }
0xa: {  	s8 =	sadd.s32 s12, s7;
	s14 =	sshrl.u32 s9, $0x1;
	s11 =	sadd.s32 s12, s11  }
0xb: {  	s31 =	sor.u32 s28, s3;
	s13 =	sadd.s32 s5, s7;
	s5 =	smul.u32 $0x2700, s3  }
0xc: {  	s9 =	ssub.s32 s9, s14;
	s29 =	sshrl.u32 s10, $0x2;
	s7 =	sadd.s32 $0x32300, s7  }
0xd: {  	s30 =	sadd.s32 s16, s8;
	s11 =	sadd.s32 s16, s11;
	s12 =	sor.u32 $0x40, s31  }
0xe: {  	s14 =	sshll.u32 @!p0 s3, $0x6;
	s15 =	sadd.s32 s29, s1;
	s8 =	sadd.s32 $0x34C00, s13  }
0xf: {  	s9 =	smax.u32 s9, $0x1;
	s10 =	sadd.s32 $0x3C00, s30;
	s13 =	sshrl.u32 @p0 s17, $0x3  }
0x10: {  	s14 =	sor.u32 @!p0 $0x1C0A, s14;
	s6 =	sadd.s32 s4, s5;
	s15 =	sshrl.u32 @!p0 s15, $0x3  }
.LBB2_1:
0x11: {  	s16 =	simm.s32 @p0 $0x1FCA  }
0x12: {  	[spmem:s13], [sflag:s16] =	dma.local @p0 [hbm:s7], $0x2800  }
0x13: {  	s16 =	simm.s32 @p0 $0xA  }
0x14: {  	_ =	swait.ge @p0 [sflag:s16], $0x2800  }
0x15: {  	[sflag:s16] =	ssyncset.done @p0 $0x0  }
0x16: {  	[sflag:s16] =	ssyncadd.s32 @p0 $0xFFFFD800;
	s16 =	simm.s32 @!p0 $0xA  }
0x17: {  	[spmem:s15], [sflag:s14] =	dma.local @!p0 [hbm:s6], $0x2700  }
0x18: {  	_ =	swait.ge @!p0 [sflag:s16], $0x2700  }
0x19: {  	s30 =	sadd.s32 $0xFFFFFFC0, s12;
	p1 =	sgt.u32 s12, $0x9C3;
	[sflag:s16] =	ssyncset.done @!p0 $0x0  }
0x1a: {  	s31 =	sadd.s32 $0xFFFFFFE0, s12;
	p3 =	sgt.u32 s30, $0x9C3;
	[sflag:s16] =	ssyncadd.s32 @!p0 $0xFFFFD900  }
0x1b: {  	s17 =	sadd.s32 @!p3 $0x0, s11;
	s18 =	simm.s32 @!p3 $0x0;
	[bflag:$0x0] =	sbarrier.arrive $0xFFFF  }
0x1c: {  	[tilespmem:s18], [sflag:$0x4] =	stream.linear.gather @!p3 [hbm4b:s17+s18], $0x80, $0x38;
	[tilespmem:$0x1FB80] =	vst v63  }
0x1d: {  	p2 =	sgt.u32 s31, $0x9C3;
	s19 =	simm.s32 @!p3 $0x180;
	s17 =	sadd.s32 @!p3 $0x0, s10  }
0x1e: {  	[tilespmem:s19], [sflag:$0x4] =	stream.linear.gather @!p3 [hbm4b:s17+s18], $0x80, $0x38;
	[tilespmem:$0x1FB80] =	vst v63  }
0x1f: {  	s23 =	sadd.s32 @!p1 $0x0, s11;
	s20 =	sadd.s32 @!p2 $0x0, s10;
	s17 =	sadd.s32 @!p2 $0x0, s11  }
0x20: {  	s21 =	simm.s32 @!p2 $0x0;
	s22 =	simm.s32 @!p2 $0x80;
	s17 =	sadd.s32 @!p2 $0x200, s17  }
0x21: {  	[tilespmem:s22], [sflag:$0x5] =	stream.linear.gather @!p2 [hbm4b:s17+s21], $0x80, $0x38;
	[tilespmem:$0x1FB80] =	vst v63  }
0x22: {  	s16 =	simm.s32 @!p1 $0x100;
	s17 =	sadd.s32 @!p2 $0x200, s20;
	s20 =	simm.s32 @!p2 $0x200  }
0x23: {  	[tilespmem:s20], [sflag:$0x5] =	stream.linear.gather @!p2 [hbm4b:s17+s21], $0x80, $0x38;
	[tilespmem:$0x1FB80] =	vst v63  }
0x24: {  	s17 =	sadd.s32 @!p1 $0x0, s10;
	s21 =	sadd.s32 @!p1 $0x400, s23;
	s23 =	simm.s32 @!p1 $0x0  }
0x25: {  	[tilespmem:s16], [sflag:$0x6] =	stream.linear.gather @!p1 [hbm4b:s21+s23], $0x80, $0x38;
	[tilespmem:$0x1FB80] =	vst v63  }
0x26: {  	s24 =	simm.s32 @!p3 $0x4;
	s17 =	sadd.s32 @!p1 $0x400, s17;
	s21 =	simm.s32 @!p1 $0x280  }
0x27: {  	[tilespmem:s21], [sflag:$0x6] =	stream.linear.gather @!p1 [hbm4b:s17+s23], $0x80, $0x38;
	[tilespmem:$0x1FB80] =	vst v63  }
0x28: {  	_ =	swait.ge @!p3 [sflag:s24], $0x80  }
0x29: {  	[sflag:s24] =	ssyncset.done @!p3 $0x0  }
0x2a: {  	[sflag:s24] =	ssyncadd.s32 @!p3 $0xFFFFFF80  }
0x2b: {  	_ =	swait.ge @!p3 [sflag:s24], $0x80  }
0x2c: {  	s25 =	simm.s32 @!p2 $0x5;
	[sflag:s24] =	ssyncset.done @!p3 $0x0  }
0x2d: {  	s17 =	simm.s32 @!p3 $0x80;
	s23 =	simm.s32 @!p3 $0x300;
	[sflag:s24] =	ssyncadd.s32 @!p3 $0xFFFFFF80  }
0x2e: {  	[tilespmem:s23], [sflag:$0x1] =	stream.indirect.gather @!p3 [hbm4b:s4+s17], $0x80, s18, s17, $0xb8;
	[tilespmem:$0x1FB80] =	vst v63  }
0x2f: {  	_ =	swait.ge @!p2 [sflag:s25], $0x80  }
0x30: {  	[sflag:s25] =	ssyncset.done @!p2 $0x0  }
0x31: {  	[sflag:s25] =	ssyncadd.s32 @!p2 $0xFFFFFF80  }
0x32: {  	_ =	swait.ge @!p2 [sflag:s25], $0x80  }
0x33: {  	p1 =	por p1, p1;
	[sflag:s25] =	ssyncset.done @!p2 $0x0  }
0x34: {  	s24 =	simm.s32 @!p1 $0x6;
	s18 =	simm.s32 @!p2 $0x4300;
	[sflag:s25] =	ssyncadd.s32 @!p2 $0xFFFFFF80  }
0x35: {  	[tilespmem:s18], [sflag:$0x2] =	stream.indirect.gather @!p2 [hbm4b:s4+s22], $0x80, s22, s22, $0xb8;
	[tilespmem:$0x1FB80] =	vst v63  }
0x36: {  	_ =	swait.ge @!p1 [sflag:s24], $0x80  }
0x37: {  	[sflag:s24] =	ssyncset.done @!p1 $0x0  }
0x38: {  	[sflag:s24] =	ssyncadd.s32 @!p1 $0xFFFFFF80  }
0x39: {  	_ =	swait.ge @!p1 [sflag:s24], $0x80  }
0x3a: {  	s26 =	simm.s32 @!p1 $0x8300;
	[sflag:s24] =	ssyncset.done @!p1 $0x0  }
0x3b: {  	s25 =	simm.s32 @!p3 $0x1;
	[sflag:s24] =	ssyncadd.s32 @!p1 $0xFFFFFF80;
	s24 =	simm.s32 @!p1 $0x80  }
0x3c: {  	[tilespmem:s26], [sflag:$0x3] =	stream.indirect.gather @!p1 [hbm4b:s4+s24], $0x80, s16, s24, $0xb8;
	[tilespmem:$0x1FB80] =	vst v63  }
0x3d: {  	_ =	swait.ge @!p3 [sflag:s25], $0x4000  }
0x3e: {  	[sflag:s25] =	ssyncset.done @!p3 $0x0  }
0x3f: {  	s16 =	simm.s32 @!p2 $0x2;
	[sflag:s25] =	ssyncadd.s32 @!p3 $0xFFFFC000  }
0x40: {  	[spmem:s1] =	stream.indirect.scatter.add.f32 @!p3 [tilespmem:s23], [sflag:$0x7], $0x80, s19, s17, $0xb8;
	[tilespmem:$0x1FB80] =	vst v63  }
0x41: {  	_ =	swait.ge @!p2 [sflag:s16], $0x4000  }
0x42: {  	[sflag:s16] =	ssyncset.done @!p2 $0x0  }
0x43: {  	[sflag:s16] =	ssyncadd.s32 @!p2 $0xFFFFC000;
	s16 =	simm.s32 @!p1 $0x3  }
0x44: {  	[spmem:s1] =	stream.indirect.scatter.add.f32 @!p2 [tilespmem:s18], [sflag:$0x8], $0x80, s20, s22, $0xb8;
	[tilespmem:$0x1FB80] =	vst v63  }
0x45: {  	_ =	swait.ge @!p1 [sflag:s16], $0x4000  }
0x46: {  	[sflag:s16] =	ssyncset.done @!p1 $0x0  }
0x47: {  	s17 =	simm.s32 @!p3 $0x7;
	[sflag:s16] =	ssyncadd.s32 @!p1 $0xFFFFC000  }
0x48: {  	[spmem:s1] =	stream.indirect.scatter.add.f32 @!p1 [tilespmem:s26], [sflag:$0x9], $0x80, s21, s24, $0xb8;
	[tilespmem:$0x1FB80] =	vst v63  }
0x49: {  	_ =	swait.ge @!p3 [sflag:s17], $0x4000  }
0x4a: {  	[sflag:s17] =	ssyncset.done @!p3 $0x0  }
0x4b: {  	s21 =	simm.s32 @!p2 $0x8;
	[sflag:s17] =	ssyncadd.s32 @!p3 $0xFFFFC000  }
0x4c: {  	s19 =	simm.s32 @!p1 $0x9;
	s18 =	sadd.s32 $0x60, s12;
	_ =	swait.ge @!p2 [sflag:s21], $0x4000  }
0x4d: {  	s20 =	sadd.s32 $0xFFFFFFC0, s18;
	p4 =	sgt.u32 s18, $0x9C3;
	[sflag:s21] =	ssyncset.done @!p2 $0x0  }
0x4e: {  	s16 =	simm.s32 $0x600;
	s17 =	simm.s32 $0xC00;
	[sflag:s21] =	ssyncadd.s32 @!p2 $0xFFFFC000  }
.LBB2_2:
0x4f: {  	s22 =	sadd.s32 $0xFFFFFFE0, s18  }
0x50: {  	p2 =	sgt.u32 s20, $0x9C3;
	_ =	swait.ge @!p1 [sflag:s19], $0x4000;
	s24 =	smov.u32 s17  }
0x51: {  	s20 =	sadd.s32 @!p2 s16, s11;
	s25 =	simm.s32 @!p2 $0x0;
	[sflag:s19] =	ssyncset.done @!p1 $0x0  }
0x52: {  	s17 =	sadd.s32 $0x600, s17;
	s21 =	simm.s32 @!p4 $0x100;
	[sflag:s19] =	ssyncadd.s32 @!p1 $0xFFFFC000  }
0x53: {  	[tilespmem:s25], [sflag:$0x4] =	stream.linear.gather @!p2 [hbm4b:s20+s25], $0x80, $0x38;
	[tilespmem:$0x1FB80] =	vst v63  }
0x54: {  	p3 =	sgt.u32 s22, $0x9C3;
	s19 =	simm.s32 @!p2 $0x180;
	s20 =	sadd.s32 @!p2 s16, s10  }
0x55: {  	[tilespmem:s19], [sflag:$0x4] =	stream.linear.gather @!p2 [hbm4b:s20+s25], $0x80, $0x38;
	[tilespmem:$0x1FB80] =	vst v63  }
0x56: {  	s23 =	sadd.s32 @!p4 s16, s10;
	s22 =	sadd.s32 @!p3 s16, s10;
	s20 =	sadd.s32 @!p3 s16, s11  }
0x57: {  	s28 =	simm.s32 @!p3 $0x0;
	s26 =	sadd.s32 @!p3 $0x200, s20;
	s20 =	simm.s32 @!p3 $0x80  }
0x58: {  	[tilespmem:s20], [sflag:$0x5] =	stream.linear.gather @!p3 [hbm4b:s26+s28], $0x80, $0x38;
	[tilespmem:$0x1FB80] =	vst v63  }
0x59: {  	s16 =	sadd.s32 @!p4 s16, s11;
	s26 =	sadd.s32 @!p3 $0x200, s22;
	s22 =	simm.s32 @!p3 $0x200  }
0x5a: {  	[tilespmem:s22], [sflag:$0x5] =	stream.linear.gather @!p3 [hbm4b:s26+s28], $0x80, $0x38;
	[tilespmem:$0x1FB80] =	vst v63  }
0x5b: {  	s16 =	sadd.s32 @!p4 $0x400, s16;
	s26 =	simm.s32 @!p4 $0x0;
	s28 =	sadd.s32 @!p4 $0x400, s23  }
0x5c: {  	[tilespmem:s21], [sflag:$0x6] =	stream.linear.gather @!p4 [hbm4b:s16+s26], $0x80, $0x38;
	[tilespmem:$0x1FB80] =	vst v63  }
0x5d: {  	p5 =	sne.s32 s17, $0xA200;
	s29 =	simm.s32 @!p2 $0x4;
	s23 =	simm.s32 @!p4 $0x280  }
0x5e: {  	[tilespmem:s23], [sflag:$0x6] =	stream.linear.gather @!p4 [hbm4b:s28+s26], $0x80, $0x38;
	[tilespmem:$0x1FB80] =	vst v63  }
0x5f: {  	p1 =	por p4, p4;
	s16 =	smov.u32 s24;
	_ =	swait.ge @!p2 [sflag:s29], $0x80  }
0x60: {  	[sflag:s29] =	ssyncset.done @!p2 $0x0  }
0x61: {  	[sflag:s29] =	ssyncadd.s32 @!p2 $0xFFFFFF80  }
0x62: {  	s24 =	simm.s32 @!p2 $0x80;
	s26 =	simm.s32 @!p2 $0x300;
	_ =	swait.ge @!p2 [sflag:s29], $0x80  }
0x63: {  	s28 =	simm.s32 @!p3 $0x5;
	[sflag:s29] =	ssyncset.done @!p2 $0x0  }
0x64: {  	[sflag:s29] =	ssyncadd.s32 @!p2 $0xFFFFFF80  }
0x65: {  	[tilespmem:s26], [sflag:$0x1] =	stream.indirect.gather @!p2 [hbm4b:s4+s24], $0x80, s25, s24, $0xb8;
	[tilespmem:$0x1FB80] =	vst v63  }
0x66: {  	_ =	swait.ge @!p3 [sflag:s28], $0x80  }
0x67: {  	[sflag:s28] =	ssyncset.done @!p3 $0x0  }
0x68: {  	[sflag:s28] =	ssyncadd.s32 @!p3 $0xFFFFFF80  }
0x69: {  	s25 =	simm.s32 @!p3 $0x4300;
	_ =	swait.ge @!p3 [sflag:s28], $0x80  }
0x6a: {  	[sflag:s28] =	ssyncset.done @!p3 $0x0  }
0x6b: {  	[sflag:s28] =	ssyncadd.s32 @!p3 $0xFFFFFF80;
	s28 =	simm.s32 @!p1 $0x6  }
0x6c: {  	[tilespmem:s25], [sflag:$0x2] =	stream.indirect.gather @!p3 [hbm4b:s4+s20], $0x80, s20, s20, $0xb8;
	[tilespmem:$0x1FB80] =	vst v63  }
0x6d: {  	_ =	swait.ge @!p1 [sflag:s28], $0x80  }
0x6e: {  	[sflag:s28] =	ssyncset.done @!p1 $0x0  }
0x6f: {  	[sflag:s28] =	ssyncadd.s32 @!p1 $0xFFFFFF80  }
0x70: {  	s29 =	simm.s32 @!p2 $0x1;
	_ =	swait.ge @!p1 [sflag:s28], $0x80  }
0x71: {  	[sflag:s28] =	ssyncset.done @!p1 $0x0  }
0x72: {  	s30 =	simm.s32 @!p1 $0x8300;
	[sflag:s28] =	ssyncadd.s32 @!p1 $0xFFFFFF80;
	s28 =	simm.s32 @!p1 $0x80  }
0x73: {  	[tilespmem:s30], [sflag:$0x3] =	stream.indirect.gather @!p1 [hbm4b:s4+s28], $0x80, s21, s28, $0xb8;
	[tilespmem:$0x1FB80] =	vst v63  }
0x74: {  	_ =	swait.ge @!p2 [sflag:s29], $0x4000  }
0x75: {  	s21 =	simm.s32 @!p3 $0x2;
	[sflag:s29] =	ssyncset.done @!p2 $0x0  }
0x76: {  	[sflag:s29] =	ssyncadd.s32 @!p2 $0xFFFFC000  }
0x77: {  	[spmem:s1] =	stream.indirect.scatter.add.f32 @!p2 [tilespmem:s26], [sflag:$0x7], $0x80, s19, s24, $0xb8;
	[tilespmem:$0x1FB80] =	vst v63  }
0x78: {  	_ =	swait.ge @!p3 [sflag:s21], $0x4000  }
0x79: {  	[sflag:s21] =	ssyncset.done @!p3 $0x0  }
0x7a: {  	s19 =	simm.s32 @!p1 $0x3;
	[sflag:s21] =	ssyncadd.s32 @!p3 $0xFFFFC000  }
0x7b: {  	[spmem:s1] =	stream.indirect.scatter.add.f32 @!p3 [tilespmem:s25], [sflag:$0x8], $0x80, s22, s20, $0xb8;
	[tilespmem:$0x1FB80] =	vst v63  }
0x7c: {  	s20 =	simm.s32 @!p2 $0x7;
	_ =	swait.ge @!p1 [sflag:s19], $0x4000  }
0x7d: {  	[sflag:s19] =	ssyncset.done @!p1 $0x0  }
0x7e: {  	[sflag:s19] =	ssyncadd.s32 @!p1 $0xFFFFC000  }
0x7f: {  	[spmem:s1] =	stream.indirect.scatter.add.f32 @!p1 [tilespmem:s30], [sflag:$0x9], $0x80, s23, s28, $0xb8;
	[tilespmem:$0x1FB80] =	vst v63  }
0x80: {  	s21 =	simm.s32 @!p3 $0x8;
	_ =	swait.ge @!p2 [sflag:s20], $0x4000  }
.Ltmp0:
0x81: {  	[sflag:s20] =	ssyncset.done @!p2 $0x0;
	(pc) =	sbr.rel @p5 .LBB2_2-.Ltmp0, $4  }
0x82: {  	[sflag:s20] =	ssyncadd.s32 @!p2 $0xFFFFC000  }
0x83: {  	_ =	swait.ge @!p3 [sflag:s21], $0x4000  }
0x84: {  	s18 =	sadd.s32 $0x60, s18;
	s19 =	simm.s32 @!p1 $0x9;
	[sflag:s21] =	ssyncset.done @!p3 $0x0  }
0x85: {  	p4 =	sgt.u32 s18, $0x9C3;
	s20 =	sadd.s32 $0xFFFFFFC0, s18;
	[sflag:s21] =	ssyncadd.s32 @!p3 $0xFFFFC000  }
0x86: {  	_ =	swait.ge @!p1 [sflag:s19], $0x4000  }
0x87: {  	s17 =	sadd.s32 $0xFFFFFFE0, s18;
	p2 =	sgt.u32 s20, $0x9C3;
	[sflag:s19] =	ssyncset.done @!p1 $0x0  }
0x88: {  	s18 =	sadd.s32 @!p2 s16, s11;
	s20 =	simm.s32 @!p2 $0x0;
	[sflag:s19] =	ssyncadd.s32 @!p1 $0xFFFFC000  }
0x89: {  	[tilespmem:s20], [sflag:$0x4] =	stream.linear.gather @!p2 [hbm4b:s18+s20], $0x80, $0x38;
	[tilespmem:$0x1FB80] =	vst v63  }
0x8a: {  	s19 =	simm.s32 @!p2 $0x180;
	p1 =	sgt.u32 s17, $0x9C3;
	s18 =	sadd.s32 @!p2 s16, s10  }
0x8b: {  	[tilespmem:s19], [sflag:$0x4] =	stream.linear.gather @!p2 [hbm4b:s18+s20], $0x80, $0x38;
	[tilespmem:$0x1FB80] =	vst v63  }
0x8c: {  	s24 =	sadd.s32 @!p4 s16, s11;
	s21 =	sadd.s32 @!p1 s16, s10;
	s18 =	sadd.s32 @!p1 s16, s11  }
0x8d: {  	s22 =	simm.s32 @!p1 $0x0;
	s23 =	simm.s32 @!p1 $0x80;
	s18 =	sadd.s32 @!p1 $0x200, s18  }
0x8e: {  	[tilespmem:s23], [sflag:$0x5] =	stream.linear.gather @!p1 [hbm4b:s18+s22], $0x80, $0x38;
	[tilespmem:$0x1FB80] =	vst v63  }
0x8f: {  	s17 =	simm.s32 @!p4 $0x100;
	s18 =	sadd.s32 @!p1 $0x200, s21;
	s21 =	simm.s32 @!p1 $0x200  }
0x90: {  	[tilespmem:s21], [sflag:$0x5] =	stream.linear.gather @!p1 [hbm4b:s18+s22], $0x80, $0x38;
	[tilespmem:$0x1FB80] =	vst v63  }
0x91: {  	s16 =	sadd.s32 @!p4 s16, s10;
	s18 =	sadd.s32 @!p4 $0x400, s24;
	s22 =	simm.s32 @!p4 $0x0  }
0x92: {  	[tilespmem:s17], [sflag:$0x6] =	stream.linear.gather @!p4 [hbm4b:s18+s22], $0x80, $0x38;
	[tilespmem:$0x1FB80] =	vst v63  }
0x93: {  	s16 =	sadd.s32 @!p4 $0x400, s16;
	s24 =	simm.s32 @!p2 $0x4;
	s18 =	simm.s32 @!p4 $0x280  }
0x94: {  	[tilespmem:s18], [sflag:$0x6] =	stream.linear.gather @!p4 [hbm4b:s16+s22], $0x80, $0x38;
	[tilespmem:$0x1FB80] =	vst v63  }
0x95: {  	_ =	swait.ge @!p2 [sflag:s24], $0x80  }
0x96: {  	[sflag:s24] =	ssyncset.done @!p2 $0x0  }
0x97: {  	[sflag:s24] =	ssyncadd.s32 @!p2 $0xFFFFFF80  }
0x98: {  	_ =	swait.ge @!p2 [sflag:s24], $0x80  }
0x99: {  	s25 =	simm.s32 @!p1 $0x5;
	[sflag:s24] =	ssyncset.done @!p2 $0x0  }
0x9a: {  	s16 =	simm.s32 @!p2 $0x80;
	s22 =	simm.s32 @!p2 $0x300;
	[sflag:s24] =	ssyncadd.s32 @!p2 $0xFFFFFF80  }
0x9b: {  	[tilespmem:s22], [sflag:$0x1] =	stream.indirect.gather @!p2 [hbm4b:s4+s16], $0x80, s20, s16, $0xb8;
	[tilespmem:$0x1FB80] =	vst v63  }
0x9c: {  	_ =	swait.ge @!p1 [sflag:s25], $0x80  }
0x9d: {  	[sflag:s25] =	ssyncset.done @!p1 $0x0  }
0x9e: {  	[sflag:s25] =	ssyncadd.s32 @!p1 $0xFFFFFF80  }
0x9f: {  	_ =	swait.ge @!p1 [sflag:s25], $0x80  }
0xa0: {  	p3 =	por p4, p4;
	[sflag:s25] =	ssyncset.done @!p1 $0x0  }
0xa1: {  	s24 =	simm.s32 @!p3 $0x6;
	s20 =	simm.s32 @!p1 $0x4300;
	[sflag:s25] =	ssyncadd.s32 @!p1 $0xFFFFFF80  }
0xa2: {  	[tilespmem:s20], [sflag:$0x2] =	stream.indirect.gather @!p1 [hbm4b:s4+s23], $0x80, s23, s23, $0xb8;
	[tilespmem:$0x1FB80] =	vst v63  }
0xa3: {  	_ =	swait.ge @!p3 [sflag:s24], $0x80  }
0xa4: {  	[sflag:s24] =	ssyncset.done @!p3 $0x0  }
0xa5: {  	[sflag:s24] =	ssyncadd.s32 @!p3 $0xFFFFFF80  }
0xa6: {  	_ =	swait.ge @!p3 [sflag:s24], $0x80  }
0xa7: {  	s26 =	simm.s32 @!p3 $0x8300;
	[sflag:s24] =	ssyncset.done @!p3 $0x0  }
0xa8: {  	s25 =	simm.s32 @!p2 $0x1;
	[sflag:s24] =	ssyncadd.s32 @!p3 $0xFFFFFF80;
	s24 =	simm.s32 @!p3 $0x80  }
0xa9: {  	[tilespmem:s26], [sflag:$0x3] =	stream.indirect.gather @!p3 [hbm4b:s4+s24], $0x80, s17, s24, $0xb8;
	[tilespmem:$0x1FB80] =	vst v63  }
0xaa: {  	_ =	swait.ge @!p2 [sflag:s25], $0x4000  }
0xab: {  	[sflag:s25] =	ssyncset.done @!p2 $0x0  }
0xac: {  	s17 =	simm.s32 @!p1 $0x2;
	[sflag:s25] =	ssyncadd.s32 @!p2 $0xFFFFC000  }
0xad: {  	[spmem:s1] =	stream.indirect.scatter.add.f32 @!p2 [tilespmem:s22], [sflag:$0x7], $0x80, s19, s16, $0xb8;
	[tilespmem:$0x1FB80] =	vst v63  }
0xae: {  	_ =	swait.ge @!p1 [sflag:s17], $0x4000  }
0xaf: {  	[sflag:s17] =	ssyncset.done @!p1 $0x0  }
0xb0: {  	s16 =	simm.s32 @!p3 $0x3;
	[sflag:s17] =	ssyncadd.s32 @!p1 $0xFFFFC000  }
0xb1: {  	[spmem:s1] =	stream.indirect.scatter.add.f32 @!p1 [tilespmem:s20], [sflag:$0x8], $0x80, s21, s23, $0xb8;
	[tilespmem:$0x1FB80] =	vst v63  }
0xb2: {  	_ =	swait.ge @!p3 [sflag:s16], $0x4000  }
0xb3: {  	[sflag:s16] =	ssyncset.done @!p3 $0x0  }
0xb4: {  	s17 =	simm.s32 @!p2 $0x7;
	[sflag:s16] =	ssyncadd.s32 @!p3 $0xFFFFC000  }
0xb5: {  	[spmem:s1] =	stream.indirect.scatter.add.f32 @!p3 [tilespmem:s26], [sflag:$0x9], $0x80, s18, s24, $0xb8;
	[tilespmem:$0x1FB80] =	vst v63  }
0xb6: {  	_ =	swait.ge @!p2 [sflag:s17], $0x4000  }
0xb7: {  	[sflag:s17] =	ssyncset.done @!p2 $0x0  }
0xb8: {  	s16 =	simm.s32 @!p1 $0x8;
	[sflag:s17] =	ssyncadd.s32 @!p2 $0xFFFFC000  }
0xb9: {  	_ =	swait.ge @!p1 [sflag:s16], $0x4000  }
0xba: {  	[sflag:s16] =	ssyncset.done @!p1 $0x0  }
0xbb: {  	s17 =	simm.s32 @!p3 $0x9;
	[sflag:s16] =	ssyncadd.s32 @!p1 $0xFFFFC000  }
0xbc: {  	_ =	swait.ge @!p3 [sflag:s17], $0x4000  }
0xbd: {  	[sflag:s17] =	ssyncset.done @!p3 $0x0  }
0xbe: {  	[sflag:s17] =	ssyncadd.s32 @!p3 $0xFFFFC000  }
0xbf: {  	s16 =	sadd.s32 @p0 $0x24900, s8;
	s17 =	simm.s32 @p0 $0x1FCA;
	[bflag:$0x0] =	sbarrier.arrive $0xFFFF  }
0xc0: {  	[hbm:s16], [sflag:s17] =	dma.local @p0 [spmem:s13], $0x2800  }
0xc1: {  	s16 =	simm.s32 @p0 $0xA  }
0xc2: {  	_ =	swait.ge @p0 [sflag:s16], $0x2800  }
0xc3: {  	s2 =	sadd.s32 $0x1, s2;
	[sflag:s16] =	ssyncset.done @p0 $0x0  }
0xc4: {  	p1 =	sne.s32 s2, s9;
	[sflag:s16] =	ssyncadd.s32 @p0 $0xFFFFD800;
	s16 =	sadd.s32 @!p0 s5, s8  }
0xc5: {  	[hbm:s16], [sflag:s14] =	dma.local @!p0 [spmem:s15], $0x2700  }
.Ltmp1:
0xc6: {  	_ = 	snop;
	(pc) =	sbr.rel @p1 .LBB2_1-.Ltmp1, $4  }
0xc7: {  	s16 =	simm.s32 @!p0 $0xA  }
0xc8: {  	_ =	swait.ge @!p0 [sflag:s16], $0x2700  }
0xc9: {  	[sflag:s16] =	ssyncset.done @!p0 $0x0  }
0xca: {  	[sflag:s16] =	ssyncadd.s32 @!p0 $0xFFFFD900  }
0xcb: {  	_ =	sfence.sel $0x180000  }
0xcc: {  	[bflag:$0x0] =	sbarrier.arrive $0xFFFF  }
0xcd: {  	p0 =	sne.s32 s3, $0x0;
	_ =	strace $0x90000050  }
0xce: {  	s0 =	sadd.s32 @!p0 $0x100000, s0;
	[bflag:$0x2] =	sbarrier.arrive $0xFFFF  }
0xcf: {  	[sflag:s0] =	ssyncadd.tile.s32 @!p0 $0x1;
	_ =	shalt  }
.Lfunc_end2:
_tile_overlayer_lowered:
.L_overlay_start_2:
0xd0: {  	(tag) =	ssettag $0x2  }
0xd1: {  	s0 =	rddreg [dreg:$0x0];
	s2 =	stileid.u32  }
0xd2: {  	s1 =	rddreg [dreg:$0x1];
	p0 =	sne.s32 s2, $0x0  }
0xd3: {  	s3 =	rddreg [dreg:$0x2];
	[bflag:$0x3] =	sbarrier.arrive $0xFFFF;
	s2 =	simm.s32 @!p0 $0x1C0A  }
0xd4: {  	[timem:s3], [sflag:s2] =	dma.local @!p0 [hbm:s0], s1  }
0xd5: {  	s0 =	simm.s32 @!p0 $0xA  }
0xd6: {  	_ =	swait.ge @!p0 [sflag:s0], s1  }
0xd7: {  	s1 =	ssub.s32 @!p0 $0x0, s1;
	[sflag:s0] =	ssyncset.done @!p0 $0x0  }
0xd8: {  	[sflag:s0] =	ssyncadd.s32 @!p0 s1  }
0xd9: {  	[bflag:$0x3] =	sbarrier.arrive $0xFFFF  }
0xda: {  	_ =	shalt  }

// kernel: kernel.26.cloned.1.call-start
scs
__scs_entry_jumppad:
0x0: {  	(pc) =	sbr.rel $0x88, $3  }
0x1: {  	(tag) =	ssettag $0x0;
	lr =	simm.s32 $0x1  }
0x2: {  	[smem:$0x3F98] =	sst lr;
	_ =	strace $0xD0000000  }
0x3: {  	_ = 	snop  }
0x4: {  	_ = 	snop  }
0x5: {  	_ = 	snop  }
0x6: {  	_ = 	snop  }
0x7: {  	_ = 	snop  }
__scs_overlays_trampoline_lowered:
0x8: {  	[smem:$0x3FA7] =	sst s0  }
0x9: {  	[smem:$0x3FA8] =	sst s1  }
0xa: {  	[smem:$0x3FA9] =	sst s2  }
0xb: {  	[smem:$0x3FAA] =	sst s3  }
0xc: {  	[smem:$0x3FAB] =	sst s4  }
0xd: {  	[smem:$0x3FAC] =	sst s5  }
0xe: {  	[smem:$0x3FAD] =	sst s6  }
0xf: {  	[smem:$0x3FAE] =	sst s7  }
0x10: {  	[smem:$0x3FAF] =	sst s8  }
0x11: {  	[smem:$0x3FB0] =	sst s9;
	s0 =	simm.s32 @!p0 $0x0  }
0x12: {  	s1 =	sld [smem:$0x3F96];
	s0 =	simm.s32 @p0 $0x1  }
0x13: {  	[smem:$0x3FB1] =	sst s0;
	s0 =	simm.s32 @!p1 $0x0  }
0x14: {  	s2 =	sld [smem:$0x3F95];
	s0 =	simm.s32 @p1 $0x1  }
0x15: {  	[smem:$0x3FB2] =	sst s0;
	s0 =	simm.s32 @!p2 $0x0  }
0x16: {  	s3 =	sld [smem:$0x3FDB];
	s0 =	simm.s32 @p2 $0x1  }
0x17: {  	s4 =	simm.s32 $0x1BF5;
	[smem:$0x3FB4] =	sst s0  }
0x18: {  	s0 =	sld [smem:$0x3F97];
	_ =	swait.ge [sflag:s4], $0x0  }
0x19: {  	s7 =	sld [smem:$0x3F98]  }
0x1a: {  	s8 =	sadd.s32 $0xFFFFE003, lr  }
0x1b: {  	s9 =	sadd.s32 $0xFFFFFEF7, lr;
	s5 =	simm.s32 $0xFFFFFFFF;
	p2 =	slt.u32 s8, $0xFFFFF086  }
0x1c: {  	p1 =	slt.u32 s9, $0xF7A;
	s5 =	simm.s32 @!p2 $0x0  }
0x1d: {  	s5 =	simm.s32 @p1 $0x1;
	p0 =	seq.s32 s7, s2  }
0x1e: {  	s7 =	smul.u32 @!p0 $0xF7A, s2;
	p2 =	seq.s32 @!p0 s5, $0x0  }
0x1f: {  	s9 =	smul.u32 $0xF7A, s1;
	s8 =	simm.s32 @!p0 $0x1BF5;
	p2 =	por !p2, p0  }
0x20: {  	[sflag:s8] =	ssyncset.s32 @!p0 $0xFFFFF086;
	s6 =	sadd.s32 @!p0 s3, s7;
	s7 =	simm.s32 @!p0 $0x108  }
0x21: {  	s3 =	sadd.s32 s3, s9;
	s6 =	sadd.s32 @!p0 $0x88, s6;
	s7 =	simm.s32 @p2 $0x1082  }
0x22: {  	[simem:s7], [sflag:s8] =	dma.local @!p0 [hbm:s6], $0xF7A  }
0x23: {  	s9 =	sor.u32 $0xD0000000, s2;
	s6 =	simm.s32 $0x108;
	_ =	swait.ge @!p0 [sflag:s8], $0x0  }
0x24: {  	s3 =	sadd.s32 $0x88, s3;
	s6 =	simm.s32 @!p1 $0x1082;
	[sflag:s4] =	ssyncset.s32 $0xFFFFF086  }
0x25: {  	[simem:s6], [sflag:s4] =	dma.local [hbm:s3], $0xF7A  }
0x26: {  	[smem:$0x3F98] =	sst s1;
	(tag) =	ssettag s2;
	_ =	strace s9  }
0x27: {  	s1 =	sld [smem:$0x3FA8]  }
0x28: {  	s2 =	sld [smem:$0x3FA9]  }
0x29: {  	s4 =	sld [smem:$0x3FAB]  }
0x2a: {  	p0 =	seq.s32 s5, $0x0;
	s5 =	sld [smem:$0x3FAC]  }
0x2b: {  	s6 =	sld [smem:$0x3FAD]  }
0x2c: {  	s7 =	sld [smem:$0x3FAE]  }
0x2d: {  	s3 =	simm.s32 $0x108;
	s8 =	sld [smem:$0x3FAF]  }
0x2e: {  	s3 =	simm.s32 @!p0 $0x1082;
	s9 =	sld [smem:$0x3FB0]  }
0x2f: {  	lr =	sadd.s32 s0, s3;
	s0 =	sld [smem:$0x3FA7]  }
0x30: {  	s3 =	sld [smem:$0x3FAA]  }
0x31: {  	[smem:$0x3FB3] =	sst s10  }
0x32: {  	s10 =	sld [smem:$0x3FB1];
	_ =	sdelay $0x3  }
0x33: {  	p0 =	seq.s32 s10, $0x1;
	s10 =	sld [smem:$0x3FB3];
	_ =	sdelay $0x3  }
0x34: {  	[smem:$0x3FB3] =	sst s10  }
0x35: {  	s10 =	sld [smem:$0x3FB2];
	_ =	sdelay $0x3  }
0x36: {  	p1 =	seq.s32 s10, $0x1;
	s10 =	sld [smem:$0x3FB3];
	_ =	sdelay $0x3  }
0x37: {  	[smem:$0x3FB3] =	sst s10  }
0x38: {  	s10 =	sld [smem:$0x3FB4]  }
0x39: {  	_ = 	snop;
	(pc) =	sbr.ind lr, $3  }
0x3a: {  	_ = 	snop  }
0x3b: {  	_ = 	snop  }
0x3c: {  	p2 =	seq.s32 s10, $0x1;
	s10 =	sld [smem:$0x3FB3]  }
0x3d: {  	_ =	shalt  }
0x3e: {  	_ =	shalt  }
0x3f: {  	_ =	shalt  }
0x40: {  	_ =	shalt  }
0x41: {  	_ =	shalt  }
0x42: {  	_ =	shalt  }
0x43: {  	_ =	shalt  }
0x44: {  	_ =	shalt  }
0x45: {  	_ =	shalt  }
0x46: {  	_ =	shalt  }
0x47: {  	_ =	shalt  }
0x48: {  	_ =	shalt  }
0x49: {  	_ =	shalt  }
0x4a: {  	_ =	shalt  }
0x4b: {  	_ =	shalt  }
0x4c: {  	_ =	shalt  }
0x4d: {  	_ =	shalt  }
0x4e: {  	_ =	shalt  }
0x4f: {  	_ =	shalt  }
0x50: {  	_ =	shalt  }
0x51: {  	_ =	shalt  }
0x52: {  	_ =	shalt  }
0x53: {  	_ =	shalt  }
0x54: {  	_ =	shalt  }
0x55: {  	_ =	shalt  }
0x56: {  	_ =	shalt  }
0x57: {  	_ =	shalt  }
0x58: {  	_ =	shalt  }
0x59: {  	_ =	shalt  }
0x5a: {  	_ =	shalt  }
0x5b: {  	_ =	shalt  }
0x5c: {  	_ =	shalt  }
0x5d: {  	_ =	shalt  }
0x5e: {  	_ =	shalt  }
0x5f: {  	_ =	shalt  }
0x60: {  	_ =	shalt  }
0x61: {  	_ =	shalt  }
0x62: {  	_ =	shalt  }
0x63: {  	_ =	shalt  }
0x64: {  	_ =	shalt  }
0x65: {  	_ =	shalt  }
0x66: {  	_ =	shalt  }
0x67: {  	_ =	shalt  }
0x68: {  	_ =	shalt  }
0x69: {  	_ =	shalt  }
0x6a: {  	_ =	shalt  }
0x6b: {  	_ =	shalt  }
0x6c: {  	_ =	shalt  }
0x6d: {  	_ =	shalt  }
0x6e: {  	_ =	shalt  }
0x6f: {  	_ =	shalt  }
0x70: {  	_ =	shalt  }
0x71: {  	_ =	shalt  }
0x72: {  	_ =	shalt  }
0x73: {  	_ =	shalt  }
0x74: {  	_ =	shalt  }
0x75: {  	_ =	shalt  }
0x76: {  	_ =	shalt  }
0x77: {  	_ =	shalt  }
0x78: {  	_ =	shalt  }
0x79: {  	_ =	shalt  }
0x7a: {  	_ =	shalt  }
0x7b: {  	_ =	shalt  }
0x7c: {  	_ =	shalt  }
0x7d: {  	_ =	shalt  }
0x7e: {  	_ =	shalt  }
0x7f: {  	_ =	shalt  }
0x80: {  	_ =	shalt  }
0x81: {  	_ =	shalt  }
0x82: {  	_ =	shalt  }
0x83: {  	_ =	shalt  }
0x84: {  	_ =	shalt  }
0x85: {  	_ =	shalt  }
0x86: {  	_ =	shalt  }
0x87: {  	_ =	shalt  }
.Lfunc_end0:
.L_simem_size_0:
called_computation.4_lowered:
.L_overlay_start_0:
0x88: {  	s2 =	sld [smem:$0x3FD9]  }
0x89: {  	s3 =	sld [smem:$0x3FFE];
	_ =	sdelay $0x1  }
0x8a: {  	s1 =	srdreg.scid  }
0x8b: {  	s0 =	sand.u32 $0x1, s1  }
0x8c: {  	s17 =	sshll.u32 s0, $0xA;
	s2 =	sadd.s32 s3, s2  }
0x8d: {  	s2 =	sadd.s32 s2, s17  }
0x8e: {  	[smem:$0x3FBF] =	sst s2  }
0x8f: {  	_ = 	snop  }
0x90: {  	s2 =	sld [smem:$0x3FD0];
	(tm) =	ssettm $0x1  }
0x91: {  	s18 =	sld [smem:$0x3FFB];
	_ =	sdelay $0x3  }
0x92: {  	_ =	strace s18  }
0x93: {  	s3 =	sld [smem:$0x3FFC];
	_ =	sdelay $0x3  }
0x94: {  	_ =	strace s3  }
0x95: {  	s3 =	sld [smem:$0x3FFD];
	_ =	sdelay $0x3  }
0x96: {  	_ =	strace s3  }
0x97: {  	_ =	strace $0x8FFFFFFF  }
0x98: {  	s19 =	sld [smem:$0x3FDB];
	_ =	sdelay $0x1  }
0x99: {  	s4 =	simm.s32 $_scs_section_size  }
0x9a: {  	s5 =	simm.s32 $_size__tile_overlayer_lowered;
	s6 =	simm.s32 $_tile_overlayer_lowered  }
0x9b: {  	s22 =	simm.s32 $0x1BFF;
	s21 =	sshll.u32 s6, $0x1;
	s3 =	sadd.s32 s4, s19  }
0x9c: {  	s7 =	simm.s32 $0x0;
	s20 =	sshll.u32 s5, $0x1;
	s5 =	sadd.s32 s21, s3  }
0x9d: {  	[timem:s7], [sflag:s22] =	dma.local [hbm:s5], s20  }
0x9e: {  	_ =	swait.ge [sflag:s22], s20  }
0x9f: {  	s4 =	ssub.s32 $0x0, s20;
	[sflag:s22] =	ssyncset.done $0x0  }
0xa0: {  	[sflag:s22] =	ssyncadd.s32 s4;
	_ =	sdelay $0x1  }
0xa1: {  	s23 =	simm.s32 $0x1B8B  }
0xa2: {  	_ =	swait.ge [sflag:s23], $0x1  }
0xa3: {  	[sflag:s23] =	ssyncset.done $0x0  }
0xa4: {  	s25 =	simm.s32 $0x1B8E;
	s24 =	sld [smem:$0x3FFE];
	[sflag:s23] =	ssyncadd.s32 $0xFFFFFFFF  }
0xa5: {  	s26 =	simm.s32 $execute0_lowered;
	[smem:$0x3FD2] =	sst s25  }
0xa6: {  	s5 =	sshll.u32 s26, $0x1;
	_ =	strace $0x80000052;
	[dreg:$0x1] =	wrdreg $0xFFFFFFFF  }
0xa7: {  	s28 =	simm.s32 $_size_execute0_lowered;
	s3 =	sadd.s32 s3, s5;
	[dreg:$0x0] =	wrdreg $0x0  }
0xa8: {  	s5 =	sshll.u32 s28, $0x1;
	[dreg:$0x2] =	wrdreg s3  }
0xa9: {  	[dreg:$0x3] =	wrdreg s5  }
0xaa: {  	[dreg:$0x4] =	wrdreg $0xC0  }
0xab: {  	_ =	task [dreg:s7], $0x5FFFF  }
0xac: {  	[dreg:$0x1] =	wrdreg $0xFFFFFFFF  }
0xad: {  	[dreg:$0x0] =	wrdreg $0x60  }
0xae: {  	[dreg:$0x2] =	wrdreg s24  }
0xaf: {  	[dreg:$0x3] =	wrdreg s2  }
0xb0: {  	[dreg:$0x4] =	wrdreg $0xC3000  }
0xb1: {  	[dreg:$0x5] =	wrdreg $0x9  }
0xb2: {  	_ =	task.clear_ibuf [dreg:s7], $0x6FFFF;
	_ =	strace $0x90000052  }
0xb3: {  	s29 =	simm.s32 $0x9;
	_ =	strace $0x80000054  }
0xb4: {  	_ =	swait.ge [sflag:s29], $0x1  }
0xb5: {  	[sflag:s29] =	ssyncadd.s32 $0xFFFFFFFF  }
0xb6: {  	_ =	strace $0x90000054  }
0xb7: {  	_ =	sfence  }
0xb8: {  	s30 =	sld [smem:$0x0];
	_ =	sdelay $0x2  }
0xb9: {  	s31 =	sshll.u32 s1, $0xD;
	s1 =	sshrl.u32 s1, $0x2  }
0xba: {  	s3 =	sand.u32 $0x4000, s31;
	s1 =	sadd.s32 s1, s30  }
0xbb: {  	s0 =	sor.u32 s3, s0;
	s1 =	sshll.u32 s1, $0x11  }
0xbc: {  	s0 =	sor.u32 s1, s0  }
0xbd: {  	s0 =	sadd.s32 $0x8F2B, s0  }
0xbe: {  	[sflag:s0] =	ssyncadd.remote.s32 $0x1  }
0xbf: {  	_ =	sfence.sel $0xFFFF  }
0xc0: {  	[dreg:$0x0] =	wrdreg $0xFFFFFFFF;
	(pc) =	sbr.abs _section_cstart, $3  }
0xc1: {  	[dreg:$0x1] =	wrdreg $0xFFFFFFFF  }
0xc2: {  	_ =	task.clear_ibuf [dreg:s7], $0x2FFFF;
	_ =	strace $0x9FFFFFFF  }
0xc3: {  	(tm) =	ssettm $0x7FFFFFFF  }
tec
execute0_lowered:
.L_overlay_start_1:
0x0: {  	(tag) =	ssettag $0x1  }
0x1: {  	s7 =	rddreg [dreg:$0x0]  }
0x2: {  	s11 =	rddreg [dreg:$0x1]  }
0x3: {  	s1 =	rddreg [dreg:$0x2]  }
0x4: {  	s0 =	rddreg [dreg:$0x3];
	s2 =	simm.s32 $0x0  }
0x5: {  	s3 =	srdreg.scid;
	[smem:$0x7FF] =	sst s2  }
0x6: {  	s4 =	sadd.s32 $0xDA00, s7;
	s6 =	sand.u32 $0x1, s3;
	s17 =	sadd.s32 $0x124800, s1  }
0x7: {  	s3 =	stileid.u32;
	_ =	strace $0x80000053;
	s5 =	smul.u32 $0x27100, s6  }
0x8: {  	s12 =	sshll.u32 s6, $0x8;
	s9 =	ssub.s32 $0x2, s6;
	s10 =	smul.u32 $0x4E000, s3  }
0x9: {  	s28 =	sshll.u32 s6, $0x4;
	s16 =	sshll.u32 s3, $0x4;
	p0 =	seq.s32 s3, $0xF  }
0xa: {  	s8 =	sadd.s32 s12, s7;
	s14 =	sshrl.u32 s9, $0x1;
	s11 =	sadd.s32 s12, s11  }
0xb: {  	s31 =	sor.u32 s28, s3;
	s13 =	sadd.s32 s5, s7;
	s5 =	smul.u32 $0x2700, s3  }
0xc: {  	s9 =	ssub.s32 s9, s14;
	s29 =	sshrl.u32 s10, $0x2;
	s7 =	sadd.s32 $0x32300, s7  }
0xd: {  	s30 =	sadd.s32 s16, s8;
	s11 =	sadd.s32 s16, s11;
	s12 =	sor.u32 $0x40, s31  }
0xe: {  	s14 =	sshll.u32 @!p0 s3, $0x6;
	s15 =	sadd.s32 s29, s1;
	s8 =	sadd.s32 $0x34C00, s13  }
0xf: {  	s9 =	smax.u32 s9, $0x1;
	s10 =	sadd.s32 $0x3C00, s30;
	s13 =	sshrl.u32 @p0 s17, $0x3  }
0x10: {  	s14 =	sor.u32 @!p0 $0x1C0A, s14;
	s6 =	sadd.s32 s4, s5;
	s15 =	sshrl.u32 @!p0 s15, $0x3  }
.LBB2_1:
0x11: {  	s16 =	simm.s32 @p0 $0x1FCA  }
0x12: {  	[spmem:s13], [sflag:s16] =	dma.local @p0 [hbm:s7], $0x2800  }
0x13: {  	s16 =	simm.s32 @p0 $0xA  }
0x14: {  	_ =	swait.ge @p0 [sflag:s16], $0x2800  }
0x15: {  	[sflag:s16] =	ssyncset.done @p0 $0x0  }
0x16: {  	[sflag:s16] =	ssyncadd.s32 @p0 $0xFFFFD800;
	s16 =	simm.s32 @!p0 $0xA  }
0x17: {  	[spmem:s15], [sflag:s14] =	dma.local @!p0 [hbm:s6], $0x2700  }
0x18: {  	_ =	swait.ge @!p0 [sflag:s16], $0x2700  }
0x19: {  	s30 =	sadd.s32 $0xFFFFFFC0, s12;
	p1 =	sgt.u32 s12, $0x9C3;
	[sflag:s16] =	ssyncset.done @!p0 $0x0  }
0x1a: {  	s31 =	sadd.s32 $0xFFFFFFE0, s12;
	p3 =	sgt.u32 s30, $0x9C3;
	[sflag:s16] =	ssyncadd.s32 @!p0 $0xFFFFD900  }
0x1b: {  	s17 =	sadd.s32 @!p3 $0x0, s11;
	s18 =	simm.s32 @!p3 $0x0;
	[bflag:$0x0] =	sbarrier.arrive $0xFFFF  }
0x1c: {  	[tilespmem:s18], [sflag:$0x4] =	stream.linear.gather @!p3 [hbm4b:s17+s18], $0x80, $0x38;
	[tilespmem:$0x1FB80] =	vst v63  }
0x1d: {  	p2 =	sgt.u32 s31, $0x9C3;
	s19 =	simm.s32 @!p3 $0x180;
	s17 =	sadd.s32 @!p3 $0x0, s10  }
0x1e: {  	[tilespmem:s19], [sflag:$0x4] =	stream.linear.gather @!p3 [hbm4b:s17+s18], $0x80, $0x38;
	[tilespmem:$0x1FB80] =	vst v63  }
0x1f: {  	s23 =	sadd.s32 @!p1 $0x0, s11;
	s20 =	sadd.s32 @!p2 $0x0, s10;
	s17 =	sadd.s32 @!p2 $0x0, s11  }
0x20: {  	s21 =	simm.s32 @!p2 $0x0;
	s22 =	simm.s32 @!p2 $0x80;
	s17 =	sadd.s32 @!p2 $0x200, s17  }
0x21: {  	[tilespmem:s22], [sflag:$0x5] =	stream.linear.gather @!p2 [hbm4b:s17+s21], $0x80, $0x38;
	[tilespmem:$0x1FB80] =	vst v63  }
0x22: {  	s16 =	simm.s32 @!p1 $0x100;
	s17 =	sadd.s32 @!p2 $0x200, s20;
	s20 =	simm.s32 @!p2 $0x200  }
0x23: {  	[tilespmem:s20], [sflag:$0x5] =	stream.linear.gather @!p2 [hbm4b:s17+s21], $0x80, $0x38;
	[tilespmem:$0x1FB80] =	vst v63  }
0x24: {  	s17 =	sadd.s32 @!p1 $0x0, s10;
	s21 =	sadd.s32 @!p1 $0x400, s23;
	s23 =	simm.s32 @!p1 $0x0  }
0x25: {  	[tilespmem:s16], [sflag:$0x6] =	stream.linear.gather @!p1 [hbm4b:s21+s23], $0x80, $0x38;
	[tilespmem:$0x1FB80] =	vst v63  }
0x26: {  	s24 =	simm.s32 @!p3 $0x4;
	s17 =	sadd.s32 @!p1 $0x400, s17;
	s21 =	simm.s32 @!p1 $0x280  }
0x27: {  	[tilespmem:s21], [sflag:$0x6] =	stream.linear.gather @!p1 [hbm4b:s17+s23], $0x80, $0x38;
	[tilespmem:$0x1FB80] =	vst v63  }
0x28: {  	_ =	swait.ge @!p3 [sflag:s24], $0x80  }
0x29: {  	[sflag:s24] =	ssyncset.done @!p3 $0x0  }
0x2a: {  	[sflag:s24] =	ssyncadd.s32 @!p3 $0xFFFFFF80  }
0x2b: {  	_ =	swait.ge @!p3 [sflag:s24], $0x80  }
0x2c: {  	s25 =	simm.s32 @!p2 $0x5;
	[sflag:s24] =	ssyncset.done @!p3 $0x0  }
0x2d: {  	s17 =	simm.s32 @!p3 $0x80;
	s23 =	simm.s32 @!p3 $0x300;
	[sflag:s24] =	ssyncadd.s32 @!p3 $0xFFFFFF80  }
0x2e: {  	[tilespmem:s23], [sflag:$0x1] =	stream.indirect.gather @!p3 [hbm4b:s4+s17], $0x80, s18, s17, $0xb8;
	[tilespmem:$0x1FB80] =	vst v63  }
0x2f: {  	_ =	swait.ge @!p2 [sflag:s25], $0x80  }
0x30: {  	[sflag:s25] =	ssyncset.done @!p2 $0x0  }
0x31: {  	[sflag:s25] =	ssyncadd.s32 @!p2 $0xFFFFFF80  }
0x32: {  	_ =	swait.ge @!p2 [sflag:s25], $0x80  }
0x33: {  	p1 =	por p1, p1;
	[sflag:s25] =	ssyncset.done @!p2 $0x0  }
0x34: {  	s24 =	simm.s32 @!p1 $0x6;
	s18 =	simm.s32 @!p2 $0x4300;
	[sflag:s25] =	ssyncadd.s32 @!p2 $0xFFFFFF80  }
0x35: {  	[tilespmem:s18], [sflag:$0x2] =	stream.indirect.gather @!p2 [hbm4b:s4+s22], $0x80, s22, s22, $0xb8;
	[tilespmem:$0x1FB80] =	vst v63  }
0x36: {  	_ =	swait.ge @!p1 [sflag:s24], $0x80  }
0x37: {  	[sflag:s24] =	ssyncset.done @!p1 $0x0  }
0x38: {  	[sflag:s24] =	ssyncadd.s32 @!p1 $0xFFFFFF80  }
0x39: {  	_ =	swait.ge @!p1 [sflag:s24], $0x80  }
0x3a: {  	s26 =	simm.s32 @!p1 $0x8300;
	[sflag:s24] =	ssyncset.done @!p1 $0x0  }
0x3b: {  	s25 =	simm.s32 @!p3 $0x1;
	[sflag:s24] =	ssyncadd.s32 @!p1 $0xFFFFFF80;
	s24 =	simm.s32 @!p1 $0x80  }
0x3c: {  	[tilespmem:s26], [sflag:$0x3] =	stream.indirect.gather @!p1 [hbm4b:s4+s24], $0x80, s16, s24, $0xb8;
	[tilespmem:$0x1FB80] =	vst v63  }
0x3d: {  	_ =	swait.ge @!p3 [sflag:s25], $0x4000  }
0x3e: {  	[sflag:s25] =	ssyncset.done @!p3 $0x0  }
0x3f: {  	s16 =	simm.s32 @!p2 $0x2;
	[sflag:s25] =	ssyncadd.s32 @!p3 $0xFFFFC000  }
0x40: {  	[spmem:s1] =	stream.indirect.scatter.add.f32 @!p3 [tilespmem:s23], [sflag:$0x7], $0x80, s19, s17, $0xb8;
	[tilespmem:$0x1FB80] =	vst v63  }
0x41: {  	_ =	swait.ge @!p2 [sflag:s16], $0x4000  }
0x42: {  	[sflag:s16] =	ssyncset.done @!p2 $0x0  }
0x43: {  	[sflag:s16] =	ssyncadd.s32 @!p2 $0xFFFFC000;
	s16 =	simm.s32 @!p1 $0x3  }
0x44: {  	[spmem:s1] =	stream.indirect.scatter.add.f32 @!p2 [tilespmem:s18], [sflag:$0x8], $0x80, s20, s22, $0xb8;
	[tilespmem:$0x1FB80] =	vst v63  }
0x45: {  	_ =	swait.ge @!p1 [sflag:s16], $0x4000  }
0x46: {  	[sflag:s16] =	ssyncset.done @!p1 $0x0  }
0x47: {  	s17 =	simm.s32 @!p3 $0x7;
	[sflag:s16] =	ssyncadd.s32 @!p1 $0xFFFFC000  }
0x48: {  	[spmem:s1] =	stream.indirect.scatter.add.f32 @!p1 [tilespmem:s26], [sflag:$0x9], $0x80, s21, s24, $0xb8;
	[tilespmem:$0x1FB80] =	vst v63  }
0x49: {  	_ =	swait.ge @!p3 [sflag:s17], $0x4000  }
0x4a: {  	[sflag:s17] =	ssyncset.done @!p3 $0x0  }
0x4b: {  	s21 =	simm.s32 @!p2 $0x8;
	[sflag:s17] =	ssyncadd.s32 @!p3 $0xFFFFC000  }
0x4c: {  	s19 =	simm.s32 @!p1 $0x9;
	s18 =	sadd.s32 $0x60, s12;
	_ =	swait.ge @!p2 [sflag:s21], $0x4000  }
0x4d: {  	s20 =	sadd.s32 $0xFFFFFFC0, s18;
	p4 =	sgt.u32 s18, $0x9C3;
	[sflag:s21] =	ssyncset.done @!p2 $0x0  }
0x4e: {  	s16 =	simm.s32 $0x600;
	s17 =	simm.s32 $0xC00;
	[sflag:s21] =	ssyncadd.s32 @!p2 $0xFFFFC000  }
.LBB2_2:
0x4f: {  	s22 =	sadd.s32 $0xFFFFFFE0, s18  }
0x50: {  	p2 =	sgt.u32 s20, $0x9C3;
	_ =	swait.ge @!p1 [sflag:s19], $0x4000;
	s24 =	smov.u32 s17  }
0x51: {  	s20 =	sadd.s32 @!p2 s16, s11;
	s25 =	simm.s32 @!p2 $0x0;
	[sflag:s19] =	ssyncset.done @!p1 $0x0  }
0x52: {  	s17 =	sadd.s32 $0x600, s17;
	s21 =	simm.s32 @!p4 $0x100;
	[sflag:s19] =	ssyncadd.s32 @!p1 $0xFFFFC000  }
0x53: {  	[tilespmem:s25], [sflag:$0x4] =	stream.linear.gather @!p2 [hbm4b:s20+s25], $0x80, $0x38;
	[tilespmem:$0x1FB80] =	vst v63  }
0x54: {  	p3 =	sgt.u32 s22, $0x9C3;
	s19 =	simm.s32 @!p2 $0x180;
	s20 =	sadd.s32 @!p2 s16, s10  }
0x55: {  	[tilespmem:s19], [sflag:$0x4] =	stream.linear.gather @!p2 [hbm4b:s20+s25], $0x80, $0x38;
	[tilespmem:$0x1FB80] =	vst v63  }
0x56: {  	s23 =	sadd.s32 @!p4 s16, s10;
	s22 =	sadd.s32 @!p3 s16, s10;
	s20 =	sadd.s32 @!p3 s16, s11  }
0x57: {  	s28 =	simm.s32 @!p3 $0x0;
	s26 =	sadd.s32 @!p3 $0x200, s20;
	s20 =	simm.s32 @!p3 $0x80  }
0x58: {  	[tilespmem:s20], [sflag:$0x5] =	stream.linear.gather @!p3 [hbm4b:s26+s28], $0x80, $0x38;
	[tilespmem:$0x1FB80] =	vst v63  }
0x59: {  	s16 =	sadd.s32 @!p4 s16, s11;
	s26 =	sadd.s32 @!p3 $0x200, s22;
	s22 =	simm.s32 @!p3 $0x200  }
0x5a: {  	[tilespmem:s22], [sflag:$0x5] =	stream.linear.gather @!p3 [hbm4b:s26+s28], $0x80, $0x38;
	[tilespmem:$0x1FB80] =	vst v63  }
0x5b: {  	s16 =	sadd.s32 @!p4 $0x400, s16;
	s26 =	simm.s32 @!p4 $0x0;
	s28 =	sadd.s32 @!p4 $0x400, s23  }
0x5c: {  	[tilespmem:s21], [sflag:$0x6] =	stream.linear.gather @!p4 [hbm4b:s16+s26], $0x80, $0x38;
	[tilespmem:$0x1FB80] =	vst v63  }
0x5d: {  	p5 =	sne.s32 s17, $0xA200;
	s29 =	simm.s32 @!p2 $0x4;
	s23 =	simm.s32 @!p4 $0x280  }
0x5e: {  	[tilespmem:s23], [sflag:$0x6] =	stream.linear.gather @!p4 [hbm4b:s28+s26], $0x80, $0x38;
	[tilespmem:$0x1FB80] =	vst v63  }
0x5f: {  	p1 =	por p4, p4;
	s16 =	smov.u32 s24;
	_ =	swait.ge @!p2 [sflag:s29], $0x80  }
0x60: {  	[sflag:s29] =	ssyncset.done @!p2 $0x0  }
0x61: {  	[sflag:s29] =	ssyncadd.s32 @!p2 $0xFFFFFF80  }
0x62: {  	s24 =	simm.s32 @!p2 $0x80;
	s26 =	simm.s32 @!p2 $0x300;
	_ =	swait.ge @!p2 [sflag:s29], $0x80  }
0x63: {  	s28 =	simm.s32 @!p3 $0x5;
	[sflag:s29] =	ssyncset.done @!p2 $0x0  }
0x64: {  	[sflag:s29] =	ssyncadd.s32 @!p2 $0xFFFFFF80  }
0x65: {  	[tilespmem:s26], [sflag:$0x1] =	stream.indirect.gather @!p2 [hbm4b:s4+s24], $0x80, s25, s24, $0xb8;
	[tilespmem:$0x1FB80] =	vst v63  }
0x66: {  	_ =	swait.ge @!p3 [sflag:s28], $0x80  }
0x67: {  	[sflag:s28] =	ssyncset.done @!p3 $0x0  }
0x68: {  	[sflag:s28] =	ssyncadd.s32 @!p3 $0xFFFFFF80  }
0x69: {  	s25 =	simm.s32 @!p3 $0x4300;
	_ =	swait.ge @!p3 [sflag:s28], $0x80  }
0x6a: {  	[sflag:s28] =	ssyncset.done @!p3 $0x0  }
0x6b: {  	[sflag:s28] =	ssyncadd.s32 @!p3 $0xFFFFFF80;
	s28 =	simm.s32 @!p1 $0x6  }
0x6c: {  	[tilespmem:s25], [sflag:$0x2] =	stream.indirect.gather @!p3 [hbm4b:s4+s20], $0x80, s20, s20, $0xb8;
	[tilespmem:$0x1FB80] =	vst v63  }
0x6d: {  	_ =	swait.ge @!p1 [sflag:s28], $0x80  }
0x6e: {  	[sflag:s28] =	ssyncset.done @!p1 $0x0  }
0x6f: {  	[sflag:s28] =	ssyncadd.s32 @!p1 $0xFFFFFF80  }
0x70: {  	s29 =	simm.s32 @!p2 $0x1;
	_ =	swait.ge @!p1 [sflag:s28], $0x80  }
0x71: {  	[sflag:s28] =	ssyncset.done @!p1 $0x0  }
0x72: {  	s30 =	simm.s32 @!p1 $0x8300;
	[sflag:s28] =	ssyncadd.s32 @!p1 $0xFFFFFF80;
	s28 =	simm.s32 @!p1 $0x80  }
0x73: {  	[tilespmem:s30], [sflag:$0x3] =	stream.indirect.gather @!p1 [hbm4b:s4+s28], $0x80, s21, s28, $0xb8;
	[tilespmem:$0x1FB80] =	vst v63  }
0x74: {  	_ =	swait.ge @!p2 [sflag:s29], $0x4000  }
0x75: {  	s21 =	simm.s32 @!p3 $0x2;
	[sflag:s29] =	ssyncset.done @!p2 $0x0  }
0x76: {  	[sflag:s29] =	ssyncadd.s32 @!p2 $0xFFFFC000  }
0x77: {  	[spmem:s1] =	stream.indirect.scatter.add.f32 @!p2 [tilespmem:s26], [sflag:$0x7], $0x80, s19, s24, $0xb8;
	[tilespmem:$0x1FB80] =	vst v63  }
0x78: {  	_ =	swait.ge @!p3 [sflag:s21], $0x4000  }
0x79: {  	[sflag:s21] =	ssyncset.done @!p3 $0x0  }
0x7a: {  	s19 =	simm.s32 @!p1 $0x3;
	[sflag:s21] =	ssyncadd.s32 @!p3 $0xFFFFC000  }
0x7b: {  	[spmem:s1] =	stream.indirect.scatter.add.f32 @!p3 [tilespmem:s25], [sflag:$0x8], $0x80, s22, s20, $0xb8;
	[tilespmem:$0x1FB80] =	vst v63  }
0x7c: {  	s20 =	simm.s32 @!p2 $0x7;
	_ =	swait.ge @!p1 [sflag:s19], $0x4000  }
0x7d: {  	[sflag:s19] =	ssyncset.done @!p1 $0x0  }
0x7e: {  	[sflag:s19] =	ssyncadd.s32 @!p1 $0xFFFFC000  }
0x7f: {  	[spmem:s1] =	stream.indirect.scatter.add.f32 @!p1 [tilespmem:s30], [sflag:$0x9], $0x80, s23, s28, $0xb8;
	[tilespmem:$0x1FB80] =	vst v63  }
0x80: {  	s21 =	simm.s32 @!p3 $0x8;
	_ =	swait.ge @!p2 [sflag:s20], $0x4000  }
.Ltmp0:
0x81: {  	[sflag:s20] =	ssyncset.done @!p2 $0x0;
	(pc) =	sbr.rel @p5 .LBB2_2-.Ltmp0, $4  }
0x82: {  	[sflag:s20] =	ssyncadd.s32 @!p2 $0xFFFFC000  }
0x83: {  	_ =	swait.ge @!p3 [sflag:s21], $0x4000  }
0x84: {  	s18 =	sadd.s32 $0x60, s18;
	s19 =	simm.s32 @!p1 $0x9;
	[sflag:s21] =	ssyncset.done @!p3 $0x0  }
0x85: {  	p4 =	sgt.u32 s18, $0x9C3;
	s20 =	sadd.s32 $0xFFFFFFC0, s18;
	[sflag:s21] =	ssyncadd.s32 @!p3 $0xFFFFC000  }
0x86: {  	_ =	swait.ge @!p1 [sflag:s19], $0x4000  }
0x87: {  	s17 =	sadd.s32 $0xFFFFFFE0, s18;
	p2 =	sgt.u32 s20, $0x9C3;
	[sflag:s19] =	ssyncset.done @!p1 $0x0  }
0x88: {  	s18 =	sadd.s32 @!p2 s16, s11;
	s20 =	simm.s32 @!p2 $0x0;
	[sflag:s19] =	ssyncadd.s32 @!p1 $0xFFFFC000  }
0x89: {  	[tilespmem:s20], [sflag:$0x4] =	stream.linear.gather @!p2 [hbm4b:s18+s20], $0x80, $0x38;
	[tilespmem:$0x1FB80] =	vst v63  }
0x8a: {  	s19 =	simm.s32 @!p2 $0x180;
	p1 =	sgt.u32 s17, $0x9C3;
	s18 =	sadd.s32 @!p2 s16, s10  }
0x8b: {  	[tilespmem:s19], [sflag:$0x4] =	stream.linear.gather @!p2 [hbm4b:s18+s20], $0x80, $0x38;
	[tilespmem:$0x1FB80] =	vst v63  }
0x8c: {  	s24 =	sadd.s32 @!p4 s16, s11;
	s21 =	sadd.s32 @!p1 s16, s10;
	s18 =	sadd.s32 @!p1 s16, s11  }
0x8d: {  	s22 =	simm.s32 @!p1 $0x0;
	s23 =	simm.s32 @!p1 $0x80;
	s18 =	sadd.s32 @!p1 $0x200, s18  }
0x8e: {  	[tilespmem:s23], [sflag:$0x5] =	stream.linear.gather @!p1 [hbm4b:s18+s22], $0x80, $0x38;
	[tilespmem:$0x1FB80] =	vst v63  }
0x8f: {  	s17 =	simm.s32 @!p4 $0x100;
	s18 =	sadd.s32 @!p1 $0x200, s21;
	s21 =	simm.s32 @!p1 $0x200  }
0x90: {  	[tilespmem:s21], [sflag:$0x5] =	stream.linear.gather @!p1 [hbm4b:s18+s22], $0x80, $0x38;
	[tilespmem:$0x1FB80] =	vst v63  }
0x91: {  	s16 =	sadd.s32 @!p4 s16, s10;
	s18 =	sadd.s32 @!p4 $0x400, s24;
	s22 =	simm.s32 @!p4 $0x0  }
0x92: {  	[tilespmem:s17], [sflag:$0x6] =	stream.linear.gather @!p4 [hbm4b:s18+s22], $0x80, $0x38;
	[tilespmem:$0x1FB80] =	vst v63  }
0x93: {  	s16 =	sadd.s32 @!p4 $0x400, s16;
	s24 =	simm.s32 @!p2 $0x4;
	s18 =	simm.s32 @!p4 $0x280  }
0x94: {  	[tilespmem:s18], [sflag:$0x6] =	stream.linear.gather @!p4 [hbm4b:s16+s22], $0x80, $0x38;
	[tilespmem:$0x1FB80] =	vst v63  }
0x95: {  	_ =	swait.ge @!p2 [sflag:s24], $0x80  }
0x96: {  	[sflag:s24] =	ssyncset.done @!p2 $0x0  }
0x97: {  	[sflag:s24] =	ssyncadd.s32 @!p2 $0xFFFFFF80  }
0x98: {  	_ =	swait.ge @!p2 [sflag:s24], $0x80  }
0x99: {  	s25 =	simm.s32 @!p1 $0x5;
	[sflag:s24] =	ssyncset.done @!p2 $0x0  }
0x9a: {  	s16 =	simm.s32 @!p2 $0x80;
	s22 =	simm.s32 @!p2 $0x300;
	[sflag:s24] =	ssyncadd.s32 @!p2 $0xFFFFFF80  }
0x9b: {  	[tilespmem:s22], [sflag:$0x1] =	stream.indirect.gather @!p2 [hbm4b:s4+s16], $0x80, s20, s16, $0xb8;
	[tilespmem:$0x1FB80] =	vst v63  }
0x9c: {  	_ =	swait.ge @!p1 [sflag:s25], $0x80  }
0x9d: {  	[sflag:s25] =	ssyncset.done @!p1 $0x0  }
0x9e: {  	[sflag:s25] =	ssyncadd.s32 @!p1 $0xFFFFFF80  }
0x9f: {  	_ =	swait.ge @!p1 [sflag:s25], $0x80  }
0xa0: {  	p3 =	por p4, p4;
	[sflag:s25] =	ssyncset.done @!p1 $0x0  }
0xa1: {  	s24 =	simm.s32 @!p3 $0x6;
	s20 =	simm.s32 @!p1 $0x4300;
	[sflag:s25] =	ssyncadd.s32 @!p1 $0xFFFFFF80  }
0xa2: {  	[tilespmem:s20], [sflag:$0x2] =	stream.indirect.gather @!p1 [hbm4b:s4+s23], $0x80, s23, s23, $0xb8;
	[tilespmem:$0x1FB80] =	vst v63  }
0xa3: {  	_ =	swait.ge @!p3 [sflag:s24], $0x80  }
0xa4: {  	[sflag:s24] =	ssyncset.done @!p3 $0x0  }
0xa5: {  	[sflag:s24] =	ssyncadd.s32 @!p3 $0xFFFFFF80  }
0xa6: {  	_ =	swait.ge @!p3 [sflag:s24], $0x80  }
0xa7: {  	s26 =	simm.s32 @!p3 $0x8300;
	[sflag:s24] =	ssyncset.done @!p3 $0x0  }
0xa8: {  	s25 =	simm.s32 @!p2 $0x1;
	[sflag:s24] =	ssyncadd.s32 @!p3 $0xFFFFFF80;
	s24 =	simm.s32 @!p3 $0x80  }
0xa9: {  	[tilespmem:s26], [sflag:$0x3] =	stream.indirect.gather @!p3 [hbm4b:s4+s24], $0x80, s17, s24, $0xb8;
	[tilespmem:$0x1FB80] =	vst v63  }
0xaa: {  	_ =	swait.ge @!p2 [sflag:s25], $0x4000  }
0xab: {  	[sflag:s25] =	ssyncset.done @!p2 $0x0  }
0xac: {  	s17 =	simm.s32 @!p1 $0x2;
	[sflag:s25] =	ssyncadd.s32 @!p2 $0xFFFFC000  }
0xad: {  	[spmem:s1] =	stream.indirect.scatter.add.f32 @!p2 [tilespmem:s22], [sflag:$0x7], $0x80, s19, s16, $0xb8;
	[tilespmem:$0x1FB80] =	vst v63  }
0xae: {  	_ =	swait.ge @!p1 [sflag:s17], $0x4000  }
0xaf: {  	[sflag:s17] =	ssyncset.done @!p1 $0x0  }
0xb0: {  	s16 =	simm.s32 @!p3 $0x3;
	[sflag:s17] =	ssyncadd.s32 @!p1 $0xFFFFC000  }
0xb1: {  	[spmem:s1] =	stream.indirect.scatter.add.f32 @!p1 [tilespmem:s20], [sflag:$0x8], $0x80, s21, s23, $0xb8;
	[tilespmem:$0x1FB80] =	vst v63  }
0xb2: {  	_ =	swait.ge @!p3 [sflag:s16], $0x4000  }
0xb3: {  	[sflag:s16] =	ssyncset.done @!p3 $0x0  }
0xb4: {  	s17 =	simm.s32 @!p2 $0x7;
	[sflag:s16] =	ssyncadd.s32 @!p3 $0xFFFFC000  }
0xb5: {  	[spmem:s1] =	stream.indirect.scatter.add.f32 @!p3 [tilespmem:s26], [sflag:$0x9], $0x80, s18, s24, $0xb8;
	[tilespmem:$0x1FB80] =	vst v63  }
0xb6: {  	_ =	swait.ge @!p2 [sflag:s17], $0x4000  }
0xb7: {  	[sflag:s17] =	ssyncset.done @!p2 $0x0  }
0xb8: {  	s16 =	simm.s32 @!p1 $0x8;
	[sflag:s17] =	ssyncadd.s32 @!p2 $0xFFFFC000  }
0xb9: {  	_ =	swait.ge @!p1 [sflag:s16], $0x4000  }
0xba: {  	[sflag:s16] =	ssyncset.done @!p1 $0x0  }
0xbb: {  	s17 =	simm.s32 @!p3 $0x9;
	[sflag:s16] =	ssyncadd.s32 @!p1 $0xFFFFC000  }
0xbc: {  	_ =	swait.ge @!p3 [sflag:s17], $0x4000  }
0xbd: {  	[sflag:s17] =	ssyncset.done @!p3 $0x0  }
0xbe: {  	[sflag:s17] =	ssyncadd.s32 @!p3 $0xFFFFC000  }
0xbf: {  	s16 =	sadd.s32 @p0 $0x24900, s8;
	s17 =	simm.s32 @p0 $0x1FCA;
	[bflag:$0x0] =	sbarrier.arrive $0xFFFF  }
0xc0: {  	[hbm:s16], [sflag:s17] =	dma.local @p0 [spmem:s13], $0x2800  }
0xc1: {  	s16 =	simm.s32 @p0 $0xA  }
0xc2: {  	_ =	swait.ge @p0 [sflag:s16], $0x2800  }
0xc3: {  	s2 =	sadd.s32 $0x1, s2;
	[sflag:s16] =	ssyncset.done @p0 $0x0  }
0xc4: {  	p1 =	sne.s32 s2, s9;
	[sflag:s16] =	ssyncadd.s32 @p0 $0xFFFFD800;
	s16 =	sadd.s32 @!p0 s5, s8  }
0xc5: {  	[hbm:s16], [sflag:s14] =	dma.local @!p0 [spmem:s15], $0x2700  }
.Ltmp1:
0xc6: {  	_ = 	snop;
	(pc) =	sbr.rel @p1 .LBB2_1-.Ltmp1, $4  }
0xc7: {  	s16 =	simm.s32 @!p0 $0xA  }
0xc8: {  	_ =	swait.ge @!p0 [sflag:s16], $0x2700  }
0xc9: {  	[sflag:s16] =	ssyncset.done @!p0 $0x0  }
0xca: {  	[sflag:s16] =	ssyncadd.s32 @!p0 $0xFFFFD900  }
0xcb: {  	_ =	sfence.sel $0x180000  }
0xcc: {  	[bflag:$0x0] =	sbarrier.arrive $0xFFFF  }
0xcd: {  	p0 =	sne.s32 s3, $0x0;
	_ =	strace $0x90000053  }
0xce: {  	s0 =	sadd.s32 @!p0 $0x100000, s0;
	[bflag:$0x2] =	sbarrier.arrive $0xFFFF  }
0xcf: {  	[sflag:s0] =	ssyncadd.tile.s32 @!p0 $0x1;
	_ =	shalt  }
.Lfunc_end2:
_tile_overlayer_lowered:
.L_overlay_start_2:
0xd0: {  	(tag) =	ssettag $0x2  }
0xd1: {  	s0 =	rddreg [dreg:$0x0];
	s2 =	stileid.u32  }
0xd2: {  	s1 =	rddreg [dreg:$0x1];
	p0 =	sne.s32 s2, $0x0  }
0xd3: {  	s3 =	rddreg [dreg:$0x2];
	[bflag:$0x3] =	sbarrier.arrive $0xFFFF;
	s2 =	simm.s32 @!p0 $0x1C0A  }
0xd4: {  	[timem:s3], [sflag:s2] =	dma.local @!p0 [hbm:s0], s1  }
0xd5: {  	s0 =	simm.s32 @!p0 $0xA  }
0xd6: {  	_ =	swait.ge @!p0 [sflag:s0], s1  }
0xd7: {  	s1 =	ssub.s32 @!p0 $0x0, s1;
	[sflag:s0] =	ssyncset.done @!p0 $0x0  }
0xd8: {  	[sflag:s0] =	ssyncadd.s32 @!p0 s1  }
0xd9: {  	[bflag:$0x3] =	sbarrier.arrive $0xFFFF  }
0xda: {  	_ =	shalt  }

// kernel: kernel.29.cloned.1.call-start
scs
__scs_entry_jumppad:
0x0: {  	(pc) =	sbr.rel $0x88, $3  }
0x1: {  	(tag) =	ssettag $0x0;
	lr =	simm.s32 $0x1  }
0x2: {  	[smem:$0x3F98] =	sst lr;
	_ =	strace $0xD0000000  }
0x3: {  	_ = 	snop  }
0x4: {  	_ = 	snop  }
0x5: {  	_ = 	snop  }
0x6: {  	_ = 	snop  }
0x7: {  	_ = 	snop  }
__scs_overlays_trampoline_lowered:
0x8: {  	[smem:$0x3FA7] =	sst s0  }
0x9: {  	[smem:$0x3FA8] =	sst s1  }
0xa: {  	[smem:$0x3FA9] =	sst s2  }
0xb: {  	[smem:$0x3FAA] =	sst s3  }
0xc: {  	[smem:$0x3FAB] =	sst s4  }
0xd: {  	[smem:$0x3FAC] =	sst s5  }
0xe: {  	[smem:$0x3FAD] =	sst s6  }
0xf: {  	[smem:$0x3FAE] =	sst s7  }
0x10: {  	[smem:$0x3FAF] =	sst s8  }
0x11: {  	[smem:$0x3FB0] =	sst s9;
	s0 =	simm.s32 @!p0 $0x0  }
0x12: {  	s1 =	sld [smem:$0x3F96];
	s0 =	simm.s32 @p0 $0x1  }
0x13: {  	[smem:$0x3FB1] =	sst s0;
	s0 =	simm.s32 @!p1 $0x0  }
0x14: {  	s2 =	sld [smem:$0x3F95];
	s0 =	simm.s32 @p1 $0x1  }
0x15: {  	[smem:$0x3FB2] =	sst s0;
	s0 =	simm.s32 @!p2 $0x0  }
0x16: {  	s3 =	sld [smem:$0x3FDB];
	s0 =	simm.s32 @p2 $0x1  }
0x17: {  	s4 =	simm.s32 $0x1BF5;
	[smem:$0x3FB4] =	sst s0  }
0x18: {  	s0 =	sld [smem:$0x3F97];
	_ =	swait.ge [sflag:s4], $0x0  }
0x19: {  	s7 =	sld [smem:$0x3F98]  }
0x1a: {  	s8 =	sadd.s32 $0xFFFFE003, lr  }
0x1b: {  	s9 =	sadd.s32 $0xFFFFFEF7, lr;
	s5 =	simm.s32 $0xFFFFFFFF;
	p2 =	slt.u32 s8, $0xFFFFF086  }
0x1c: {  	p1 =	slt.u32 s9, $0xF7A;
	s5 =	simm.s32 @!p2 $0x0  }
0x1d: {  	s5 =	simm.s32 @p1 $0x1;
	p0 =	seq.s32 s7, s2  }
0x1e: {  	s7 =	smul.u32 @!p0 $0xF7A, s2;
	p2 =	seq.s32 @!p0 s5, $0x0  }
0x1f: {  	s9 =	smul.u32 $0xF7A, s1;
	s8 =	simm.s32 @!p0 $0x1BF5;
	p2 =	por !p2, p0  }
0x20: {  	[sflag:s8] =	ssyncset.s32 @!p0 $0xFFFFF086;
	s6 =	sadd.s32 @!p0 s3, s7;
	s7 =	simm.s32 @!p0 $0x108  }
0x21: {  	s3 =	sadd.s32 s3, s9;
	s6 =	sadd.s32 @!p0 $0x88, s6;
	s7 =	simm.s32 @p2 $0x1082  }
0x22: {  	[simem:s7], [sflag:s8] =	dma.local @!p0 [hbm:s6], $0xF7A  }
0x23: {  	s9 =	sor.u32 $0xD0000000, s2;
	s6 =	simm.s32 $0x108;
	_ =	swait.ge @!p0 [sflag:s8], $0x0  }
0x24: {  	s3 =	sadd.s32 $0x88, s3;
	s6 =	simm.s32 @!p1 $0x1082;
	[sflag:s4] =	ssyncset.s32 $0xFFFFF086  }
0x25: {  	[simem:s6], [sflag:s4] =	dma.local [hbm:s3], $0xF7A  }
0x26: {  	[smem:$0x3F98] =	sst s1;
	(tag) =	ssettag s2;
	_ =	strace s9  }
0x27: {  	s1 =	sld [smem:$0x3FA8]  }
0x28: {  	s2 =	sld [smem:$0x3FA9]  }
0x29: {  	s4 =	sld [smem:$0x3FAB]  }
0x2a: {  	p0 =	seq.s32 s5, $0x0;
	s5 =	sld [smem:$0x3FAC]  }
0x2b: {  	s6 =	sld [smem:$0x3FAD]  }
0x2c: {  	s7 =	sld [smem:$0x3FAE]  }
0x2d: {  	s3 =	simm.s32 $0x108;
	s8 =	sld [smem:$0x3FAF]  }
0x2e: {  	s3 =	simm.s32 @!p0 $0x1082;
	s9 =	sld [smem:$0x3FB0]  }
0x2f: {  	lr =	sadd.s32 s0, s3;
	s0 =	sld [smem:$0x3FA7]  }
0x30: {  	s3 =	sld [smem:$0x3FAA]  }
0x31: {  	[smem:$0x3FB3] =	sst s10  }
0x32: {  	s10 =	sld [smem:$0x3FB1];
	_ =	sdelay $0x3  }
0x33: {  	p0 =	seq.s32 s10, $0x1;
	s10 =	sld [smem:$0x3FB3];
	_ =	sdelay $0x3  }
0x34: {  	[smem:$0x3FB3] =	sst s10  }
0x35: {  	s10 =	sld [smem:$0x3FB2];
	_ =	sdelay $0x3  }
0x36: {  	p1 =	seq.s32 s10, $0x1;
	s10 =	sld [smem:$0x3FB3];
	_ =	sdelay $0x3  }
0x37: {  	[smem:$0x3FB3] =	sst s10  }
0x38: {  	s10 =	sld [smem:$0x3FB4]  }
0x39: {  	_ = 	snop;
	(pc) =	sbr.ind lr, $3  }
0x3a: {  	_ = 	snop  }
0x3b: {  	_ = 	snop  }
0x3c: {  	p2 =	seq.s32 s10, $0x1;
	s10 =	sld [smem:$0x3FB3]  }
0x3d: {  	_ =	shalt  }
0x3e: {  	_ =	shalt  }
0x3f: {  	_ =	shalt  }
0x40: {  	_ =	shalt  }
0x41: {  	_ =	shalt  }
0x42: {  	_ =	shalt  }
0x43: {  	_ =	shalt  }
0x44: {  	_ =	shalt  }
0x45: {  	_ =	shalt  }
0x46: {  	_ =	shalt  }
0x47: {  	_ =	shalt  }
0x48: {  	_ =	shalt  }
0x49: {  	_ =	shalt  }
0x4a: {  	_ =	shalt  }
0x4b: {  	_ =	shalt  }
0x4c: {  	_ =	shalt  }
0x4d: {  	_ =	shalt  }
0x4e: {  	_ =	shalt  }
0x4f: {  	_ =	shalt  }
0x50: {  	_ =	shalt  }
0x51: {  	_ =	shalt  }
0x52: {  	_ =	shalt  }
0x53: {  	_ =	shalt  }
0x54: {  	_ =	shalt  }
0x55: {  	_ =	shalt  }
0x56: {  	_ =	shalt  }
0x57: {  	_ =	shalt  }
0x58: {  	_ =	shalt  }
0x59: {  	_ =	shalt  }
0x5a: {  	_ =	shalt  }
0x5b: {  	_ =	shalt  }
0x5c: {  	_ =	shalt  }
0x5d: {  	_ =	shalt  }
0x5e: {  	_ =	shalt  }
0x5f: {  	_ =	shalt  }
0x60: {  	_ =	shalt  }
0x61: {  	_ =	shalt  }
0x62: {  	_ =	shalt  }
0x63: {  	_ =	shalt  }
0x64: {  	_ =	shalt  }
0x65: {  	_ =	shalt  }
0x66: {  	_ =	shalt  }
0x67: {  	_ =	shalt  }
0x68: {  	_ =	shalt  }
0x69: {  	_ =	shalt  }
0x6a: {  	_ =	shalt  }
0x6b: {  	_ =	shalt  }
0x6c: {  	_ =	shalt  }
0x6d: {  	_ =	shalt  }
0x6e: {  	_ =	shalt  }
0x6f: {  	_ =	shalt  }
0x70: {  	_ =	shalt  }
0x71: {  	_ =	shalt  }
0x72: {  	_ =	shalt  }
0x73: {  	_ =	shalt  }
0x74: {  	_ =	shalt  }
0x75: {  	_ =	shalt  }
0x76: {  	_ =	shalt  }
0x77: {  	_ =	shalt  }
0x78: {  	_ =	shalt  }
0x79: {  	_ =	shalt  }
0x7a: {  	_ =	shalt  }
0x7b: {  	_ =	shalt  }
0x7c: {  	_ =	shalt  }
0x7d: {  	_ =	shalt  }
0x7e: {  	_ =	shalt  }
0x7f: {  	_ =	shalt  }
0x80: {  	_ =	shalt  }
0x81: {  	_ =	shalt  }
0x82: {  	_ =	shalt  }
0x83: {  	_ =	shalt  }
0x84: {  	_ =	shalt  }
0x85: {  	_ =	shalt  }
0x86: {  	_ =	shalt  }
0x87: {  	_ =	shalt  }
.Lfunc_end0:
.L_simem_size_0:
called_computation.5_lowered:
.L_overlay_start_0:
0x88: {  	s2 =	sld [smem:$0x3FD9]  }
0x89: {  	s3 =	sld [smem:$0x3FFE];
	_ =	sdelay $0x1  }
0x8a: {  	s1 =	srdreg.scid  }
0x8b: {  	s0 =	sand.u32 $0x1, s1  }
0x8c: {  	s17 =	sshll.u32 s0, $0xA;
	s2 =	sadd.s32 s3, s2  }
0x8d: {  	s2 =	sadd.s32 s2, s17  }
0x8e: {  	[smem:$0x3FBF] =	sst s2  }
0x8f: {  	_ = 	snop  }
0x90: {  	s2 =	sld [smem:$0x3FD0];
	(tm) =	ssettm $0x1  }
0x91: {  	s18 =	sld [smem:$0x3FFB];
	_ =	sdelay $0x3  }
0x92: {  	_ =	strace s18  }
0x93: {  	s3 =	sld [smem:$0x3FFC];
	_ =	sdelay $0x3  }
0x94: {  	_ =	strace s3  }
0x95: {  	s3 =	sld [smem:$0x3FFD];
	_ =	sdelay $0x3  }
0x96: {  	_ =	strace s3  }
0x97: {  	_ =	strace $0x8FFFFFFF  }
0x98: {  	s19 =	sld [smem:$0x3FDB];
	_ =	sdelay $0x1  }
0x99: {  	s4 =	simm.s32 $_scs_section_size  }
0x9a: {  	s5 =	simm.s32 $_size__tile_overlayer_lowered;
	s6 =	simm.s32 $_tile_overlayer_lowered  }
0x9b: {  	s22 =	simm.s32 $0x1BFF;
	s21 =	sshll.u32 s6, $0x1;
	s3 =	sadd.s32 s4, s19  }
0x9c: {  	s7 =	simm.s32 $0x0;
	s20 =	sshll.u32 s5, $0x1;
	s5 =	sadd.s32 s21, s3  }
0x9d: {  	[timem:s7], [sflag:s22] =	dma.local [hbm:s5], s20  }
0x9e: {  	_ =	swait.ge [sflag:s22], s20  }
0x9f: {  	s4 =	ssub.s32 $0x0, s20;
	[sflag:s22] =	ssyncset.done $0x0  }
0xa0: {  	[sflag:s22] =	ssyncadd.s32 s4;
	_ =	sdelay $0x1  }
0xa1: {  	s23 =	simm.s32 $0x1B8B  }
0xa2: {  	_ =	swait.ge [sflag:s23], $0x1  }
0xa3: {  	[sflag:s23] =	ssyncset.done $0x0  }
0xa4: {  	s25 =	simm.s32 $0x1B8E;
	s24 =	sld [smem:$0x3FFE];
	[sflag:s23] =	ssyncadd.s32 $0xFFFFFFFF  }
0xa5: {  	s26 =	simm.s32 $execute0_lowered;
	[smem:$0x3FD2] =	sst s25  }
0xa6: {  	s5 =	sshll.u32 s26, $0x1;
	_ =	strace $0x80000055;
	[dreg:$0x1] =	wrdreg $0xFFFFFFFF  }
0xa7: {  	s28 =	simm.s32 $_size_execute0_lowered;
	s3 =	sadd.s32 s3, s5;
	[dreg:$0x0] =	wrdreg $0x0  }
0xa8: {  	s5 =	sshll.u32 s28, $0x1;
	[dreg:$0x2] =	wrdreg s3  }
0xa9: {  	[dreg:$0x3] =	wrdreg s5  }
0xaa: {  	[dreg:$0x4] =	wrdreg $0xC0  }
0xab: {  	_ =	task [dreg:s7], $0x5FFFF  }
0xac: {  	[dreg:$0x1] =	wrdreg $0xFFFFFFFF  }
0xad: {  	[dreg:$0x0] =	wrdreg $0x60  }
0xae: {  	[dreg:$0x2] =	wrdreg s24  }
0xaf: {  	[dreg:$0x3] =	wrdreg s2  }
0xb0: {  	[dreg:$0x4] =	wrdreg $0xC3000  }
0xb1: {  	[dreg:$0x5] =	wrdreg $0x9  }
0xb2: {  	_ =	task.clear_ibuf [dreg:s7], $0x6FFFF;
	_ =	strace $0x90000055  }
0xb3: {  	s29 =	simm.s32 $0x9;
	_ =	strace $0x80000057  }
0xb4: {  	_ =	swait.ge [sflag:s29], $0x1  }
0xb5: {  	[sflag:s29] =	ssyncadd.s32 $0xFFFFFFFF  }
0xb6: {  	_ =	strace $0x90000057  }
0xb7: {  	_ =	sfence  }
0xb8: {  	s30 =	sld [smem:$0x0];
	_ =	sdelay $0x2  }
0xb9: {  	s31 =	sshll.u32 s1, $0xD;
	s1 =	sshrl.u32 s1, $0x2  }
0xba: {  	s3 =	sand.u32 $0x4000, s31;
	s1 =	sadd.s32 s1, s30  }
0xbb: {  	s0 =	sor.u32 s3, s0;
	s1 =	sshll.u32 s1, $0x11  }
0xbc: {  	s0 =	sor.u32 s1, s0  }
0xbd: {  	s0 =	sadd.s32 $0x8F2B, s0  }
0xbe: {  	[sflag:s0] =	ssyncadd.remote.s32 $0x1  }
0xbf: {  	_ =	sfence.sel $0xFFFF  }
0xc0: {  	[dreg:$0x0] =	wrdreg $0xFFFFFFFF;
	(pc) =	sbr.abs _section_cstart, $3  }
0xc1: {  	[dreg:$0x1] =	wrdreg $0xFFFFFFFF  }
0xc2: {  	_ =	task.clear_ibuf [dreg:s7], $0x2FFFF;
	_ =	strace $0x9FFFFFFF  }
0xc3: {  	(tm) =	ssettm $0x7FFFFFFF  }
tec
execute0_lowered:
.L_overlay_start_1:
0x0: {  	(tag) =	ssettag $0x1  }
0x1: {  	s7 =	rddreg [dreg:$0x0]  }
0x2: {  	s11 =	rddreg [dreg:$0x1]  }
0x3: {  	s1 =	rddreg [dreg:$0x2]  }
0x4: {  	s0 =	rddreg [dreg:$0x3];
	s2 =	simm.s32 $0x0  }
0x5: {  	s3 =	srdreg.scid;
	[smem:$0x7FF] =	sst s2  }
0x6: {  	s4 =	sadd.s32 $0xDA00, s7;
	s6 =	sand.u32 $0x1, s3;
	s17 =	sadd.s32 $0x124800, s1  }
0x7: {  	s3 =	stileid.u32;
	_ =	strace $0x80000056;
	s5 =	smul.u32 $0x27100, s6  }
0x8: {  	s12 =	sshll.u32 s6, $0x8;
	s9 =	ssub.s32 $0x2, s6;
	s10 =	smul.u32 $0x4E000, s3  }
0x9: {  	s28 =	sshll.u32 s6, $0x4;
	s16 =	sshll.u32 s3, $0x4;
	p0 =	seq.s32 s3, $0xF  }
0xa: {  	s8 =	sadd.s32 s12, s7;
	s14 =	sshrl.u32 s9, $0x1;
	s11 =	sadd.s32 s12, s11  }
0xb: {  	s31 =	sor.u32 s28, s3;
	s13 =	sadd.s32 s5, s7;
	s5 =	smul.u32 $0x2700, s3  }
0xc: {  	s9 =	ssub.s32 s9, s14;
	s29 =	sshrl.u32 s10, $0x2;
	s7 =	sadd.s32 $0x32300, s7  }
0xd: {  	s30 =	sadd.s32 s16, s8;
	s11 =	sadd.s32 s16, s11;
	s12 =	sor.u32 $0x40, s31  }
0xe: {  	s14 =	sshll.u32 @!p0 s3, $0x6;
	s15 =	sadd.s32 s29, s1;
	s8 =	sadd.s32 $0x34C00, s13  }
0xf: {  	s9 =	smax.u32 s9, $0x1;
	s10 =	sadd.s32 $0x3C00, s30;
	s13 =	sshrl.u32 @p0 s17, $0x3  }
0x10: {  	s14 =	sor.u32 @!p0 $0x1C0A, s14;
	s6 =	sadd.s32 s4, s5;
	s15 =	sshrl.u32 @!p0 s15, $0x3  }
.LBB2_1:
0x11: {  	s16 =	simm.s32 @p0 $0x1FCA  }
0x12: {  	[spmem:s13], [sflag:s16] =	dma.local @p0 [hbm:s7], $0x2800  }
0x13: {  	s16 =	simm.s32 @p0 $0xA  }
0x14: {  	_ =	swait.ge @p0 [sflag:s16], $0x2800  }
0x15: {  	[sflag:s16] =	ssyncset.done @p0 $0x0  }
0x16: {  	[sflag:s16] =	ssyncadd.s32 @p0 $0xFFFFD800;
	s16 =	simm.s32 @!p0 $0xA  }
0x17: {  	[spmem:s15], [sflag:s14] =	dma.local @!p0 [hbm:s6], $0x2700  }
0x18: {  	_ =	swait.ge @!p0 [sflag:s16], $0x2700  }
0x19: {  	s30 =	sadd.s32 $0xFFFFFFC0, s12;
	p1 =	sgt.u32 s12, $0x9C3;
	[sflag:s16] =	ssyncset.done @!p0 $0x0  }
0x1a: {  	s31 =	sadd.s32 $0xFFFFFFE0, s12;
	p3 =	sgt.u32 s30, $0x9C3;
	[sflag:s16] =	ssyncadd.s32 @!p0 $0xFFFFD900  }
0x1b: {  	s17 =	sadd.s32 @!p3 $0x0, s11;
	s18 =	simm.s32 @!p3 $0x0;
	[bflag:$0x0] =	sbarrier.arrive $0xFFFF  }
0x1c: {  	[tilespmem:s18], [sflag:$0x4] =	stream.linear.gather @!p3 [hbm4b:s17+s18], $0x80, $0x38;
	[tilespmem:$0x1FB80] =	vst v63  }
0x1d: {  	p2 =	sgt.u32 s31, $0x9C3;
	s19 =	simm.s32 @!p3 $0x180;
	s17 =	sadd.s32 @!p3 $0x0, s10  }
0x1e: {  	[tilespmem:s19], [sflag:$0x4] =	stream.linear.gather @!p3 [hbm4b:s17+s18], $0x80, $0x38;
	[tilespmem:$0x1FB80] =	vst v63  }
0x1f: {  	s23 =	sadd.s32 @!p1 $0x0, s11;
	s20 =	sadd.s32 @!p2 $0x0, s10;
	s17 =	sadd.s32 @!p2 $0x0, s11  }
0x20: {  	s21 =	simm.s32 @!p2 $0x0;
	s22 =	simm.s32 @!p2 $0x80;
	s17 =	sadd.s32 @!p2 $0x200, s17  }
0x21: {  	[tilespmem:s22], [sflag:$0x5] =	stream.linear.gather @!p2 [hbm4b:s17+s21], $0x80, $0x38;
	[tilespmem:$0x1FB80] =	vst v63  }
0x22: {  	s16 =	simm.s32 @!p1 $0x100;
	s17 =	sadd.s32 @!p2 $0x200, s20;
	s20 =	simm.s32 @!p2 $0x200  }
0x23: {  	[tilespmem:s20], [sflag:$0x5] =	stream.linear.gather @!p2 [hbm4b:s17+s21], $0x80, $0x38;
	[tilespmem:$0x1FB80] =	vst v63  }
0x24: {  	s17 =	sadd.s32 @!p1 $0x0, s10;
	s21 =	sadd.s32 @!p1 $0x400, s23;
	s23 =	simm.s32 @!p1 $0x0  }
0x25: {  	[tilespmem:s16], [sflag:$0x6] =	stream.linear.gather @!p1 [hbm4b:s21+s23], $0x80, $0x38;
	[tilespmem:$0x1FB80] =	vst v63  }
0x26: {  	s24 =	simm.s32 @!p3 $0x4;
	s17 =	sadd.s32 @!p1 $0x400, s17;
	s21 =	simm.s32 @!p1 $0x280  }
0x27: {  	[tilespmem:s21], [sflag:$0x6] =	stream.linear.gather @!p1 [hbm4b:s17+s23], $0x80, $0x38;
	[tilespmem:$0x1FB80] =	vst v63  }
0x28: {  	_ =	swait.ge @!p3 [sflag:s24], $0x80  }
0x29: {  	[sflag:s24] =	ssyncset.done @!p3 $0x0  }
0x2a: {  	[sflag:s24] =	ssyncadd.s32 @!p3 $0xFFFFFF80  }
0x2b: {  	_ =	swait.ge @!p3 [sflag:s24], $0x80  }
0x2c: {  	s25 =	simm.s32 @!p2 $0x5;
	[sflag:s24] =	ssyncset.done @!p3 $0x0  }
0x2d: {  	s17 =	simm.s32 @!p3 $0x80;
	s23 =	simm.s32 @!p3 $0x300;
	[sflag:s24] =	ssyncadd.s32 @!p3 $0xFFFFFF80  }
0x2e: {  	[tilespmem:s23], [sflag:$0x1] =	stream.indirect.gather @!p3 [hbm4b:s4+s17], $0x80, s18, s17, $0xb8;
	[tilespmem:$0x1FB80] =	vst v63  }
0x2f: {  	_ =	swait.ge @!p2 [sflag:s25], $0x80  }
0x30: {  	[sflag:s25] =	ssyncset.done @!p2 $0x0  }
0x31: {  	[sflag:s25] =	ssyncadd.s32 @!p2 $0xFFFFFF80  }
0x32: {  	_ =	swait.ge @!p2 [sflag:s25], $0x80  }
0x33: {  	p1 =	por p1, p1;
	[sflag:s25] =	ssyncset.done @!p2 $0x0  }
0x34: {  	s24 =	simm.s32 @!p1 $0x6;
	s18 =	simm.s32 @!p2 $0x4300;
	[sflag:s25] =	ssyncadd.s32 @!p2 $0xFFFFFF80  }
0x35: {  	[tilespmem:s18], [sflag:$0x2] =	stream.indirect.gather @!p2 [hbm4b:s4+s22], $0x80, s22, s22, $0xb8;
	[tilespmem:$0x1FB80] =	vst v63  }
0x36: {  	_ =	swait.ge @!p1 [sflag:s24], $0x80  }
0x37: {  	[sflag:s24] =	ssyncset.done @!p1 $0x0  }
0x38: {  	[sflag:s24] =	ssyncadd.s32 @!p1 $0xFFFFFF80  }
0x39: {  	_ =	swait.ge @!p1 [sflag:s24], $0x80  }
0x3a: {  	s26 =	simm.s32 @!p1 $0x8300;
	[sflag:s24] =	ssyncset.done @!p1 $0x0  }
0x3b: {  	s25 =	simm.s32 @!p3 $0x1;
	[sflag:s24] =	ssyncadd.s32 @!p1 $0xFFFFFF80;
	s24 =	simm.s32 @!p1 $0x80  }
0x3c: {  	[tilespmem:s26], [sflag:$0x3] =	stream.indirect.gather @!p1 [hbm4b:s4+s24], $0x80, s16, s24, $0xb8;
	[tilespmem:$0x1FB80] =	vst v63  }
0x3d: {  	_ =	swait.ge @!p3 [sflag:s25], $0x4000  }
0x3e: {  	[sflag:s25] =	ssyncset.done @!p3 $0x0  }
0x3f: {  	s16 =	simm.s32 @!p2 $0x2;
	[sflag:s25] =	ssyncadd.s32 @!p3 $0xFFFFC000  }
0x40: {  	[spmem:s1] =	stream.indirect.scatter.add.f32 @!p3 [tilespmem:s23], [sflag:$0x7], $0x80, s19, s17, $0xb8;
	[tilespmem:$0x1FB80] =	vst v63  }
0x41: {  	_ =	swait.ge @!p2 [sflag:s16], $0x4000  }
0x42: {  	[sflag:s16] =	ssyncset.done @!p2 $0x0  }
0x43: {  	[sflag:s16] =	ssyncadd.s32 @!p2 $0xFFFFC000;
	s16 =	simm.s32 @!p1 $0x3  }
0x44: {  	[spmem:s1] =	stream.indirect.scatter.add.f32 @!p2 [tilespmem:s18], [sflag:$0x8], $0x80, s20, s22, $0xb8;
	[tilespmem:$0x1FB80] =	vst v63  }
0x45: {  	_ =	swait.ge @!p1 [sflag:s16], $0x4000  }
0x46: {  	[sflag:s16] =	ssyncset.done @!p1 $0x0  }
0x47: {  	s17 =	simm.s32 @!p3 $0x7;
	[sflag:s16] =	ssyncadd.s32 @!p1 $0xFFFFC000  }
0x48: {  	[spmem:s1] =	stream.indirect.scatter.add.f32 @!p1 [tilespmem:s26], [sflag:$0x9], $0x80, s21, s24, $0xb8;
	[tilespmem:$0x1FB80] =	vst v63  }
0x49: {  	_ =	swait.ge @!p3 [sflag:s17], $0x4000  }
0x4a: {  	[sflag:s17] =	ssyncset.done @!p3 $0x0  }
0x4b: {  	s21 =	simm.s32 @!p2 $0x8;
	[sflag:s17] =	ssyncadd.s32 @!p3 $0xFFFFC000  }
0x4c: {  	s19 =	simm.s32 @!p1 $0x9;
	s18 =	sadd.s32 $0x60, s12;
	_ =	swait.ge @!p2 [sflag:s21], $0x4000  }
0x4d: {  	s20 =	sadd.s32 $0xFFFFFFC0, s18;
	p4 =	sgt.u32 s18, $0x9C3;
	[sflag:s21] =	ssyncset.done @!p2 $0x0  }
0x4e: {  	s16 =	simm.s32 $0x600;
	s17 =	simm.s32 $0xC00;
	[sflag:s21] =	ssyncadd.s32 @!p2 $0xFFFFC000  }
.LBB2_2:
0x4f: {  	s22 =	sadd.s32 $0xFFFFFFE0, s18  }
0x50: {  	p2 =	sgt.u32 s20, $0x9C3;
	_ =	swait.ge @!p1 [sflag:s19], $0x4000;
	s24 =	smov.u32 s17  }
0x51: {  	s20 =	sadd.s32 @!p2 s16, s11;
	s25 =	simm.s32 @!p2 $0x0;
	[sflag:s19] =	ssyncset.done @!p1 $0x0  }
0x52: {  	s17 =	sadd.s32 $0x600, s17;
	s21 =	simm.s32 @!p4 $0x100;
	[sflag:s19] =	ssyncadd.s32 @!p1 $0xFFFFC000  }
0x53: {  	[tilespmem:s25], [sflag:$0x4] =	stream.linear.gather @!p2 [hbm4b:s20+s25], $0x80, $0x38;
	[tilespmem:$0x1FB80] =	vst v63  }
0x54: {  	p3 =	sgt.u32 s22, $0x9C3;
	s19 =	simm.s32 @!p2 $0x180;
	s20 =	sadd.s32 @!p2 s16, s10  }
0x55: {  	[tilespmem:s19], [sflag:$0x4] =	stream.linear.gather @!p2 [hbm4b:s20+s25], $0x80, $0x38;
	[tilespmem:$0x1FB80] =	vst v63  }
0x56: {  	s23 =	sadd.s32 @!p4 s16, s10;
	s22 =	sadd.s32 @!p3 s16, s10;
	s20 =	sadd.s32 @!p3 s16, s11  }
0x57: {  	s28 =	simm.s32 @!p3 $0x0;
	s26 =	sadd.s32 @!p3 $0x200, s20;
	s20 =	simm.s32 @!p3 $0x80  }
0x58: {  	[tilespmem:s20], [sflag:$0x5] =	stream.linear.gather @!p3 [hbm4b:s26+s28], $0x80, $0x38;
	[tilespmem:$0x1FB80] =	vst v63  }
0x59: {  	s16 =	sadd.s32 @!p4 s16, s11;
	s26 =	sadd.s32 @!p3 $0x200, s22;
	s22 =	simm.s32 @!p3 $0x200  }
0x5a: {  	[tilespmem:s22], [sflag:$0x5] =	stream.linear.gather @!p3 [hbm4b:s26+s28], $0x80, $0x38;
	[tilespmem:$0x1FB80] =	vst v63  }
0x5b: {  	s16 =	sadd.s32 @!p4 $0x400, s16;
	s26 =	simm.s32 @!p4 $0x0;
	s28 =	sadd.s32 @!p4 $0x400, s23  }
0x5c: {  	[tilespmem:s21], [sflag:$0x6] =	stream.linear.gather @!p4 [hbm4b:s16+s26], $0x80, $0x38;
	[tilespmem:$0x1FB80] =	vst v63  }
0x5d: {  	p5 =	sne.s32 s17, $0xA200;
	s29 =	simm.s32 @!p2 $0x4;
	s23 =	simm.s32 @!p4 $0x280  }
0x5e: {  	[tilespmem:s23], [sflag:$0x6] =	stream.linear.gather @!p4 [hbm4b:s28+s26], $0x80, $0x38;
	[tilespmem:$0x1FB80] =	vst v63  }
0x5f: {  	p1 =	por p4, p4;
	s16 =	smov.u32 s24;
	_ =	swait.ge @!p2 [sflag:s29], $0x80  }
0x60: {  	[sflag:s29] =	ssyncset.done @!p2 $0x0  }
0x61: {  	[sflag:s29] =	ssyncadd.s32 @!p2 $0xFFFFFF80  }
0x62: {  	s24 =	simm.s32 @!p2 $0x80;
	s26 =	simm.s32 @!p2 $0x300;
	_ =	swait.ge @!p2 [sflag:s29], $0x80  }
0x63: {  	s28 =	simm.s32 @!p3 $0x5;
	[sflag:s29] =	ssyncset.done @!p2 $0x0  }
0x64: {  	[sflag:s29] =	ssyncadd.s32 @!p2 $0xFFFFFF80  }
0x65: {  	[tilespmem:s26], [sflag:$0x1] =	stream.indirect.gather @!p2 [hbm4b:s4+s24], $0x80, s25, s24, $0xb8;
	[tilespmem:$0x1FB80] =	vst v63  }
0x66: {  	_ =	swait.ge @!p3 [sflag:s28], $0x80  }
0x67: {  	[sflag:s28] =	ssyncset.done @!p3 $0x0  }
0x68: {  	[sflag:s28] =	ssyncadd.s32 @!p3 $0xFFFFFF80  }
0x69: {  	s25 =	simm.s32 @!p3 $0x4300;
	_ =	swait.ge @!p3 [sflag:s28], $0x80  }
0x6a: {  	[sflag:s28] =	ssyncset.done @!p3 $0x0  }
0x6b: {  	[sflag:s28] =	ssyncadd.s32 @!p3 $0xFFFFFF80;
	s28 =	simm.s32 @!p1 $0x6  }
0x6c: {  	[tilespmem:s25], [sflag:$0x2] =	stream.indirect.gather @!p3 [hbm4b:s4+s20], $0x80, s20, s20, $0xb8;
	[tilespmem:$0x1FB80] =	vst v63  }
0x6d: {  	_ =	swait.ge @!p1 [sflag:s28], $0x80  }
0x6e: {  	[sflag:s28] =	ssyncset.done @!p1 $0x0  }
0x6f: {  	[sflag:s28] =	ssyncadd.s32 @!p1 $0xFFFFFF80  }
0x70: {  	s29 =	simm.s32 @!p2 $0x1;
	_ =	swait.ge @!p1 [sflag:s28], $0x80  }
0x71: {  	[sflag:s28] =	ssyncset.done @!p1 $0x0  }
0x72: {  	s30 =	simm.s32 @!p1 $0x8300;
	[sflag:s28] =	ssyncadd.s32 @!p1 $0xFFFFFF80;
	s28 =	simm.s32 @!p1 $0x80  }
0x73: {  	[tilespmem:s30], [sflag:$0x3] =	stream.indirect.gather @!p1 [hbm4b:s4+s28], $0x80, s21, s28, $0xb8;
	[tilespmem:$0x1FB80] =	vst v63  }
0x74: {  	_ =	swait.ge @!p2 [sflag:s29], $0x4000  }
0x75: {  	s21 =	simm.s32 @!p3 $0x2;
	[sflag:s29] =	ssyncset.done @!p2 $0x0  }
0x76: {  	[sflag:s29] =	ssyncadd.s32 @!p2 $0xFFFFC000  }
0x77: {  	[spmem:s1] =	stream.indirect.scatter.add.f32 @!p2 [tilespmem:s26], [sflag:$0x7], $0x80, s19, s24, $0xb8;
	[tilespmem:$0x1FB80] =	vst v63  }
0x78: {  	_ =	swait.ge @!p3 [sflag:s21], $0x4000  }
0x79: {  	[sflag:s21] =	ssyncset.done @!p3 $0x0  }
0x7a: {  	s19 =	simm.s32 @!p1 $0x3;
	[sflag:s21] =	ssyncadd.s32 @!p3 $0xFFFFC000  }
0x7b: {  	[spmem:s1] =	stream.indirect.scatter.add.f32 @!p3 [tilespmem:s25], [sflag:$0x8], $0x80, s22, s20, $0xb8;
	[tilespmem:$0x1FB80] =	vst v63  }
0x7c: {  	s20 =	simm.s32 @!p2 $0x7;
	_ =	swait.ge @!p1 [sflag:s19], $0x4000  }
0x7d: {  	[sflag:s19] =	ssyncset.done @!p1 $0x0  }
0x7e: {  	[sflag:s19] =	ssyncadd.s32 @!p1 $0xFFFFC000  }
0x7f: {  	[spmem:s1] =	stream.indirect.scatter.add.f32 @!p1 [tilespmem:s30], [sflag:$0x9], $0x80, s23, s28, $0xb8;
	[tilespmem:$0x1FB80] =	vst v63  }
0x80: {  	s21 =	simm.s32 @!p3 $0x8;
	_ =	swait.ge @!p2 [sflag:s20], $0x4000  }
.Ltmp0:
0x81: {  	[sflag:s20] =	ssyncset.done @!p2 $0x0;
	(pc) =	sbr.rel @p5 .LBB2_2-.Ltmp0, $4  }
0x82: {  	[sflag:s20] =	ssyncadd.s32 @!p2 $0xFFFFC000  }
0x83: {  	_ =	swait.ge @!p3 [sflag:s21], $0x4000  }
0x84: {  	s18 =	sadd.s32 $0x60, s18;
	s19 =	simm.s32 @!p1 $0x9;
	[sflag:s21] =	ssyncset.done @!p3 $0x0  }
0x85: {  	p4 =	sgt.u32 s18, $0x9C3;
	s20 =	sadd.s32 $0xFFFFFFC0, s18;
	[sflag:s21] =	ssyncadd.s32 @!p3 $0xFFFFC000  }
0x86: {  	_ =	swait.ge @!p1 [sflag:s19], $0x4000  }
0x87: {  	s17 =	sadd.s32 $0xFFFFFFE0, s18;
	p2 =	sgt.u32 s20, $0x9C3;
	[sflag:s19] =	ssyncset.done @!p1 $0x0  }
0x88: {  	s18 =	sadd.s32 @!p2 s16, s11;
	s20 =	simm.s32 @!p2 $0x0;
	[sflag:s19] =	ssyncadd.s32 @!p1 $0xFFFFC000  }
0x89: {  	[tilespmem:s20], [sflag:$0x4] =	stream.linear.gather @!p2 [hbm4b:s18+s20], $0x80, $0x38;
	[tilespmem:$0x1FB80] =	vst v63  }
0x8a: {  	s19 =	simm.s32 @!p2 $0x180;
	p1 =	sgt.u32 s17, $0x9C3;
	s18 =	sadd.s32 @!p2 s16, s10  }
0x8b: {  	[tilespmem:s19], [sflag:$0x4] =	stream.linear.gather @!p2 [hbm4b:s18+s20], $0x80, $0x38;
	[tilespmem:$0x1FB80] =	vst v63  }
0x8c: {  	s24 =	sadd.s32 @!p4 s16, s11;
	s21 =	sadd.s32 @!p1 s16, s10;
	s18 =	sadd.s32 @!p1 s16, s11  }
0x8d: {  	s22 =	simm.s32 @!p1 $0x0;
	s23 =	simm.s32 @!p1 $0x80;
	s18 =	sadd.s32 @!p1 $0x200, s18  }
0x8e: {  	[tilespmem:s23], [sflag:$0x5] =	stream.linear.gather @!p1 [hbm4b:s18+s22], $0x80, $0x38;
	[tilespmem:$0x1FB80] =	vst v63  }
0x8f: {  	s17 =	simm.s32 @!p4 $0x100;
	s18 =	sadd.s32 @!p1 $0x200, s21;
	s21 =	simm.s32 @!p1 $0x200  }
0x90: {  	[tilespmem:s21], [sflag:$0x5] =	stream.linear.gather @!p1 [hbm4b:s18+s22], $0x80, $0x38;
	[tilespmem:$0x1FB80] =	vst v63  }
0x91: {  	s16 =	sadd.s32 @!p4 s16, s10;
	s18 =	sadd.s32 @!p4 $0x400, s24;
	s22 =	simm.s32 @!p4 $0x0  }
0x92: {  	[tilespmem:s17], [sflag:$0x6] =	stream.linear.gather @!p4 [hbm4b:s18+s22], $0x80, $0x38;
	[tilespmem:$0x1FB80] =	vst v63  }
0x93: {  	s16 =	sadd.s32 @!p4 $0x400, s16;
	s24 =	simm.s32 @!p2 $0x4;
	s18 =	simm.s32 @!p4 $0x280  }
0x94: {  	[tilespmem:s18], [sflag:$0x6] =	stream.linear.gather @!p4 [hbm4b:s16+s22], $0x80, $0x38;
	[tilespmem:$0x1FB80] =	vst v63  }
0x95: {  	_ =	swait.ge @!p2 [sflag:s24], $0x80  }
0x96: {  	[sflag:s24] =	ssyncset.done @!p2 $0x0  }
0x97: {  	[sflag:s24] =	ssyncadd.s32 @!p2 $0xFFFFFF80  }
0x98: {  	_ =	swait.ge @!p2 [sflag:s24], $0x80  }
0x99: {  	s25 =	simm.s32 @!p1 $0x5;
	[sflag:s24] =	ssyncset.done @!p2 $0x0  }
0x9a: {  	s16 =	simm.s32 @!p2 $0x80;
	s22 =	simm.s32 @!p2 $0x300;
	[sflag:s24] =	ssyncadd.s32 @!p2 $0xFFFFFF80  }
0x9b: {  	[tilespmem:s22], [sflag:$0x1] =	stream.indirect.gather @!p2 [hbm4b:s4+s16], $0x80, s20, s16, $0xb8;
	[tilespmem:$0x1FB80] =	vst v63  }
0x9c: {  	_ =	swait.ge @!p1 [sflag:s25], $0x80  }
0x9d: {  	[sflag:s25] =	ssyncset.done @!p1 $0x0  }
0x9e: {  	[sflag:s25] =	ssyncadd.s32 @!p1 $0xFFFFFF80  }
0x9f: {  	_ =	swait.ge @!p1 [sflag:s25], $0x80  }
0xa0: {  	p3 =	por p4, p4;
	[sflag:s25] =	ssyncset.done @!p1 $0x0  }
0xa1: {  	s24 =	simm.s32 @!p3 $0x6;
	s20 =	simm.s32 @!p1 $0x4300;
	[sflag:s25] =	ssyncadd.s32 @!p1 $0xFFFFFF80  }
0xa2: {  	[tilespmem:s20], [sflag:$0x2] =	stream.indirect.gather @!p1 [hbm4b:s4+s23], $0x80, s23, s23, $0xb8;
	[tilespmem:$0x1FB80] =	vst v63  }
0xa3: {  	_ =	swait.ge @!p3 [sflag:s24], $0x80  }
0xa4: {  	[sflag:s24] =	ssyncset.done @!p3 $0x0  }
0xa5: {  	[sflag:s24] =	ssyncadd.s32 @!p3 $0xFFFFFF80  }
0xa6: {  	_ =	swait.ge @!p3 [sflag:s24], $0x80  }
0xa7: {  	s26 =	simm.s32 @!p3 $0x8300;
	[sflag:s24] =	ssyncset.done @!p3 $0x0  }
0xa8: {  	s25 =	simm.s32 @!p2 $0x1;
	[sflag:s24] =	ssyncadd.s32 @!p3 $0xFFFFFF80;
	s24 =	simm.s32 @!p3 $0x80  }
0xa9: {  	[tilespmem:s26], [sflag:$0x3] =	stream.indirect.gather @!p3 [hbm4b:s4+s24], $0x80, s17, s24, $0xb8;
	[tilespmem:$0x1FB80] =	vst v63  }
0xaa: {  	_ =	swait.ge @!p2 [sflag:s25], $0x4000  }
0xab: {  	[sflag:s25] =	ssyncset.done @!p2 $0x0  }
0xac: {  	s17 =	simm.s32 @!p1 $0x2;
	[sflag:s25] =	ssyncadd.s32 @!p2 $0xFFFFC000  }
0xad: {  	[spmem:s1] =	stream.indirect.scatter.add.f32 @!p2 [tilespmem:s22], [sflag:$0x7], $0x80, s19, s16, $0xb8;
	[tilespmem:$0x1FB80] =	vst v63  }
0xae: {  	_ =	swait.ge @!p1 [sflag:s17], $0x4000  }
0xaf: {  	[sflag:s17] =	ssyncset.done @!p1 $0x0  }
0xb0: {  	s16 =	simm.s32 @!p3 $0x3;
	[sflag:s17] =	ssyncadd.s32 @!p1 $0xFFFFC000  }
0xb1: {  	[spmem:s1] =	stream.indirect.scatter.add.f32 @!p1 [tilespmem:s20], [sflag:$0x8], $0x80, s21, s23, $0xb8;
	[tilespmem:$0x1FB80] =	vst v63  }
0xb2: {  	_ =	swait.ge @!p3 [sflag:s16], $0x4000  }
0xb3: {  	[sflag:s16] =	ssyncset.done @!p3 $0x0  }
0xb4: {  	s17 =	simm.s32 @!p2 $0x7;
	[sflag:s16] =	ssyncadd.s32 @!p3 $0xFFFFC000  }
0xb5: {  	[spmem:s1] =	stream.indirect.scatter.add.f32 @!p3 [tilespmem:s26], [sflag:$0x9], $0x80, s18, s24, $0xb8;
	[tilespmem:$0x1FB80] =	vst v63  }
0xb6: {  	_ =	swait.ge @!p2 [sflag:s17], $0x4000  }
0xb7: {  	[sflag:s17] =	ssyncset.done @!p2 $0x0  }
0xb8: {  	s16 =	simm.s32 @!p1 $0x8;
	[sflag:s17] =	ssyncadd.s32 @!p2 $0xFFFFC000  }
0xb9: {  	_ =	swait.ge @!p1 [sflag:s16], $0x4000  }
0xba: {  	[sflag:s16] =	ssyncset.done @!p1 $0x0  }
0xbb: {  	s17 =	simm.s32 @!p3 $0x9;
	[sflag:s16] =	ssyncadd.s32 @!p1 $0xFFFFC000  }
0xbc: {  	_ =	swait.ge @!p3 [sflag:s17], $0x4000  }
0xbd: {  	[sflag:s17] =	ssyncset.done @!p3 $0x0  }
0xbe: {  	[sflag:s17] =	ssyncadd.s32 @!p3 $0xFFFFC000  }
0xbf: {  	s16 =	sadd.s32 @p0 $0x24900, s8;
	s17 =	simm.s32 @p0 $0x1FCA;
	[bflag:$0x0] =	sbarrier.arrive $0xFFFF  }
0xc0: {  	[hbm:s16], [sflag:s17] =	dma.local @p0 [spmem:s13], $0x2800  }
0xc1: {  	s16 =	simm.s32 @p0 $0xA  }
0xc2: {  	_ =	swait.ge @p0 [sflag:s16], $0x2800  }
0xc3: {  	s2 =	sadd.s32 $0x1, s2;
	[sflag:s16] =	ssyncset.done @p0 $0x0  }
0xc4: {  	p1 =	sne.s32 s2, s9;
	[sflag:s16] =	ssyncadd.s32 @p0 $0xFFFFD800;
	s16 =	sadd.s32 @!p0 s5, s8  }
0xc5: {  	[hbm:s16], [sflag:s14] =	dma.local @!p0 [spmem:s15], $0x2700  }
.Ltmp1:
0xc6: {  	_ = 	snop;
	(pc) =	sbr.rel @p1 .LBB2_1-.Ltmp1, $4  }
0xc7: {  	s16 =	simm.s32 @!p0 $0xA  }
0xc8: {  	_ =	swait.ge @!p0 [sflag:s16], $0x2700  }
0xc9: {  	[sflag:s16] =	ssyncset.done @!p0 $0x0  }
0xca: {  	[sflag:s16] =	ssyncadd.s32 @!p0 $0xFFFFD900  }
0xcb: {  	_ =	sfence.sel $0x180000  }
0xcc: {  	[bflag:$0x0] =	sbarrier.arrive $0xFFFF  }
0xcd: {  	p0 =	sne.s32 s3, $0x0;
	_ =	strace $0x90000056  }
0xce: {  	s0 =	sadd.s32 @!p0 $0x100000, s0;
	[bflag:$0x2] =	sbarrier.arrive $0xFFFF  }
0xcf: {  	[sflag:s0] =	ssyncadd.tile.s32 @!p0 $0x1;
	_ =	shalt  }
.Lfunc_end2:
_tile_overlayer_lowered:
.L_overlay_start_2:
0xd0: {  	(tag) =	ssettag $0x2  }
0xd1: {  	s0 =	rddreg [dreg:$0x0];
	s2 =	stileid.u32  }
0xd2: {  	s1 =	rddreg [dreg:$0x1];
	p0 =	sne.s32 s2, $0x0  }
0xd3: {  	s3 =	rddreg [dreg:$0x2];
	[bflag:$0x3] =	sbarrier.arrive $0xFFFF;
	s2 =	simm.s32 @!p0 $0x1C0A  }
0xd4: {  	[timem:s3], [sflag:s2] =	dma.local @!p0 [hbm:s0], s1  }
0xd5: {  	s0 =	simm.s32 @!p0 $0xA  }
0xd6: {  	_ =	swait.ge @!p0 [sflag:s0], s1  }
0xd7: {  	s1 =	ssub.s32 @!p0 $0x0, s1;
	[sflag:s0] =	ssyncset.done @!p0 $0x0  }
0xd8: {  	[sflag:s0] =	ssyncadd.s32 @!p0 s1  }
0xd9: {  	[bflag:$0x3] =	sbarrier.arrive $0xFFFF  }
0xda: {  	_ =	shalt  }

</sc_bundles>
